<compile_context>
chip_gen: v7x
topology: tpu7x:2x2x1
jax: 0.10.2.dev20260603
libtpu: 0.0.44.dev20260713+nightly
codegen_flags: <defaults>
</compile_context>

<pallas_src>
import math

import jax
import jax.numpy as jnp
from jax import lax
from jax.experimental import pallas as pl
from jax.experimental.pallas import tpu as pltpu
from jax.experimental.pallas import tpu_sc as plsc

N = 10000
D = 128
E = 320000
NC = 2
NS = 16
NW = NC * NS
CHUNK = 128
GC = 16
NG = 5
CH = GC * NG
EPAD = NW * CH * CHUNK
NP = 10112
RPT = NP // NS
BN = 2000
CW = 16


_MESH = plsc.VectorSubcoreMesh(
    core_axis_name="c", subcore_axis_name="s",
    num_cores=NC, num_subcores=NS)


def _make_sc_agg():
    scratch = [
        pltpu.VMEM((GC, CHUNK), jnp.int32),
        pltpu.VMEM((GC, CHUNK), jnp.int32),
        pltpu.VMEM((CHUNK, D), jnp.float32),
        pltpu.VMEM((CHUNK, D), jnp.float32),
        pltpu.VMEM_SHARED((NP, D), jnp.float32),
        pltpu.SemaphoreType.DMA,
        pltpu.SemaphoreType.DMA,
    ]

    def body(x_hbm, srcb, dstb, agg_out,
             src_v, dst_v, rows0, rows1, acc_sh, sem0, sem1):
        cid = lax.axis_index("c")
        sid = lax.axis_index("s")
        wid = sid * NC + cid
        base = sid * RPT
        bufs = (rows0, rows1)
        sems = (sem0, sem1)

        def zrow(i, carry):
            for j in range(D // 16):
                rows0[i, pl.ds(j * 16, 16)] = jnp.zeros((16,), jnp.float32)
            return carry
        lax.fori_loop(0, CHUNK, zrow, 0)
        for k in range(RPT // CHUNK):
            pltpu.sync_copy(rows0, acc_sh.at[pl.ds(base + k * CHUNK, CHUNK)])
        tail = RPT % CHUNK
        if tail:
            pltpu.sync_copy(
                rows0.at[pl.ds(0, tail)],
                acc_sh.at[pl.ds(base + RPT - tail, tail)])
        plsc.subcore_barrier()

        def group(g, carry):
            pltpu.sync_copy(srcb.at[wid, pl.ds(g * GC, GC)], src_v)
            pltpu.sync_copy(dstb.at[wid, pl.ds(g * GC, GC)], dst_v)
            handles = [pltpu.async_copy(x_hbm.at[src_v.at[0]], rows0, sem0)]
            for j in range(GC):
                if j + 1 < GC:
                    handles.append(pltpu.async_copy(
                        x_hbm.at[src_v.at[j + 1]],
                        bufs[(j + 1) % 2], sems[(j + 1) % 2]))
                handles[j].wait()
                pltpu.sync_copy(bufs[j % 2], acc_sh.at[dst_v.at[j]],
                                add=True)
            return carry
        lax.fori_loop(0, NG, group, 0)

        plsc.subcore_barrier()
        pltpu.sync_copy(acc_sh.at[pl.ds(base, RPT)],
                        agg_out.at[cid, pl.ds(base, RPT)])

    return pl.kernel(body, out_type=jax.ShapeDtypeStruct((NC, NP, D),
                                                         jnp.float32),
                     mesh=_MESH, scratch_types=scratch)


def _make_sc_cnt():
    scratch = [
        pltpu.VMEM((GC, CHUNK), jnp.int32),
        pltpu.VMEM((CHUNK, CW), jnp.float32),
        pltpu.VMEM_SHARED((NP, CW), jnp.float32),
    ]

    def body(dstb, cnt_out, dst_v, ones_v, cnt_sh):
        cid = lax.axis_index("c")
        sid = lax.axis_index("s")
        wid = sid * NC + cid
        base = sid * RPT

        def zcnt(i, carry):
            ones_v[i] = jnp.zeros((CW,), jnp.float32)
            return carry
        lax.fori_loop(0, CHUNK, zcnt, 0)
        for k in range(RPT // CHUNK):
            pltpu.sync_copy(ones_v, cnt_sh.at[pl.ds(base + k * CHUNK, CHUNK)])
        tail = RPT % CHUNK
        if tail:
            pltpu.sync_copy(
                ones_v.at[pl.ds(0, tail)],
                cnt_sh.at[pl.ds(base + RPT - tail, tail)])

        def ocnt(i, carry):
            ones_v[i] = jnp.ones((CW,), jnp.float32)
            return carry
        lax.fori_loop(0, CHUNK, ocnt, 0)
        plsc.subcore_barrier()

        def group(g, carry):
            pltpu.sync_copy(dstb.at[wid, pl.ds(g * GC, GC)], dst_v)
            for j in range(GC):
                pltpu.sync_copy(ones_v, cnt_sh.at[dst_v.at[j]], add=True)
            return carry
        lax.fori_loop(0, NG, group, 0)

        plsc.subcore_barrier()
        pltpu.sync_copy(cnt_sh.at[pl.ds(base, RPT)],
                        cnt_out.at[cid, pl.ds(base, RPT)])

    return pl.kernel(
        body, out_type=jax.ShapeDtypeStruct((NC, NP, CW), jnp.float32),
        mesh=_MESH, scratch_types=scratch,
        compiler_params=pltpu.CompilerParams(use_tc_tiling_on_sc=False))


_sc_agg = _make_sc_agg()
_sc_cnt = _make_sc_cnt()


def _tc_layer(aggp, cntp, xin, wlT, wrT, b):
    def tc_body(agg_ref, cnt_ref, x_ref, wl_ref, wr_ref, b_ref, o_ref):
        agg = agg_ref[0] + agg_ref[1]
        cnt = (cnt_ref[0] + cnt_ref[1])[:, 0:1]
        mean = agg / jnp.maximum(cnt, 1.0)
        xb = x_ref[...]
        h = jnp.dot(mean, wl_ref[...], preferred_element_type=jnp.float32)
        h += jnp.dot(xb, wr_ref[...], preferred_element_type=jnp.float32)
        h += b_ref[...]
        o_ref[...] = jnp.maximum(h, 0.0) + xb

    return pl.pallas_call(
        tc_body,
        grid=(N // BN,),
        in_specs=[
            pl.BlockSpec((NC, BN, D), lambda i: (0, i, 0)),
            pl.BlockSpec((NC, BN, CW), lambda i: (0, i, 0)),
            pl.BlockSpec((BN, D), lambda i: (i, 0)),
            pl.BlockSpec((D, D), lambda i: (0, 0)),
            pl.BlockSpec((D, D), lambda i: (0, 0)),
            pl.BlockSpec((1, D), lambda i: (0, 0)),
        ],
        out_specs=pl.BlockSpec((BN, D), lambda i: (i, 0)),
        out_shape=jax.ShapeDtypeStruct((N, D), jnp.float32),
    )(aggp, cntp, xin, wlT, wrT, b)


def _tc_layer_head(aggp, cntp, hin, wlT, wrT, b, wo1T, bo1p, wo2T, bo2p):
    def tc_body(agg_ref, cnt_ref, h_ref, wl_ref, wr_ref, b_ref,
                wo1_ref, bo1_ref, wo2_ref, bo2_ref, o_ref):
        agg = agg_ref[0] + agg_ref[1]
        cnt = (cnt_ref[0] + cnt_ref[1])[:, 0:1]
        mean = agg / jnp.maximum(cnt, 1.0)
        hb = h_ref[...]
        t = jnp.dot(mean, wl_ref[...], preferred_element_type=jnp.float32)
        t += jnp.dot(hb, wr_ref[...], preferred_element_type=jnp.float32)
        t += b_ref[...]
        h2 = jnp.maximum(t, 0.0) + hb
        h3 = jnp.dot(h2, wo1_ref[...], preferred_element_type=jnp.float32)
        h3 = jnp.maximum(h3 + bo1_ref[...], 0.0)
        o = jnp.dot(h3, wo2_ref[...], preferred_element_type=jnp.float32)
        o_ref[...] = o + bo2_ref[...]

    full = lambda i: (0, 0)
    return pl.pallas_call(
        tc_body,
        grid=(N // BN,),
        in_specs=[
            pl.BlockSpec((NC, BN, D), lambda i: (0, i, 0)),
            pl.BlockSpec((NC, BN, CW), lambda i: (0, i, 0)),
            pl.BlockSpec((BN, D), lambda i: (i, 0)),
            pl.BlockSpec((D, D), full),
            pl.BlockSpec((D, D), full),
            pl.BlockSpec((1, D), full),
            pl.BlockSpec((D, D), full),
            pl.BlockSpec((1, D), full),
            pl.BlockSpec((D, D), full),
            pl.BlockSpec((1, D), full),
        ],
        out_specs=pl.BlockSpec((BN, D), lambda i: (i, 0)),
        out_shape=jax.ShapeDtypeStruct((N, D), jnp.float32),
    )(aggp, cntp, hin, wlT, wrT, b, wo1T, bo1p, wo2T, bo2p)


def kernel(x, edge_index, Wl0, bl0, Wr0, g0, be0, Wl1, bl1, Wr1, g1, be1,
           Wo1, bo1, Wo2, bo2):
    src = edge_index[0]
    dst = edge_index[1]
    pad = EPAD - E
    ar = jnp.arange(pad, dtype=jnp.int32)
    psrc = ar % N
    pdst = N + (ar % 16)
    srcb = jnp.concatenate([src, psrc]).reshape(NW, CH, CHUNK)
    dstb = jnp.concatenate([dst, pdst]).reshape(NW, CH, CHUNK)

    inv = 1.0 / math.sqrt(1.0 + 1e-5)
    s0 = g0 * inv
    s1 = g1 * inv
    wl0T = (Wl0 * s0[:, None]).T
    wr0T = (Wr0 * s0[:, None]).T
    b0 = (bl0 * s0 + be0).reshape(1, D)
    wl1T = (Wl1 * s1[:, None]).T
    wr1T = (Wr1 * s1[:, None]).T
    b1 = (bl1 * s1 + be1).reshape(1, D)
    wo1T = jnp.pad(Wo1.T, ((0, 0), (0, D - Wo1.shape[0])))
    bo1p = jnp.pad(bo1, (0, D - bo1.shape[0])).reshape(1, D)
    wo2T = jnp.pad(Wo2.T, ((0, D - Wo2.shape[1]), (0, D - Wo2.shape[0])))
    bo2p = jnp.pad(bo2, (0, D - bo2.shape[0])).reshape(1, D)

    cnt0p = _sc_cnt(dstb)
    agg0p = _sc_agg(x, srcb, dstb)
    h = _tc_layer(agg0p, cnt0p, x, wl0T, wr0T, b0)

    agg1p = _sc_agg(h, srcb, dstb)
    out = _tc_layer_head(agg1p, cnt0p, h, wl1T, wr1T, b1,
                         wo1T, bo1p, wo2T, bo2p)
    return out[:, :Wo2.shape[0]]

# --- scband reference (transcript-rebuilt; emitter-appended) ---
"""Pipeline reference for scband-improved-graph-sage-9440338117506 (READ-ONLY COPY).

The authoritative reference and input builder live on the scoring server;
editing this copy changes nothing except your own understanding.
"""

import jax, jax.numpy as jnp
import numpy as np

N = 10000
E = 320000
D = 128
H = 128
C = 2


def setup_inputs(seed: int = 0) -> dict:
    key = jax.random.key(seed)
    ks = jax.random.split(key, 16)

    def lin_w(k, o, i):
        return (jax.random.normal(k, (o, i), dtype=jnp.float32) / np.sqrt(i)).astype(jnp.float32)

    inp = {}
    inp["x"] = jax.random.normal(ks[0], (N, D), dtype=jnp.float32)
    inp["edge_index"] = jax.random.randint(ks[1], (2, E), 0, N, dtype=jnp.int32)
    # layer 0 SAGEConv params (lin_l on aggregated neighbors with bias, lin_r on root)
    inp["Wl0"] = lin_w(ks[2], H, D)
    inp["bl0"] = jnp.zeros((H,), jnp.float32)
    inp["Wr0"] = lin_w(ks[3], H, D)
    # layer 0 BatchNorm affine params (eval mode, running_mean=0, running_var=1)
    inp["g0"] = jnp.ones((H,), jnp.float32)
    inp["be0"] = jnp.zeros((H,), jnp.float32)
    # layer 1
    inp["Wl1"] = lin_w(ks[4], H, H)
    inp["bl1"] = jnp.zeros((H,), jnp.float32)
    inp["Wr1"] = lin_w(ks[5], H, H)
    inp["g1"] = jnp.ones((H,), jnp.float32)
    inp["be1"] = jnp.zeros((H,), jnp.float32)
    # output MLP: Linear(H, H//2) -> ReLU -> Dropout(eval: identity) -> Linear(H//2, C)
    inp["Wo1"] = lin_w(ks[6], H // 2, H)
    inp["bo1"] = jnp.zeros((H // 2,), jnp.float32)
    inp["Wo2"] = lin_w(ks[7], C, H // 2)
    inp["bo2"] = jnp.zeros((C,), jnp.float32)
    return inp


def _sage_conv(x, src, dst, Wl, bl, Wr):
    # mean aggregation over incoming neighbors, then lin_l(agg) + lin_r(x)
    msg = jnp.take(x, src, axis=0)
    agg = jax.ops.segment_sum(msg, dst, num_segments=N)
    cnt = jax.ops.segment_sum(jnp.ones((E,), jnp.float32), dst, num_segments=N)
    mean = agg / jnp.clip(cnt, 1.0, None)[:, None]
    return mean @ Wl.T + bl + x @ Wr.T


def _bn_eval(h, g, b):
    # BatchNorm1d in eval mode with running_mean=0, running_var=1, eps=1e-5
    return h / jnp.sqrt(1.0 + 1e-5) * g + b


def reference(x, edge_index, Wl0, bl0, Wr0, g0, be0, Wl1, bl1, Wr1, g1, be1, Wo1, bo1, Wo2, bo2):
    src = edge_index[0]
    dst = edge_index[1]
    # layer 0: conv -> bn -> relu -> dropout(identity in eval) -> residual
    h = _sage_conv(x, src, dst, Wl0, bl0, Wr0)
    h = jax.nn.relu(_bn_eval(h, g0, be0))
    h = h + x if h.shape == x.shape else h
    # layer 1
    r = h
    h = _sage_conv(h, src, dst, Wl1, bl1, Wr1)
    h = jax.nn.relu(_bn_eval(h, g1, be1))
    h = h + r
    # output head
    h = jax.nn.relu(h @ Wo1.T + bo1)
    return h @ Wo2.T + bo2

if __name__ == "__main__":
    import jax
    _d = setup_inputs()
    print(jax.jit(kernel)(*tuple(_d.values())))

</pallas_src>

<mosaic_0001>
#map = affine_map<(d0, d1) -> (0, 0)>
#map1 = affine_map<(d0, d1) -> (0, 0, 0)>
module attributes {stable_mosaic.version = 14 : i64} {
  func.func @body(%arg0: i32, %arg1: i32, %arg2: memref<10000x128xf32, #tpu.memory_space<hbm>>, %arg3: memref<32x80x128xi32, #tpu.memory_space<hbm>>, %arg4: memref<32x80x128xi32, #tpu.memory_space<hbm>>, %arg5: memref<2x10112x128xf32, #tpu.memory_space<hbm>>, %arg6: memref<16x128xi32, #tpu.memory_space<vmem>>, %arg7: memref<16x128xi32, #tpu.memory_space<vmem>>, %arg8: memref<128x128xf32, #tpu.memory_space<vmem>>, %arg9: memref<128x128xf32, #tpu.memory_space<vmem>>, %arg10: memref<10112x128xf32, #tpu.memory_space<vmem_shared>>, %arg11: memref<!tpu.dma_semaphore, #tpu.memory_space<semaphore_mem>>, %arg12: memref<!tpu.dma_semaphore, #tpu.memory_space<semaphore_mem>>) attributes {dimension_semantics = [#tpu.dimension_semantics<core_parallel>, #tpu.dimension_semantics<subcore_parallel>], iteration_bounds = array<i64: 2, 16>, scalar_prefetch = 0 : i64, scratch_operands = 7 : i64, tpu.core_type = #tpu.core_type<sc_vector_subcore>, window_params = [{transform_indices = #map}, {transform_indices = #map1}, {transform_indices = #map1}, {transform_indices = #map1}]} {
    %mul3A = arith.constant 2 : i32
    %mul3A_0 = arith.muli %arg1, %mul3A : i32
    %add3A = arith.addi %mul3A_0, %arg0 : i32
    %mul3A_1 = arith.constant 632 : i32
    %mul3A_2 = arith.muli %arg1, %mul3A_1 : i32
    %scan3A = arith.constant 0 : i32
    %scan3A_3 = arith.constant 0 : i32
    %scan3A_4 = arith.constant 128 : i32
    %scan3A_5 = arith.addi %scan3A_3, %scan3A_4 : i32
    %scan3A_6 = arith.constant 1 : i32
    scf.for %scan3A_26 = %scan3A_3 to %scan3A_5 step %scan3A_6  : i32 {
      %broadcast_in_dim3A = arith.constant 0.000000e+00 : f32
      %broadcast_in_dim3A_27 = vector.broadcast %broadcast_in_dim3A : f32 to vector<16xf32>
      %swap3A = arith.index_cast %scan3A_26 : i32 to index
      %swap3A_28 = arith.constant 0 : index
      %swap3A_29 = tpu.vector_load %arg8[%swap3A, %swap3A_28] {strides = array<i32>} : memref<128x128xf32, #tpu.memory_space<vmem>>, vector<1x16xf32>,
      %swap3A_30 = vector.shape_cast %swap3A_29 : vector<1x16xf32> to vector<16xf32>
      %swap3A_31 = vector.shape_cast %broadcast_in_dim3A_27 : vector<16xf32> to vector<1x16xf32>
      tpu.vector_store %arg8[%swap3A, %swap3A_28], %swap3A_31 {strides = array<i32>} : memref<128x128xf32, #tpu.memory_space<vmem>>, vector<1x16xf32>,
      %broadcast_in_dim3A_32 = arith.constant 0.000000e+00 : f32
      %broadcast_in_dim3A_33 = vector.broadcast %broadcast_in_dim3A_32 : f32 to vector<16xf32>
      %swap3A_34 = arith.index_cast %scan3A_26 : i32 to index
      %swap3A_35 = arith.constant 16 : index
      %swap3A_36 = tpu.vector_load %arg8[%swap3A_34, %swap3A_35] {strides = array<i32>} : memref<128x128xf32, #tpu.memory_space<vmem>>, vector<1x16xf32>,
      %swap3A_37 = vector.shape_cast %swap3A_36 : vector<1x16xf32> to vector<16xf32>
      %swap3A_38 = vector.shape_cast %broadcast_in_dim3A_33 : vector<16xf32> to vector<1x16xf32>
      tpu.vector_store %arg8[%swap3A_34, %swap3A_35], %swap3A_38 {strides = array<i32>} : memref<128x128xf32, #tpu.memory_space<vmem>>, vector<1x16xf32>,
      %broadcast_in_dim3A_39 = arith.constant 0.000000e+00 : f32
      %broadcast_in_dim3A_40 = vector.broadcast %broadcast_in_dim3A_39 : f32 to vector<16xf32>
      %swap3A_41 = arith.index_cast %scan3A_26 : i32 to index
      %swap3A_42 = arith.constant 32 : index
      %swap3A_43 = tpu.vector_load %arg8[%swap3A_41, %swap3A_42] {strides = array<i32>} : memref<128x128xf32, #tpu.memory_space<vmem>>, vector<1x16xf32>,
      %swap3A_44 = vector.shape_cast %swap3A_43 : vector<1x16xf32> to vector<16xf32>
      %swap3A_45 = vector.shape_cast %broadcast_in_dim3A_40 : vector<16xf32> to vector<1x16xf32>
      tpu.vector_store %arg8[%swap3A_41, %swap3A_42], %swap3A_45 {strides = array<i32>} : memref<128x128xf32, #tpu.memory_space<vmem>>, vector<1x16xf32>,
      %broadcast_in_dim3A_46 = arith.constant 0.000000e+00 : f32
      %broadcast_in_dim3A_47 = vector.broadcast %broadcast_in_dim3A_46 : f32 to vector<16xf32>
      %swap3A_48 = arith.index_cast %scan3A_26 : i32 to index
      %swap3A_49 = arith.constant 48 : index
      %swap3A_50 = tpu.vector_load %arg8[%swap3A_48, %swap3A_49] {strides = array<i32>} : memref<128x128xf32, #tpu.memory_space<vmem>>, vector<1x16xf32>,
      %swap3A_51 = vector.shape_cast %swap3A_50 : vector<1x16xf32> to vector<16xf32>
      %swap3A_52 = vector.shape_cast %broadcast_in_dim3A_47 : vector<16xf32> to vector<1x16xf32>
      tpu.vector_store %arg8[%swap3A_48, %swap3A_49], %swap3A_52 {strides = array<i32>} : memref<128x128xf32, #tpu.memory_space<vmem>>, vector<1x16xf32>,
      %broadcast_in_dim3A_53 = arith.constant 0.000000e+00 : f32
      %broadcast_in_dim3A_54 = vector.broadcast %broadcast_in_dim3A_53 : f32 to vector<16xf32>
      %swap3A_55 = arith.index_cast %scan3A_26 : i32 to index
      %swap3A_56 = arith.constant 64 : index
      %swap3A_57 = tpu.vector_load %arg8[%swap3A_55, %swap3A_56] {strides = array<i32>} : memref<128x128xf32, #tpu.memory_space<vmem>>, vector<1x16xf32>,
      %swap3A_58 = vector.shape_cast %swap3A_57 : vector<1x16xf32> to vector<16xf32>
      %swap3A_59 = vector.shape_cast %broadcast_in_dim3A_54 : vector<16xf32> to vector<1x16xf32>
      tpu.vector_store %arg8[%swap3A_55, %swap3A_56], %swap3A_59 {strides = array<i32>} : memref<128x128xf32, #tpu.memory_space<vmem>>, vector<1x16xf32>,
      %broadcast_in_dim3A_60 = arith.constant 0.000000e+00 : f32
      %broadcast_in_dim3A_61 = vector.broadcast %broadcast_in_dim3A_60 : f32 to vector<16xf32>
      %swap3A_62 = arith.index_cast %scan3A_26 : i32 to index
      %swap3A_63 = arith.constant 80 : index
      %swap3A_64 = tpu.vector_load %arg8[%swap3A_62, %swap3A_63] {strides = array<i32>} : memref<128x128xf32, #tpu.memory_space<vmem>>, vector<1x16xf32>,
      %swap3A_65 = vector.shape_cast %swap3A_64 : vector<1x16xf32> to vector<16xf32>
      %swap3A_66 = vector.shape_cast %broadcast_in_dim3A_61 : vector<16xf32> to vector<1x16xf32>
      tpu.vector_store %arg8[%swap3A_62, %swap3A_63], %swap3A_66 {strides = array<i32>} : memref<128x128xf32, #tpu.memory_space<vmem>>, vector<1x16xf32>,
      %broadcast_in_dim3A_67 = arith.constant 0.000000e+00 : f32
      %broadcast_in_dim3A_68 = vector.broadcast %broadcast_in_dim3A_67 : f32 to vector<16xf32>
      %swap3A_69 = arith.index_cast %scan3A_26 : i32 to index
      %swap3A_70 = arith.constant 96 : index
      %swap3A_71 = tpu.vector_load %arg8[%swap3A_69, %swap3A_70] {strides = array<i32>} : memref<128x128xf32, #tpu.memory_space<vmem>>, vector<1x16xf32>,
      %swap3A_72 = vector.shape_cast %swap3A_71 : vector<1x16xf32> to vector<16xf32>
      %swap3A_73 = vector.shape_cast %broadcast_in_dim3A_68 : vector<16xf32> to vector<1x16xf32>
      tpu.vector_store %arg8[%swap3A_69, %swap3A_70], %swap3A_73 {strides = array<i32>} : memref<128x128xf32, #tpu.memory_space<vmem>>, vector<1x16xf32>,
      %broadcast_in_dim3A_74 = arith.constant 0.000000e+00 : f32
      %broadcast_in_dim3A_75 = vector.broadcast %broadcast_in_dim3A_74 : f32 to vector<16xf32>
      %swap3A_76 = arith.index_cast %scan3A_26 : i32 to index
      %swap3A_77 = arith.constant 112 : index
      %swap3A_78 = tpu.vector_load %arg8[%swap3A_76, %swap3A_77] {strides = array<i32>} : memref<128x128xf32, #tpu.memory_space<vmem>>, vector<1x16xf32>,
      %swap3A_79 = vector.shape_cast %swap3A_78 : vector<1x16xf32> to vector<16xf32>
      %swap3A_80 = vector.shape_cast %broadcast_in_dim3A_75 : vector<16xf32> to vector<1x16xf32>
      tpu.vector_store %arg8[%swap3A_76, %swap3A_77], %swap3A_80 {strides = array<i32>} : memref<128x128xf32, #tpu.memory_space<vmem>>, vector<1x16xf32>,
    }
    %scan3A_7 = arith.constant 128 : i32
    %add3A_8 = arith.constant 0 : i32
    %add3A_9 = arith.addi %mul3A_2, %add3A_8 : i32
    "tpu.region"() ({
      %run_scoped3A = tpu.sem_alloc : memref<!tpu.dma_semaphore, #tpu.memory_space<semaphore_mem>>
      %dma_start3A = arith.constant 0 : i32
      %dma_start3A_26 = tpu.memref_slice %arg10[%add3A_9, %dma_start3A] : memref<10112x128xf32, #tpu.memory_space<vmem_shared>> -> memref<128x128xf32, #tpu.memory_space<vmem_shared>>
      %dma_start3A_27 = arith.constant 0 : i32
      %dma_start3A_28 = tpu.memref_slice %arg10[%add3A_9, %dma_start3A_27] : memref<10112x128xf32, #tpu.memory_space<vmem_shared>> -> memref<128x128xf32, #tpu.memory_space<vmem_shared>>
      tpu.enqueue_dma source(%arg8 : memref<128x128xf32, #tpu.memory_space<vmem>>) target(%dma_start3A_28 : memref<128x128xf32, #tpu.memory_space<vmem_shared>>) target_semaphore(%run_scoped3A : memref<!tpu.dma_semaphore, #tpu.memory_space<semaphore_mem>>)
      %dma_wait3A = arith.constant 0 : i32
      %dma_wait3A_29 = tpu.memref_slice %arg10[%add3A_9, %dma_wait3A] : memref<10112x128xf32, #tpu.memory_space<vmem_shared>> -> memref<128x128xf32, #tpu.memory_space<vmem_shared>>
      %dma_wait3A_30 = arith.constant 0 : i32
      %dma_wait3A_31 = tpu.memref_slice %arg10[%add3A_9, %dma_wait3A_30] : memref<10112x128xf32, #tpu.memory_space<vmem_shared>> -> memref<128x128xf32, #tpu.memory_space<vmem_shared>>
      tpu.wait_dma2 semaphore(%run_scoped3A : memref<!tpu.dma_semaphore, #tpu.memory_space<semaphore_mem>>) src(%arg8 : memref<128x128xf32, #tpu.memory_space<vmem>>) dst(%dma_wait3A_31 : memref<128x128xf32, #tpu.memory_space<vmem_shared>>)
      tpu.yield
    }) : () -> ()
    %add3A_10 = arith.constant 128 : i32
    %add3A_11 = arith.addi %mul3A_2, %add3A_10 : i32
    "tpu.region"() ({
      %run_scoped3A = tpu.sem_alloc : memref<!tpu.dma_semaphore, #tpu.memory_space<semaphore_mem>>
      %dma_start3A = arith.constant 0 : i32
      %dma_start3A_26 = tpu.memref_slice %arg10[%add3A_11, %dma_start3A] : memref<10112x128xf32, #tpu.memory_space<vmem_shared>> -> memref<128x128xf32, #tpu.memory_space<vmem_shared>>
      %dma_start3A_27 = arith.constant 0 : i32
      %dma_start3A_28 = tpu.memref_slice %arg10[%add3A_11, %dma_start3A_27] : memref<10112x128xf32, #tpu.memory_space<vmem_shared>> -> memref<128x128xf32, #tpu.memory_space<vmem_shared>>
      tpu.enqueue_dma source(%arg8 : memref<128x128xf32, #tpu.memory_space<vmem>>) target(%dma_start3A_28 : memref<128x128xf32, #tpu.memory_space<vmem_shared>>) target_semaphore(%run_scoped3A : memref<!tpu.dma_semaphore, #tpu.memory_space<semaphore_mem>>)
      %dma_wait3A = arith.constant 0 : i32
      %dma_wait3A_29 = tpu.memref_slice %arg10[%add3A_11, %dma_wait3A] : memref<10112x128xf32, #tpu.memory_space<vmem_shared>> -> memref<128x128xf32, #tpu.memory_space<vmem_shared>>
      %dma_wait3A_30 = arith.constant 0 : i32
      %dma_wait3A_31 = tpu.memref_slice %arg10[%add3A_11, %dma_wait3A_30] : memref<10112x128xf32, #tpu.memory_space<vmem_shared>> -> memref<128x128xf32, #tpu.memory_space<vmem_shared>>
      tpu.wait_dma2 semaphore(%run_scoped3A : memref<!tpu.dma_semaphore, #tpu.memory_space<semaphore_mem>>) src(%arg8 : memref<128x128xf32, #tpu.memory_space<vmem>>) dst(%dma_wait3A_31 : memref<128x128xf32, #tpu.memory_space<vmem_shared>>)
      tpu.yield
    }) : () -> ()
    %add3A_12 = arith.constant 256 : i32
    %add3A_13 = arith.addi %mul3A_2, %add3A_12 : i32
    "tpu.region"() ({
      %run_scoped3A = tpu.sem_alloc : memref<!tpu.dma_semaphore, #tpu.memory_space<semaphore_mem>>
      %dma_start3A = arith.constant 0 : i32
      %dma_start3A_26 = tpu.memref_slice %arg10[%add3A_13, %dma_start3A] : memref<10112x128xf32, #tpu.memory_space<vmem_shared>> -> memref<128x128xf32, #tpu.memory_space<vmem_shared>>
      %dma_start3A_27 = arith.constant 0 : i32
      %dma_start3A_28 = tpu.memref_slice %arg10[%add3A_13, %dma_start3A_27] : memref<10112x128xf32, #tpu.memory_space<vmem_shared>> -> memref<128x128xf32, #tpu.memory_space<vmem_shared>>
      tpu.enqueue_dma source(%arg8 : memref<128x128xf32, #tpu.memory_space<vmem>>) target(%dma_start3A_28 : memref<128x128xf32, #tpu.memory_space<vmem_shared>>) target_semaphore(%run_scoped3A : memref<!tpu.dma_semaphore, #tpu.memory_space<semaphore_mem>>)
      %dma_wait3A = arith.constant 0 : i32
      %dma_wait3A_29 = tpu.memref_slice %arg10[%add3A_13, %dma_wait3A] : memref<10112x128xf32, #tpu.memory_space<vmem_shared>> -> memref<128x128xf32, #tpu.memory_space<vmem_shared>>
      %dma_wait3A_30 = arith.constant 0 : i32
      %dma_wait3A_31 = tpu.memref_slice %arg10[%add3A_13, %dma_wait3A_30] : memref<10112x128xf32, #tpu.memory_space<vmem_shared>> -> memref<128x128xf32, #tpu.memory_space<vmem_shared>>
      tpu.wait_dma2 semaphore(%run_scoped3A : memref<!tpu.dma_semaphore, #tpu.memory_space<semaphore_mem>>) src(%arg8 : memref<128x128xf32, #tpu.memory_space<vmem>>) dst(%dma_wait3A_31 : memref<128x128xf32, #tpu.memory_space<vmem_shared>>)
      tpu.yield
    }) : () -> ()
    %add3A_14 = arith.constant 384 : i32
    %add3A_15 = arith.addi %mul3A_2, %add3A_14 : i32
    "tpu.region"() ({
      %run_scoped3A = tpu.sem_alloc : memref<!tpu.dma_semaphore, #tpu.memory_space<semaphore_mem>>
      %dma_start3A = arith.constant 0 : i32
      %dma_start3A_26 = tpu.memref_slice %arg10[%add3A_15, %dma_start3A] : memref<10112x128xf32, #tpu.memory_space<vmem_shared>> -> memref<128x128xf32, #tpu.memory_space<vmem_shared>>
      %dma_start3A_27 = arith.constant 0 : i32
      %dma_start3A_28 = tpu.memref_slice %arg10[%add3A_15, %dma_start3A_27] : memref<10112x128xf32, #tpu.memory_space<vmem_shared>> -> memref<128x128xf32, #tpu.memory_space<vmem_shared>>
      tpu.enqueue_dma source(%arg8 : memref<128x128xf32, #tpu.memory_space<vmem>>) target(%dma_start3A_28 : memref<128x128xf32, #tpu.memory_space<vmem_shared>>) target_semaphore(%run_scoped3A : memref<!tpu.dma_semaphore, #tpu.memory_space<semaphore_mem>>)
      %dma_wait3A = arith.constant 0 : i32
      %dma_wait3A_29 = tpu.memref_slice %arg10[%add3A_15, %dma_wait3A] : memref<10112x128xf32, #tpu.memory_space<vmem_shared>> -> memref<128x128xf32, #tpu.memory_space<vmem_shared>>
      %dma_wait3A_30 = arith.constant 0 : i32
      %dma_wait3A_31 = tpu.memref_slice %arg10[%add3A_15, %dma_wait3A_30] : memref<10112x128xf32, #tpu.memory_space<vmem_shared>> -> memref<128x128xf32, #tpu.memory_space<vmem_shared>>
      tpu.wait_dma2 semaphore(%run_scoped3A : memref<!tpu.dma_semaphore, #tpu.memory_space<semaphore_mem>>) src(%arg8 : memref<128x128xf32, #tpu.memory_space<vmem>>) dst(%dma_wait3A_31 : memref<128x128xf32, #tpu.memory_space<vmem_shared>>)
      tpu.yield
    }) : () -> ()
    %add3A_16 = arith.constant 632 : i32
    %add3A_17 = arith.addi %mul3A_2, %add3A_16 : i32
    %sub3A = arith.constant 120 : i32
    %sub3A_18 = arith.subi %add3A_17, %sub3A : i32
    "tpu.region"() ({
      %run_scoped3A = tpu.sem_alloc : memref<!tpu.dma_semaphore, #tpu.memory_space<semaphore_mem>>
      %dma_start3A = arith.constant 0 : i32
      %dma_start3A_26 = arith.constant 0 : i32
      %dma_start3A_27 = tpu.memref_slice %arg8[%dma_start3A, %dma_start3A_26] : memref<128x128xf32, #tpu.memory_space<vmem>> -> memref<120x128xf32, #tpu.memory_space<vmem>>
      %dma_start3A_28 = arith.constant 0 : i32
      %dma_start3A_29 = tpu.memref_slice %arg10[%sub3A_18, %dma_start3A_28] : memref<10112x128xf32, #tpu.memory_space<vmem_shared>> -> memref<120x128xf32, #tpu.memory_space<vmem_shared>>
      %dma_start3A_30 = arith.constant 0 : i32
      %dma_start3A_31 = tpu.memref_slice %arg10[%sub3A_18, %dma_start3A_30] : memref<10112x128xf32, #tpu.memory_space<vmem_shared>> -> memref<120x128xf32, #tpu.memory_space<vmem_shared>>
      %dma_start3A_32 = arith.constant 0 : i32
      %dma_start3A_33 = arith.constant 0 : i32
      %dma_start3A_34 = tpu.memref_slice %arg8[%dma_start3A_32, %dma_start3A_33] : memref<128x128xf32, #tpu.memory_space<vmem>> -> memref<120x128xf32, #tpu.memory_space<vmem>>
      tpu.enqueue_dma source(%dma_start3A_34 : memref<120x128xf32, #tpu.memory_space<vmem>>) target(%dma_start3A_31 : memref<120x128xf32, #tpu.memory_space<vmem_shared>>) target_semaphore(%run_scoped3A : memref<!tpu.dma_semaphore, #tpu.memory_space<semaphore_mem>>)
      %dma_wait3A = arith.constant 0 : i32
      %dma_wait3A_35 = arith.constant 0 : i32
      %dma_wait3A_36 = tpu.memref_slice %arg8[%dma_wait3A, %dma_wait3A_35] : memref<128x128xf32, #tpu.memory_space<vmem>> -> memref<120x128xf32, #tpu.memory_space<vmem>>
      %dma_wait3A_37 = arith.constant 0 : i32
      %dma_wait3A_38 = tpu.memref_slice %arg10[%sub3A_18, %dma_wait3A_37] : memref<10112x128xf32, #tpu.memory_space<vmem_shared>> -> memref<120x128xf32, #tpu.memory_space<vmem_shared>>
      %dma_wait3A_39 = arith.constant 0 : i32
      %dma_wait3A_40 = tpu.memref_slice %arg10[%sub3A_18, %dma_wait3A_39] : memref<10112x128xf32, #tpu.memory_space<vmem_shared>> -> memref<120x128xf32, #tpu.memory_space<vmem_shared>>
      %dma_wait3A_41 = arith.constant 0 : i32
      %dma_wait3A_42 = arith.constant 0 : i32
      %dma_wait3A_43 = tpu.memref_slice %arg8[%dma_wait3A_41, %dma_wait3A_42] : memref<128x128xf32, #tpu.memory_space<vmem>> -> memref<120x128xf32, #tpu.memory_space<vmem>>
      tpu.wait_dma2 semaphore(%run_scoped3A : memref<!tpu.dma_semaphore, #tpu.memory_space<semaphore_mem>>) src(%dma_wait3A_43 : memref<120x128xf32, #tpu.memory_space<vmem>>) dst(%dma_wait3A_40 : memref<120x128xf32, #tpu.memory_space<vmem_shared>>)
      tpu.yield
    }) : () -> ()
    %barrier3A = arith.constant 0 : index
    tpu.barrier barrier_id(%barrier3A)
    %scan3A_19 = arith.constant 0 : i32
    %scan3A_20 = arith.constant 0 : i32
    %scan3A_21 = arith.constant 5 : i32
    %scan3A_22 = arith.addi %scan3A_20, %scan3A_21 : i32
    %scan3A_23 = arith.constant 1 : i32
    scf.for %scan3A_26 = %scan3A_20 to %scan3A_22 step %scan3A_23  : i32 {
      %mul3A_27 = arith.constant 16 : i32
      %mul3A_28 = arith.muli %scan3A_26, %mul3A_27 : i32
      "tpu.region"() ({
        %run_scoped3A_268 = tpu.sem_alloc : memref<!tpu.dma_semaphore, #tpu.memory_space<semaphore_mem>>
        %dma_start3A_269 = arith.constant 0 : i32
        %dma_start3A_270 = tpu.memref_slice %arg3[%add3A, %mul3A_28, %dma_start3A_269] : memref<32x80x128xi32, #tpu.memory_space<hbm>> -> memref<1x16x128xi32, #tpu.memory_space<hbm>>
        %dma_start3A_271 = tpu.memref_squeeze %dma_start3A_270 : memref<1x16x128xi32, #tpu.memory_space<hbm>> -> memref<16x128xi32, #tpu.memory_space<hbm>>
        %dma_start3A_272 = arith.constant 0 : i32
        %dma_start3A_273 = tpu.memref_slice %arg3[%add3A, %mul3A_28, %dma_start3A_272] : memref<32x80x128xi32, #tpu.memory_space<hbm>> -> memref<1x16x128xi32, #tpu.memory_space<hbm>>
        %dma_start3A_274 = tpu.memref_squeeze %dma_start3A_273 : memref<1x16x128xi32, #tpu.memory_space<hbm>> -> memref<16x128xi32, #tpu.memory_space<hbm>>
        tpu.enqueue_dma source(%dma_start3A_274 : memref<16x128xi32, #tpu.memory_space<hbm>>) target(%arg6 : memref<16x128xi32, #tpu.memory_space<vmem>>) target_semaphore(%run_scoped3A_268 : memref<!tpu.dma_semaphore, #tpu.memory_space<semaphore_mem>>)
        %dma_wait3A_275 = arith.constant 0 : i32
        %dma_wait3A_276 = tpu.memref_slice %arg3[%add3A, %mul3A_28, %dma_wait3A_275] : memref<32x80x128xi32, #tpu.memory_space<hbm>> -> memref<1x16x128xi32, #tpu.memory_space<hbm>>
        %dma_wait3A_277 = tpu.memref_squeeze %dma_wait3A_276 : memref<1x16x128xi32, #tpu.memory_space<hbm>> -> memref<16x128xi32, #tpu.memory_space<hbm>>
        %dma_wait3A_278 = arith.constant 0 : i32
        %dma_wait3A_279 = tpu.memref_slice %arg3[%add3A, %mul3A_28, %dma_wait3A_278] : memref<32x80x128xi32, #tpu.memory_space<hbm>> -> memref<1x16x128xi32, #tpu.memory_space<hbm>>
        %dma_wait3A_280 = tpu.memref_squeeze %dma_wait3A_279 : memref<1x16x128xi32, #tpu.memory_space<hbm>> -> memref<16x128xi32, #tpu.memory_space<hbm>>
        tpu.wait_dma2 semaphore(%run_scoped3A_268 : memref<!tpu.dma_semaphore, #tpu.memory_space<semaphore_mem>>) src(%dma_wait3A_280 : memref<16x128xi32, #tpu.memory_space<hbm>>) dst(%arg6 : memref<16x128xi32, #tpu.memory_space<vmem>>)
        tpu.yield
      }) : () -> ()
      %mul3A_29 = arith.constant 16 : i32
      %mul3A_30 = arith.muli %scan3A_26, %mul3A_29 : i32
      "tpu.region"() ({
        %run_scoped3A_268 = tpu.sem_alloc : memref<!tpu.dma_semaphore, #tpu.memory_space<semaphore_mem>>
        %dma_start3A_269 = arith.constant 0 : i32
        %dma_start3A_270 = tpu.memref_slice %arg4[%add3A, %mul3A_30, %dma_start3A_269] : memref<32x80x128xi32, #tpu.memory_space<hbm>> -> memref<1x16x128xi32, #tpu.memory_space<hbm>>
        %dma_start3A_271 = tpu.memref_squeeze %dma_start3A_270 : memref<1x16x128xi32, #tpu.memory_space<hbm>> -> memref<16x128xi32, #tpu.memory_space<hbm>>
        %dma_start3A_272 = arith.constant 0 : i32
        %dma_start3A_273 = tpu.memref_slice %arg4[%add3A, %mul3A_30, %dma_start3A_272] : memref<32x80x128xi32, #tpu.memory_space<hbm>> -> memref<1x16x128xi32, #tpu.memory_space<hbm>>
        %dma_start3A_274 = tpu.memref_squeeze %dma_start3A_273 : memref<1x16x128xi32, #tpu.memory_space<hbm>> -> memref<16x128xi32, #tpu.memory_space<hbm>>
        tpu.enqueue_dma source(%dma_start3A_274 : memref<16x128xi32, #tpu.memory_space<hbm>>) target(%arg7 : memref<16x128xi32, #tpu.memory_space<vmem>>) target_semaphore(%run_scoped3A_268 : memref<!tpu.dma_semaphore, #tpu.memory_space<semaphore_mem>>)
        %dma_wait3A_275 = arith.constant 0 : i32
        %dma_wait3A_276 = tpu.memref_slice %arg4[%add3A, %mul3A_30, %dma_wait3A_275] : memref<32x80x128xi32, #tpu.memory_space<hbm>> -> memref<1x16x128xi32, #tpu.memory_space<hbm>>
        %dma_wait3A_277 = tpu.memref_squeeze %dma_wait3A_276 : memref<1x16x128xi32, #tpu.memory_space<hbm>> -> memref<16x128xi32, #tpu.memory_space<hbm>>
        %dma_wait3A_278 = arith.constant 0 : i32
        %dma_wait3A_279 = tpu.memref_slice %arg4[%add3A, %mul3A_30, %dma_wait3A_278] : memref<32x80x128xi32, #tpu.memory_space<hbm>> -> memref<1x16x128xi32, #tpu.memory_space<hbm>>
        %dma_wait3A_280 = tpu.memref_squeeze %dma_wait3A_279 : memref<1x16x128xi32, #tpu.memory_space<hbm>> -> memref<16x128xi32, #tpu.memory_space<hbm>>
        tpu.wait_dma2 semaphore(%run_scoped3A_268 : memref<!tpu.dma_semaphore, #tpu.memory_space<semaphore_mem>>) src(%dma_wait3A_280 : memref<16x128xi32, #tpu.memory_space<hbm>>) dst(%arg7 : memref<16x128xi32, #tpu.memory_space<vmem>>)
        tpu.yield
      }) : () -> ()
      %dma_start3A = arith.constant 0 : i32
      %dma_start3A_31 = arith.constant 0 : i32
      %dma_start3A_32 = tpu.memref_slice %arg6[%dma_start3A, %dma_start3A_31] : memref<16x128xi32, #tpu.memory_space<vmem>> -> memref<1x128xi32, #tpu.memory_space<vmem>>
      %dma_start3A_33 = tpu.memref_squeeze %dma_start3A_32 : memref<1x128xi32, #tpu.memory_space<vmem>> -> memref<128xi32, #tpu.memory_space<vmem>>
      %dma_start3A_34 = arith.constant 0 : i32
      %dma_start3A_35 = arith.constant 0 : i32
      %dma_start3A_36 = tpu.memref_slice %arg2[%dma_start3A_34, %dma_start3A_35] : memref<10000x128xf32, #tpu.memory_space<hbm>> -> memref<10000x128xf32, #tpu.memory_space<hbm>>
      tpu.enqueue_indirect_dma source(%dma_start3A_36 : memref<10000x128xf32, #tpu.memory_space<hbm>>) target(%arg8 : memref<128x128xf32, #tpu.memory_space<vmem>>) offsets(%dma_start3A_33 : memref<128xi32, #tpu.memory_space<vmem>>) semaphore(%arg11 : memref<!tpu.dma_semaphore, #tpu.memory_space<semaphore_mem>>)
      %dma_start3A_37 = arith.constant 1 : i32
      %dma_start3A_38 = arith.constant 0 : i32
      %dma_start3A_39 = tpu.memref_slice %arg6[%dma_start3A_37, %dma_start3A_38] : memref<16x128xi32, #tpu.memory_space<vmem>> -> memref<1x128xi32, #tpu.memory_space<vmem>>
      %dma_start3A_40 = tpu.memref_squeeze %dma_start3A_39 : memref<1x128xi32, #tpu.memory_space<vmem>> -> memref<128xi32, #tpu.memory_space<vmem>>
      %dma_start3A_41 = arith.constant 0 : i32
      %dma_start3A_42 = arith.constant 0 : i32
      %dma_start3A_43 = tpu.memref_slice %arg2[%dma_start3A_41, %dma_start3A_42] : memref<10000x128xf32, #tpu.memory_space<hbm>> -> memref<10000x128xf32, #tpu.memory_space<hbm>>
      tpu.enqueue_indirect_dma source(%dma_start3A_43 : memref<10000x128xf32, #tpu.memory_space<hbm>>) target(%arg9 : memref<128x128xf32, #tpu.memory_space<vmem>>) offsets(%dma_start3A_40 : memref<128xi32, #tpu.memory_space<vmem>>) semaphore(%arg12 : memref<!tpu.dma_semaphore, #tpu.memory_space<semaphore_mem>>)
      %dma_wait3A = arith.constant 0 : i32
      %dma_wait3A_44 = arith.constant 0 : i32
      %dma_wait3A_45 = tpu.memref_slice %arg6[%dma_wait3A, %dma_wait3A_44] : memref<16x128xi32, #tpu.memory_space<vmem>> -> memref<1x128xi32, #tpu.memory_space<vmem>>
      %dma_wait3A_46 = tpu.memref_squeeze %dma_wait3A_45 : memref<1x128xi32, #tpu.memory_space<vmem>> -> memref<128xi32, #tpu.memory_space<vmem>>
      %dma_wait3A_47 = arith.constant 0 : i32
      %dma_wait3A_48 = arith.constant 0 : i32
      %dma_wait3A_49 = tpu.memref_slice %arg2[%dma_wait3A_47, %dma_wait3A_48] : memref<10000x128xf32, #tpu.memory_space<hbm>> -> memref<10000x128xf32, #tpu.memory_space<hbm>>
      tpu.wait_indirect_dma semaphore(%arg11 : memref<!tpu.dma_semaphore, #tpu.memory_space<semaphore_mem>>) src(%dma_wait3A_49 : memref<10000x128xf32, #tpu.memory_space<hbm>>) dst(%arg8 : memref<128x128xf32, #tpu.memory_space<vmem>>)
      %run_scoped3A = arith.constant 0 : i32
      "tpu.region"() ({
        %run_scoped3A_268 = tpu.sem_alloc : memref<!tpu.dma_semaphore, #tpu.memory_space<semaphore_mem>>
        %dma_start3A_269 = arith.constant 0 : i32
        %dma_start3A_270 = tpu.memref_slice %arg7[%run_scoped3A, %dma_start3A_269] : memref<16x128xi32, #tpu.memory_space<vmem>> -> memref<1x128xi32, #tpu.memory_space<vmem>>
        %dma_start3A_271 = tpu.memref_squeeze %dma_start3A_270 : memref<1x128xi32, #tpu.memory_space<vmem>> -> memref<128xi32, #tpu.memory_space<vmem>>
        %dma_start3A_272 = arith.constant 0 : i32
        %dma_start3A_273 = arith.constant 0 : i32
        %dma_start3A_274 = tpu.memref_slice %arg10[%dma_start3A_272, %dma_start3A_273] : memref<10112x128xf32, #tpu.memory_space<vmem_shared>> -> memref<10112x128xf32, #tpu.memory_space<vmem_shared>>
        tpu.enqueue_indirect_dma source(%arg8 : memref<128x128xf32, #tpu.memory_space<vmem>>) target(%dma_start3A_274 : memref<10112x128xf32, #tpu.memory_space<vmem_shared>>) offsets(%dma_start3A_271 : memref<128xi32, #tpu.memory_space<vmem>>) semaphore(%run_scoped3A_268 : memref<!tpu.dma_semaphore, #tpu.memory_space<semaphore_mem>>) {add = true}
        %dma_wait3A_275 = arith.constant 0 : i32
        %dma_wait3A_276 = tpu.memref_slice %arg7[%run_scoped3A, %dma_wait3A_275] : memref<16x128xi32, #tpu.memory_space<vmem>> -> memref<1x128xi32, #tpu.memory_space<vmem>>
        %dma_wait3A_277 = tpu.memref_squeeze %dma_wait3A_276 : memref<1x128xi32, #tpu.memory_space<vmem>> -> memref<128xi32, #tpu.memory_space<vmem>>
        %dma_wait3A_278 = arith.constant 0 : i32
        %dma_wait3A_279 = arith.constant 0 : i32
        %dma_wait3A_280 = tpu.memref_slice %arg10[%dma_wait3A_278, %dma_wait3A_279] : memref<10112x128xf32, #tpu.memory_space<vmem_shared>> -> memref<10112x128xf32, #tpu.memory_space<vmem_shared>>
        tpu.wait_indirect_dma semaphore(%run_scoped3A_268 : memref<!tpu.dma_semaphore, #tpu.memory_space<semaphore_mem>>) src(%arg8 : memref<128x128xf32, #tpu.memory_space<vmem>>) dst(%dma_wait3A_280 : memref<10112x128xf32, #tpu.memory_space<vmem_shared>>)
        tpu.yield
      }) : () -> ()
      %dma_start3A_50 = arith.constant 2 : i32
      %dma_start3A_51 = arith.constant 0 : i32
      %dma_start3A_52 = tpu.memref_slice %arg6[%dma_start3A_50, %dma_start3A_51] : memref<16x128xi32, #tpu.memory_space<vmem>> -> memref<1x128xi32, #tpu.memory_space<vmem>>
      %dma_start3A_53 = tpu.memref_squeeze %dma_start3A_52 : memref<1x128xi32, #tpu.memory_space<vmem>> -> memref<128xi32, #tpu.memory_space<vmem>>
      %dma_start3A_54 = arith.constant 0 : i32
      %dma_start3A_55 = arith.constant 0 : i32
      %dma_start3A_56 = tpu.memref_slice %arg2[%dma_start3A_54, %dma_start3A_55] : memref<10000x128xf32, #tpu.memory_space<hbm>> -> memref<10000x128xf32, #tpu.memory_space<hbm>>
      tpu.enqueue_indirect_dma source(%dma_start3A_56 : memref<10000x128xf32, #tpu.memory_space<hbm>>) target(%arg8 : memref<128x128xf32, #tpu.memory_space<vmem>>) offsets(%dma_start3A_53 : memref<128xi32, #tpu.memory_space<vmem>>) semaphore(%arg11 : memref<!tpu.dma_semaphore, #tpu.memory_space<semaphore_mem>>)
      %dma_wait3A_57 = arith.constant 1 : i32
      %dma_wait3A_58 = arith.constant 0 : i32
      %dma_wait3A_59 = tpu.memref_slice %arg6[%dma_wait3A_57, %dma_wait3A_58] : memref<16x128xi32, #tpu.memory_space<vmem>> -> memref<1x128xi32, #tpu.memory_space<vmem>>
      %dma_wait3A_60 = tpu.memref_squeeze %dma_wait3A_59 : memref<1x128xi32, #tpu.memory_space<vmem>> -> memref<128xi32, #tpu.memory_space<vmem>>
      %dma_wait3A_61 = arith.constant 0 : i32
      %dma_wait3A_62 = arith.constant 0 : i32
      %dma_wait3A_63 = tpu.memref_slice %arg2[%dma_wait3A_61, %dma_wait3A_62] : memref<10000x128xf32, #tpu.memory_space<hbm>> -> memref<10000x128xf32, #tpu.memory_space<hbm>>
      tpu.wait_indirect_dma semaphore(%arg12 : memref<!tpu.dma_semaphore, #tpu.memory_space<semaphore_mem>>) src(%dma_wait3A_63 : memref<10000x128xf32, #tpu.memory_space<hbm>>) dst(%arg9 : memref<128x128xf32, #tpu.memory_space<vmem>>)
      %run_scoped3A_64 = arith.constant 1 : i32
      "tpu.region"() ({
        %run_scoped3A_268 = tpu.sem_alloc : memref<!tpu.dma_semaphore, #tpu.memory_space<semaphore_mem>>
        %dma_start3A_269 = arith.constant 0 : i32
        %dma_start3A_270 = tpu.memref_slice %arg7[%run_scoped3A_64, %dma_start3A_269] : memref<16x128xi32, #tpu.memory_space<vmem>> -> memref<1x128xi32, #tpu.memory_space<vmem>>
        %dma_start3A_271 = tpu.memref_squeeze %dma_start3A_270 : memref<1x128xi32, #tpu.memory_space<vmem>> -> memref<128xi32, #tpu.memory_space<vmem>>
        %dma_start3A_272 = arith.constant 0 : i32
        %dma_start3A_273 = arith.constant 0 : i32
        %dma_start3A_274 = tpu.memref_slice %arg10[%dma_start3A_272, %dma_start3A_273] : memref<10112x128xf32, #tpu.memory_space<vmem_shared>> -> memref<10112x128xf32, #tpu.memory_space<vmem_shared>>
        tpu.enqueue_indirect_dma source(%arg9 : memref<128x128xf32, #tpu.memory_space<vmem>>) target(%dma_start3A_274 : memref<10112x128xf32, #tpu.memory_space<vmem_shared>>) offsets(%dma_start3A_271 : memref<128xi32, #tpu.memory_space<vmem>>) semaphore(%run_scoped3A_268 : memref<!tpu.dma_semaphore, #tpu.memory_space<semaphore_mem>>) {add = true}
        %dma_wait3A_275 = arith.constant 0 : i32
        %dma_wait3A_276 = tpu.memref_slice %arg7[%run_scoped3A_64, %dma_wait3A_275] : memref<16x128xi32, #tpu.memory_space<vmem>> -> memref<1x128xi32, #tpu.memory_space<vmem>>
        %dma_wait3A_277 = tpu.memref_squeeze %dma_wait3A_276 : memref<1x128xi32, #tpu.memory_space<vmem>> -> memref<128xi32, #tpu.memory_space<vmem>>
        %dma_wait3A_278 = arith.constant 0 : i32
        %dma_wait3A_279 = arith.constant 0 : i32
        %dma_wait3A_280 = tpu.memref_slice %arg10[%dma_wait3A_278, %dma_wait3A_279] : memref<10112x128xf32, #tpu.memory_space<vmem_shared>> -> memref<10112x128xf32, #tpu.memory_space<vmem_shared>>
        tpu.wait_indirect_dma semaphore(%run_scoped3A_268 : memref<!tpu.dma_semaphore, #tpu.memory_space<semaphore_mem>>) src(%arg9 : memref<128x128xf32, #tpu.memory_space<vmem>>) dst(%dma_wait3A_280 : memref<10112x128xf32, #tpu.memory_space<vmem_shared>>)
        tpu.yield
      }) : () -> ()
      %dma_start3A_65 = arith.constant 3 : i32
      %dma_start3A_66 = arith.constant 0 : i32
      %dma_start3A_67 = tpu.memref_slice %arg6[%dma_start3A_65, %dma_start3A_66] : memref<16x128xi32, #tpu.memory_space<vmem>> -> memref<1x128xi32, #tpu.memory_space<vmem>>
      %dma_start3A_68 = tpu.memref_squeeze %dma_start3A_67 : memref<1x128xi32, #tpu.memory_space<vmem>> -> memref<128xi32, #tpu.memory_space<vmem>>
      %dma_start3A_69 = arith.constant 0 : i32
      %dma_start3A_70 = arith.constant 0 : i32
      %dma_start3A_71 = tpu.memref_slice %arg2[%dma_start3A_69, %dma_start3A_70] : memref<10000x128xf32, #tpu.memory_space<hbm>> -> memref<10000x128xf32, #tpu.memory_space<hbm>>
      tpu.enqueue_indirect_dma source(%dma_start3A_71 : memref<10000x128xf32, #tpu.memory_space<hbm>>) target(%arg9 : memref<128x128xf32, #tpu.memory_space<vmem>>) offsets(%dma_start3A_68 : memref<128xi32, #tpu.memory_space<vmem>>) semaphore(%arg12 : memref<!tpu.dma_semaphore, #tpu.memory_space<semaphore_mem>>)
      %dma_wait3A_72 = arith.constant 2 : i32
      %dma_wait3A_73 = arith.constant 0 : i32
      %dma_wait3A_74 = tpu.memref_slice %arg6[%dma_wait3A_72, %dma_wait3A_73] : memref<16x128xi32, #tpu.memory_space<vmem>> -> memref<1x128xi32, #tpu.memory_space<vmem>>
      %dma_wait3A_75 = tpu.memref_squeeze %dma_wait3A_74 : memref<1x128xi32, #tpu.memory_space<vmem>> -> memref<128xi32, #tpu.memory_space<vmem>>
      %dma_wait3A_76 = arith.constant 0 : i32
      %dma_wait3A_77 = arith.constant 0 : i32
      %dma_wait3A_78 = tpu.memref_slice %arg2[%dma_wait3A_76, %dma_wait3A_77] : memref<10000x128xf32, #tpu.memory_space<hbm>> -> memref<10000x128xf32, #tpu.memory_space<hbm>>
      tpu.wait_indirect_dma semaphore(%arg11 : memref<!tpu.dma_semaphore, #tpu.memory_space<semaphore_mem>>) src(%dma_wait3A_78 : memref<10000x128xf32, #tpu.memory_space<hbm>>) dst(%arg8 : memref<128x128xf32, #tpu.memory_space<vmem>>)
      %run_scoped3A_79 = arith.constant 2 : i32
      "tpu.region"() ({
        %run_scoped3A_268 = tpu.sem_alloc : memref<!tpu.dma_semaphore, #tpu.memory_space<semaphore_mem>>
        %dma_start3A_269 = arith.constant 0 : i32
        %dma_start3A_270 = tpu.memref_slice %arg7[%run_scoped3A_79, %dma_start3A_269] : memref<16x128xi32, #tpu.memory_space<vmem>> -> memref<1x128xi32, #tpu.memory_space<vmem>>
        %dma_start3A_271 = tpu.memref_squeeze %dma_start3A_270 : memref<1x128xi32, #tpu.memory_space<vmem>> -> memref<128xi32, #tpu.memory_space<vmem>>
        %dma_start3A_272 = arith.constant 0 : i32
        %dma_start3A_273 = arith.constant 0 : i32
        %dma_start3A_274 = tpu.memref_slice %arg10[%dma_start3A_272, %dma_start3A_273] : memref<10112x128xf32, #tpu.memory_space<vmem_shared>> -> memref<10112x128xf32, #tpu.memory_space<vmem_shared>>
        tpu.enqueue_indirect_dma source(%arg8 : memref<128x128xf32, #tpu.memory_space<vmem>>) target(%dma_start3A_274 : memref<10112x128xf32, #tpu.memory_space<vmem_shared>>) offsets(%dma_start3A_271 : memref<128xi32, #tpu.memory_space<vmem>>) semaphore(%run_scoped3A_268 : memref<!tpu.dma_semaphore, #tpu.memory_space<semaphore_mem>>) {add = true}
        %dma_wait3A_275 = arith.constant 0 : i32
        %dma_wait3A_276 = tpu.memref_slice %arg7[%run_scoped3A_79, %dma_wait3A_275] : memref<16x128xi32, #tpu.memory_space<vmem>> -> memref<1x128xi32, #tpu.memory_space<vmem>>
        %dma_wait3A_277 = tpu.memref_squeeze %dma_wait3A_276 : memref<1x128xi32, #tpu.memory_space<vmem>> -> memref<128xi32, #tpu.memory_space<vmem>>
        %dma_wait3A_278 = arith.constant 0 : i32
        %dma_wait3A_279 = arith.constant 0 : i32
        %dma_wait3A_280 = tpu.memref_slice %arg10[%dma_wait3A_278, %dma_wait3A_279] : memref<10112x128xf32, #tpu.memory_space<vmem_shared>> -> memref<10112x128xf32, #tpu.memory_space<vmem_shared>>
        tpu.wait_indirect_dma semaphore(%run_scoped3A_268 : memref<!tpu.dma_semaphore, #tpu.memory_space<semaphore_mem>>) src(%arg8 : memref<128x128xf32, #tpu.memory_space<vmem>>) dst(%dma_wait3A_280 : memref<10112x128xf32, #tpu.memory_space<vmem_shared>>)
        tpu.yield
      }) : () -> ()
      %dma_start3A_80 = arith.constant 4 : i32
      %dma_start3A_81 = arith.constant 0 : i32
      %dma_start3A_82 = tpu.memref_slice %arg6[%dma_start3A_80, %dma_start3A_81] : memref<16x128xi32, #tpu.memory_space<vmem>> -> memref<1x128xi32, #tpu.memory_space<vmem>>
      %dma_start3A_83 = tpu.memref_squeeze %dma_start3A_82 : memref<1x128xi32, #tpu.memory_space<vmem>> -> memref<128xi32, #tpu.memory_space<vmem>>
      %dma_start3A_84 = arith.constant 0 : i32
      %dma_start3A_85 = arith.constant 0 : i32
      %dma_start3A_86 = tpu.memref_slice %arg2[%dma_start3A_84, %dma_start3A_85] : memref<10000x128xf32, #tpu.memory_space<hbm>> -> memref<10000x128xf32, #tpu.memory_space<hbm>>
      tpu.enqueue_indirect_dma source(%dma_start3A_86 : memref<10000x128xf32, #tpu.memory_space<hbm>>) target(%arg8 : memref<128x128xf32, #tpu.memory_space<vmem>>) offsets(%dma_start3A_83 : memref<128xi32, #tpu.memory_space<vmem>>) semaphore(%arg11 : memref<!tpu.dma_semaphore, #tpu.memory_space<semaphore_mem>>)
      %dma_wait3A_87 = arith.constant 3 : i32
      %dma_wait3A_88 = arith.constant 0 : i32
      %dma_wait3A_89 = tpu.memref_slice %arg6[%dma_wait3A_87, %dma_wait3A_88] : memref<16x128xi32, #tpu.memory_space<vmem>> -> memref<1x128xi32, #tpu.memory_space<vmem>>
      %dma_wait3A_90 = tpu.memref_squeeze %dma_wait3A_89 : memref<1x128xi32, #tpu.memory_space<vmem>> -> memref<128xi32, #tpu.memory_space<vmem>>
      %dma_wait3A_91 = arith.constant 0 : i32
      %dma_wait3A_92 = arith.constant 0 : i32
      %dma_wait3A_93 = tpu.memref_slice %arg2[%dma_wait3A_91, %dma_wait3A_92] : memref<10000x128xf32, #tpu.memory_space<hbm>> -> memref<10000x128xf32, #tpu.memory_space<hbm>>
      tpu.wait_indirect_dma semaphore(%arg12 : memref<!tpu.dma_semaphore, #tpu.memory_space<semaphore_mem>>) src(%dma_wait3A_93 : memref<10000x128xf32, #tpu.memory_space<hbm>>) dst(%arg9 : memref<128x128xf32, #tpu.memory_space<vmem>>)
      %run_scoped3A_94 = arith.constant 3 : i32
      "tpu.region"() ({
        %run_scoped3A_268 = tpu.sem_alloc : memref<!tpu.dma_semaphore, #tpu.memory_space<semaphore_mem>>
        %dma_start3A_269 = arith.constant 0 : i32
        %dma_start3A_270 = tpu.memref_slice %arg7[%run_scoped3A_94, %dma_start3A_269] : memref<16x128xi32, #tpu.memory_space<vmem>> -> memref<1x128xi32, #tpu.memory_space<vmem>>
        %dma_start3A_271 = tpu.memref_squeeze %dma_start3A_270 : memref<1x128xi32, #tpu.memory_space<vmem>> -> memref<128xi32, #tpu.memory_space<vmem>>
        %dma_start3A_272 = arith.constant 0 : i32
        %dma_start3A_273 = arith.constant 0 : i32
        %dma_start3A_274 = tpu.memref_slice %arg10[%dma_start3A_272, %dma_start3A_273] : memref<10112x128xf32, #tpu.memory_space<vmem_shared>> -> memref<10112x128xf32, #tpu.memory_space<vmem_shared>>
        tpu.enqueue_indirect_dma source(%arg9 : memref<128x128xf32, #tpu.memory_space<vmem>>) target(%dma_start3A_274 : memref<10112x128xf32, #tpu.memory_space<vmem_shared>>) offsets(%dma_start3A_271 : memref<128xi32, #tpu.memory_space<vmem>>) semaphore(%run_scoped3A_268 : memref<!tpu.dma_semaphore, #tpu.memory_space<semaphore_mem>>) {add = true}
        %dma_wait3A_275 = arith.constant 0 : i32
        %dma_wait3A_276 = tpu.memref_slice %arg7[%run_scoped3A_94, %dma_wait3A_275] : memref<16x128xi32, #tpu.memory_space<vmem>> -> memref<1x128xi32, #tpu.memory_space<vmem>>
        %dma_wait3A_277 = tpu.memref_squeeze %dma_wait3A_276 : memref<1x128xi32, #tpu.memory_space<vmem>> -> memref<128xi32, #tpu.memory_space<vmem>>
        %dma_wait3A_278 = arith.constant 0 : i32
        %dma_wait3A_279 = arith.constant 0 : i32
        %dma_wait3A_280 = tpu.memref_slice %arg10[%dma_wait3A_278, %dma_wait3A_279] : memref<10112x128xf32, #tpu.memory_space<vmem_shared>> -> memref<10112x128xf32, #tpu.memory_space<vmem_shared>>
        tpu.wait_indirect_dma semaphore(%run_scoped3A_268 : memref<!tpu.dma_semaphore, #tpu.memory_space<semaphore_mem>>) src(%arg9 : memref<128x128xf32, #tpu.memory_space<vmem>>) dst(%dma_wait3A_280 : memref<10112x128xf32, #tpu.memory_space<vmem_shared>>)
        tpu.yield
      }) : () -> ()
      %dma_start3A_95 = arith.constant 5 : i32
      %dma_start3A_96 = arith.constant 0 : i32
      %dma_start3A_97 = tpu.memref_slice %arg6[%dma_start3A_95, %dma_start3A_96] : memref<16x128xi32, #tpu.memory_space<vmem>> -> memref<1x128xi32, #tpu.memory_space<vmem>>
      %dma_start3A_98 = tpu.memref_squeeze %dma_start3A_97 : memref<1x128xi32, #tpu.memory_space<vmem>> -> memref<128xi32, #tpu.memory_space<vmem>>
      %dma_start3A_99 = arith.constant 0 : i32
      %dma_start3A_100 = arith.constant 0 : i32
      %dma_start3A_101 = tpu.memref_slice %arg2[%dma_start3A_99, %dma_start3A_100] : memref<10000x128xf32, #tpu.memory_space<hbm>> -> memref<10000x128xf32, #tpu.memory_space<hbm>>
      tpu.enqueue_indirect_dma source(%dma_start3A_101 : memref<10000x128xf32, #tpu.memory_space<hbm>>) target(%arg9 : memref<128x128xf32, #tpu.memory_space<vmem>>) offsets(%dma_start3A_98 : memref<128xi32, #tpu.memory_space<vmem>>) semaphore(%arg12 : memref<!tpu.dma_semaphore, #tpu.memory_space<semaphore_mem>>)
      %dma_wait3A_102 = arith.constant 4 : i32
      %dma_wait3A_103 = arith.constant 0 : i32
      %dma_wait3A_104 = tpu.memref_slice %arg6[%dma_wait3A_102, %dma_wait3A_103] : memref<16x128xi32, #tpu.memory_space<vmem>> -> memref<1x128xi32, #tpu.memory_space<vmem>>
      %dma_wait3A_105 = tpu.memref_squeeze %dma_wait3A_104 : memref<1x128xi32, #tpu.memory_space<vmem>> -> memref<128xi32, #tpu.memory_space<vmem>>
      %dma_wait3A_106 = arith.constant 0 : i32
      %dma_wait3A_107 = arith.constant 0 : i32
      %dma_wait3A_108 = tpu.memref_slice %arg2[%dma_wait3A_106, %dma_wait3A_107] : memref<10000x128xf32, #tpu.memory_space<hbm>> -> memref<10000x128xf32, #tpu.memory_space<hbm>>
      tpu.wait_indirect_dma semaphore(%arg11 : memref<!tpu.dma_semaphore, #tpu.memory_space<semaphore_mem>>) src(%dma_wait3A_108 : memref<10000x128xf32, #tpu.memory_space<hbm>>) dst(%arg8 : memref<128x128xf32, #tpu.memory_space<vmem>>)
      %run_scoped3A_109 = arith.constant 4 : i32
      "tpu.region"() ({
        %run_scoped3A_268 = tpu.sem_alloc : memref<!tpu.dma_semaphore, #tpu.memory_space<semaphore_mem>>
        %dma_start3A_269 = arith.constant 0 : i32
        %dma_start3A_270 = tpu.memref_slice %arg7[%run_scoped3A_109, %dma_start3A_269] : memref<16x128xi32, #tpu.memory_space<vmem>> -> memref<1x128xi32, #tpu.memory_space<vmem>>
        %dma_start3A_271 = tpu.memref_squeeze %dma_start3A_270 : memref<1x128xi32, #tpu.memory_space<vmem>> -> memref<128xi32, #tpu.memory_space<vmem>>
        %dma_start3A_272 = arith.constant 0 : i32
        %dma_start3A_273 = arith.constant 0 : i32
        %dma_start3A_274 = tpu.memref_slice %arg10[%dma_start3A_272, %dma_start3A_273] : memref<10112x128xf32, #tpu.memory_space<vmem_shared>> -> memref<10112x128xf32, #tpu.memory_space<vmem_shared>>
        tpu.enqueue_indirect_dma source(%arg8 : memref<128x128xf32, #tpu.memory_space<vmem>>) target(%dma_start3A_274 : memref<10112x128xf32, #tpu.memory_space<vmem_shared>>) offsets(%dma_start3A_271 : memref<128xi32, #tpu.memory_space<vmem>>) semaphore(%run_scoped3A_268 : memref<!tpu.dma_semaphore, #tpu.memory_space<semaphore_mem>>) {add = true}
        %dma_wait3A_275 = arith.constant 0 : i32
        %dma_wait3A_276 = tpu.memref_slice %arg7[%run_scoped3A_109, %dma_wait3A_275] : memref<16x128xi32, #tpu.memory_space<vmem>> -> memref<1x128xi32, #tpu.memory_space<vmem>>
        %dma_wait3A_277 = tpu.memref_squeeze %dma_wait3A_276 : memref<1x128xi32, #tpu.memory_space<vmem>> -> memref<128xi32, #tpu.memory_space<vmem>>
        %dma_wait3A_278 = arith.constant 0 : i32
        %dma_wait3A_279 = arith.constant 0 : i32
        %dma_wait3A_280 = tpu.memref_slice %arg10[%dma_wait3A_278, %dma_wait3A_279] : memref<10112x128xf32, #tpu.memory_space<vmem_shared>> -> memref<10112x128xf32, #tpu.memory_space<vmem_shared>>
        tpu.wait_indirect_dma semaphore(%run_scoped3A_268 : memref<!tpu.dma_semaphore, #tpu.memory_space<semaphore_mem>>) src(%arg8 : memref<128x128xf32, #tpu.memory_space<vmem>>) dst(%dma_wait3A_280 : memref<10112x128xf32, #tpu.memory_space<vmem_shared>>)
        tpu.yield
      }) : () -> ()
      %dma_start3A_110 = arith.constant 6 : i32
      %dma_start3A_111 = arith.constant 0 : i32
      %dma_start3A_112 = tpu.memref_slice %arg6[%dma_start3A_110, %dma_start3A_111] : memref<16x128xi32, #tpu.memory_space<vmem>> -> memref<1x128xi32, #tpu.memory_space<vmem>>
      %dma_start3A_113 = tpu.memref_squeeze %dma_start3A_112 : memref<1x128xi32, #tpu.memory_space<vmem>> -> memref<128xi32, #tpu.memory_space<vmem>>
      %dma_start3A_114 = arith.constant 0 : i32
      %dma_start3A_115 = arith.constant 0 : i32
      %dma_start3A_116 = tpu.memref_slice %arg2[%dma_start3A_114, %dma_start3A_115] : memref<10000x128xf32, #tpu.memory_space<hbm>> -> memref<10000x128xf32, #tpu.memory_space<hbm>>
      tpu.enqueue_indirect_dma source(%dma_start3A_116 : memref<10000x128xf32, #tpu.memory_space<hbm>>) target(%arg8 : memref<128x128xf32, #tpu.memory_space<vmem>>) offsets(%dma_start3A_113 : memref<128xi32, #tpu.memory_space<vmem>>) semaphore(%arg11 : memref<!tpu.dma_semaphore, #tpu.memory_space<semaphore_mem>>)
      %dma_wait3A_117 = arith.constant 5 : i32
      %dma_wait3A_118 = arith.constant 0 : i32
      %dma_wait3A_119 = tpu.memref_slice %arg6[%dma_wait3A_117, %dma_wait3A_118] : memref<16x128xi32, #tpu.memory_space<vmem>> -> memref<1x128xi32, #tpu.memory_space<vmem>>
      %dma_wait3A_120 = tpu.memref_squeeze %dma_wait3A_119 : memref<1x128xi32, #tpu.memory_space<vmem>> -> memref<128xi32, #tpu.memory_space<vmem>>
      %dma_wait3A_121 = arith.constant 0 : i32
      %dma_wait3A_122 = arith.constant 0 : i32
      %dma_wait3A_123 = tpu.memref_slice %arg2[%dma_wait3A_121, %dma_wait3A_122] : memref<10000x128xf32, #tpu.memory_space<hbm>> -> memref<10000x128xf32, #tpu.memory_space<hbm>>
      tpu.wait_indirect_dma semaphore(%arg12 : memref<!tpu.dma_semaphore, #tpu.memory_space<semaphore_mem>>) src(%dma_wait3A_123 : memref<10000x128xf32, #tpu.memory_space<hbm>>) dst(%arg9 : memref<128x128xf32, #tpu.memory_space<vmem>>)
      %run_scoped3A_124 = arith.constant 5 : i32
      "tpu.region"() ({
        %run_scoped3A_268 = tpu.sem_alloc : memref<!tpu.dma_semaphore, #tpu.memory_space<semaphore_mem>>
        %dma_start3A_269 = arith.constant 0 : i32
        %dma_start3A_270 = tpu.memref_slice %arg7[%run_scoped3A_124, %dma_start3A_269] : memref<16x128xi32, #tpu.memory_space<vmem>> -> memref<1x128xi32, #tpu.memory_space<vmem>>
        %dma_start3A_271 = tpu.memref_squeeze %dma_start3A_270 : memref<1x128xi32, #tpu.memory_space<vmem>> -> memref<128xi32, #tpu.memory_space<vmem>>
        %dma_start3A_272 = arith.constant 0 : i32
        %dma_start3A_273 = arith.constant 0 : i32
        %dma_start3A_274 = tpu.memref_slice %arg10[%dma_start3A_272, %dma_start3A_273] : memref<10112x128xf32, #tpu.memory_space<vmem_shared>> -> memref<10112x128xf32, #tpu.memory_space<vmem_shared>>
        tpu.enqueue_indirect_dma source(%arg9 : memref<128x128xf32, #tpu.memory_space<vmem>>) target(%dma_start3A_274 : memref<10112x128xf32, #tpu.memory_space<vmem_shared>>) offsets(%dma_start3A_271 : memref<128xi32, #tpu.memory_space<vmem>>) semaphore(%run_scoped3A_268 : memref<!tpu.dma_semaphore, #tpu.memory_space<semaphore_mem>>) {add = true}
        %dma_wait3A_275 = arith.constant 0 : i32
        %dma_wait3A_276 = tpu.memref_slice %arg7[%run_scoped3A_124, %dma_wait3A_275] : memref<16x128xi32, #tpu.memory_space<vmem>> -> memref<1x128xi32, #tpu.memory_space<vmem>>
        %dma_wait3A_277 = tpu.memref_squeeze %dma_wait3A_276 : memref<1x128xi32, #tpu.memory_space<vmem>> -> memref<128xi32, #tpu.memory_space<vmem>>
        %dma_wait3A_278 = arith.constant 0 : i32
        %dma_wait3A_279 = arith.constant 0 : i32
        %dma_wait3A_280 = tpu.memref_slice %arg10[%dma_wait3A_278, %dma_wait3A_279] : memref<10112x128xf32, #tpu.memory_space<vmem_shared>> -> memref<10112x128xf32, #tpu.memory_space<vmem_shared>>
        tpu.wait_indirect_dma semaphore(%run_scoped3A_268 : memref<!tpu.dma_semaphore, #tpu.memory_space<semaphore_mem>>) src(%arg9 : memref<128x128xf32, #tpu.memory_space<vmem>>) dst(%dma_wait3A_280 : memref<10112x128xf32, #tpu.memory_space<vmem_shared>>)
        tpu.yield
      }) : () -> ()
      %dma_start3A_125 = arith.constant 7 : i32
      %dma_start3A_126 = arith.constant 0 : i32
      %dma_start3A_127 = tpu.memref_slice %arg6[%dma_start3A_125, %dma_start3A_126] : memref<16x128xi32, #tpu.memory_space<vmem>> -> memref<1x128xi32, #tpu.memory_space<vmem>>
      %dma_start3A_128 = tpu.memref_squeeze %dma_start3A_127 : memref<1x128xi32, #tpu.memory_space<vmem>> -> memref<128xi32, #tpu.memory_space<vmem>>
      %dma_start3A_129 = arith.constant 0 : i32
      %dma_start3A_130 = arith.constant 0 : i32
      %dma_start3A_131 = tpu.memref_slice %arg2[%dma_start3A_129, %dma_start3A_130] : memref<10000x128xf32, #tpu.memory_space<hbm>> -> memref<10000x128xf32, #tpu.memory_space<hbm>>
      tpu.enqueue_indirect_dma source(%dma_start3A_131 : memref<10000x128xf32, #tpu.memory_space<hbm>>) target(%arg9 : memref<128x128xf32, #tpu.memory_space<vmem>>) offsets(%dma_start3A_128 : memref<128xi32, #tpu.memory_space<vmem>>) semaphore(%arg12 : memref<!tpu.dma_semaphore, #tpu.memory_space<semaphore_mem>>)
      %dma_wait3A_132 = arith.constant 6 : i32
      %dma_wait3A_133 = arith.constant 0 : i32
      %dma_wait3A_134 = tpu.memref_slice %arg6[%dma_wait3A_132, %dma_wait3A_133] : memref<16x128xi32, #tpu.memory_space<vmem>> -> memref<1x128xi32, #tpu.memory_space<vmem>>
      %dma_wait3A_135 = tpu.memref_squeeze %dma_wait3A_134 : memref<1x128xi32, #tpu.memory_space<vmem>> -> memref<128xi32, #tpu.memory_space<vmem>>
      %dma_wait3A_136 = arith.constant 0 : i32
      %dma_wait3A_137 = arith.constant 0 : i32
      %dma_wait3A_138 = tpu.memref_slice %arg2[%dma_wait3A_136, %dma_wait3A_137] : memref<10000x128xf32, #tpu.memory_space<hbm>> -> memref<10000x128xf32, #tpu.memory_space<hbm>>
      tpu.wait_indirect_dma semaphore(%arg11 : memref<!tpu.dma_semaphore, #tpu.memory_space<semaphore_mem>>) src(%dma_wait3A_138 : memref<10000x128xf32, #tpu.memory_space<hbm>>) dst(%arg8 : memref<128x128xf32, #tpu.memory_space<vmem>>)
      %run_scoped3A_139 = arith.constant 6 : i32
      "tpu.region"() ({
        %run_scoped3A_268 = tpu.sem_alloc : memref<!tpu.dma_semaphore, #tpu.memory_space<semaphore_mem>>
        %dma_start3A_269 = arith.constant 0 : i32
        %dma_start3A_270 = tpu.memref_slice %arg7[%run_scoped3A_139, %dma_start3A_269] : memref<16x128xi32, #tpu.memory_space<vmem>> -> memref<1x128xi32, #tpu.memory_space<vmem>>
        %dma_start3A_271 = tpu.memref_squeeze %dma_start3A_270 : memref<1x128xi32, #tpu.memory_space<vmem>> -> memref<128xi32, #tpu.memory_space<vmem>>
        %dma_start3A_272 = arith.constant 0 : i32
        %dma_start3A_273 = arith.constant 0 : i32
        %dma_start3A_274 = tpu.memref_slice %arg10[%dma_start3A_272, %dma_start3A_273] : memref<10112x128xf32, #tpu.memory_space<vmem_shared>> -> memref<10112x128xf32, #tpu.memory_space<vmem_shared>>
        tpu.enqueue_indirect_dma source(%arg8 : memref<128x128xf32, #tpu.memory_space<vmem>>) target(%dma_start3A_274 : memref<10112x128xf32, #tpu.memory_space<vmem_shared>>) offsets(%dma_start3A_271 : memref<128xi32, #tpu.memory_space<vmem>>) semaphore(%run_scoped3A_268 : memref<!tpu.dma_semaphore, #tpu.memory_space<semaphore_mem>>) {add = true}
        %dma_wait3A_275 = arith.constant 0 : i32
        %dma_wait3A_276 = tpu.memref_slice %arg7[%run_scoped3A_139, %dma_wait3A_275] : memref<16x128xi32, #tpu.memory_space<vmem>> -> memref<1x128xi32, #tpu.memory_space<vmem>>
        %dma_wait3A_277 = tpu.memref_squeeze %dma_wait3A_276 : memref<1x128xi32, #tpu.memory_space<vmem>> -> memref<128xi32, #tpu.memory_space<vmem>>
        %dma_wait3A_278 = arith.constant 0 : i32
        %dma_wait3A_279 = arith.constant 0 : i32
        %dma_wait3A_280 = tpu.memref_slice %arg10[%dma_wait3A_278, %dma_wait3A_279] : memref<10112x128xf32, #tpu.memory_space<vmem_shared>> -> memref<10112x128xf32, #tpu.memory_space<vmem_shared>>
        tpu.wait_indirect_dma semaphore(%run_scoped3A_268 : memref<!tpu.dma_semaphore, #tpu.memory_space<semaphore_mem>>) src(%arg8 : memref<128x128xf32, #tpu.memory_space<vmem>>) dst(%dma_wait3A_280 : memref<10112x128xf32, #tpu.memory_space<vmem_shared>>)
        tpu.yield
      }) : () -> ()
      %dma_start3A_140 = arith.constant 8 : i32
      %dma_start3A_141 = arith.constant 0 : i32
      %dma_start3A_142 = tpu.memref_slice %arg6[%dma_start3A_140, %dma_start3A_141] : memref<16x128xi32, #tpu.memory_space<vmem>> -> memref<1x128xi32, #tpu.memory_space<vmem>>
      %dma_start3A_143 = tpu.memref_squeeze %dma_start3A_142 : memref<1x128xi32, #tpu.memory_space<vmem>> -> memref<128xi32, #tpu.memory_space<vmem>>
      %dma_start3A_144 = arith.constant 0 : i32
      %dma_start3A_145 = arith.constant 0 : i32
      %dma_start3A_146 = tpu.memref_slice %arg2[%dma_start3A_144, %dma_start3A_145] : memref<10000x128xf32, #tpu.memory_space<hbm>> -> memref<10000x128xf32, #tpu.memory_space<hbm>>
      tpu.enqueue_indirect_dma source(%dma_start3A_146 : memref<10000x128xf32, #tpu.memory_space<hbm>>) target(%arg8 : memref<128x128xf32, #tpu.memory_space<vmem>>) offsets(%dma_start3A_143 : memref<128xi32, #tpu.memory_space<vmem>>) semaphore(%arg11 : memref<!tpu.dma_semaphore, #tpu.memory_space<semaphore_mem>>)
      %dma_wait3A_147 = arith.constant 7 : i32
      %dma_wait3A_148 = arith.constant 0 : i32
      %dma_wait3A_149 = tpu.memref_slice %arg6[%dma_wait3A_147, %dma_wait3A_148] : memref<16x128xi32, #tpu.memory_space<vmem>> -> memref<1x128xi32, #tpu.memory_space<vmem>>
      %dma_wait3A_150 = tpu.memref_squeeze %dma_wait3A_149 : memref<1x128xi32, #tpu.memory_space<vmem>> -> memref<128xi32, #tpu.memory_space<vmem>>
      %dma_wait3A_151 = arith.constant 0 : i32
      %dma_wait3A_152 = arith.constant 0 : i32
      %dma_wait3A_153 = tpu.memref_slice %arg2[%dma_wait3A_151, %dma_wait3A_152] : memref<10000x128xf32, #tpu.memory_space<hbm>> -> memref<10000x128xf32, #tpu.memory_space<hbm>>
      tpu.wait_indirect_dma semaphore(%arg12 : memref<!tpu.dma_semaphore, #tpu.memory_space<semaphore_mem>>) src(%dma_wait3A_153 : memref<10000x128xf32, #tpu.memory_space<hbm>>) dst(%arg9 : memref<128x128xf32, #tpu.memory_space<vmem>>)
      %run_scoped3A_154 = arith.constant 7 : i32
      "tpu.region"() ({
        %run_scoped3A_268 = tpu.sem_alloc : memref<!tpu.dma_semaphore, #tpu.memory_space<semaphore_mem>>
        %dma_start3A_269 = arith.constant 0 : i32
        %dma_start3A_270 = tpu.memref_slice %arg7[%run_scoped3A_154, %dma_start3A_269] : memref<16x128xi32, #tpu.memory_space<vmem>> -> memref<1x128xi32, #tpu.memory_space<vmem>>
        %dma_start3A_271 = tpu.memref_squeeze %dma_start3A_270 : memref<1x128xi32, #tpu.memory_space<vmem>> -> memref<128xi32, #tpu.memory_space<vmem>>
        %dma_start3A_272 = arith.constant 0 : i32
        %dma_start3A_273 = arith.constant 0 : i32
        %dma_start3A_274 = tpu.memref_slice %arg10[%dma_start3A_272, %dma_start3A_273] : memref<10112x128xf32, #tpu.memory_space<vmem_shared>> -> memref<10112x128xf32, #tpu.memory_space<vmem_shared>>
        tpu.enqueue_indirect_dma source(%arg9 : memref<128x128xf32, #tpu.memory_space<vmem>>) target(%dma_start3A_274 : memref<10112x128xf32, #tpu.memory_space<vmem_shared>>) offsets(%dma_start3A_271 : memref<128xi32, #tpu.memory_space<vmem>>) semaphore(%run_scoped3A_268 : memref<!tpu.dma_semaphore, #tpu.memory_space<semaphore_mem>>) {add = true}
        %dma_wait3A_275 = arith.constant 0 : i32
        %dma_wait3A_276 = tpu.memref_slice %arg7[%run_scoped3A_154, %dma_wait3A_275] : memref<16x128xi32, #tpu.memory_space<vmem>> -> memref<1x128xi32, #tpu.memory_space<vmem>>
        %dma_wait3A_277 = tpu.memref_squeeze %dma_wait3A_276 : memref<1x128xi32, #tpu.memory_space<vmem>> -> memref<128xi32, #tpu.memory_space<vmem>>
        %dma_wait3A_278 = arith.constant 0 : i32
        %dma_wait3A_279 = arith.constant 0 : i32
        %dma_wait3A_280 = tpu.memref_slice %arg10[%dma_wait3A_278, %dma_wait3A_279] : memref<10112x128xf32, #tpu.memory_space<vmem_shared>> -> memref<10112x128xf32, #tpu.memory_space<vmem_shared>>
        tpu.wait_indirect_dma semaphore(%run_scoped3A_268 : memref<!tpu.dma_semaphore, #tpu.memory_space<semaphore_mem>>) src(%arg9 : memref<128x128xf32, #tpu.memory_space<vmem>>) dst(%dma_wait3A_280 : memref<10112x128xf32, #tpu.memory_space<vmem_shared>>)
        tpu.yield
      }) : () -> ()
      %dma_start3A_155 = arith.constant 9 : i32
      %dma_start3A_156 = arith.constant 0 : i32
      %dma_start3A_157 = tpu.memref_slice %arg6[%dma_start3A_155, %dma_start3A_156] : memref<16x128xi32, #tpu.memory_space<vmem>> -> memref<1x128xi32, #tpu.memory_space<vmem>>
      %dma_start3A_158 = tpu.memref_squeeze %dma_start3A_157 : memref<1x128xi32, #tpu.memory_space<vmem>> -> memref<128xi32, #tpu.memory_space<vmem>>
      %dma_start3A_159 = arith.constant 0 : i32
      %dma_start3A_160 = arith.constant 0 : i32
      %dma_start3A_161 = tpu.memref_slice %arg2[%dma_start3A_159, %dma_start3A_160] : memref<10000x128xf32, #tpu.memory_space<hbm>> -> memref<10000x128xf32, #tpu.memory_space<hbm>>
      tpu.enqueue_indirect_dma source(%dma_start3A_161 : memref<10000x128xf32, #tpu.memory_space<hbm>>) target(%arg9 : memref<128x128xf32, #tpu.memory_space<vmem>>) offsets(%dma_start3A_158 : memref<128xi32, #tpu.memory_space<vmem>>) semaphore(%arg12 : memref<!tpu.dma_semaphore, #tpu.memory_space<semaphore_mem>>)
      %dma_wait3A_162 = arith.constant 8 : i32
      %dma_wait3A_163 = arith.constant 0 : i32
      %dma_wait3A_164 = tpu.memref_slice %arg6[%dma_wait3A_162, %dma_wait3A_163] : memref<16x128xi32, #tpu.memory_space<vmem>> -> memref<1x128xi32, #tpu.memory_space<vmem>>
      %dma_wait3A_165 = tpu.memref_squeeze %dma_wait3A_164 : memref<1x128xi32, #tpu.memory_space<vmem>> -> memref<128xi32, #tpu.memory_space<vmem>>
      %dma_wait3A_166 = arith.constant 0 : i32
      %dma_wait3A_167 = arith.constant 0 : i32
      %dma_wait3A_168 = tpu.memref_slice %arg2[%dma_wait3A_166, %dma_wait3A_167] : memref<10000x128xf32, #tpu.memory_space<hbm>> -> memref<10000x128xf32, #tpu.memory_space<hbm>>
      tpu.wait_indirect_dma semaphore(%arg11 : memref<!tpu.dma_semaphore, #tpu.memory_space<semaphore_mem>>) src(%dma_wait3A_168 : memref<10000x128xf32, #tpu.memory_space<hbm>>) dst(%arg8 : memref<128x128xf32, #tpu.memory_space<vmem>>)
      %run_scoped3A_169 = arith.constant 8 : i32
      "tpu.region"() ({
        %run_scoped3A_268 = tpu.sem_alloc : memref<!tpu.dma_semaphore, #tpu.memory_space<semaphore_mem>>
        %dma_start3A_269 = arith.constant 0 : i32
        %dma_start3A_270 = tpu.memref_slice %arg7[%run_scoped3A_169, %dma_start3A_269] : memref<16x128xi32, #tpu.memory_space<vmem>> -> memref<1x128xi32, #tpu.memory_space<vmem>>
        %dma_start3A_271 = tpu.memref_squeeze %dma_start3A_270 : memref<1x128xi32, #tpu.memory_space<vmem>> -> memref<128xi32, #tpu.memory_space<vmem>>
        %dma_start3A_272 = arith.constant 0 : i32
        %dma_start3A_273 = arith.constant 0 : i32
        %dma_start3A_274 = tpu.memref_slice %arg10[%dma_start3A_272, %dma_start3A_273] : memref<10112x128xf32, #tpu.memory_space<vmem_shared>> -> memref<10112x128xf32, #tpu.memory_space<vmem_shared>>
        tpu.enqueue_indirect_dma source(%arg8 : memref<128x128xf32, #tpu.memory_space<vmem>>) target(%dma_start3A_274 : memref<10112x128xf32, #tpu.memory_space<vmem_shared>>) offsets(%dma_start3A_271 : memref<128xi32, #tpu.memory_space<vmem>>) semaphore(%run_scoped3A_268 : memref<!tpu.dma_semaphore, #tpu.memory_space<semaphore_mem>>) {add = true}
        %dma_wait3A_275 = arith.constant 0 : i32
        %dma_wait3A_276 = tpu.memref_slice %arg7[%run_scoped3A_169, %dma_wait3A_275] : memref<16x128xi32, #tpu.memory_space<vmem>> -> memref<1x128xi32, #tpu.memory_space<vmem>>
        %dma_wait3A_277 = tpu.memref_squeeze %dma_wait3A_276 : memref<1x128xi32, #tpu.memory_space<vmem>> -> memref<128xi32, #tpu.memory_space<vmem>>
        %dma_wait3A_278 = arith.constant 0 : i32
        %dma_wait3A_279 = arith.constant 0 : i32
        %dma_wait3A_280 = tpu.memref_slice %arg10[%dma_wait3A_278, %dma_wait3A_279] : memref<10112x128xf32, #tpu.memory_space<vmem_shared>> -> memref<10112x128xf32, #tpu.memory_space<vmem_shared>>
        tpu.wait_indirect_dma semaphore(%run_scoped3A_268 : memref<!tpu.dma_semaphore, #tpu.memory_space<semaphore_mem>>) src(%arg8 : memref<128x128xf32, #tpu.memory_space<vmem>>) dst(%dma_wait3A_280 : memref<10112x128xf32, #tpu.memory_space<vmem_shared>>)
        tpu.yield
      }) : () -> ()
      %dma_start3A_170 = arith.constant 10 : i32
      %dma_start3A_171 = arith.constant 0 : i32
      %dma_start3A_172 = tpu.memref_slice %arg6[%dma_start3A_170, %dma_start3A_171] : memref<16x128xi32, #tpu.memory_space<vmem>> -> memref<1x128xi32, #tpu.memory_space<vmem>>
      %dma_start3A_173 = tpu.memref_squeeze %dma_start3A_172 : memref<1x128xi32, #tpu.memory_space<vmem>> -> memref<128xi32, #tpu.memory_space<vmem>>
      %dma_start3A_174 = arith.constant 0 : i32
      %dma_start3A_175 = arith.constant 0 : i32
      %dma_start3A_176 = tpu.memref_slice %arg2[%dma_start3A_174, %dma_start3A_175] : memref<10000x128xf32, #tpu.memory_space<hbm>> -> memref<10000x128xf32, #tpu.memory_space<hbm>>
      tpu.enqueue_indirect_dma source(%dma_start3A_176 : memref<10000x128xf32, #tpu.memory_space<hbm>>) target(%arg8 : memref<128x128xf32, #tpu.memory_space<vmem>>) offsets(%dma_start3A_173 : memref<128xi32, #tpu.memory_space<vmem>>) semaphore(%arg11 : memref<!tpu.dma_semaphore, #tpu.memory_space<semaphore_mem>>)
      %dma_wait3A_177 = arith.constant 9 : i32
      %dma_wait3A_178 = arith.constant 0 : i32
      %dma_wait3A_179 = tpu.memref_slice %arg6[%dma_wait3A_177, %dma_wait3A_178] : memref<16x128xi32, #tpu.memory_space<vmem>> -> memref<1x128xi32, #tpu.memory_space<vmem>>
      %dma_wait3A_180 = tpu.memref_squeeze %dma_wait3A_179 : memref<1x128xi32, #tpu.memory_space<vmem>> -> memref<128xi32, #tpu.memory_space<vmem>>
      %dma_wait3A_181 = arith.constant 0 : i32
      %dma_wait3A_182 = arith.constant 0 : i32
      %dma_wait3A_183 = tpu.memref_slice %arg2[%dma_wait3A_181, %dma_wait3A_182] : memref<10000x128xf32, #tpu.memory_space<hbm>> -> memref<10000x128xf32, #tpu.memory_space<hbm>>
      tpu.wait_indirect_dma semaphore(%arg12 : memref<!tpu.dma_semaphore, #tpu.memory_space<semaphore_mem>>) src(%dma_wait3A_183 : memref<10000x128xf32, #tpu.memory_space<hbm>>) dst(%arg9 : memref<128x128xf32, #tpu.memory_space<vmem>>)
      %run_scoped3A_184 = arith.constant 9 : i32
      "tpu.region"() ({
        %run_scoped3A_268 = tpu.sem_alloc : memref<!tpu.dma_semaphore, #tpu.memory_space<semaphore_mem>>
        %dma_start3A_269 = arith.constant 0 : i32
        %dma_start3A_270 = tpu.memref_slice %arg7[%run_scoped3A_184, %dma_start3A_269] : memref<16x128xi32, #tpu.memory_space<vmem>> -> memref<1x128xi32, #tpu.memory_space<vmem>>
        %dma_start3A_271 = tpu.memref_squeeze %dma_start3A_270 : memref<1x128xi32, #tpu.memory_space<vmem>> -> memref<128xi32, #tpu.memory_space<vmem>>
        %dma_start3A_272 = arith.constant 0 : i32
        %dma_start3A_273 = arith.constant 0 : i32
        %dma_start3A_274 = tpu.memref_slice %arg10[%dma_start3A_272, %dma_start3A_273] : memref<10112x128xf32, #tpu.memory_space<vmem_shared>> -> memref<10112x128xf32, #tpu.memory_space<vmem_shared>>
        tpu.enqueue_indirect_dma source(%arg9 : memref<128x128xf32, #tpu.memory_space<vmem>>) target(%dma_start3A_274 : memref<10112x128xf32, #tpu.memory_space<vmem_shared>>) offsets(%dma_start3A_271 : memref<128xi32, #tpu.memory_space<vmem>>) semaphore(%run_scoped3A_268 : memref<!tpu.dma_semaphore, #tpu.memory_space<semaphore_mem>>) {add = true}
        %dma_wait3A_275 = arith.constant 0 : i32
        %dma_wait3A_276 = tpu.memref_slice %arg7[%run_scoped3A_184, %dma_wait3A_275] : memref<16x128xi32, #tpu.memory_space<vmem>> -> memref<1x128xi32, #tpu.memory_space<vmem>>
        %dma_wait3A_277 = tpu.memref_squeeze %dma_wait3A_276 : memref<1x128xi32, #tpu.memory_space<vmem>> -> memref<128xi32, #tpu.memory_space<vmem>>
        %dma_wait3A_278 = arith.constant 0 : i32
        %dma_wait3A_279 = arith.constant 0 : i32
        %dma_wait3A_280 = tpu.memref_slice %arg10[%dma_wait3A_278, %dma_wait3A_279] : memref<10112x128xf32, #tpu.memory_space<vmem_shared>> -> memref<10112x128xf32, #tpu.memory_space<vmem_shared>>
        tpu.wait_indirect_dma semaphore(%run_scoped3A_268 : memref<!tpu.dma_semaphore, #tpu.memory_space<semaphore_mem>>) src(%arg9 : memref<128x128xf32, #tpu.memory_space<vmem>>) dst(%dma_wait3A_280 : memref<10112x128xf32, #tpu.memory_space<vmem_shared>>)
        tpu.yield
      }) : () -> ()
      %dma_start3A_185 = arith.constant 11 : i32
      %dma_start3A_186 = arith.constant 0 : i32
      %dma_start3A_187 = tpu.memref_slice %arg6[%dma_start3A_185, %dma_start3A_186] : memref<16x128xi32, #tpu.memory_space<vmem>> -> memref<1x128xi32, #tpu.memory_space<vmem>>
      %dma_start3A_188 = tpu.memref_squeeze %dma_start3A_187 : memref<1x128xi32, #tpu.memory_space<vmem>> -> memref<128xi32, #tpu.memory_space<vmem>>
      %dma_start3A_189 = arith.constant 0 : i32
      %dma_start3A_190 = arith.constant 0 : i32
      %dma_start3A_191 = tpu.memref_slice %arg2[%dma_start3A_189, %dma_start3A_190] : memref<10000x128xf32, #tpu.memory_space<hbm>> -> memref<10000x128xf32, #tpu.memory_space<hbm>>
      tpu.enqueue_indirect_dma source(%dma_start3A_191 : memref<10000x128xf32, #tpu.memory_space<hbm>>) target(%arg9 : memref<128x128xf32, #tpu.memory_space<vmem>>) offsets(%dma_start3A_188 : memref<128xi32, #tpu.memory_space<vmem>>) semaphore(%arg12 : memref<!tpu.dma_semaphore, #tpu.memory_space<semaphore_mem>>)
      %dma_wait3A_192 = arith.constant 10 : i32
      %dma_wait3A_193 = arith.constant 0 : i32
      %dma_wait3A_194 = tpu.memref_slice %arg6[%dma_wait3A_192, %dma_wait3A_193] : memref<16x128xi32, #tpu.memory_space<vmem>> -> memref<1x128xi32, #tpu.memory_space<vmem>>
      %dma_wait3A_195 = tpu.memref_squeeze %dma_wait3A_194 : memref<1x128xi32, #tpu.memory_space<vmem>> -> memref<128xi32, #tpu.memory_space<vmem>>
      %dma_wait3A_196 = arith.constant 0 : i32
      %dma_wait3A_197 = arith.constant 0 : i32
      %dma_wait3A_198 = tpu.memref_slice %arg2[%dma_wait3A_196, %dma_wait3A_197] : memref<10000x128xf32, #tpu.memory_space<hbm>> -> memref<10000x128xf32, #tpu.memory_space<hbm>>
      tpu.wait_indirect_dma semaphore(%arg11 : memref<!tpu.dma_semaphore, #tpu.memory_space<semaphore_mem>>) src(%dma_wait3A_198 : memref<10000x128xf32, #tpu.memory_space<hbm>>) dst(%arg8 : memref<128x128xf32, #tpu.memory_space<vmem>>)
      %run_scoped3A_199 = arith.constant 10 : i32
      "tpu.region"() ({
        %run_scoped3A_268 = tpu.sem_alloc : memref<!tpu.dma_semaphore, #tpu.memory_space<semaphore_mem>>
        %dma_start3A_269 = arith.constant 0 : i32
        %dma_start3A_270 = tpu.memref_slice %arg7[%run_scoped3A_199, %dma_start3A_269] : memref<16x128xi32, #tpu.memory_space<vmem>> -> memref<1x128xi32, #tpu.memory_space<vmem>>
        %dma_start3A_271 = tpu.memref_squeeze %dma_start3A_270 : memref<1x128xi32, #tpu.memory_space<vmem>> -> memref<128xi32, #tpu.memory_space<vmem>>
        %dma_start3A_272 = arith.constant 0 : i32
        %dma_start3A_273 = arith.constant 0 : i32
        %dma_start3A_274 = tpu.memref_slice %arg10[%dma_start3A_272, %dma_start3A_273] : memref<10112x128xf32, #tpu.memory_space<vmem_shared>> -> memref<10112x128xf32, #tpu.memory_space<vmem_shared>>
        tpu.enqueue_indirect_dma source(%arg8 : memref<128x128xf32, #tpu.memory_space<vmem>>) target(%dma_start3A_274 : memref<10112x128xf32, #tpu.memory_space<vmem_shared>>) offsets(%dma_start3A_271 : memref<128xi32, #tpu.memory_space<vmem>>) semaphore(%run_scoped3A_268 : memref<!tpu.dma_semaphore, #tpu.memory_space<semaphore_mem>>) {add = true}
        %dma_wait3A_275 = arith.constant 0 : i32
        %dma_wait3A_276 = tpu.memref_slice %arg7[%run_scoped3A_199, %dma_wait3A_275] : memref<16x128xi32, #tpu.memory_space<vmem>> -> memref<1x128xi32, #tpu.memory_space<vmem>>
        %dma_wait3A_277 = tpu.memref_squeeze %dma_wait3A_276 : memref<1x128xi32, #tpu.memory_space<vmem>> -> memref<128xi32, #tpu.memory_space<vmem>>
        %dma_wait3A_278 = arith.constant 0 : i32
        %dma_wait3A_279 = arith.constant 0 : i32
        %dma_wait3A_280 = tpu.memref_slice %arg10[%dma_wait3A_278, %dma_wait3A_279] : memref<10112x128xf32, #tpu.memory_space<vmem_shared>> -> memref<10112x128xf32, #tpu.memory_space<vmem_shared>>
        tpu.wait_indirect_dma semaphore(%run_scoped3A_268 : memref<!tpu.dma_semaphore, #tpu.memory_space<semaphore_mem>>) src(%arg8 : memref<128x128xf32, #tpu.memory_space<vmem>>) dst(%dma_wait3A_280 : memref<10112x128xf32, #tpu.memory_space<vmem_shared>>)
        tpu.yield
      }) : () -> ()
      %dma_start3A_200 = arith.constant 12 : i32
      %dma_start3A_201 = arith.constant 0 : i32
      %dma_start3A_202 = tpu.memref_slice %arg6[%dma_start3A_200, %dma_start3A_201] : memref<16x128xi32, #tpu.memory_space<vmem>> -> memref<1x128xi32, #tpu.memory_space<vmem>>
      %dma_start3A_203 = tpu.memref_squeeze %dma_start3A_202 : memref<1x128xi32, #tpu.memory_space<vmem>> -> memref<128xi32, #tpu.memory_space<vmem>>
      %dma_start3A_204 = arith.constant 0 : i32
      %dma_start3A_205 = arith.constant 0 : i32
      %dma_start3A_206 = tpu.memref_slice %arg2[%dma_start3A_204, %dma_start3A_205] : memref<10000x128xf32, #tpu.memory_space<hbm>> -> memref<10000x128xf32, #tpu.memory_space<hbm>>
      tpu.enqueue_indirect_dma source(%dma_start3A_206 : memref<10000x128xf32, #tpu.memory_space<hbm>>) target(%arg8 : memref<128x128xf32, #tpu.memory_space<vmem>>) offsets(%dma_start3A_203 : memref<128xi32, #tpu.memory_space<vmem>>) semaphore(%arg11 : memref<!tpu.dma_semaphore, #tpu.memory_space<semaphore_mem>>)
      %dma_wait3A_207 = arith.constant 11 : i32
      %dma_wait3A_208 = arith.constant 0 : i32
      %dma_wait3A_209 = tpu.memref_slice %arg6[%dma_wait3A_207, %dma_wait3A_208] : memref<16x128xi32, #tpu.memory_space<vmem>> -> memref<1x128xi32, #tpu.memory_space<vmem>>
      %dma_wait3A_210 = tpu.memref_squeeze %dma_wait3A_209 : memref<1x128xi32, #tpu.memory_space<vmem>> -> memref<128xi32, #tpu.memory_space<vmem>>
      %dma_wait3A_211 = arith.constant 0 : i32
      %dma_wait3A_212 = arith.constant 0 : i32
      %dma_wait3A_213 = tpu.memref_slice %arg2[%dma_wait3A_211, %dma_wait3A_212] : memref<10000x128xf32, #tpu.memory_space<hbm>> -> memref<10000x128xf32, #tpu.memory_space<hbm>>
      tpu.wait_indirect_dma semaphore(%arg12 : memref<!tpu.dma_semaphore, #tpu.memory_space<semaphore_mem>>) src(%dma_wait3A_213 : memref<10000x128xf32, #tpu.memory_space<hbm>>) dst(%arg9 : memref<128x128xf32, #tpu.memory_space<vmem>>)
      %run_scoped3A_214 = arith.constant 11 : i32
      "tpu.region"() ({
        %run_scoped3A_268 = tpu.sem_alloc : memref<!tpu.dma_semaphore, #tpu.memory_space<semaphore_mem>>
        %dma_start3A_269 = arith.constant 0 : i32
        %dma_start3A_270 = tpu.memref_slice %arg7[%run_scoped3A_214, %dma_start3A_269] : memref<16x128xi32, #tpu.memory_space<vmem>> -> memref<1x128xi32, #tpu.memory_space<vmem>>
        %dma_start3A_271 = tpu.memref_squeeze %dma_start3A_270 : memref<1x128xi32, #tpu.memory_space<vmem>> -> memref<128xi32, #tpu.memory_space<vmem>>
        %dma_start3A_272 = arith.constant 0 : i32
        %dma_start3A_273 = arith.constant 0 : i32
        %dma_start3A_274 = tpu.memref_slice %arg10[%dma_start3A_272, %dma_start3A_273] : memref<10112x128xf32, #tpu.memory_space<vmem_shared>> -> memref<10112x128xf32, #tpu.memory_space<vmem_shared>>
        tpu.enqueue_indirect_dma source(%arg9 : memref<128x128xf32, #tpu.memory_space<vmem>>) target(%dma_start3A_274 : memref<10112x128xf32, #tpu.memory_space<vmem_shared>>) offsets(%dma_start3A_271 : memref<128xi32, #tpu.memory_space<vmem>>) semaphore(%run_scoped3A_268 : memref<!tpu.dma_semaphore, #tpu.memory_space<semaphore_mem>>) {add = true}
        %dma_wait3A_275 = arith.constant 0 : i32
        %dma_wait3A_276 = tpu.memref_slice %arg7[%run_scoped3A_214, %dma_wait3A_275] : memref<16x128xi32, #tpu.memory_space<vmem>> -> memref<1x128xi32, #tpu.memory_space<vmem>>
        %dma_wait3A_277 = tpu.memref_squeeze %dma_wait3A_276 : memref<1x128xi32, #tpu.memory_space<vmem>> -> memref<128xi32, #tpu.memory_space<vmem>>
        %dma_wait3A_278 = arith.constant 0 : i32
        %dma_wait3A_279 = arith.constant 0 : i32
        %dma_wait3A_280 = tpu.memref_slice %arg10[%dma_wait3A_278, %dma_wait3A_279] : memref<10112x128xf32, #tpu.memory_space<vmem_shared>> -> memref<10112x128xf32, #tpu.memory_space<vmem_shared>>
        tpu.wait_indirect_dma semaphore(%run_scoped3A_268 : memref<!tpu.dma_semaphore, #tpu.memory_space<semaphore_mem>>) src(%arg9 : memref<128x128xf32, #tpu.memory_space<vmem>>) dst(%dma_wait3A_280 : memref<10112x128xf32, #tpu.memory_space<vmem_shared>>)
        tpu.yield
      }) : () -> ()
      %dma_start3A_215 = arith.constant 13 : i32
      %dma_start3A_216 = arith.constant 0 : i32
      %dma_start3A_217 = tpu.memref_slice %arg6[%dma_start3A_215, %dma_start3A_216] : memref<16x128xi32, #tpu.memory_space<vmem>> -> memref<1x128xi32, #tpu.memory_space<vmem>>
      %dma_start3A_218 = tpu.memref_squeeze %dma_start3A_217 : memref<1x128xi32, #tpu.memory_space<vmem>> -> memref<128xi32, #tpu.memory_space<vmem>>
      %dma_start3A_219 = arith.constant 0 : i32
      %dma_start3A_220 = arith.constant 0 : i32
      %dma_start3A_221 = tpu.memref_slice %arg2[%dma_start3A_219, %dma_start3A_220] : memref<10000x128xf32, #tpu.memory_space<hbm>> -> memref<10000x128xf32, #tpu.memory_space<hbm>>
      tpu.enqueue_indirect_dma source(%dma_start3A_221 : memref<10000x128xf32, #tpu.memory_space<hbm>>) target(%arg9 : memref<128x128xf32, #tpu.memory_space<vmem>>) offsets(%dma_start3A_218 : memref<128xi32, #tpu.memory_space<vmem>>) semaphore(%arg12 : memref<!tpu.dma_semaphore, #tpu.memory_space<semaphore_mem>>)
      %dma_wait3A_222 = arith.constant 12 : i32
      %dma_wait3A_223 = arith.constant 0 : i32
      %dma_wait3A_224 = tpu.memref_slice %arg6[%dma_wait3A_222, %dma_wait3A_223] : memref<16x128xi32, #tpu.memory_space<vmem>> -> memref<1x128xi32, #tpu.memory_space<vmem>>
      %dma_wait3A_225 = tpu.memref_squeeze %dma_wait3A_224 : memref<1x128xi32, #tpu.memory_space<vmem>> -> memref<128xi32, #tpu.memory_space<vmem>>
      %dma_wait3A_226 = arith.constant 0 : i32
      %dma_wait3A_227 = arith.constant 0 : i32
      %dma_wait3A_228 = tpu.memref_slice %arg2[%dma_wait3A_226, %dma_wait3A_227] : memref<10000x128xf32, #tpu.memory_space<hbm>> -> memref<10000x128xf32, #tpu.memory_space<hbm>>
      tpu.wait_indirect_dma semaphore(%arg11 : memref<!tpu.dma_semaphore, #tpu.memory_space<semaphore_mem>>) src(%dma_wait3A_228 : memref<10000x128xf32, #tpu.memory_space<hbm>>) dst(%arg8 : memref<128x128xf32, #tpu.memory_space<vmem>>)
      %run_scoped3A_229 = arith.constant 12 : i32
      "tpu.region"() ({
        %run_scoped3A_268 = tpu.sem_alloc : memref<!tpu.dma_semaphore, #tpu.memory_space<semaphore_mem>>
        %dma_start3A_269 = arith.constant 0 : i32
        %dma_start3A_270 = tpu.memref_slice %arg7[%run_scoped3A_229, %dma_start3A_269] : memref<16x128xi32, #tpu.memory_space<vmem>> -> memref<1x128xi32, #tpu.memory_space<vmem>>
        %dma_start3A_271 = tpu.memref_squeeze %dma_start3A_270 : memref<1x128xi32, #tpu.memory_space<vmem>> -> memref<128xi32, #tpu.memory_space<vmem>>
        %dma_start3A_272 = arith.constant 0 : i32
        %dma_start3A_273 = arith.constant 0 : i32
        %dma_start3A_274 = tpu.memref_slice %arg10[%dma_start3A_272, %dma_start3A_273] : memref<10112x128xf32, #tpu.memory_space<vmem_shared>> -> memref<10112x128xf32, #tpu.memory_space<vmem_shared>>
        tpu.enqueue_indirect_dma source(%arg8 : memref<128x128xf32, #tpu.memory_space<vmem>>) target(%dma_start3A_274 : memref<10112x128xf32, #tpu.memory_space<vmem_shared>>) offsets(%dma_start3A_271 : memref<128xi32, #tpu.memory_space<vmem>>) semaphore(%run_scoped3A_268 : memref<!tpu.dma_semaphore, #tpu.memory_space<semaphore_mem>>) {add = true}
        %dma_wait3A_275 = arith.constant 0 : i32
        %dma_wait3A_276 = tpu.memref_slice %arg7[%run_scoped3A_229, %dma_wait3A_275] : memref<16x128xi32, #tpu.memory_space<vmem>> -> memref<1x128xi32, #tpu.memory_space<vmem>>
        %dma_wait3A_277 = tpu.memref_squeeze %dma_wait3A_276 : memref<1x128xi32, #tpu.memory_space<vmem>> -> memref<128xi32, #tpu.memory_space<vmem>>
        %dma_wait3A_278 = arith.constant 0 : i32
        %dma_wait3A_279 = arith.constant 0 : i32
        %dma_wait3A_280 = tpu.memref_slice %arg10[%dma_wait3A_278, %dma_wait3A_279] : memref<10112x128xf32, #tpu.memory_space<vmem_shared>> -> memref<10112x128xf32, #tpu.memory_space<vmem_shared>>
        tpu.wait_indirect_dma semaphore(%run_scoped3A_268 : memref<!tpu.dma_semaphore, #tpu.memory_space<semaphore_mem>>) src(%arg8 : memref<128x128xf32, #tpu.memory_space<vmem>>) dst(%dma_wait3A_280 : memref<10112x128xf32, #tpu.memory_space<vmem_shared>>)
        tpu.yield
      }) : () -> ()
      %dma_start3A_230 = arith.constant 14 : i32
      %dma_start3A_231 = arith.constant 0 : i32
      %dma_start3A_232 = tpu.memref_slice %arg6[%dma_start3A_230, %dma_start3A_231] : memref<16x128xi32, #tpu.memory_space<vmem>> -> memref<1x128xi32, #tpu.memory_space<vmem>>
      %dma_start3A_233 = tpu.memref_squeeze %dma_start3A_232 : memref<1x128xi32, #tpu.memory_space<vmem>> -> memref<128xi32, #tpu.memory_space<vmem>>
      %dma_start3A_234 = arith.constant 0 : i32
      %dma_start3A_235 = arith.constant 0 : i32
      %dma_start3A_236 = tpu.memref_slice %arg2[%dma_start3A_234, %dma_start3A_235] : memref<10000x128xf32, #tpu.memory_space<hbm>> -> memref<10000x128xf32, #tpu.memory_space<hbm>>
      tpu.enqueue_indirect_dma source(%dma_start3A_236 : memref<10000x128xf32, #tpu.memory_space<hbm>>) target(%arg8 : memref<128x128xf32, #tpu.memory_space<vmem>>) offsets(%dma_start3A_233 : memref<128xi32, #tpu.memory_space<vmem>>) semaphore(%arg11 : memref<!tpu.dma_semaphore, #tpu.memory_space<semaphore_mem>>)
      %dma_wait3A_237 = arith.constant 13 : i32
      %dma_wait3A_238 = arith.constant 0 : i32
      %dma_wait3A_239 = tpu.memref_slice %arg6[%dma_wait3A_237, %dma_wait3A_238] : memref<16x128xi32, #tpu.memory_space<vmem>> -> memref<1x128xi32, #tpu.memory_space<vmem>>
      %dma_wait3A_240 = tpu.memref_squeeze %dma_wait3A_239 : memref<1x128xi32, #tpu.memory_space<vmem>> -> memref<128xi32, #tpu.memory_space<vmem>>
      %dma_wait3A_241 = arith.constant 0 : i32
      %dma_wait3A_242 = arith.constant 0 : i32
      %dma_wait3A_243 = tpu.memref_slice %arg2[%dma_wait3A_241, %dma_wait3A_242] : memref<10000x128xf32, #tpu.memory_space<hbm>> -> memref<10000x128xf32, #tpu.memory_space<hbm>>
      tpu.wait_indirect_dma semaphore(%arg12 : memref<!tpu.dma_semaphore, #tpu.memory_space<semaphore_mem>>) src(%dma_wait3A_243 : memref<10000x128xf32, #tpu.memory_space<hbm>>) dst(%arg9 : memref<128x128xf32, #tpu.memory_space<vmem>>)
      %run_scoped3A_244 = arith.constant 13 : i32
      "tpu.region"() ({
        %run_scoped3A_268 = tpu.sem_alloc : memref<!tpu.dma_semaphore, #tpu.memory_space<semaphore_mem>>
        %dma_start3A_269 = arith.constant 0 : i32
        %dma_start3A_270 = tpu.memref_slice %arg7[%run_scoped3A_244, %dma_start3A_269] : memref<16x128xi32, #tpu.memory_space<vmem>> -> memref<1x128xi32, #tpu.memory_space<vmem>>
        %dma_start3A_271 = tpu.memref_squeeze %dma_start3A_270 : memref<1x128xi32, #tpu.memory_space<vmem>> -> memref<128xi32, #tpu.memory_space<vmem>>
        %dma_start3A_272 = arith.constant 0 : i32
        %dma_start3A_273 = arith.constant 0 : i32
        %dma_start3A_274 = tpu.memref_slice %arg10[%dma_start3A_272, %dma_start3A_273] : memref<10112x128xf32, #tpu.memory_space<vmem_shared>> -> memref<10112x128xf32, #tpu.memory_space<vmem_shared>>
        tpu.enqueue_indirect_dma source(%arg9 : memref<128x128xf32, #tpu.memory_space<vmem>>) target(%dma_start3A_274 : memref<10112x128xf32, #tpu.memory_space<vmem_shared>>) offsets(%dma_start3A_271 : memref<128xi32, #tpu.memory_space<vmem>>) semaphore(%run_scoped3A_268 : memref<!tpu.dma_semaphore, #tpu.memory_space<semaphore_mem>>) {add = true}
        %dma_wait3A_275 = arith.constant 0 : i32
        %dma_wait3A_276 = tpu.memref_slice %arg7[%run_scoped3A_244, %dma_wait3A_275] : memref<16x128xi32, #tpu.memory_space<vmem>> -> memref<1x128xi32, #tpu.memory_space<vmem>>
        %dma_wait3A_277 = tpu.memref_squeeze %dma_wait3A_276 : memref<1x128xi32, #tpu.memory_space<vmem>> -> memref<128xi32, #tpu.memory_space<vmem>>
        %dma_wait3A_278 = arith.constant 0 : i32
        %dma_wait3A_279 = arith.constant 0 : i32
        %dma_wait3A_280 = tpu.memref_slice %arg10[%dma_wait3A_278, %dma_wait3A_279] : memref<10112x128xf32, #tpu.memory_space<vmem_shared>> -> memref<10112x128xf32, #tpu.memory_space<vmem_shared>>
        tpu.wait_indirect_dma semaphore(%run_scoped3A_268 : memref<!tpu.dma_semaphore, #tpu.memory_space<semaphore_mem>>) src(%arg9 : memref<128x128xf32, #tpu.memory_space<vmem>>) dst(%dma_wait3A_280 : memref<10112x128xf32, #tpu.memory_space<vmem_shared>>)
        tpu.yield
      }) : () -> ()
      %dma_start3A_245 = arith.constant 15 : i32
      %dma_start3A_246 = arith.constant 0 : i32
      %dma_start3A_247 = tpu.memref_slice %arg6[%dma_start3A_245, %dma_start3A_246] : memref<16x128xi32, #tpu.memory_space<vmem>> -> memref<1x128xi32, #tpu.memory_space<vmem>>
      %dma_start3A_248 = tpu.memref_squeeze %dma_start3A_247 : memref<1x128xi32, #tpu.memory_space<vmem>> -> memref<128xi32, #tpu.memory_space<vmem>>
      %dma_start3A_249 = arith.constant 0 : i32
      %dma_start3A_250 = arith.constant 0 : i32
      %dma_start3A_251 = tpu.memref_slice %arg2[%dma_start3A_249, %dma_start3A_250] : memref<10000x128xf32, #tpu.memory_space<hbm>> -> memref<10000x128xf32, #tpu.memory_space<hbm>>
      tpu.enqueue_indirect_dma source(%dma_start3A_251 : memref<10000x128xf32, #tpu.memory_space<hbm>>) target(%arg9 : memref<128x128xf32, #tpu.memory_space<vmem>>) offsets(%dma_start3A_248 : memref<128xi32, #tpu.memory_space<vmem>>) semaphore(%arg12 : memref<!tpu.dma_semaphore, #tpu.memory_space<semaphore_mem>>)
      %dma_wait3A_252 = arith.constant 14 : i32
      %dma_wait3A_253 = arith.constant 0 : i32
      %dma_wait3A_254 = tpu.memref_slice %arg6[%dma_wait3A_252, %dma_wait3A_253] : memref<16x128xi32, #tpu.memory_space<vmem>> -> memref<1x128xi32, #tpu.memory_space<vmem>>
      %dma_wait3A_255 = tpu.memref_squeeze %dma_wait3A_254 : memref<1x128xi32, #tpu.memory_space<vmem>> -> memref<128xi32, #tpu.memory_space<vmem>>
      %dma_wait3A_256 = arith.constant 0 : i32
      %dma_wait3A_257 = arith.constant 0 : i32
      %dma_wait3A_258 = tpu.memref_slice %arg2[%dma_wait3A_256, %dma_wait3A_257] : memref<10000x128xf32, #tpu.memory_space<hbm>> -> memref<10000x128xf32, #tpu.memory_space<hbm>>
      tpu.wait_indirect_dma semaphore(%arg11 : memref<!tpu.dma_semaphore, #tpu.memory_space<semaphore_mem>>) src(%dma_wait3A_258 : memref<10000x128xf32, #tpu.memory_space<hbm>>) dst(%arg8 : memref<128x128xf32, #tpu.memory_space<vmem>>)
      %run_scoped3A_259 = arith.constant 14 : i32
      "tpu.region"() ({
        %run_scoped3A_268 = tpu.sem_alloc : memref<!tpu.dma_semaphore, #tpu.memory_space<semaphore_mem>>
        %dma_start3A_269 = arith.constant 0 : i32
        %dma_start3A_270 = tpu.memref_slice %arg7[%run_scoped3A_259, %dma_start3A_269] : memref<16x128xi32, #tpu.memory_space<vmem>> -> memref<1x128xi32, #tpu.memory_space<vmem>>
        %dma_start3A_271 = tpu.memref_squeeze %dma_start3A_270 : memref<1x128xi32, #tpu.memory_space<vmem>> -> memref<128xi32, #tpu.memory_space<vmem>>
        %dma_start3A_272 = arith.constant 0 : i32
        %dma_start3A_273 = arith.constant 0 : i32
        %dma_start3A_274 = tpu.memref_slice %arg10[%dma_start3A_272, %dma_start3A_273] : memref<10112x128xf32, #tpu.memory_space<vmem_shared>> -> memref<10112x128xf32, #tpu.memory_space<vmem_shared>>
        tpu.enqueue_indirect_dma source(%arg8 : memref<128x128xf32, #tpu.memory_space<vmem>>) target(%dma_start3A_274 : memref<10112x128xf32, #tpu.memory_space<vmem_shared>>) offsets(%dma_start3A_271 : memref<128xi32, #tpu.memory_space<vmem>>) semaphore(%run_scoped3A_268 : memref<!tpu.dma_semaphore, #tpu.memory_space<semaphore_mem>>) {add = true}
        %dma_wait3A_275 = arith.constant 0 : i32
        %dma_wait3A_276 = tpu.memref_slice %arg7[%run_scoped3A_259, %dma_wait3A_275] : memref<16x128xi32, #tpu.memory_space<vmem>> -> memref<1x128xi32, #tpu.memory_space<vmem>>
        %dma_wait3A_277 = tpu.memref_squeeze %dma_wait3A_276 : memref<1x128xi32, #tpu.memory_space<vmem>> -> memref<128xi32, #tpu.memory_space<vmem>>
        %dma_wait3A_278 = arith.constant 0 : i32
        %dma_wait3A_279 = arith.constant 0 : i32
        %dma_wait3A_280 = tpu.memref_slice %arg10[%dma_wait3A_278, %dma_wait3A_279] : memref<10112x128xf32, #tpu.memory_space<vmem_shared>> -> memref<10112x128xf32, #tpu.memory_space<vmem_shared>>
        tpu.wait_indirect_dma semaphore(%run_scoped3A_268 : memref<!tpu.dma_semaphore, #tpu.memory_space<semaphore_mem>>) src(%arg8 : memref<128x128xf32, #tpu.memory_space<vmem>>) dst(%dma_wait3A_280 : memref<10112x128xf32, #tpu.memory_space<vmem_shared>>)
        tpu.yield
      }) : () -> ()
      %dma_wait3A_260 = arith.constant 15 : i32
      %dma_wait3A_261 = arith.constant 0 : i32
      %dma_wait3A_262 = tpu.memref_slice %arg6[%dma_wait3A_260, %dma_wait3A_261] : memref<16x128xi32, #tpu.memory_space<vmem>> -> memref<1x128xi32, #tpu.memory_space<vmem>>
      %dma_wait3A_263 = tpu.memref_squeeze %dma_wait3A_262 : memref<1x128xi32, #tpu.memory_space<vmem>> -> memref<128xi32, #tpu.memory_space<vmem>>
      %dma_wait3A_264 = arith.constant 0 : i32
      %dma_wait3A_265 = arith.constant 0 : i32
      %dma_wait3A_266 = tpu.memref_slice %arg2[%dma_wait3A_264, %dma_wait3A_265] : memref<10000x128xf32, #tpu.memory_space<hbm>> -> memref<10000x128xf32, #tpu.memory_space<hbm>>
      tpu.wait_indirect_dma semaphore(%arg12 : memref<!tpu.dma_semaphore, #tpu.memory_space<semaphore_mem>>) src(%dma_wait3A_266 : memref<10000x128xf32, #tpu.memory_space<hbm>>) dst(%arg9 : memref<128x128xf32, #tpu.memory_space<vmem>>)
      %run_scoped3A_267 = arith.constant 15 : i32
      "tpu.region"() ({
        %run_scoped3A_268 = tpu.sem_alloc : memref<!tpu.dma_semaphore, #tpu.memory_space<semaphore_mem>>
        %dma_start3A_269 = arith.constant 0 : i32
        %dma_start3A_270 = tpu.memref_slice %arg7[%run_scoped3A_267, %dma_start3A_269] : memref<16x128xi32, #tpu.memory_space<vmem>> -> memref<1x128xi32, #tpu.memory_space<vmem>>
        %dma_start3A_271 = tpu.memref_squeeze %dma_start3A_270 : memref<1x128xi32, #tpu.memory_space<vmem>> -> memref<128xi32, #tpu.memory_space<vmem>>
        %dma_start3A_272 = arith.constant 0 : i32
        %dma_start3A_273 = arith.constant 0 : i32
        %dma_start3A_274 = tpu.memref_slice %arg10[%dma_start3A_272, %dma_start3A_273] : memref<10112x128xf32, #tpu.memory_space<vmem_shared>> -> memref<10112x128xf32, #tpu.memory_space<vmem_shared>>
        tpu.enqueue_indirect_dma source(%arg9 : memref<128x128xf32, #tpu.memory_space<vmem>>) target(%dma_start3A_274 : memref<10112x128xf32, #tpu.memory_space<vmem_shared>>) offsets(%dma_start3A_271 : memref<128xi32, #tpu.memory_space<vmem>>) semaphore(%run_scoped3A_268 : memref<!tpu.dma_semaphore, #tpu.memory_space<semaphore_mem>>) {add = true}
        %dma_wait3A_275 = arith.constant 0 : i32
        %dma_wait3A_276 = tpu.memref_slice %arg7[%run_scoped3A_267, %dma_wait3A_275] : memref<16x128xi32, #tpu.memory_space<vmem>> -> memref<1x128xi32, #tpu.memory_space<vmem>>
        %dma_wait3A_277 = tpu.memref_squeeze %dma_wait3A_276 : memref<1x128xi32, #tpu.memory_space<vmem>> -> memref<128xi32, #tpu.memory_space<vmem>>
        %dma_wait3A_278 = arith.constant 0 : i32
        %dma_wait3A_279 = arith.constant 0 : i32
        %dma_wait3A_280 = tpu.memref_slice %arg10[%dma_wait3A_278, %dma_wait3A_279] : memref<10112x128xf32, #tpu.memory_space<vmem_shared>> -> memref<10112x128xf32, #tpu.memory_space<vmem_shared>>
        tpu.wait_indirect_dma semaphore(%run_scoped3A_268 : memref<!tpu.dma_semaphore, #tpu.memory_space<semaphore_mem>>) src(%arg9 : memref<128x128xf32, #tpu.memory_space<vmem>>) dst(%dma_wait3A_280 : memref<10112x128xf32, #tpu.memory_space<vmem_shared>>)
        tpu.yield
      }) : () -> ()
    }
    %scan3A_24 = arith.constant 5 : i32
    %barrier3A_25 = arith.constant 0 : index
    tpu.barrier barrier_id(%barrier3A_25)
    "tpu.region"() ({
      %run_scoped3A = tpu.sem_alloc : memref<!tpu.dma_semaphore, #tpu.memory_space<semaphore_mem>>
      %dma_start3A = arith.constant 0 : i32
      %dma_start3A_26 = tpu.memref_slice %arg5[%arg0, %mul3A_2, %dma_start3A] : memref<2x10112x128xf32, #tpu.memory_space<hbm>> -> memref<1x632x128xf32, #tpu.memory_space<hbm>>
      %dma_start3A_27 = tpu.memref_squeeze %dma_start3A_26 : memref<1x632x128xf32, #tpu.memory_space<hbm>> -> memref<632x128xf32, #tpu.memory_space<hbm>>
      %dma_start3A_28 = arith.constant 0 : i32
      %dma_start3A_29 = tpu.memref_slice %arg10[%mul3A_2, %dma_start3A_28] : memref<10112x128xf32, #tpu.memory_space<vmem_shared>> -> memref<632x128xf32, #tpu.memory_space<vmem_shared>>
      tpu.enqueue_dma source(%dma_start3A_29 : memref<632x128xf32, #tpu.memory_space<vmem_shared>>) target(%dma_start3A_27 : memref<632x128xf32, #tpu.memory_space<hbm>>) target_semaphore(%run_scoped3A : memref<!tpu.dma_semaphore, #tpu.memory_space<semaphore_mem>>)
      %dma_wait3A = arith.constant 0 : i32
      %dma_wait3A_30 = tpu.memref_slice %arg5[%arg0, %mul3A_2, %dma_wait3A] : memref<2x10112x128xf32, #tpu.memory_space<hbm>> -> memref<1x632x128xf32, #tpu.memory_space<hbm>>
      %dma_wait3A_31 = tpu.memref_squeeze %dma_wait3A_30 : memref<1x632x128xf32, #tpu.memory_space<hbm>> -> memref<632x128xf32, #tpu.memory_space<hbm>>
      %dma_wait3A_32 = arith.constant 0 : i32
      %dma_wait3A_33 = tpu.memref_slice %arg10[%mul3A_2, %dma_wait3A_32] : memref<10112x128xf32, #tpu.memory_space<vmem_shared>> -> memref<632x128xf32, #tpu.memory_space<vmem_shared>>
      tpu.wait_dma2 semaphore(%run_scoped3A : memref<!tpu.dma_semaphore, #tpu.memory_space<semaphore_mem>>) src(%dma_wait3A_33 : memref<632x128xf32, #tpu.memory_space<vmem_shared>>) dst(%dma_wait3A_31 : memref<632x128xf32, #tpu.memory_space<hbm>>)
      tpu.yield
    }) : () -> ()
    return
  }
}

#map = affine_map<(d0, d1) -> (0, 0, 0)>
module attributes {stable_mosaic.version = 14 : i64} {
  func.func @body(%arg0: i32, %arg1: i32, %arg2: memref<32x80x128xi32, #tpu.memory_space<hbm>>, %arg3: memref<2x10112x16xf32, #tpu.memory_space<hbm>>, %arg4: memref<16x128xi32, #tpu.memory_space<vmem>>, %arg5: memref<128x16xf32, #tpu.memory_space<vmem>>, %arg6: memref<10112x16xf32, #tpu.memory_space<vmem_shared>>) attributes {dimension_semantics = [#tpu.dimension_semantics<core_parallel>, #tpu.dimension_semantics<subcore_parallel>], iteration_bounds = array<i64: 2, 16>, scalar_prefetch = 0 : i64, scratch_operands = 3 : i64, tpu.core_type = #tpu.core_type<sc_vector_subcore>, window_params = [{transform_indices = #map}, {transform_indices = #map}]} {
    %mul3A = arith.constant 2 : i32
    %mul3A_0 = arith.muli %arg1, %mul3A : i32
    %add3A = arith.addi %mul3A_0, %arg0 : i32
    %mul3A_1 = arith.constant 632 : i32
    %mul3A_2 = arith.muli %arg1, %mul3A_1 : i32
    %scan3A = arith.constant 0 : i32
    %scan3A_3 = arith.constant 0 : i32
    %scan3A_4 = arith.constant 128 : i32
    %scan3A_5 = arith.addi %scan3A_3, %scan3A_4 : i32
    %scan3A_6 = arith.constant 1 : i32
    scf.for %scan3A_32 = %scan3A_3 to %scan3A_5 step %scan3A_6  : i32 {
      %broadcast_in_dim3A = arith.constant 0.000000e+00 : f32
      %broadcast_in_dim3A_33 = vector.broadcast %broadcast_in_dim3A : f32 to vector<16xf32>
      %swap3A = arith.index_cast %scan3A_32 : i32 to index
      %swap3A_34 = arith.constant 0 : index
      %swap3A_35 = tpu.vector_load %arg5[%swap3A, %swap3A_34] {strides = array<i32>} : memref<128x16xf32, #tpu.memory_space<vmem>>, vector<1x16xf32>,
      %swap3A_36 = vector.shape_cast %swap3A_35 : vector<1x16xf32> to vector<16xf32>
      %swap3A_37 = vector.shape_cast %broadcast_in_dim3A_33 : vector<16xf32> to vector<1x16xf32>
      tpu.vector_store %arg5[%swap3A, %swap3A_34], %swap3A_37 {strides = array<i32>} : memref<128x16xf32, #tpu.memory_space<vmem>>, vector<1x16xf32>,
    }
    %scan3A_7 = arith.constant 128 : i32
    %add3A_8 = arith.constant 0 : i32
    %add3A_9 = arith.addi %mul3A_2, %add3A_8 : i32
    "tpu.region"() ({
      %run_scoped3A = tpu.sem_alloc : memref<!tpu.dma_semaphore, #tpu.memory_space<semaphore_mem>>
      %dma_start3A = arith.constant 0 : i32
      %dma_start3A_32 = tpu.memref_slice %arg6[%add3A_9, %dma_start3A] : memref<10112x16xf32, #tpu.memory_space<vmem_shared>> -> memref<128x16xf32, #tpu.memory_space<vmem_shared>>
      %dma_start3A_33 = arith.constant 0 : i32
      %dma_start3A_34 = tpu.memref_slice %arg6[%add3A_9, %dma_start3A_33] : memref<10112x16xf32, #tpu.memory_space<vmem_shared>> -> memref<128x16xf32, #tpu.memory_space<vmem_shared>>
      tpu.enqueue_dma source(%arg5 : memref<128x16xf32, #tpu.memory_space<vmem>>) target(%dma_start3A_34 : memref<128x16xf32, #tpu.memory_space<vmem_shared>>) target_semaphore(%run_scoped3A : memref<!tpu.dma_semaphore, #tpu.memory_space<semaphore_mem>>)
      %dma_wait3A = arith.constant 0 : i32
      %dma_wait3A_35 = tpu.memref_slice %arg6[%add3A_9, %dma_wait3A] : memref<10112x16xf32, #tpu.memory_space<vmem_shared>> -> memref<128x16xf32, #tpu.memory_space<vmem_shared>>
      %dma_wait3A_36 = arith.constant 0 : i32
      %dma_wait3A_37 = tpu.memref_slice %arg6[%add3A_9, %dma_wait3A_36] : memref<10112x16xf32, #tpu.memory_space<vmem_shared>> -> memref<128x16xf32, #tpu.memory_space<vmem_shared>>
      tpu.wait_dma2 semaphore(%run_scoped3A : memref<!tpu.dma_semaphore, #tpu.memory_space<semaphore_mem>>) src(%arg5 : memref<128x16xf32, #tpu.memory_space<vmem>>) dst(%dma_wait3A_37 : memref<128x16xf32, #tpu.memory_space<vmem_shared>>)
      tpu.yield
    }) : () -> ()
    %add3A_10 = arith.constant 128 : i32
    %add3A_11 = arith.addi %mul3A_2, %add3A_10 : i32
    "tpu.region"() ({
      %run_scoped3A = tpu.sem_alloc : memref<!tpu.dma_semaphore, #tpu.memory_space<semaphore_mem>>
      %dma_start3A = arith.constant 0 : i32
      %dma_start3A_32 = tpu.memref_slice %arg6[%add3A_11, %dma_start3A] : memref<10112x16xf32, #tpu.memory_space<vmem_shared>> -> memref<128x16xf32, #tpu.memory_space<vmem_shared>>
      %dma_start3A_33 = arith.constant 0 : i32
      %dma_start3A_34 = tpu.memref_slice %arg6[%add3A_11, %dma_start3A_33] : memref<10112x16xf32, #tpu.memory_space<vmem_shared>> -> memref<128x16xf32, #tpu.memory_space<vmem_shared>>
      tpu.enqueue_dma source(%arg5 : memref<128x16xf32, #tpu.memory_space<vmem>>) target(%dma_start3A_34 : memref<128x16xf32, #tpu.memory_space<vmem_shared>>) target_semaphore(%run_scoped3A : memref<!tpu.dma_semaphore, #tpu.memory_space<semaphore_mem>>)
      %dma_wait3A = arith.constant 0 : i32
      %dma_wait3A_35 = tpu.memref_slice %arg6[%add3A_11, %dma_wait3A] : memref<10112x16xf32, #tpu.memory_space<vmem_shared>> -> memref<128x16xf32, #tpu.memory_space<vmem_shared>>
      %dma_wait3A_36 = arith.constant 0 : i32
      %dma_wait3A_37 = tpu.memref_slice %arg6[%add3A_11, %dma_wait3A_36] : memref<10112x16xf32, #tpu.memory_space<vmem_shared>> -> memref<128x16xf32, #tpu.memory_space<vmem_shared>>
      tpu.wait_dma2 semaphore(%run_scoped3A : memref<!tpu.dma_semaphore, #tpu.memory_space<semaphore_mem>>) src(%arg5 : memref<128x16xf32, #tpu.memory_space<vmem>>) dst(%dma_wait3A_37 : memref<128x16xf32, #tpu.memory_space<vmem_shared>>)
      tpu.yield
    }) : () -> ()
    %add3A_12 = arith.constant 256 : i32
    %add3A_13 = arith.addi %mul3A_2, %add3A_12 : i32
    "tpu.region"() ({
      %run_scoped3A = tpu.sem_alloc : memref<!tpu.dma_semaphore, #tpu.memory_space<semaphore_mem>>
      %dma_start3A = arith.constant 0 : i32
      %dma_start3A_32 = tpu.memref_slice %arg6[%add3A_13, %dma_start3A] : memref<10112x16xf32, #tpu.memory_space<vmem_shared>> -> memref<128x16xf32, #tpu.memory_space<vmem_shared>>
      %dma_start3A_33 = arith.constant 0 : i32
      %dma_start3A_34 = tpu.memref_slice %arg6[%add3A_13, %dma_start3A_33] : memref<10112x16xf32, #tpu.memory_space<vmem_shared>> -> memref<128x16xf32, #tpu.memory_space<vmem_shared>>
      tpu.enqueue_dma source(%arg5 : memref<128x16xf32, #tpu.memory_space<vmem>>) target(%dma_start3A_34 : memref<128x16xf32, #tpu.memory_space<vmem_shared>>) target_semaphore(%run_scoped3A : memref<!tpu.dma_semaphore, #tpu.memory_space<semaphore_mem>>)
      %dma_wait3A = arith.constant 0 : i32
      %dma_wait3A_35 = tpu.memref_slice %arg6[%add3A_13, %dma_wait3A] : memref<10112x16xf32, #tpu.memory_space<vmem_shared>> -> memref<128x16xf32, #tpu.memory_space<vmem_shared>>
      %dma_wait3A_36 = arith.constant 0 : i32
      %dma_wait3A_37 = tpu.memref_slice %arg6[%add3A_13, %dma_wait3A_36] : memref<10112x16xf32, #tpu.memory_space<vmem_shared>> -> memref<128x16xf32, #tpu.memory_space<vmem_shared>>
      tpu.wait_dma2 semaphore(%run_scoped3A : memref<!tpu.dma_semaphore, #tpu.memory_space<semaphore_mem>>) src(%arg5 : memref<128x16xf32, #tpu.memory_space<vmem>>) dst(%dma_wait3A_37 : memref<128x16xf32, #tpu.memory_space<vmem_shared>>)
      tpu.yield
    }) : () -> ()
    %add3A_14 = arith.constant 384 : i32
    %add3A_15 = arith.addi %mul3A_2, %add3A_14 : i32
    "tpu.region"() ({
      %run_scoped3A = tpu.sem_alloc : memref<!tpu.dma_semaphore, #tpu.memory_space<semaphore_mem>>
      %dma_start3A = arith.constant 0 : i32
      %dma_start3A_32 = tpu.memref_slice %arg6[%add3A_15, %dma_start3A] : memref<10112x16xf32, #tpu.memory_space<vmem_shared>> -> memref<128x16xf32, #tpu.memory_space<vmem_shared>>
      %dma_start3A_33 = arith.constant 0 : i32
      %dma_start3A_34 = tpu.memref_slice %arg6[%add3A_15, %dma_start3A_33] : memref<10112x16xf32, #tpu.memory_space<vmem_shared>> -> memref<128x16xf32, #tpu.memory_space<vmem_shared>>
      tpu.enqueue_dma source(%arg5 : memref<128x16xf32, #tpu.memory_space<vmem>>) target(%dma_start3A_34 : memref<128x16xf32, #tpu.memory_space<vmem_shared>>) target_semaphore(%run_scoped3A : memref<!tpu.dma_semaphore, #tpu.memory_space<semaphore_mem>>)
      %dma_wait3A = arith.constant 0 : i32
      %dma_wait3A_35 = tpu.memref_slice %arg6[%add3A_15, %dma_wait3A] : memref<10112x16xf32, #tpu.memory_space<vmem_shared>> -> memref<128x16xf32, #tpu.memory_space<vmem_shared>>
      %dma_wait3A_36 = arith.constant 0 : i32
      %dma_wait3A_37 = tpu.memref_slice %arg6[%add3A_15, %dma_wait3A_36] : memref<10112x16xf32, #tpu.memory_space<vmem_shared>> -> memref<128x16xf32, #tpu.memory_space<vmem_shared>>
      tpu.wait_dma2 semaphore(%run_scoped3A : memref<!tpu.dma_semaphore, #tpu.memory_space<semaphore_mem>>) src(%arg5 : memref<128x16xf32, #tpu.memory_space<vmem>>) dst(%dma_wait3A_37 : memref<128x16xf32, #tpu.memory_space<vmem_shared>>)
      tpu.yield
    }) : () -> ()
    %add3A_16 = arith.constant 632 : i32
    %add3A_17 = arith.addi %mul3A_2, %add3A_16 : i32
    %sub3A = arith.constant 120 : i32
    %sub3A_18 = arith.subi %add3A_17, %sub3A : i32
    "tpu.region"() ({
      %run_scoped3A = tpu.sem_alloc : memref<!tpu.dma_semaphore, #tpu.memory_space<semaphore_mem>>
      %dma_start3A = arith.constant 0 : i32
      %dma_start3A_32 = arith.constant 0 : i32
      %dma_start3A_33 = tpu.memref_slice %arg5[%dma_start3A, %dma_start3A_32] : memref<128x16xf32, #tpu.memory_space<vmem>> -> memref<120x16xf32, #tpu.memory_space<vmem>>
      %dma_start3A_34 = arith.constant 0 : i32
      %dma_start3A_35 = tpu.memref_slice %arg6[%sub3A_18, %dma_start3A_34] : memref<10112x16xf32, #tpu.memory_space<vmem_shared>> -> memref<120x16xf32, #tpu.memory_space<vmem_shared>>
      %dma_start3A_36 = arith.constant 0 : i32
      %dma_start3A_37 = tpu.memref_slice %arg6[%sub3A_18, %dma_start3A_36] : memref<10112x16xf32, #tpu.memory_space<vmem_shared>> -> memref<120x16xf32, #tpu.memory_space<vmem_shared>>
      %dma_start3A_38 = arith.constant 0 : i32
      %dma_start3A_39 = arith.constant 0 : i32
      %dma_start3A_40 = tpu.memref_slice %arg5[%dma_start3A_38, %dma_start3A_39] : memref<128x16xf32, #tpu.memory_space<vmem>> -> memref<120x16xf32, #tpu.memory_space<vmem>>
      tpu.enqueue_dma source(%dma_start3A_40 : memref<120x16xf32, #tpu.memory_space<vmem>>) target(%dma_start3A_37 : memref<120x16xf32, #tpu.memory_space<vmem_shared>>) target_semaphore(%run_scoped3A : memref<!tpu.dma_semaphore, #tpu.memory_space<semaphore_mem>>)
      %dma_wait3A = arith.constant 0 : i32
      %dma_wait3A_41 = arith.constant 0 : i32
      %dma_wait3A_42 = tpu.memref_slice %arg5[%dma_wait3A, %dma_wait3A_41] : memref<128x16xf32, #tpu.memory_space<vmem>> -> memref<120x16xf32, #tpu.memory_space<vmem>>
      %dma_wait3A_43 = arith.constant 0 : i32
      %dma_wait3A_44 = tpu.memref_slice %arg6[%sub3A_18, %dma_wait3A_43] : memref<10112x16xf32, #tpu.memory_space<vmem_shared>> -> memref<120x16xf32, #tpu.memory_space<vmem_shared>>
      %dma_wait3A_45 = arith.constant 0 : i32
      %dma_wait3A_46 = tpu.memref_slice %arg6[%sub3A_18, %dma_wait3A_45] : memref<10112x16xf32, #tpu.memory_space<vmem_shared>> -> memref<120x16xf32, #tpu.memory_space<vmem_shared>>
      %dma_wait3A_47 = arith.constant 0 : i32
      %dma_wait3A_48 = arith.constant 0 : i32
      %dma_wait3A_49 = tpu.memref_slice %arg5[%dma_wait3A_47, %dma_wait3A_48] : memref<128x16xf32, #tpu.memory_space<vmem>> -> memref<120x16xf32, #tpu.memory_space<vmem>>
      tpu.wait_dma2 semaphore(%run_scoped3A : memref<!tpu.dma_semaphore, #tpu.memory_space<semaphore_mem>>) src(%dma_wait3A_49 : memref<120x16xf32, #tpu.memory_space<vmem>>) dst(%dma_wait3A_46 : memref<120x16xf32, #tpu.memory_space<vmem_shared>>)
      tpu.yield
    }) : () -> ()
    %scan3A_19 = arith.constant 0 : i32
    %scan3A_20 = arith.constant 0 : i32
    %scan3A_21 = arith.constant 128 : i32
    %scan3A_22 = arith.addi %scan3A_20, %scan3A_21 : i32
    %scan3A_23 = arith.constant 1 : i32
    scf.for %scan3A_32 = %scan3A_20 to %scan3A_22 step %scan3A_23  : i32 {
      %broadcast_in_dim3A = arith.constant 1.000000e+00 : f32
      %broadcast_in_dim3A_33 = vector.broadcast %broadcast_in_dim3A : f32 to vector<16xf32>
      %swap3A = arith.index_cast %scan3A_32 : i32 to index
      %swap3A_34 = arith.constant 0 : index
      %swap3A_35 = tpu.vector_load %arg5[%swap3A, %swap3A_34] {strides = array<i32>} : memref<128x16xf32, #tpu.memory_space<vmem>>, vector<1x16xf32>,
      %swap3A_36 = vector.shape_cast %swap3A_35 : vector<1x16xf32> to vector<16xf32>
      %swap3A_37 = vector.shape_cast %broadcast_in_dim3A_33 : vector<16xf32> to vector<1x16xf32>
      tpu.vector_store %arg5[%swap3A, %swap3A_34], %swap3A_37 {strides = array<i32>} : memref<128x16xf32, #tpu.memory_space<vmem>>, vector<1x16xf32>,
    }
    %scan3A_24 = arith.constant 128 : i32
    %barrier3A = arith.constant 0 : index
    tpu.barrier barrier_id(%barrier3A)
    %scan3A_25 = arith.constant 0 : i32
    %scan3A_26 = arith.constant 0 : i32
    %scan3A_27 = arith.constant 5 : i32
    %scan3A_28 = arith.addi %scan3A_26, %scan3A_27 : i32
    %scan3A_29 = arith.constant 1 : i32
    scf.for %scan3A_32 = %scan3A_26 to %scan3A_28 step %scan3A_29  : i32 {
      %mul3A_33 = arith.constant 16 : i32
      %mul3A_34 = arith.muli %scan3A_32, %mul3A_33 : i32
      "tpu.region"() ({
        %run_scoped3A_50 = tpu.sem_alloc : memref<!tpu.dma_semaphore, #tpu.memory_space<semaphore_mem>>
        %dma_start3A = arith.constant 0 : i32
        %dma_start3A_51 = tpu.memref_slice %arg2[%add3A, %mul3A_34, %dma_start3A] : memref<32x80x128xi32, #tpu.memory_space<hbm>> -> memref<1x16x128xi32, #tpu.memory_space<hbm>>
        %dma_start3A_52 = tpu.memref_squeeze %dma_start3A_51 : memref<1x16x128xi32, #tpu.memory_space<hbm>> -> memref<16x128xi32, #tpu.memory_space<hbm>>
        %dma_start3A_53 = arith.constant 0 : i32
        %dma_start3A_54 = tpu.memref_slice %arg2[%add3A, %mul3A_34, %dma_start3A_53] : memref<32x80x128xi32, #tpu.memory_space<hbm>> -> memref<1x16x128xi32, #tpu.memory_space<hbm>>
        %dma_start3A_55 = tpu.memref_squeeze %dma_start3A_54 : memref<1x16x128xi32, #tpu.memory_space<hbm>> -> memref<16x128xi32, #tpu.memory_space<hbm>>
        tpu.enqueue_dma source(%dma_start3A_55 : memref<16x128xi32, #tpu.memory_space<hbm>>) target(%arg4 : memref<16x128xi32, #tpu.memory_space<vmem>>) target_semaphore(%run_scoped3A_50 : memref<!tpu.dma_semaphore, #tpu.memory_space<semaphore_mem>>)
        %dma_wait3A = arith.constant 0 : i32
        %dma_wait3A_56 = tpu.memref_slice %arg2[%add3A, %mul3A_34, %dma_wait3A] : memref<32x80x128xi32, #tpu.memory_space<hbm>> -> memref<1x16x128xi32, #tpu.memory_space<hbm>>
        %dma_wait3A_57 = tpu.memref_squeeze %dma_wait3A_56 : memref<1x16x128xi32, #tpu.memory_space<hbm>> -> memref<16x128xi32, #tpu.memory_space<hbm>>
        %dma_wait3A_58 = arith.constant 0 : i32
        %dma_wait3A_59 = tpu.memref_slice %arg2[%add3A, %mul3A_34, %dma_wait3A_58] : memref<32x80x128xi32, #tpu.memory_space<hbm>> -> memref<1x16x128xi32, #tpu.memory_space<hbm>>
        %dma_wait3A_60 = tpu.memref_squeeze %dma_wait3A_59 : memref<1x16x128xi32, #tpu.memory_space<hbm>> -> memref<16x128xi32, #tpu.memory_space<hbm>>
        tpu.wait_dma2 semaphore(%run_scoped3A_50 : memref<!tpu.dma_semaphore, #tpu.memory_space<semaphore_mem>>) src(%dma_wait3A_60 : memref<16x128xi32, #tpu.memory_space<hbm>>) dst(%arg4 : memref<16x128xi32, #tpu.memory_space<vmem>>)
        tpu.yield
      }) : () -> ()
      %run_scoped3A = arith.constant 0 : i32
      "tpu.region"() ({
        %run_scoped3A_50 = tpu.sem_alloc : memref<!tpu.dma_semaphore, #tpu.memory_space<semaphore_mem>>
        %dma_start3A = arith.constant 0 : i32
        %dma_start3A_51 = tpu.memref_slice %arg4[%run_scoped3A, %dma_start3A] : memref<16x128xi32, #tpu.memory_space<vmem>> -> memref<1x128xi32, #tpu.memory_space<vmem>>
        %dma_start3A_52 = tpu.memref_squeeze %dma_start3A_51 : memref<1x128xi32, #tpu.memory_space<vmem>> -> memref<128xi32, #tpu.memory_space<vmem>>
        %dma_start3A_53 = arith.constant 0 : i32
        %dma_start3A_54 = arith.constant 0 : i32
        %dma_start3A_55 = tpu.memref_slice %arg6[%dma_start3A_53, %dma_start3A_54] : memref<10112x16xf32, #tpu.memory_space<vmem_shared>> -> memref<10112x16xf32, #tpu.memory_space<vmem_shared>>
        tpu.enqueue_indirect_dma source(%arg5 : memref<128x16xf32, #tpu.memory_space<vmem>>) target(%dma_start3A_55 : memref<10112x16xf32, #tpu.memory_space<vmem_shared>>) offsets(%dma_start3A_52 : memref<128xi32, #tpu.memory_space<vmem>>) semaphore(%run_scoped3A_50 : memref<!tpu.dma_semaphore, #tpu.memory_space<semaphore_mem>>) {add = true}
        %dma_wait3A = arith.constant 0 : i32
        %dma_wait3A_56 = tpu.memref_slice %arg4[%run_scoped3A, %dma_wait3A] : memref<16x128xi32, #tpu.memory_space<vmem>> -> memref<1x128xi32, #tpu.memory_space<vmem>>
        %dma_wait3A_57 = tpu.memref_squeeze %dma_wait3A_56 : memref<1x128xi32, #tpu.memory_space<vmem>> -> memref<128xi32, #tpu.memory_space<vmem>>
        %dma_wait3A_58 = arith.constant 0 : i32
        %dma_wait3A_59 = arith.constant 0 : i32
        %dma_wait3A_60 = tpu.memref_slice %arg6[%dma_wait3A_58, %dma_wait3A_59] : memref<10112x16xf32, #tpu.memory_space<vmem_shared>> -> memref<10112x16xf32, #tpu.memory_space<vmem_shared>>
        tpu.wait_indirect_dma semaphore(%run_scoped3A_50 : memref<!tpu.dma_semaphore, #tpu.memory_space<semaphore_mem>>) src(%arg5 : memref<128x16xf32, #tpu.memory_space<vmem>>) dst(%dma_wait3A_60 : memref<10112x16xf32, #tpu.memory_space<vmem_shared>>)
        tpu.yield
      }) : () -> ()
      %run_scoped3A_35 = arith.constant 1 : i32
      "tpu.region"() ({
        %run_scoped3A_50 = tpu.sem_alloc : memref<!tpu.dma_semaphore, #tpu.memory_space<semaphore_mem>>
        %dma_start3A = arith.constant 0 : i32
        %dma_start3A_51 = tpu.memref_slice %arg4[%run_scoped3A_35, %dma_start3A] : memref<16x128xi32, #tpu.memory_space<vmem>> -> memref<1x128xi32, #tpu.memory_space<vmem>>
        %dma_start3A_52 = tpu.memref_squeeze %dma_start3A_51 : memref<1x128xi32, #tpu.memory_space<vmem>> -> memref<128xi32, #tpu.memory_space<vmem>>
        %dma_start3A_53 = arith.constant 0 : i32
        %dma_start3A_54 = arith.constant 0 : i32
        %dma_start3A_55 = tpu.memref_slice %arg6[%dma_start3A_53, %dma_start3A_54] : memref<10112x16xf32, #tpu.memory_space<vmem_shared>> -> memref<10112x16xf32, #tpu.memory_space<vmem_shared>>
        tpu.enqueue_indirect_dma source(%arg5 : memref<128x16xf32, #tpu.memory_space<vmem>>) target(%dma_start3A_55 : memref<10112x16xf32, #tpu.memory_space<vmem_shared>>) offsets(%dma_start3A_52 : memref<128xi32, #tpu.memory_space<vmem>>) semaphore(%run_scoped3A_50 : memref<!tpu.dma_semaphore, #tpu.memory_space<semaphore_mem>>) {add = true}
        %dma_wait3A = arith.constant 0 : i32
        %dma_wait3A_56 = tpu.memref_slice %arg4[%run_scoped3A_35, %dma_wait3A] : memref<16x128xi32, #tpu.memory_space<vmem>> -> memref<1x128xi32, #tpu.memory_space<vmem>>
        %dma_wait3A_57 = tpu.memref_squeeze %dma_wait3A_56 : memref<1x128xi32, #tpu.memory_space<vmem>> -> memref<128xi32, #tpu.memory_space<vmem>>
        %dma_wait3A_58 = arith.constant 0 : i32
        %dma_wait3A_59 = arith.constant 0 : i32
        %dma_wait3A_60 = tpu.memref_slice %arg6[%dma_wait3A_58, %dma_wait3A_59] : memref<10112x16xf32, #tpu.memory_space<vmem_shared>> -> memref<10112x16xf32, #tpu.memory_space<vmem_shared>>
        tpu.wait_indirect_dma semaphore(%run_scoped3A_50 : memref<!tpu.dma_semaphore, #tpu.memory_space<semaphore_mem>>) src(%arg5 : memref<128x16xf32, #tpu.memory_space<vmem>>) dst(%dma_wait3A_60 : memref<10112x16xf32, #tpu.memory_space<vmem_shared>>)
        tpu.yield
      }) : () -> ()
      %run_scoped3A_36 = arith.constant 2 : i32
      "tpu.region"() ({
        %run_scoped3A_50 = tpu.sem_alloc : memref<!tpu.dma_semaphore, #tpu.memory_space<semaphore_mem>>
        %dma_start3A = arith.constant 0 : i32
        %dma_start3A_51 = tpu.memref_slice %arg4[%run_scoped3A_36, %dma_start3A] : memref<16x128xi32, #tpu.memory_space<vmem>> -> memref<1x128xi32, #tpu.memory_space<vmem>>
        %dma_start3A_52 = tpu.memref_squeeze %dma_start3A_51 : memref<1x128xi32, #tpu.memory_space<vmem>> -> memref<128xi32, #tpu.memory_space<vmem>>
        %dma_start3A_53 = arith.constant 0 : i32
        %dma_start3A_54 = arith.constant 0 : i32
        %dma_start3A_55 = tpu.memref_slice %arg6[%dma_start3A_53, %dma_start3A_54] : memref<10112x16xf32, #tpu.memory_space<vmem_shared>> -> memref<10112x16xf32, #tpu.memory_space<vmem_shared>>
        tpu.enqueue_indirect_dma source(%arg5 : memref<128x16xf32, #tpu.memory_space<vmem>>) target(%dma_start3A_55 : memref<10112x16xf32, #tpu.memory_space<vmem_shared>>) offsets(%dma_start3A_52 : memref<128xi32, #tpu.memory_space<vmem>>) semaphore(%run_scoped3A_50 : memref<!tpu.dma_semaphore, #tpu.memory_space<semaphore_mem>>) {add = true}
        %dma_wait3A = arith.constant 0 : i32
        %dma_wait3A_56 = tpu.memref_slice %arg4[%run_scoped3A_36, %dma_wait3A] : memref<16x128xi32, #tpu.memory_space<vmem>> -> memref<1x128xi32, #tpu.memory_space<vmem>>
        %dma_wait3A_57 = tpu.memref_squeeze %dma_wait3A_56 : memref<1x128xi32, #tpu.memory_space<vmem>> -> memref<128xi32, #tpu.memory_space<vmem>>
        %dma_wait3A_58 = arith.constant 0 : i32
        %dma_wait3A_59 = arith.constant 0 : i32
        %dma_wait3A_60 = tpu.memref_slice %arg6[%dma_wait3A_58, %dma_wait3A_59] : memref<10112x16xf32, #tpu.memory_space<vmem_shared>> -> memref<10112x16xf32, #tpu.memory_space<vmem_shared>>
        tpu.wait_indirect_dma semaphore(%run_scoped3A_50 : memref<!tpu.dma_semaphore, #tpu.memory_space<semaphore_mem>>) src(%arg5 : memref<128x16xf32, #tpu.memory_space<vmem>>) dst(%dma_wait3A_60 : memref<10112x16xf32, #tpu.memory_space<vmem_shared>>)
        tpu.yield
      }) : () -> ()
      %run_scoped3A_37 = arith.constant 3 : i32
      "tpu.region"() ({
        %run_scoped3A_50 = tpu.sem_alloc : memref<!tpu.dma_semaphore, #tpu.memory_space<semaphore_mem>>
        %dma_start3A = arith.constant 0 : i32
        %dma_start3A_51 = tpu.memref_slice %arg4[%run_scoped3A_37, %dma_start3A] : memref<16x128xi32, #tpu.memory_space<vmem>> -> memref<1x128xi32, #tpu.memory_space<vmem>>
        %dma_start3A_52 = tpu.memref_squeeze %dma_start3A_51 : memref<1x128xi32, #tpu.memory_space<vmem>> -> memref<128xi32, #tpu.memory_space<vmem>>
        %dma_start3A_53 = arith.constant 0 : i32
        %dma_start3A_54 = arith.constant 0 : i32
        %dma_start3A_55 = tpu.memref_slice %arg6[%dma_start3A_53, %dma_start3A_54] : memref<10112x16xf32, #tpu.memory_space<vmem_shared>> -> memref<10112x16xf32, #tpu.memory_space<vmem_shared>>
        tpu.enqueue_indirect_dma source(%arg5 : memref<128x16xf32, #tpu.memory_space<vmem>>) target(%dma_start3A_55 : memref<10112x16xf32, #tpu.memory_space<vmem_shared>>) offsets(%dma_start3A_52 : memref<128xi32, #tpu.memory_space<vmem>>) semaphore(%run_scoped3A_50 : memref<!tpu.dma_semaphore, #tpu.memory_space<semaphore_mem>>) {add = true}
        %dma_wait3A = arith.constant 0 : i32
        %dma_wait3A_56 = tpu.memref_slice %arg4[%run_scoped3A_37, %dma_wait3A] : memref<16x128xi32, #tpu.memory_space<vmem>> -> memref<1x128xi32, #tpu.memory_space<vmem>>
        %dma_wait3A_57 = tpu.memref_squeeze %dma_wait3A_56 : memref<1x128xi32, #tpu.memory_space<vmem>> -> memref<128xi32, #tpu.memory_space<vmem>>
        %dma_wait3A_58 = arith.constant 0 : i32
        %dma_wait3A_59 = arith.constant 0 : i32
        %dma_wait3A_60 = tpu.memref_slice %arg6[%dma_wait3A_58, %dma_wait3A_59] : memref<10112x16xf32, #tpu.memory_space<vmem_shared>> -> memref<10112x16xf32, #tpu.memory_space<vmem_shared>>
        tpu.wait_indirect_dma semaphore(%run_scoped3A_50 : memref<!tpu.dma_semaphore, #tpu.memory_space<semaphore_mem>>) src(%arg5 : memref<128x16xf32, #tpu.memory_space<vmem>>) dst(%dma_wait3A_60 : memref<10112x16xf32, #tpu.memory_space<vmem_shared>>)
        tpu.yield
      }) : () -> ()
      %run_scoped3A_38 = arith.constant 4 : i32
      "tpu.region"() ({
        %run_scoped3A_50 = tpu.sem_alloc : memref<!tpu.dma_semaphore, #tpu.memory_space<semaphore_mem>>
        %dma_start3A = arith.constant 0 : i32
        %dma_start3A_51 = tpu.memref_slice %arg4[%run_scoped3A_38, %dma_start3A] : memref<16x128xi32, #tpu.memory_space<vmem>> -> memref<1x128xi32, #tpu.memory_space<vmem>>
        %dma_start3A_52 = tpu.memref_squeeze %dma_start3A_51 : memref<1x128xi32, #tpu.memory_space<vmem>> -> memref<128xi32, #tpu.memory_space<vmem>>
        %dma_start3A_53 = arith.constant 0 : i32
        %dma_start3A_54 = arith.constant 0 : i32
        %dma_start3A_55 = tpu.memref_slice %arg6[%dma_start3A_53, %dma_start3A_54] : memref<10112x16xf32, #tpu.memory_space<vmem_shared>> -> memref<10112x16xf32, #tpu.memory_space<vmem_shared>>
        tpu.enqueue_indirect_dma source(%arg5 : memref<128x16xf32, #tpu.memory_space<vmem>>) target(%dma_start3A_55 : memref<10112x16xf32, #tpu.memory_space<vmem_shared>>) offsets(%dma_start3A_52 : memref<128xi32, #tpu.memory_space<vmem>>) semaphore(%run_scoped3A_50 : memref<!tpu.dma_semaphore, #tpu.memory_space<semaphore_mem>>) {add = true}
        %dma_wait3A = arith.constant 0 : i32
        %dma_wait3A_56 = tpu.memref_slice %arg4[%run_scoped3A_38, %dma_wait3A] : memref<16x128xi32, #tpu.memory_space<vmem>> -> memref<1x128xi32, #tpu.memory_space<vmem>>
        %dma_wait3A_57 = tpu.memref_squeeze %dma_wait3A_56 : memref<1x128xi32, #tpu.memory_space<vmem>> -> memref<128xi32, #tpu.memory_space<vmem>>
        %dma_wait3A_58 = arith.constant 0 : i32
        %dma_wait3A_59 = arith.constant 0 : i32
        %dma_wait3A_60 = tpu.memref_slice %arg6[%dma_wait3A_58, %dma_wait3A_59] : memref<10112x16xf32, #tpu.memory_space<vmem_shared>> -> memref<10112x16xf32, #tpu.memory_space<vmem_shared>>
        tpu.wait_indirect_dma semaphore(%run_scoped3A_50 : memref<!tpu.dma_semaphore, #tpu.memory_space<semaphore_mem>>) src(%arg5 : memref<128x16xf32, #tpu.memory_space<vmem>>) dst(%dma_wait3A_60 : memref<10112x16xf32, #tpu.memory_space<vmem_shared>>)
        tpu.yield
      }) : () -> ()
      %run_scoped3A_39 = arith.constant 5 : i32
      "tpu.region"() ({
        %run_scoped3A_50 = tpu.sem_alloc : memref<!tpu.dma_semaphore, #tpu.memory_space<semaphore_mem>>
        %dma_start3A = arith.constant 0 : i32
        %dma_start3A_51 = tpu.memref_slice %arg4[%run_scoped3A_39, %dma_start3A] : memref<16x128xi32, #tpu.memory_space<vmem>> -> memref<1x128xi32, #tpu.memory_space<vmem>>
        %dma_start3A_52 = tpu.memref_squeeze %dma_start3A_51 : memref<1x128xi32, #tpu.memory_space<vmem>> -> memref<128xi32, #tpu.memory_space<vmem>>
        %dma_start3A_53 = arith.constant 0 : i32
        %dma_start3A_54 = arith.constant 0 : i32
        %dma_start3A_55 = tpu.memref_slice %arg6[%dma_start3A_53, %dma_start3A_54] : memref<10112x16xf32, #tpu.memory_space<vmem_shared>> -> memref<10112x16xf32, #tpu.memory_space<vmem_shared>>
        tpu.enqueue_indirect_dma source(%arg5 : memref<128x16xf32, #tpu.memory_space<vmem>>) target(%dma_start3A_55 : memref<10112x16xf32, #tpu.memory_space<vmem_shared>>) offsets(%dma_start3A_52 : memref<128xi32, #tpu.memory_space<vmem>>) semaphore(%run_scoped3A_50 : memref<!tpu.dma_semaphore, #tpu.memory_space<semaphore_mem>>) {add = true}
        %dma_wait3A = arith.constant 0 : i32
        %dma_wait3A_56 = tpu.memref_slice %arg4[%run_scoped3A_39, %dma_wait3A] : memref<16x128xi32, #tpu.memory_space<vmem>> -> memref<1x128xi32, #tpu.memory_space<vmem>>
        %dma_wait3A_57 = tpu.memref_squeeze %dma_wait3A_56 : memref<1x128xi32, #tpu.memory_space<vmem>> -> memref<128xi32, #tpu.memory_space<vmem>>
        %dma_wait3A_58 = arith.constant 0 : i32
        %dma_wait3A_59 = arith.constant 0 : i32
        %dma_wait3A_60 = tpu.memref_slice %arg6[%dma_wait3A_58, %dma_wait3A_59] : memref<10112x16xf32, #tpu.memory_space<vmem_shared>> -> memref<10112x16xf32, #tpu.memory_space<vmem_shared>>
        tpu.wait_indirect_dma semaphore(%run_scoped3A_50 : memref<!tpu.dma_semaphore, #tpu.memory_space<semaphore_mem>>) src(%arg5 : memref<128x16xf32, #tpu.memory_space<vmem>>) dst(%dma_wait3A_60 : memref<10112x16xf32, #tpu.memory_space<vmem_shared>>)
        tpu.yield
      }) : () -> ()
      %run_scoped3A_40 = arith.constant 6 : i32
      "tpu.region"() ({
        %run_scoped3A_50 = tpu.sem_alloc : memref<!tpu.dma_semaphore, #tpu.memory_space<semaphore_mem>>
        %dma_start3A = arith.constant 0 : i32
        %dma_start3A_51 = tpu.memref_slice %arg4[%run_scoped3A_40, %dma_start3A] : memref<16x128xi32, #tpu.memory_space<vmem>> -> memref<1x128xi32, #tpu.memory_space<vmem>>
        %dma_start3A_52 = tpu.memref_squeeze %dma_start3A_51 : memref<1x128xi32, #tpu.memory_space<vmem>> -> memref<128xi32, #tpu.memory_space<vmem>>
        %dma_start3A_53 = arith.constant 0 : i32
        %dma_start3A_54 = arith.constant 0 : i32
        %dma_start3A_55 = tpu.memref_slice %arg6[%dma_start3A_53, %dma_start3A_54] : memref<10112x16xf32, #tpu.memory_space<vmem_shared>> -> memref<10112x16xf32, #tpu.memory_space<vmem_shared>>
        tpu.enqueue_indirect_dma source(%arg5 : memref<128x16xf32, #tpu.memory_space<vmem>>) target(%dma_start3A_55 : memref<10112x16xf32, #tpu.memory_space<vmem_shared>>) offsets(%dma_start3A_52 : memref<128xi32, #tpu.memory_space<vmem>>) semaphore(%run_scoped3A_50 : memref<!tpu.dma_semaphore, #tpu.memory_space<semaphore_mem>>) {add = true}
        %dma_wait3A = arith.constant 0 : i32
        %dma_wait3A_56 = tpu.memref_slice %arg4[%run_scoped3A_40, %dma_wait3A] : memref<16x128xi32, #tpu.memory_space<vmem>> -> memref<1x128xi32, #tpu.memory_space<vmem>>
        %dma_wait3A_57 = tpu.memref_squeeze %dma_wait3A_56 : memref<1x128xi32, #tpu.memory_space<vmem>> -> memref<128xi32, #tpu.memory_space<vmem>>
        %dma_wait3A_58 = arith.constant 0 : i32
        %dma_wait3A_59 = arith.constant 0 : i32
        %dma_wait3A_60 = tpu.memref_slice %arg6[%dma_wait3A_58, %dma_wait3A_59] : memref<10112x16xf32, #tpu.memory_space<vmem_shared>> -> memref<10112x16xf32, #tpu.memory_space<vmem_shared>>
        tpu.wait_indirect_dma semaphore(%run_scoped3A_50 : memref<!tpu.dma_semaphore, #tpu.memory_space<semaphore_mem>>) src(%arg5 : memref<128x16xf32, #tpu.memory_space<vmem>>) dst(%dma_wait3A_60 : memref<10112x16xf32, #tpu.memory_space<vmem_shared>>)
        tpu.yield
      }) : () -> ()
      %run_scoped3A_41 = arith.constant 7 : i32
      "tpu.region"() ({
        %run_scoped3A_50 = tpu.sem_alloc : memref<!tpu.dma_semaphore, #tpu.memory_space<semaphore_mem>>
        %dma_start3A = arith.constant 0 : i32
        %dma_start3A_51 = tpu.memref_slice %arg4[%run_scoped3A_41, %dma_start3A] : memref<16x128xi32, #tpu.memory_space<vmem>> -> memref<1x128xi32, #tpu.memory_space<vmem>>
        %dma_start3A_52 = tpu.memref_squeeze %dma_start3A_51 : memref<1x128xi32, #tpu.memory_space<vmem>> -> memref<128xi32, #tpu.memory_space<vmem>>
        %dma_start3A_53 = arith.constant 0 : i32
        %dma_start3A_54 = arith.constant 0 : i32
        %dma_start3A_55 = tpu.memref_slice %arg6[%dma_start3A_53, %dma_start3A_54] : memref<10112x16xf32, #tpu.memory_space<vmem_shared>> -> memref<10112x16xf32, #tpu.memory_space<vmem_shared>>
        tpu.enqueue_indirect_dma source(%arg5 : memref<128x16xf32, #tpu.memory_space<vmem>>) target(%dma_start3A_55 : memref<10112x16xf32, #tpu.memory_space<vmem_shared>>) offsets(%dma_start3A_52 : memref<128xi32, #tpu.memory_space<vmem>>) semaphore(%run_scoped3A_50 : memref<!tpu.dma_semaphore, #tpu.memory_space<semaphore_mem>>) {add = true}
        %dma_wait3A = arith.constant 0 : i32
        %dma_wait3A_56 = tpu.memref_slice %arg4[%run_scoped3A_41, %dma_wait3A] : memref<16x128xi32, #tpu.memory_space<vmem>> -> memref<1x128xi32, #tpu.memory_space<vmem>>
        %dma_wait3A_57 = tpu.memref_squeeze %dma_wait3A_56 : memref<1x128xi32, #tpu.memory_space<vmem>> -> memref<128xi32, #tpu.memory_space<vmem>>
        %dma_wait3A_58 = arith.constant 0 : i32
        %dma_wait3A_59 = arith.constant 0 : i32
        %dma_wait3A_60 = tpu.memref_slice %arg6[%dma_wait3A_58, %dma_wait3A_59] : memref<10112x16xf32, #tpu.memory_space<vmem_shared>> -> memref<10112x16xf32, #tpu.memory_space<vmem_shared>>
        tpu.wait_indirect_dma semaphore(%run_scoped3A_50 : memref<!tpu.dma_semaphore, #tpu.memory_space<semaphore_mem>>) src(%arg5 : memref<128x16xf32, #tpu.memory_space<vmem>>) dst(%dma_wait3A_60 : memref<10112x16xf32, #tpu.memory_space<vmem_shared>>)
        tpu.yield
      }) : () -> ()
      %run_scoped3A_42 = arith.constant 8 : i32
      "tpu.region"() ({
        %run_scoped3A_50 = tpu.sem_alloc : memref<!tpu.dma_semaphore, #tpu.memory_space<semaphore_mem>>
        %dma_start3A = arith.constant 0 : i32
        %dma_start3A_51 = tpu.memref_slice %arg4[%run_scoped3A_42, %dma_start3A] : memref<16x128xi32, #tpu.memory_space<vmem>> -> memref<1x128xi32, #tpu.memory_space<vmem>>
        %dma_start3A_52 = tpu.memref_squeeze %dma_start3A_51 : memref<1x128xi32, #tpu.memory_space<vmem>> -> memref<128xi32, #tpu.memory_space<vmem>>
        %dma_start3A_53 = arith.constant 0 : i32
        %dma_start3A_54 = arith.constant 0 : i32
        %dma_start3A_55 = tpu.memref_slice %arg6[%dma_start3A_53, %dma_start3A_54] : memref<10112x16xf32, #tpu.memory_space<vmem_shared>> -> memref<10112x16xf32, #tpu.memory_space<vmem_shared>>
        tpu.enqueue_indirect_dma source(%arg5 : memref<128x16xf32, #tpu.memory_space<vmem>>) target(%dma_start3A_55 : memref<10112x16xf32, #tpu.memory_space<vmem_shared>>) offsets(%dma_start3A_52 : memref<128xi32, #tpu.memory_space<vmem>>) semaphore(%run_scoped3A_50 : memref<!tpu.dma_semaphore, #tpu.memory_space<semaphore_mem>>) {add = true}
        %dma_wait3A = arith.constant 0 : i32
        %dma_wait3A_56 = tpu.memref_slice %arg4[%run_scoped3A_42, %dma_wait3A] : memref<16x128xi32, #tpu.memory_space<vmem>> -> memref<1x128xi32, #tpu.memory_space<vmem>>
        %dma_wait3A_57 = tpu.memref_squeeze %dma_wait3A_56 : memref<1x128xi32, #tpu.memory_space<vmem>> -> memref<128xi32, #tpu.memory_space<vmem>>
        %dma_wait3A_58 = arith.constant 0 : i32
        %dma_wait3A_59 = arith.constant 0 : i32
        %dma_wait3A_60 = tpu.memref_slice %arg6[%dma_wait3A_58, %dma_wait3A_59] : memref<10112x16xf32, #tpu.memory_space<vmem_shared>> -> memref<10112x16xf32, #tpu.memory_space<vmem_shared>>
        tpu.wait_indirect_dma semaphore(%run_scoped3A_50 : memref<!tpu.dma_semaphore, #tpu.memory_space<semaphore_mem>>) src(%arg5 : memref<128x16xf32, #tpu.memory_space<vmem>>) dst(%dma_wait3A_60 : memref<10112x16xf32, #tpu.memory_space<vmem_shared>>)
        tpu.yield
      }) : () -> ()
      %run_scoped3A_43 = arith.constant 9 : i32
      "tpu.region"() ({
        %run_scoped3A_50 = tpu.sem_alloc : memref<!tpu.dma_semaphore, #tpu.memory_space<semaphore_mem>>
        %dma_start3A = arith.constant 0 : i32
        %dma_start3A_51 = tpu.memref_slice %arg4[%run_scoped3A_43, %dma_start3A] : memref<16x128xi32, #tpu.memory_space<vmem>> -> memref<1x128xi32, #tpu.memory_space<vmem>>
        %dma_start3A_52 = tpu.memref_squeeze %dma_start3A_51 : memref<1x128xi32, #tpu.memory_space<vmem>> -> memref<128xi32, #tpu.memory_space<vmem>>
        %dma_start3A_53 = arith.constant 0 : i32
        %dma_start3A_54 = arith.constant 0 : i32
        %dma_start3A_55 = tpu.memref_slice %arg6[%dma_start3A_53, %dma_start3A_54] : memref<10112x16xf32, #tpu.memory_space<vmem_shared>> -> memref<10112x16xf32, #tpu.memory_space<vmem_shared>>
        tpu.enqueue_indirect_dma source(%arg5 : memref<128x16xf32, #tpu.memory_space<vmem>>) target(%dma_start3A_55 : memref<10112x16xf32, #tpu.memory_space<vmem_shared>>) offsets(%dma_start3A_52 : memref<128xi32, #tpu.memory_space<vmem>>) semaphore(%run_scoped3A_50 : memref<!tpu.dma_semaphore, #tpu.memory_space<semaphore_mem>>) {add = true}
        %dma_wait3A = arith.constant 0 : i32
        %dma_wait3A_56 = tpu.memref_slice %arg4[%run_scoped3A_43, %dma_wait3A] : memref<16x128xi32, #tpu.memory_space<vmem>> -> memref<1x128xi32, #tpu.memory_space<vmem>>
        %dma_wait3A_57 = tpu.memref_squeeze %dma_wait3A_56 : memref<1x128xi32, #tpu.memory_space<vmem>> -> memref<128xi32, #tpu.memory_space<vmem>>
        %dma_wait3A_58 = arith.constant 0 : i32
        %dma_wait3A_59 = arith.constant 0 : i32
        %dma_wait3A_60 = tpu.memref_slice %arg6[%dma_wait3A_58, %dma_wait3A_59] : memref<10112x16xf32, #tpu.memory_space<vmem_shared>> -> memref<10112x16xf32, #tpu.memory_space<vmem_shared>>
        tpu.wait_indirect_dma semaphore(%run_scoped3A_50 : memref<!tpu.dma_semaphore, #tpu.memory_space<semaphore_mem>>) src(%arg5 : memref<128x16xf32, #tpu.memory_space<vmem>>) dst(%dma_wait3A_60 : memref<10112x16xf32, #tpu.memory_space<vmem_shared>>)
        tpu.yield
      }) : () -> ()
      %run_scoped3A_44 = arith.constant 10 : i32
      "tpu.region"() ({
        %run_scoped3A_50 = tpu.sem_alloc : memref<!tpu.dma_semaphore, #tpu.memory_space<semaphore_mem>>
        %dma_start3A = arith.constant 0 : i32
        %dma_start3A_51 = tpu.memref_slice %arg4[%run_scoped3A_44, %dma_start3A] : memref<16x128xi32, #tpu.memory_space<vmem>> -> memref<1x128xi32, #tpu.memory_space<vmem>>
        %dma_start3A_52 = tpu.memref_squeeze %dma_start3A_51 : memref<1x128xi32, #tpu.memory_space<vmem>> -> memref<128xi32, #tpu.memory_space<vmem>>
        %dma_start3A_53 = arith.constant 0 : i32
        %dma_start3A_54 = arith.constant 0 : i32
        %dma_start3A_55 = tpu.memref_slice %arg6[%dma_start3A_53, %dma_start3A_54] : memref<10112x16xf32, #tpu.memory_space<vmem_shared>> -> memref<10112x16xf32, #tpu.memory_space<vmem_shared>>
        tpu.enqueue_indirect_dma source(%arg5 : memref<128x16xf32, #tpu.memory_space<vmem>>) target(%dma_start3A_55 : memref<10112x16xf32, #tpu.memory_space<vmem_shared>>) offsets(%dma_start3A_52 : memref<128xi32, #tpu.memory_space<vmem>>) semaphore(%run_scoped3A_50 : memref<!tpu.dma_semaphore, #tpu.memory_space<semaphore_mem>>) {add = true}
        %dma_wait3A = arith.constant 0 : i32
        %dma_wait3A_56 = tpu.memref_slice %arg4[%run_scoped3A_44, %dma_wait3A] : memref<16x128xi32, #tpu.memory_space<vmem>> -> memref<1x128xi32, #tpu.memory_space<vmem>>
        %dma_wait3A_57 = tpu.memref_squeeze %dma_wait3A_56 : memref<1x128xi32, #tpu.memory_space<vmem>> -> memref<128xi32, #tpu.memory_space<vmem>>
        %dma_wait3A_58 = arith.constant 0 : i32
        %dma_wait3A_59 = arith.constant 0 : i32
        %dma_wait3A_60 = tpu.memref_slice %arg6[%dma_wait3A_58, %dma_wait3A_59] : memref<10112x16xf32, #tpu.memory_space<vmem_shared>> -> memref<10112x16xf32, #tpu.memory_space<vmem_shared>>
        tpu.wait_indirect_dma semaphore(%run_scoped3A_50 : memref<!tpu.dma_semaphore, #tpu.memory_space<semaphore_mem>>) src(%arg5 : memref<128x16xf32, #tpu.memory_space<vmem>>) dst(%dma_wait3A_60 : memref<10112x16xf32, #tpu.memory_space<vmem_shared>>)
        tpu.yield
      }) : () -> ()
      %run_scoped3A_45 = arith.constant 11 : i32
      "tpu.region"() ({
        %run_scoped3A_50 = tpu.sem_alloc : memref<!tpu.dma_semaphore, #tpu.memory_space<semaphore_mem>>
        %dma_start3A = arith.constant 0 : i32
        %dma_start3A_51 = tpu.memref_slice %arg4[%run_scoped3A_45, %dma_start3A] : memref<16x128xi32, #tpu.memory_space<vmem>> -> memref<1x128xi32, #tpu.memory_space<vmem>>
        %dma_start3A_52 = tpu.memref_squeeze %dma_start3A_51 : memref<1x128xi32, #tpu.memory_space<vmem>> -> memref<128xi32, #tpu.memory_space<vmem>>
        %dma_start3A_53 = arith.constant 0 : i32
        %dma_start3A_54 = arith.constant 0 : i32
        %dma_start3A_55 = tpu.memref_slice %arg6[%dma_start3A_53, %dma_start3A_54] : memref<10112x16xf32, #tpu.memory_space<vmem_shared>> -> memref<10112x16xf32, #tpu.memory_space<vmem_shared>>
        tpu.enqueue_indirect_dma source(%arg5 : memref<128x16xf32, #tpu.memory_space<vmem>>) target(%dma_start3A_55 : memref<10112x16xf32, #tpu.memory_space<vmem_shared>>) offsets(%dma_start3A_52 : memref<128xi32, #tpu.memory_space<vmem>>) semaphore(%run_scoped3A_50 : memref<!tpu.dma_semaphore, #tpu.memory_space<semaphore_mem>>) {add = true}
        %dma_wait3A = arith.constant 0 : i32
        %dma_wait3A_56 = tpu.memref_slice %arg4[%run_scoped3A_45, %dma_wait3A] : memref<16x128xi32, #tpu.memory_space<vmem>> -> memref<1x128xi32, #tpu.memory_space<vmem>>
        %dma_wait3A_57 = tpu.memref_squeeze %dma_wait3A_56 : memref<1x128xi32, #tpu.memory_space<vmem>> -> memref<128xi32, #tpu.memory_space<vmem>>
        %dma_wait3A_58 = arith.constant 0 : i32
        %dma_wait3A_59 = arith.constant 0 : i32
        %dma_wait3A_60 = tpu.memref_slice %arg6[%dma_wait3A_58, %dma_wait3A_59] : memref<10112x16xf32, #tpu.memory_space<vmem_shared>> -> memref<10112x16xf32, #tpu.memory_space<vmem_shared>>
        tpu.wait_indirect_dma semaphore(%run_scoped3A_50 : memref<!tpu.dma_semaphore, #tpu.memory_space<semaphore_mem>>) src(%arg5 : memref<128x16xf32, #tpu.memory_space<vmem>>) dst(%dma_wait3A_60 : memref<10112x16xf32, #tpu.memory_space<vmem_shared>>)
        tpu.yield
      }) : () -> ()
      %run_scoped3A_46 = arith.constant 12 : i32
      "tpu.region"() ({
        %run_scoped3A_50 = tpu.sem_alloc : memref<!tpu.dma_semaphore, #tpu.memory_space<semaphore_mem>>
        %dma_start3A = arith.constant 0 : i32
        %dma_start3A_51 = tpu.memref_slice %arg4[%run_scoped3A_46, %dma_start3A] : memref<16x128xi32, #tpu.memory_space<vmem>> -> memref<1x128xi32, #tpu.memory_space<vmem>>
        %dma_start3A_52 = tpu.memref_squeeze %dma_start3A_51 : memref<1x128xi32, #tpu.memory_space<vmem>> -> memref<128xi32, #tpu.memory_space<vmem>>
        %dma_start3A_53 = arith.constant 0 : i32
        %dma_start3A_54 = arith.constant 0 : i32
        %dma_start3A_55 = tpu.memref_slice %arg6[%dma_start3A_53, %dma_start3A_54] : memref<10112x16xf32, #tpu.memory_space<vmem_shared>> -> memref<10112x16xf32, #tpu.memory_space<vmem_shared>>
        tpu.enqueue_indirect_dma source(%arg5 : memref<128x16xf32, #tpu.memory_space<vmem>>) target(%dma_start3A_55 : memref<10112x16xf32, #tpu.memory_space<vmem_shared>>) offsets(%dma_start3A_52 : memref<128xi32, #tpu.memory_space<vmem>>) semaphore(%run_scoped3A_50 : memref<!tpu.dma_semaphore, #tpu.memory_space<semaphore_mem>>) {add = true}
        %dma_wait3A = arith.constant 0 : i32
        %dma_wait3A_56 = tpu.memref_slice %arg4[%run_scoped3A_46, %dma_wait3A] : memref<16x128xi32, #tpu.memory_space<vmem>> -> memref<1x128xi32, #tpu.memory_space<vmem>>
        %dma_wait3A_57 = tpu.memref_squeeze %dma_wait3A_56 : memref<1x128xi32, #tpu.memory_space<vmem>> -> memref<128xi32, #tpu.memory_space<vmem>>
        %dma_wait3A_58 = arith.constant 0 : i32
        %dma_wait3A_59 = arith.constant 0 : i32
        %dma_wait3A_60 = tpu.memref_slice %arg6[%dma_wait3A_58, %dma_wait3A_59] : memref<10112x16xf32, #tpu.memory_space<vmem_shared>> -> memref<10112x16xf32, #tpu.memory_space<vmem_shared>>
        tpu.wait_indirect_dma semaphore(%run_scoped3A_50 : memref<!tpu.dma_semaphore, #tpu.memory_space<semaphore_mem>>) src(%arg5 : memref<128x16xf32, #tpu.memory_space<vmem>>) dst(%dma_wait3A_60 : memref<10112x16xf32, #tpu.memory_space<vmem_shared>>)
        tpu.yield
      }) : () -> ()
      %run_scoped3A_47 = arith.constant 13 : i32
      "tpu.region"() ({
        %run_scoped3A_50 = tpu.sem_alloc : memref<!tpu.dma_semaphore, #tpu.memory_space<semaphore_mem>>
        %dma_start3A = arith.constant 0 : i32
        %dma_start3A_51 = tpu.memref_slice %arg4[%run_scoped3A_47, %dma_start3A] : memref<16x128xi32, #tpu.memory_space<vmem>> -> memref<1x128xi32, #tpu.memory_space<vmem>>
        %dma_start3A_52 = tpu.memref_squeeze %dma_start3A_51 : memref<1x128xi32, #tpu.memory_space<vmem>> -> memref<128xi32, #tpu.memory_space<vmem>>
        %dma_start3A_53 = arith.constant 0 : i32
        %dma_start3A_54 = arith.constant 0 : i32
        %dma_start3A_55 = tpu.memref_slice %arg6[%dma_start3A_53, %dma_start3A_54] : memref<10112x16xf32, #tpu.memory_space<vmem_shared>> -> memref<10112x16xf32, #tpu.memory_space<vmem_shared>>
        tpu.enqueue_indirect_dma source(%arg5 : memref<128x16xf32, #tpu.memory_space<vmem>>) target(%dma_start3A_55 : memref<10112x16xf32, #tpu.memory_space<vmem_shared>>) offsets(%dma_start3A_52 : memref<128xi32, #tpu.memory_space<vmem>>) semaphore(%run_scoped3A_50 : memref<!tpu.dma_semaphore, #tpu.memory_space<semaphore_mem>>) {add = true}
        %dma_wait3A = arith.constant 0 : i32
        %dma_wait3A_56 = tpu.memref_slice %arg4[%run_scoped3A_47, %dma_wait3A] : memref<16x128xi32, #tpu.memory_space<vmem>> -> memref<1x128xi32, #tpu.memory_space<vmem>>
        %dma_wait3A_57 = tpu.memref_squeeze %dma_wait3A_56 : memref<1x128xi32, #tpu.memory_space<vmem>> -> memref<128xi32, #tpu.memory_space<vmem>>
        %dma_wait3A_58 = arith.constant 0 : i32
        %dma_wait3A_59 = arith.constant 0 : i32
        %dma_wait3A_60 = tpu.memref_slice %arg6[%dma_wait3A_58, %dma_wait3A_59] : memref<10112x16xf32, #tpu.memory_space<vmem_shared>> -> memref<10112x16xf32, #tpu.memory_space<vmem_shared>>
        tpu.wait_indirect_dma semaphore(%run_scoped3A_50 : memref<!tpu.dma_semaphore, #tpu.memory_space<semaphore_mem>>) src(%arg5 : memref<128x16xf32, #tpu.memory_space<vmem>>) dst(%dma_wait3A_60 : memref<10112x16xf32, #tpu.memory_space<vmem_shared>>)
        tpu.yield
      }) : () -> ()
      %run_scoped3A_48 = arith.constant 14 : i32
      "tpu.region"() ({
        %run_scoped3A_50 = tpu.sem_alloc : memref<!tpu.dma_semaphore, #tpu.memory_space<semaphore_mem>>
        %dma_start3A = arith.constant 0 : i32
        %dma_start3A_51 = tpu.memref_slice %arg4[%run_scoped3A_48, %dma_start3A] : memref<16x128xi32, #tpu.memory_space<vmem>> -> memref<1x128xi32, #tpu.memory_space<vmem>>
        %dma_start3A_52 = tpu.memref_squeeze %dma_start3A_51 : memref<1x128xi32, #tpu.memory_space<vmem>> -> memref<128xi32, #tpu.memory_space<vmem>>
        %dma_start3A_53 = arith.constant 0 : i32
        %dma_start3A_54 = arith.constant 0 : i32
        %dma_start3A_55 = tpu.memref_slice %arg6[%dma_start3A_53, %dma_start3A_54] : memref<10112x16xf32, #tpu.memory_space<vmem_shared>> -> memref<10112x16xf32, #tpu.memory_space<vmem_shared>>
        tpu.enqueue_indirect_dma source(%arg5 : memref<128x16xf32, #tpu.memory_space<vmem>>) target(%dma_start3A_55 : memref<10112x16xf32, #tpu.memory_space<vmem_shared>>) offsets(%dma_start3A_52 : memref<128xi32, #tpu.memory_space<vmem>>) semaphore(%run_scoped3A_50 : memref<!tpu.dma_semaphore, #tpu.memory_space<semaphore_mem>>) {add = true}
        %dma_wait3A = arith.constant 0 : i32
        %dma_wait3A_56 = tpu.memref_slice %arg4[%run_scoped3A_48, %dma_wait3A] : memref<16x128xi32, #tpu.memory_space<vmem>> -> memref<1x128xi32, #tpu.memory_space<vmem>>
        %dma_wait3A_57 = tpu.memref_squeeze %dma_wait3A_56 : memref<1x128xi32, #tpu.memory_space<vmem>> -> memref<128xi32, #tpu.memory_space<vmem>>
        %dma_wait3A_58 = arith.constant 0 : i32
        %dma_wait3A_59 = arith.constant 0 : i32
        %dma_wait3A_60 = tpu.memref_slice %arg6[%dma_wait3A_58, %dma_wait3A_59] : memref<10112x16xf32, #tpu.memory_space<vmem_shared>> -> memref<10112x16xf32, #tpu.memory_space<vmem_shared>>
        tpu.wait_indirect_dma semaphore(%run_scoped3A_50 : memref<!tpu.dma_semaphore, #tpu.memory_space<semaphore_mem>>) src(%arg5 : memref<128x16xf32, #tpu.memory_space<vmem>>) dst(%dma_wait3A_60 : memref<10112x16xf32, #tpu.memory_space<vmem_shared>>)
        tpu.yield
      }) : () -> ()
      %run_scoped3A_49 = arith.constant 15 : i32
      "tpu.region"() ({
        %run_scoped3A_50 = tpu.sem_alloc : memref<!tpu.dma_semaphore, #tpu.memory_space<semaphore_mem>>
        %dma_start3A = arith.constant 0 : i32
        %dma_start3A_51 = tpu.memref_slice %arg4[%run_scoped3A_49, %dma_start3A] : memref<16x128xi32, #tpu.memory_space<vmem>> -> memref<1x128xi32, #tpu.memory_space<vmem>>
        %dma_start3A_52 = tpu.memref_squeeze %dma_start3A_51 : memref<1x128xi32, #tpu.memory_space<vmem>> -> memref<128xi32, #tpu.memory_space<vmem>>
        %dma_start3A_53 = arith.constant 0 : i32
        %dma_start3A_54 = arith.constant 0 : i32
        %dma_start3A_55 = tpu.memref_slice %arg6[%dma_start3A_53, %dma_start3A_54] : memref<10112x16xf32, #tpu.memory_space<vmem_shared>> -> memref<10112x16xf32, #tpu.memory_space<vmem_shared>>
        tpu.enqueue_indirect_dma source(%arg5 : memref<128x16xf32, #tpu.memory_space<vmem>>) target(%dma_start3A_55 : memref<10112x16xf32, #tpu.memory_space<vmem_shared>>) offsets(%dma_start3A_52 : memref<128xi32, #tpu.memory_space<vmem>>) semaphore(%run_scoped3A_50 : memref<!tpu.dma_semaphore, #tpu.memory_space<semaphore_mem>>) {add = true}
        %dma_wait3A = arith.constant 0 : i32
        %dma_wait3A_56 = tpu.memref_slice %arg4[%run_scoped3A_49, %dma_wait3A] : memref<16x128xi32, #tpu.memory_space<vmem>> -> memref<1x128xi32, #tpu.memory_space<vmem>>
        %dma_wait3A_57 = tpu.memref_squeeze %dma_wait3A_56 : memref<1x128xi32, #tpu.memory_space<vmem>> -> memref<128xi32, #tpu.memory_space<vmem>>
        %dma_wait3A_58 = arith.constant 0 : i32
        %dma_wait3A_59 = arith.constant 0 : i32
        %dma_wait3A_60 = tpu.memref_slice %arg6[%dma_wait3A_58, %dma_wait3A_59] : memref<10112x16xf32, #tpu.memory_space<vmem_shared>> -> memref<10112x16xf32, #tpu.memory_space<vmem_shared>>
        tpu.wait_indirect_dma semaphore(%run_scoped3A_50 : memref<!tpu.dma_semaphore, #tpu.memory_space<semaphore_mem>>) src(%arg5 : memref<128x16xf32, #tpu.memory_space<vmem>>) dst(%dma_wait3A_60 : memref<10112x16xf32, #tpu.memory_space<vmem_shared>>)
        tpu.yield
      }) : () -> ()
    }
    %scan3A_30 = arith.constant 5 : i32
    %barrier3A_31 = arith.constant 0 : index
    tpu.barrier barrier_id(%barrier3A_31)
    "tpu.region"() ({
      %run_scoped3A = tpu.sem_alloc : memref<!tpu.dma_semaphore, #tpu.memory_space<semaphore_mem>>
      %dma_start3A = arith.constant 0 : i32
      %dma_start3A_32 = tpu.memref_slice %arg3[%arg0, %mul3A_2, %dma_start3A] : memref<2x10112x16xf32, #tpu.memory_space<hbm>> -> memref<1x632x16xf32, #tpu.memory_space<hbm>>
      %dma_start3A_33 = tpu.memref_squeeze %dma_start3A_32 : memref<1x632x16xf32, #tpu.memory_space<hbm>> -> memref<632x16xf32, #tpu.memory_space<hbm>>
      %dma_start3A_34 = arith.constant 0 : i32
      %dma_start3A_35 = tpu.memref_slice %arg6[%mul3A_2, %dma_start3A_34] : memref<10112x16xf32, #tpu.memory_space<vmem_shared>> -> memref<632x16xf32, #tpu.memory_space<vmem_shared>>
      tpu.enqueue_dma source(%dma_start3A_35 : memref<632x16xf32, #tpu.memory_space<vmem_shared>>) target(%dma_start3A_33 : memref<632x16xf32, #tpu.memory_space<hbm>>) target_semaphore(%run_scoped3A : memref<!tpu.dma_semaphore, #tpu.memory_space<semaphore_mem>>)
      %dma_wait3A = arith.constant 0 : i32
      %dma_wait3A_36 = tpu.memref_slice %arg3[%arg0, %mul3A_2, %dma_wait3A] : memref<2x10112x16xf32, #tpu.memory_space<hbm>> -> memref<1x632x16xf32, #tpu.memory_space<hbm>>
      %dma_wait3A_37 = tpu.memref_squeeze %dma_wait3A_36 : memref<1x632x16xf32, #tpu.memory_space<hbm>> -> memref<632x16xf32, #tpu.memory_space<hbm>>
      %dma_wait3A_38 = arith.constant 0 : i32
      %dma_wait3A_39 = tpu.memref_slice %arg6[%mul3A_2, %dma_wait3A_38] : memref<10112x16xf32, #tpu.memory_space<vmem_shared>> -> memref<632x16xf32, #tpu.memory_space<vmem_shared>>
      tpu.wait_dma2 semaphore(%run_scoped3A : memref<!tpu.dma_semaphore, #tpu.memory_space<semaphore_mem>>) src(%dma_wait3A_39 : memref<632x16xf32, #tpu.memory_space<vmem_shared>>) dst(%dma_wait3A_37 : memref<632x16xf32, #tpu.memory_space<hbm>>)
      tpu.yield
    }) : () -> ()
    return
  }
}

#map = affine_map<(d0, d1) -> (0, 0)>
#map1 = affine_map<(d0, d1) -> (0, 0, 0)>
module attributes {stable_mosaic.version = 14 : i64} {
  func.func @body(%arg0: i32, %arg1: i32, %arg2: memref<10000x128xf32, #tpu.memory_space<hbm>>, %arg3: memref<32x80x128xi32, #tpu.memory_space<hbm>>, %arg4: memref<32x80x128xi32, #tpu.memory_space<hbm>>, %arg5: memref<2x10112x128xf32, #tpu.memory_space<hbm>>, %arg6: memref<16x128xi32, #tpu.memory_space<vmem>>, %arg7: memref<16x128xi32, #tpu.memory_space<vmem>>, %arg8: memref<128x128xf32, #tpu.memory_space<vmem>>, %arg9: memref<128x128xf32, #tpu.memory_space<vmem>>, %arg10: memref<10112x128xf32, #tpu.memory_space<vmem_shared>>, %arg11: memref<!tpu.dma_semaphore, #tpu.memory_space<semaphore_mem>>, %arg12: memref<!tpu.dma_semaphore, #tpu.memory_space<semaphore_mem>>) attributes {dimension_semantics = [#tpu.dimension_semantics<core_parallel>, #tpu.dimension_semantics<subcore_parallel>], iteration_bounds = array<i64: 2, 16>, scalar_prefetch = 0 : i64, scratch_operands = 7 : i64, tpu.core_type = #tpu.core_type<sc_vector_subcore>, window_params = [{transform_indices = #map}, {transform_indices = #map1}, {transform_indices = #map1}, {transform_indices = #map1}]} {
    %mul3A = arith.constant 2 : i32
    %mul3A_0 = arith.muli %arg1, %mul3A : i32
    %add3A = arith.addi %mul3A_0, %arg0 : i32
    %mul3A_1 = arith.constant 632 : i32
    %mul3A_2 = arith.muli %arg1, %mul3A_1 : i32
    %scan3A = arith.constant 0 : i32
    %scan3A_3 = arith.constant 0 : i32
    %scan3A_4 = arith.constant 128 : i32
    %scan3A_5 = arith.addi %scan3A_3, %scan3A_4 : i32
    %scan3A_6 = arith.constant 1 : i32
    scf.for %scan3A_26 = %scan3A_3 to %scan3A_5 step %scan3A_6  : i32 {
      %broadcast_in_dim3A = arith.constant 0.000000e+00 : f32
      %broadcast_in_dim3A_27 = vector.broadcast %broadcast_in_dim3A : f32 to vector<16xf32>
      %swap3A = arith.index_cast %scan3A_26 : i32 to index
      %swap3A_28 = arith.constant 0 : index
      %swap3A_29 = tpu.vector_load %arg8[%swap3A, %swap3A_28] {strides = array<i32>} : memref<128x128xf32, #tpu.memory_space<vmem>>, vector<1x16xf32>,
      %swap3A_30 = vector.shape_cast %swap3A_29 : vector<1x16xf32> to vector<16xf32>
      %swap3A_31 = vector.shape_cast %broadcast_in_dim3A_27 : vector<16xf32> to vector<1x16xf32>
      tpu.vector_store %arg8[%swap3A, %swap3A_28], %swap3A_31 {strides = array<i32>} : memref<128x128xf32, #tpu.memory_space<vmem>>, vector<1x16xf32>,
      %broadcast_in_dim3A_32 = arith.constant 0.000000e+00 : f32
      %broadcast_in_dim3A_33 = vector.broadcast %broadcast_in_dim3A_32 : f32 to vector<16xf32>
      %swap3A_34 = arith.index_cast %scan3A_26 : i32 to index
      %swap3A_35 = arith.constant 16 : index
      %swap3A_36 = tpu.vector_load %arg8[%swap3A_34, %swap3A_35] {strides = array<i32>} : memref<128x128xf32, #tpu.memory_space<vmem>>, vector<1x16xf32>,
      %swap3A_37 = vector.shape_cast %swap3A_36 : vector<1x16xf32> to vector<16xf32>
      %swap3A_38 = vector.shape_cast %broadcast_in_dim3A_33 : vector<16xf32> to vector<1x16xf32>
      tpu.vector_store %arg8[%swap3A_34, %swap3A_35], %swap3A_38 {strides = array<i32>} : memref<128x128xf32, #tpu.memory_space<vmem>>, vector<1x16xf32>,
      %broadcast_in_dim3A_39 = arith.constant 0.000000e+00 : f32
      %broadcast_in_dim3A_40 = vector.broadcast %broadcast_in_dim3A_39 : f32 to vector<16xf32>
      %swap3A_41 = arith.index_cast %scan3A_26 : i32 to index
      %swap3A_42 = arith.constant 32 : index
      %swap3A_43 = tpu.vector_load %arg8[%swap3A_41, %swap3A_42] {strides = array<i32>} : memref<128x128xf32, #tpu.memory_space<vmem>>, vector<1x16xf32>,
      %swap3A_44 = vector.shape_cast %swap3A_43 : vector<1x16xf32> to vector<16xf32>
      %swap3A_45 = vector.shape_cast %broadcast_in_dim3A_40 : vector<16xf32> to vector<1x16xf32>
      tpu.vector_store %arg8[%swap3A_41, %swap3A_42], %swap3A_45 {strides = array<i32>} : memref<128x128xf32, #tpu.memory_space<vmem>>, vector<1x16xf32>,
      %broadcast_in_dim3A_46 = arith.constant 0.000000e+00 : f32
      %broadcast_in_dim3A_47 = vector.broadcast %broadcast_in_dim3A_46 : f32 to vector<16xf32>
      %swap3A_48 = arith.index_cast %scan3A_26 : i32 to index
      %swap3A_49 = arith.constant 48 : index
      %swap3A_50 = tpu.vector_load %arg8[%swap3A_48, %swap3A_49] {strides = array<i32>} : memref<128x128xf32, #tpu.memory_space<vmem>>, vector<1x16xf32>,
      %swap3A_51 = vector.shape_cast %swap3A_50 : vector<1x16xf32> to vector<16xf32>
      %swap3A_52 = vector.shape_cast %broadcast_in_dim3A_47 : vector<16xf32> to vector<1x16xf32>
      tpu.vector_store %arg8[%swap3A_48, %swap3A_49], %swap3A_52 {strides = array<i32>} : memref<128x128xf32, #tpu.memory_space<vmem>>, vector<1x16xf32>,
      %broadcast_in_dim3A_53 = arith.constant 0.000000e+00 : f32
      %broadcast_in_dim3A_54 = vector.broadcast %broadcast_in_dim3A_53 : f32 to vector<16xf32>
      %swap3A_55 = arith.index_cast %scan3A_26 : i32 to index
      %swap3A_56 = arith.constant 64 : index
      %swap3A_57 = tpu.vector_load %arg8[%swap3A_55, %swap3A_56] {strides = array<i32>} : memref<128x128xf32, #tpu.memory_space<vmem>>, vector<1x16xf32>,
      %swap3A_58 = vector.shape_cast %swap3A_57 : vector<1x16xf32> to vector<16xf32>
      %swap3A_59 = vector.shape_cast %broadcast_in_dim3A_54 : vector<16xf32> to vector<1x16xf32>
      tpu.vector_store %arg8[%swap3A_55, %swap3A_56], %swap3A_59 {strides = array<i32>} : memref<128x128xf32, #tpu.memory_space<vmem>>, vector<1x16xf32>,
      %broadcast_in_dim3A_60 = arith.constant 0.000000e+00 : f32
      %broadcast_in_dim3A_61 = vector.broadcast %broadcast_in_dim3A_60 : f32 to vector<16xf32>
      %swap3A_62 = arith.index_cast %scan3A_26 : i32 to index
      %swap3A_63 = arith.constant 80 : index
      %swap3A_64 = tpu.vector_load %arg8[%swap3A_62, %swap3A_63] {strides = array<i32>} : memref<128x128xf32, #tpu.memory_space<vmem>>, vector<1x16xf32>,
      %swap3A_65 = vector.shape_cast %swap3A_64 : vector<1x16xf32> to vector<16xf32>
      %swap3A_66 = vector.shape_cast %broadcast_in_dim3A_61 : vector<16xf32> to vector<1x16xf32>
      tpu.vector_store %arg8[%swap3A_62, %swap3A_63], %swap3A_66 {strides = array<i32>} : memref<128x128xf32, #tpu.memory_space<vmem>>, vector<1x16xf32>,
      %broadcast_in_dim3A_67 = arith.constant 0.000000e+00 : f32
      %broadcast_in_dim3A_68 = vector.broadcast %broadcast_in_dim3A_67 : f32 to vector<16xf32>
      %swap3A_69 = arith.index_cast %scan3A_26 : i32 to index
      %swap3A_70 = arith.constant 96 : index
      %swap3A_71 = tpu.vector_load %arg8[%swap3A_69, %swap3A_70] {strides = array<i32>} : memref<128x128xf32, #tpu.memory_space<vmem>>, vector<1x16xf32>,
      %swap3A_72 = vector.shape_cast %swap3A_71 : vector<1x16xf32> to vector<16xf32>
      %swap3A_73 = vector.shape_cast %broadcast_in_dim3A_68 : vector<16xf32> to vector<1x16xf32>
      tpu.vector_store %arg8[%swap3A_69, %swap3A_70], %swap3A_73 {strides = array<i32>} : memref<128x128xf32, #tpu.memory_space<vmem>>, vector<1x16xf32>,
      %broadcast_in_dim3A_74 = arith.constant 0.000000e+00 : f32
      %broadcast_in_dim3A_75 = vector.broadcast %broadcast_in_dim3A_74 : f32 to vector<16xf32>
      %swap3A_76 = arith.index_cast %scan3A_26 : i32 to index
      %swap3A_77 = arith.constant 112 : index
      %swap3A_78 = tpu.vector_load %arg8[%swap3A_76, %swap3A_77] {strides = array<i32>} : memref<128x128xf32, #tpu.memory_space<vmem>>, vector<1x16xf32>,
      %swap3A_79 = vector.shape_cast %swap3A_78 : vector<1x16xf32> to vector<16xf32>
      %swap3A_80 = vector.shape_cast %broadcast_in_dim3A_75 : vector<16xf32> to vector<1x16xf32>
      tpu.vector_store %arg8[%swap3A_76, %swap3A_77], %swap3A_80 {strides = array<i32>} : memref<128x128xf32, #tpu.memory_space<vmem>>, vector<1x16xf32>,
    }
    %scan3A_7 = arith.constant 128 : i32
    %add3A_8 = arith.constant 0 : i32
    %add3A_9 = arith.addi %mul3A_2, %add3A_8 : i32
    "tpu.region"() ({
      %run_scoped3A = tpu.sem_alloc : memref<!tpu.dma_semaphore, #tpu.memory_space<semaphore_mem>>
      %dma_start3A = arith.constant 0 : i32
      %dma_start3A_26 = tpu.memref_slice %arg10[%add3A_9, %dma_start3A] : memref<10112x128xf32, #tpu.memory_space<vmem_shared>> -> memref<128x128xf32, #tpu.memory_space<vmem_shared>>
      %dma_start3A_27 = arith.constant 0 : i32
      %dma_start3A_28 = tpu.memref_slice %arg10[%add3A_9, %dma_start3A_27] : memref<10112x128xf32, #tpu.memory_space<vmem_shared>> -> memref<128x128xf32, #tpu.memory_space<vmem_shared>>
      tpu.enqueue_dma source(%arg8 : memref<128x128xf32, #tpu.memory_space<vmem>>) target(%dma_start3A_28 : memref<128x128xf32, #tpu.memory_space<vmem_shared>>) target_semaphore(%run_scoped3A : memref<!tpu.dma_semaphore, #tpu.memory_space<semaphore_mem>>)
      %dma_wait3A = arith.constant 0 : i32
      %dma_wait3A_29 = tpu.memref_slice %arg10[%add3A_9, %dma_wait3A] : memref<10112x128xf32, #tpu.memory_space<vmem_shared>> -> memref<128x128xf32, #tpu.memory_space<vmem_shared>>
      %dma_wait3A_30 = arith.constant 0 : i32
      %dma_wait3A_31 = tpu.memref_slice %arg10[%add3A_9, %dma_wait3A_30] : memref<10112x128xf32, #tpu.memory_space<vmem_shared>> -> memref<128x128xf32, #tpu.memory_space<vmem_shared>>
      tpu.wait_dma2 semaphore(%run_scoped3A : memref<!tpu.dma_semaphore, #tpu.memory_space<semaphore_mem>>) src(%arg8 : memref<128x128xf32, #tpu.memory_space<vmem>>) dst(%dma_wait3A_31 : memref<128x128xf32, #tpu.memory_space<vmem_shared>>)
      tpu.yield
    }) : () -> ()
    %add3A_10 = arith.constant 128 : i32
    %add3A_11 = arith.addi %mul3A_2, %add3A_10 : i32
    "tpu.region"() ({
      %run_scoped3A = tpu.sem_alloc : memref<!tpu.dma_semaphore, #tpu.memory_space<semaphore_mem>>
      %dma_start3A = arith.constant 0 : i32
      %dma_start3A_26 = tpu.memref_slice %arg10[%add3A_11, %dma_start3A] : memref<10112x128xf32, #tpu.memory_space<vmem_shared>> -> memref<128x128xf32, #tpu.memory_space<vmem_shared>>
      %dma_start3A_27 = arith.constant 0 : i32
      %dma_start3A_28 = tpu.memref_slice %arg10[%add3A_11, %dma_start3A_27] : memref<10112x128xf32, #tpu.memory_space<vmem_shared>> -> memref<128x128xf32, #tpu.memory_space<vmem_shared>>
      tpu.enqueue_dma source(%arg8 : memref<128x128xf32, #tpu.memory_space<vmem>>) target(%dma_start3A_28 : memref<128x128xf32, #tpu.memory_space<vmem_shared>>) target_semaphore(%run_scoped3A : memref<!tpu.dma_semaphore, #tpu.memory_space<semaphore_mem>>)
      %dma_wait3A = arith.constant 0 : i32
      %dma_wait3A_29 = tpu.memref_slice %arg10[%add3A_11, %dma_wait3A] : memref<10112x128xf32, #tpu.memory_space<vmem_shared>> -> memref<128x128xf32, #tpu.memory_space<vmem_shared>>
      %dma_wait3A_30 = arith.constant 0 : i32
      %dma_wait3A_31 = tpu.memref_slice %arg10[%add3A_11, %dma_wait3A_30] : memref<10112x128xf32, #tpu.memory_space<vmem_shared>> -> memref<128x128xf32, #tpu.memory_space<vmem_shared>>
      tpu.wait_dma2 semaphore(%run_scoped3A : memref<!tpu.dma_semaphore, #tpu.memory_space<semaphore_mem>>) src(%arg8 : memref<128x128xf32, #tpu.memory_space<vmem>>) dst(%dma_wait3A_31 : memref<128x128xf32, #tpu.memory_space<vmem_shared>>)
      tpu.yield
    }) : () -> ()
    %add3A_12 = arith.constant 256 : i32
    %add3A_13 = arith.addi %mul3A_2, %add3A_12 : i32
    "tpu.region"() ({
      %run_scoped3A = tpu.sem_alloc : memref<!tpu.dma_semaphore, #tpu.memory_space<semaphore_mem>>
      %dma_start3A = arith.constant 0 : i32
      %dma_start3A_26 = tpu.memref_slice %arg10[%add3A_13, %dma_start3A] : memref<10112x128xf32, #tpu.memory_space<vmem_shared>> -> memref<128x128xf32, #tpu.memory_space<vmem_shared>>
      %dma_start3A_27 = arith.constant 0 : i32
      %dma_start3A_28 = tpu.memref_slice %arg10[%add3A_13, %dma_start3A_27] : memref<10112x128xf32, #tpu.memory_space<vmem_shared>> -> memref<128x128xf32, #tpu.memory_space<vmem_shared>>
      tpu.enqueue_dma source(%arg8 : memref<128x128xf32, #tpu.memory_space<vmem>>) target(%dma_start3A_28 : memref<128x128xf32, #tpu.memory_space<vmem_shared>>) target_semaphore(%run_scoped3A : memref<!tpu.dma_semaphore, #tpu.memory_space<semaphore_mem>>)
      %dma_wait3A = arith.constant 0 : i32
      %dma_wait3A_29 = tpu.memref_slice %arg10[%add3A_13, %dma_wait3A] : memref<10112x128xf32, #tpu.memory_space<vmem_shared>> -> memref<128x128xf32, #tpu.memory_space<vmem_shared>>
      %dma_wait3A_30 = arith.constant 0 : i32
      %dma_wait3A_31 = tpu.memref_slice %arg10[%add3A_13, %dma_wait3A_30] : memref<10112x128xf32, #tpu.memory_space<vmem_shared>> -> memref<128x128xf32, #tpu.memory_space<vmem_shared>>
      tpu.wait_dma2 semaphore(%run_scoped3A : memref<!tpu.dma_semaphore, #tpu.memory_space<semaphore_mem>>) src(%arg8 : memref<128x128xf32, #tpu.memory_space<vmem>>) dst(%dma_wait3A_31 : memref<128x128xf32, #tpu.memory_space<vmem_shared>>)
      tpu.yield
    }) : () -> ()
    %add3A_14 = arith.constant 384 : i32
    %add3A_15 = arith.addi %mul3A_2, %add3A_14 : i32
    "tpu.region"() ({
      %run_scoped3A = tpu.sem_alloc : memref<!tpu.dma_semaphore, #tpu.memory_space<semaphore_mem>>
      %dma_start3A = arith.constant 0 : i32
      %dma_start3A_26 = tpu.memref_slice %arg10[%add3A_15, %dma_start3A] : memref<10112x128xf32, #tpu.memory_space<vmem_shared>> -> memref<128x128xf32, #tpu.memory_space<vmem_shared>>
      %dma_start3A_27 = arith.constant 0 : i32
      %dma_start3A_28 = tpu.memref_slice %arg10[%add3A_15, %dma_start3A_27] : memref<10112x128xf32, #tpu.memory_space<vmem_shared>> -> memref<128x128xf32, #tpu.memory_space<vmem_shared>>
      tpu.enqueue_dma source(%arg8 : memref<128x128xf32, #tpu.memory_space<vmem>>) target(%dma_start3A_28 : memref<128x128xf32, #tpu.memory_space<vmem_shared>>) target_semaphore(%run_scoped3A : memref<!tpu.dma_semaphore, #tpu.memory_space<semaphore_mem>>)
      %dma_wait3A = arith.constant 0 : i32
      %dma_wait3A_29 = tpu.memref_slice %arg10[%add3A_15, %dma_wait3A] : memref<10112x128xf32, #tpu.memory_space<vmem_shared>> -> memref<128x128xf32, #tpu.memory_space<vmem_shared>>
      %dma_wait3A_30 = arith.constant 0 : i32
      %dma_wait3A_31 = tpu.memref_slice %arg10[%add3A_15, %dma_wait3A_30] : memref<10112x128xf32, #tpu.memory_space<vmem_shared>> -> memref<128x128xf32, #tpu.memory_space<vmem_shared>>
      tpu.wait_dma2 semaphore(%run_scoped3A : memref<!tpu.dma_semaphore, #tpu.memory_space<semaphore_mem>>) src(%arg8 : memref<128x128xf32, #tpu.memory_space<vmem>>) dst(%dma_wait3A_31 : memref<128x128xf32, #tpu.memory_space<vmem_shared>>)
      tpu.yield
    }) : () -> ()
    %add3A_16 = arith.constant 632 : i32
    %add3A_17 = arith.addi %mul3A_2, %add3A_16 : i32
    %sub3A = arith.constant 120 : i32
    %sub3A_18 = arith.subi %add3A_17, %sub3A : i32
    "tpu.region"() ({
      %run_scoped3A = tpu.sem_alloc : memref<!tpu.dma_semaphore, #tpu.memory_space<semaphore_mem>>
      %dma_start3A = arith.constant 0 : i32
      %dma_start3A_26 = arith.constant 0 : i32
      %dma_start3A_27 = tpu.memref_slice %arg8[%dma_start3A, %dma_start3A_26] : memref<128x128xf32, #tpu.memory_space<vmem>> -> memref<120x128xf32, #tpu.memory_space<vmem>>
      %dma_start3A_28 = arith.constant 0 : i32
      %dma_start3A_29 = tpu.memref_slice %arg10[%sub3A_18, %dma_start3A_28] : memref<10112x128xf32, #tpu.memory_space<vmem_shared>> -> memref<120x128xf32, #tpu.memory_space<vmem_shared>>
      %dma_start3A_30 = arith.constant 0 : i32
      %dma_start3A_31 = tpu.memref_slice %arg10[%sub3A_18, %dma_start3A_30] : memref<10112x128xf32, #tpu.memory_space<vmem_shared>> -> memref<120x128xf32, #tpu.memory_space<vmem_shared>>
      %dma_start3A_32 = arith.constant 0 : i32
      %dma_start3A_33 = arith.constant 0 : i32
      %dma_start3A_34 = tpu.memref_slice %arg8[%dma_start3A_32, %dma_start3A_33] : memref<128x128xf32, #tpu.memory_space<vmem>> -> memref<120x128xf32, #tpu.memory_space<vmem>>
      tpu.enqueue_dma source(%dma_start3A_34 : memref<120x128xf32, #tpu.memory_space<vmem>>) target(%dma_start3A_31 : memref<120x128xf32, #tpu.memory_space<vmem_shared>>) target_semaphore(%run_scoped3A : memref<!tpu.dma_semaphore, #tpu.memory_space<semaphore_mem>>)
      %dma_wait3A = arith.constant 0 : i32
      %dma_wait3A_35 = arith.constant 0 : i32
      %dma_wait3A_36 = tpu.memref_slice %arg8[%dma_wait3A, %dma_wait3A_35] : memref<128x128xf32, #tpu.memory_space<vmem>> -> memref<120x128xf32, #tpu.memory_space<vmem>>
      %dma_wait3A_37 = arith.constant 0 : i32
      %dma_wait3A_38 = tpu.memref_slice %arg10[%sub3A_18, %dma_wait3A_37] : memref<10112x128xf32, #tpu.memory_space<vmem_shared>> -> memref<120x128xf32, #tpu.memory_space<vmem_shared>>
      %dma_wait3A_39 = arith.constant 0 : i32
      %dma_wait3A_40 = tpu.memref_slice %arg10[%sub3A_18, %dma_wait3A_39] : memref<10112x128xf32, #tpu.memory_space<vmem_shared>> -> memref<120x128xf32, #tpu.memory_space<vmem_shared>>
      %dma_wait3A_41 = arith.constant 0 : i32
      %dma_wait3A_42 = arith.constant 0 : i32
      %dma_wait3A_43 = tpu.memref_slice %arg8[%dma_wait3A_41, %dma_wait3A_42] : memref<128x128xf32, #tpu.memory_space<vmem>> -> memref<120x128xf32, #tpu.memory_space<vmem>>
      tpu.wait_dma2 semaphore(%run_scoped3A : memref<!tpu.dma_semaphore, #tpu.memory_space<semaphore_mem>>) src(%dma_wait3A_43 : memref<120x128xf32, #tpu.memory_space<vmem>>) dst(%dma_wait3A_40 : memref<120x128xf32, #tpu.memory_space<vmem_shared>>)
      tpu.yield
    }) : () -> ()
    %barrier3A = arith.constant 0 : index
    tpu.barrier barrier_id(%barrier3A)
    %scan3A_19 = arith.constant 0 : i32
    %scan3A_20 = arith.constant 0 : i32
    %scan3A_21 = arith.constant 5 : i32
    %scan3A_22 = arith.addi %scan3A_20, %scan3A_21 : i32
    %scan3A_23 = arith.constant 1 : i32
    scf.for %scan3A_26 = %scan3A_20 to %scan3A_22 step %scan3A_23  : i32 {
      %mul3A_27 = arith.constant 16 : i32
      %mul3A_28 = arith.muli %scan3A_26, %mul3A_27 : i32
      "tpu.region"() ({
        %run_scoped3A_268 = tpu.sem_alloc : memref<!tpu.dma_semaphore, #tpu.memory_space<semaphore_mem>>
        %dma_start3A_269 = arith.constant 0 : i32
        %dma_start3A_270 = tpu.memref_slice %arg3[%add3A, %mul3A_28, %dma_start3A_269] : memref<32x80x128xi32, #tpu.memory_space<hbm>> -> memref<1x16x128xi32, #tpu.memory_space<hbm>>
        %dma_start3A_271 = tpu.memref_squeeze %dma_start3A_270 : memref<1x16x128xi32, #tpu.memory_space<hbm>> -> memref<16x128xi32, #tpu.memory_space<hbm>>
        %dma_start3A_272 = arith.constant 0 : i32
        %dma_start3A_273 = tpu.memref_slice %arg3[%add3A, %mul3A_28, %dma_start3A_272] : memref<32x80x128xi32, #tpu.memory_space<hbm>> -> memref<1x16x128xi32, #tpu.memory_space<hbm>>
        %dma_start3A_274 = tpu.memref_squeeze %dma_start3A_273 : memref<1x16x128xi32, #tpu.memory_space<hbm>> -> memref<16x128xi32, #tpu.memory_space<hbm>>
        tpu.enqueue_dma source(%dma_start3A_274 : memref<16x128xi32, #tpu.memory_space<hbm>>) target(%arg6 : memref<16x128xi32, #tpu.memory_space<vmem>>) target_semaphore(%run_scoped3A_268 : memref<!tpu.dma_semaphore, #tpu.memory_space<semaphore_mem>>)
        %dma_wait3A_275 = arith.constant 0 : i32
        %dma_wait3A_276 = tpu.memref_slice %arg3[%add3A, %mul3A_28, %dma_wait3A_275] : memref<32x80x128xi32, #tpu.memory_space<hbm>> -> memref<1x16x128xi32, #tpu.memory_space<hbm>>
        %dma_wait3A_277 = tpu.memref_squeeze %dma_wait3A_276 : memref<1x16x128xi32, #tpu.memory_space<hbm>> -> memref<16x128xi32, #tpu.memory_space<hbm>>
        %dma_wait3A_278 = arith.constant 0 : i32
        %dma_wait3A_279 = tpu.memref_slice %arg3[%add3A, %mul3A_28, %dma_wait3A_278] : memref<32x80x128xi32, #tpu.memory_space<hbm>> -> memref<1x16x128xi32, #tpu.memory_space<hbm>>
        %dma_wait3A_280 = tpu.memref_squeeze %dma_wait3A_279 : memref<1x16x128xi32, #tpu.memory_space<hbm>> -> memref<16x128xi32, #tpu.memory_space<hbm>>
        tpu.wait_dma2 semaphore(%run_scoped3A_268 : memref<!tpu.dma_semaphore, #tpu.memory_space<semaphore_mem>>) src(%dma_wait3A_280 : memref<16x128xi32, #tpu.memory_space<hbm>>) dst(%arg6 : memref<16x128xi32, #tpu.memory_space<vmem>>)
        tpu.yield
      }) : () -> ()
      %mul3A_29 = arith.constant 16 : i32
      %mul3A_30 = arith.muli %scan3A_26, %mul3A_29 : i32
      "tpu.region"() ({
        %run_scoped3A_268 = tpu.sem_alloc : memref<!tpu.dma_semaphore, #tpu.memory_space<semaphore_mem>>
        %dma_start3A_269 = arith.constant 0 : i32
        %dma_start3A_270 = tpu.memref_slice %arg4[%add3A, %mul3A_30, %dma_start3A_269] : memref<32x80x128xi32, #tpu.memory_space<hbm>> -> memref<1x16x128xi32, #tpu.memory_space<hbm>>
        %dma_start3A_271 = tpu.memref_squeeze %dma_start3A_270 : memref<1x16x128xi32, #tpu.memory_space<hbm>> -> memref<16x128xi32, #tpu.memory_space<hbm>>
        %dma_start3A_272 = arith.constant 0 : i32
        %dma_start3A_273 = tpu.memref_slice %arg4[%add3A, %mul3A_30, %dma_start3A_272] : memref<32x80x128xi32, #tpu.memory_space<hbm>> -> memref<1x16x128xi32, #tpu.memory_space<hbm>>
        %dma_start3A_274 = tpu.memref_squeeze %dma_start3A_273 : memref<1x16x128xi32, #tpu.memory_space<hbm>> -> memref<16x128xi32, #tpu.memory_space<hbm>>
        tpu.enqueue_dma source(%dma_start3A_274 : memref<16x128xi32, #tpu.memory_space<hbm>>) target(%arg7 : memref<16x128xi32, #tpu.memory_space<vmem>>) target_semaphore(%run_scoped3A_268 : memref<!tpu.dma_semaphore, #tpu.memory_space<semaphore_mem>>)
        %dma_wait3A_275 = arith.constant 0 : i32
        %dma_wait3A_276 = tpu.memref_slice %arg4[%add3A, %mul3A_30, %dma_wait3A_275] : memref<32x80x128xi32, #tpu.memory_space<hbm>> -> memref<1x16x128xi32, #tpu.memory_space<hbm>>
        %dma_wait3A_277 = tpu.memref_squeeze %dma_wait3A_276 : memref<1x16x128xi32, #tpu.memory_space<hbm>> -> memref<16x128xi32, #tpu.memory_space<hbm>>
        %dma_wait3A_278 = arith.constant 0 : i32
        %dma_wait3A_279 = tpu.memref_slice %arg4[%add3A, %mul3A_30, %dma_wait3A_278] : memref<32x80x128xi32, #tpu.memory_space<hbm>> -> memref<1x16x128xi32, #tpu.memory_space<hbm>>
        %dma_wait3A_280 = tpu.memref_squeeze %dma_wait3A_279 : memref<1x16x128xi32, #tpu.memory_space<hbm>> -> memref<16x128xi32, #tpu.memory_space<hbm>>
        tpu.wait_dma2 semaphore(%run_scoped3A_268 : memref<!tpu.dma_semaphore, #tpu.memory_space<semaphore_mem>>) src(%dma_wait3A_280 : memref<16x128xi32, #tpu.memory_space<hbm>>) dst(%arg7 : memref<16x128xi32, #tpu.memory_space<vmem>>)
        tpu.yield
      }) : () -> ()
      %dma_start3A = arith.constant 0 : i32
      %dma_start3A_31 = arith.constant 0 : i32
      %dma_start3A_32 = tpu.memref_slice %arg6[%dma_start3A, %dma_start3A_31] : memref<16x128xi32, #tpu.memory_space<vmem>> -> memref<1x128xi32, #tpu.memory_space<vmem>>
      %dma_start3A_33 = tpu.memref_squeeze %dma_start3A_32 : memref<1x128xi32, #tpu.memory_space<vmem>> -> memref<128xi32, #tpu.memory_space<vmem>>
      %dma_start3A_34 = arith.constant 0 : i32
      %dma_start3A_35 = arith.constant 0 : i32
      %dma_start3A_36 = tpu.memref_slice %arg2[%dma_start3A_34, %dma_start3A_35] : memref<10000x128xf32, #tpu.memory_space<hbm>> -> memref<10000x128xf32, #tpu.memory_space<hbm>>
      tpu.enqueue_indirect_dma source(%dma_start3A_36 : memref<10000x128xf32, #tpu.memory_space<hbm>>) target(%arg8 : memref<128x128xf32, #tpu.memory_space<vmem>>) offsets(%dma_start3A_33 : memref<128xi32, #tpu.memory_space<vmem>>) semaphore(%arg11 : memref<!tpu.dma_semaphore, #tpu.memory_space<semaphore_mem>>)
      %dma_start3A_37 = arith.constant 1 : i32
      %dma_start3A_38 = arith.constant 0 : i32
      %dma_start3A_39 = tpu.memref_slice %arg6[%dma_start3A_37, %dma_start3A_38] : memref<16x128xi32, #tpu.memory_space<vmem>> -> memref<1x128xi32, #tpu.memory_space<vmem>>
      %dma_start3A_40 = tpu.memref_squeeze %dma_start3A_39 : memref<1x128xi32, #tpu.memory_space<vmem>> -> memref<128xi32, #tpu.memory_space<vmem>>
      %dma_start3A_41 = arith.constant 0 : i32
      %dma_start3A_42 = arith.constant 0 : i32
      %dma_start3A_43 = tpu.memref_slice %arg2[%dma_start3A_41, %dma_start3A_42] : memref<10000x128xf32, #tpu.memory_space<hbm>> -> memref<10000x128xf32, #tpu.memory_space<hbm>>
      tpu.enqueue_indirect_dma source(%dma_start3A_43 : memref<10000x128xf32, #tpu.memory_space<hbm>>) target(%arg9 : memref<128x128xf32, #tpu.memory_space<vmem>>) offsets(%dma_start3A_40 : memref<128xi32, #tpu.memory_space<vmem>>) semaphore(%arg12 : memref<!tpu.dma_semaphore, #tpu.memory_space<semaphore_mem>>)
      %dma_wait3A = arith.constant 0 : i32
      %dma_wait3A_44 = arith.constant 0 : i32
      %dma_wait3A_45 = tpu.memref_slice %arg6[%dma_wait3A, %dma_wait3A_44] : memref<16x128xi32, #tpu.memory_space<vmem>> -> memref<1x128xi32, #tpu.memory_space<vmem>>
      %dma_wait3A_46 = tpu.memref_squeeze %dma_wait3A_45 : memref<1x128xi32, #tpu.memory_space<vmem>> -> memref<128xi32, #tpu.memory_space<vmem>>
      %dma_wait3A_47 = arith.constant 0 : i32
      %dma_wait3A_48 = arith.constant 0 : i32
      %dma_wait3A_49 = tpu.memref_slice %arg2[%dma_wait3A_47, %dma_wait3A_48] : memref<10000x128xf32, #tpu.memory_space<hbm>> -> memref<10000x128xf32, #tpu.memory_space<hbm>>
      tpu.wait_indirect_dma semaphore(%arg11 : memref<!tpu.dma_semaphore, #tpu.memory_space<semaphore_mem>>) src(%dma_wait3A_49 : memref<10000x128xf32, #tpu.memory_space<hbm>>) dst(%arg8 : memref<128x128xf32, #tpu.memory_space<vmem>>)
      %run_scoped3A = arith.constant 0 : i32
      "tpu.region"() ({
        %run_scoped3A_268 = tpu.sem_alloc : memref<!tpu.dma_semaphore, #tpu.memory_space<semaphore_mem>>
        %dma_start3A_269 = arith.constant 0 : i32
        %dma_start3A_270 = tpu.memref_slice %arg7[%run_scoped3A, %dma_start3A_269] : memref<16x128xi32, #tpu.memory_space<vmem>> -> memref<1x128xi32, #tpu.memory_space<vmem>>
        %dma_start3A_271 = tpu.memref_squeeze %dma_start3A_270 : memref<1x128xi32, #tpu.memory_space<vmem>> -> memref<128xi32, #tpu.memory_space<vmem>>
        %dma_start3A_272 = arith.constant 0 : i32
        %dma_start3A_273 = arith.constant 0 : i32
        %dma_start3A_274 = tpu.memref_slice %arg10[%dma_start3A_272, %dma_start3A_273] : memref<10112x128xf32, #tpu.memory_space<vmem_shared>> -> memref<10112x128xf32, #tpu.memory_space<vmem_shared>>
        tpu.enqueue_indirect_dma source(%arg8 : memref<128x128xf32, #tpu.memory_space<vmem>>) target(%dma_start3A_274 : memref<10112x128xf32, #tpu.memory_space<vmem_shared>>) offsets(%dma_start3A_271 : memref<128xi32, #tpu.memory_space<vmem>>) semaphore(%run_scoped3A_268 : memref<!tpu.dma_semaphore, #tpu.memory_space<semaphore_mem>>) {add = true}
        %dma_wait3A_275 = arith.constant 0 : i32
        %dma_wait3A_276 = tpu.memref_slice %arg7[%run_scoped3A, %dma_wait3A_275] : memref<16x128xi32, #tpu.memory_space<vmem>> -> memref<1x128xi32, #tpu.memory_space<vmem>>
        %dma_wait3A_277 = tpu.memref_squeeze %dma_wait3A_276 : memref<1x128xi32, #tpu.memory_space<vmem>> -> memref<128xi32, #tpu.memory_space<vmem>>
        %dma_wait3A_278 = arith.constant 0 : i32
        %dma_wait3A_279 = arith.constant 0 : i32
        %dma_wait3A_280 = tpu.memref_slice %arg10[%dma_wait3A_278, %dma_wait3A_279] : memref<10112x128xf32, #tpu.memory_space<vmem_shared>> -> memref<10112x128xf32, #tpu.memory_space<vmem_shared>>
        tpu.wait_indirect_dma semaphore(%run_scoped3A_268 : memref<!tpu.dma_semaphore, #tpu.memory_space<semaphore_mem>>) src(%arg8 : memref<128x128xf32, #tpu.memory_space<vmem>>) dst(%dma_wait3A_280 : memref<10112x128xf32, #tpu.memory_space<vmem_shared>>)
        tpu.yield
      }) : () -> ()
      %dma_start3A_50 = arith.constant 2 : i32
      %dma_start3A_51 = arith.constant 0 : i32
      %dma_start3A_52 = tpu.memref_slice %arg6[%dma_start3A_50, %dma_start3A_51] : memref<16x128xi32, #tpu.memory_space<vmem>> -> memref<1x128xi32, #tpu.memory_space<vmem>>
      %dma_start3A_53 = tpu.memref_squeeze %dma_start3A_52 : memref<1x128xi32, #tpu.memory_space<vmem>> -> memref<128xi32, #tpu.memory_space<vmem>>
      %dma_start3A_54 = arith.constant 0 : i32
      %dma_start3A_55 = arith.constant 0 : i32
      %dma_start3A_56 = tpu.memref_slice %arg2[%dma_start3A_54, %dma_start3A_55] : memref<10000x128xf32, #tpu.memory_space<hbm>> -> memref<10000x128xf32, #tpu.memory_space<hbm>>
      tpu.enqueue_indirect_dma source(%dma_start3A_56 : memref<10000x128xf32, #tpu.memory_space<hbm>>) target(%arg8 : memref<128x128xf32, #tpu.memory_space<vmem>>) offsets(%dma_start3A_53 : memref<128xi32, #tpu.memory_space<vmem>>) semaphore(%arg11 : memref<!tpu.dma_semaphore, #tpu.memory_space<semaphore_mem>>)
      %dma_wait3A_57 = arith.constant 1 : i32
      %dma_wait3A_58 = arith.constant 0 : i32
      %dma_wait3A_59 = tpu.memref_slice %arg6[%dma_wait3A_57, %dma_wait3A_58] : memref<16x128xi32, #tpu.memory_space<vmem>> -> memref<1x128xi32, #tpu.memory_space<vmem>>
      %dma_wait3A_60 = tpu.memref_squeeze %dma_wait3A_59 : memref<1x128xi32, #tpu.memory_space<vmem>> -> memref<128xi32, #tpu.memory_space<vmem>>
      %dma_wait3A_61 = arith.constant 0 : i32
      %dma_wait3A_62 = arith.constant 0 : i32
      %dma_wait3A_63 = tpu.memref_slice %arg2[%dma_wait3A_61, %dma_wait3A_62] : memref<10000x128xf32, #tpu.memory_space<hbm>> -> memref<10000x128xf32, #tpu.memory_space<hbm>>
      tpu.wait_indirect_dma semaphore(%arg12 : memref<!tpu.dma_semaphore, #tpu.memory_space<semaphore_mem>>) src(%dma_wait3A_63 : memref<10000x128xf32, #tpu.memory_space<hbm>>) dst(%arg9 : memref<128x128xf32, #tpu.memory_space<vmem>>)
      %run_scoped3A_64 = arith.constant 1 : i32
      "tpu.region"() ({
        %run_scoped3A_268 = tpu.sem_alloc : memref<!tpu.dma_semaphore, #tpu.memory_space<semaphore_mem>>
        %dma_start3A_269 = arith.constant 0 : i32
        %dma_start3A_270 = tpu.memref_slice %arg7[%run_scoped3A_64, %dma_start3A_269] : memref<16x128xi32, #tpu.memory_space<vmem>> -> memref<1x128xi32, #tpu.memory_space<vmem>>
        %dma_start3A_271 = tpu.memref_squeeze %dma_start3A_270 : memref<1x128xi32, #tpu.memory_space<vmem>> -> memref<128xi32, #tpu.memory_space<vmem>>
        %dma_start3A_272 = arith.constant 0 : i32
        %dma_start3A_273 = arith.constant 0 : i32
        %dma_start3A_274 = tpu.memref_slice %arg10[%dma_start3A_272, %dma_start3A_273] : memref<10112x128xf32, #tpu.memory_space<vmem_shared>> -> memref<10112x128xf32, #tpu.memory_space<vmem_shared>>
        tpu.enqueue_indirect_dma source(%arg9 : memref<128x128xf32, #tpu.memory_space<vmem>>) target(%dma_start3A_274 : memref<10112x128xf32, #tpu.memory_space<vmem_shared>>) offsets(%dma_start3A_271 : memref<128xi32, #tpu.memory_space<vmem>>) semaphore(%run_scoped3A_268 : memref<!tpu.dma_semaphore, #tpu.memory_space<semaphore_mem>>) {add = true}
        %dma_wait3A_275 = arith.constant 0 : i32
        %dma_wait3A_276 = tpu.memref_slice %arg7[%run_scoped3A_64, %dma_wait3A_275] : memref<16x128xi32, #tpu.memory_space<vmem>> -> memref<1x128xi32, #tpu.memory_space<vmem>>
        %dma_wait3A_277 = tpu.memref_squeeze %dma_wait3A_276 : memref<1x128xi32, #tpu.memory_space<vmem>> -> memref<128xi32, #tpu.memory_space<vmem>>
        %dma_wait3A_278 = arith.constant 0 : i32
        %dma_wait3A_279 = arith.constant 0 : i32
        %dma_wait3A_280 = tpu.memref_slice %arg10[%dma_wait3A_278, %dma_wait3A_279] : memref<10112x128xf32, #tpu.memory_space<vmem_shared>> -> memref<10112x128xf32, #tpu.memory_space<vmem_shared>>
        tpu.wait_indirect_dma semaphore(%run_scoped3A_268 : memref<!tpu.dma_semaphore, #tpu.memory_space<semaphore_mem>>) src(%arg9 : memref<128x128xf32, #tpu.memory_space<vmem>>) dst(%dma_wait3A_280 : memref<10112x128xf32, #tpu.memory_space<vmem_shared>>)
        tpu.yield
      }) : () -> ()
      %dma_start3A_65 = arith.constant 3 : i32
      %dma_start3A_66 = arith.constant 0 : i32
      %dma_start3A_67 = tpu.memref_slice %arg6[%dma_start3A_65, %dma_start3A_66] : memref<16x128xi32, #tpu.memory_space<vmem>> -> memref<1x128xi32, #tpu.memory_space<vmem>>
      %dma_start3A_68 = tpu.memref_squeeze %dma_start3A_67 : memref<1x128xi32, #tpu.memory_space<vmem>> -> memref<128xi32, #tpu.memory_space<vmem>>
      %dma_start3A_69 = arith.constant 0 : i32
      %dma_start3A_70 = arith.constant 0 : i32
      %dma_start3A_71 = tpu.memref_slice %arg2[%dma_start3A_69, %dma_start3A_70] : memref<10000x128xf32, #tpu.memory_space<hbm>> -> memref<10000x128xf32, #tpu.memory_space<hbm>>
      tpu.enqueue_indirect_dma source(%dma_start3A_71 : memref<10000x128xf32, #tpu.memory_space<hbm>>) target(%arg9 : memref<128x128xf32, #tpu.memory_space<vmem>>) offsets(%dma_start3A_68 : memref<128xi32, #tpu.memory_space<vmem>>) semaphore(%arg12 : memref<!tpu.dma_semaphore, #tpu.memory_space<semaphore_mem>>)
      %dma_wait3A_72 = arith.constant 2 : i32
      %dma_wait3A_73 = arith.constant 0 : i32
      %dma_wait3A_74 = tpu.memref_slice %arg6[%dma_wait3A_72, %dma_wait3A_73] : memref<16x128xi32, #tpu.memory_space<vmem>> -> memref<1x128xi32, #tpu.memory_space<vmem>>
      %dma_wait3A_75 = tpu.memref_squeeze %dma_wait3A_74 : memref<1x128xi32, #tpu.memory_space<vmem>> -> memref<128xi32, #tpu.memory_space<vmem>>
      %dma_wait3A_76 = arith.constant 0 : i32
      %dma_wait3A_77 = arith.constant 0 : i32
      %dma_wait3A_78 = tpu.memref_slice %arg2[%dma_wait3A_76, %dma_wait3A_77] : memref<10000x128xf32, #tpu.memory_space<hbm>> -> memref<10000x128xf32, #tpu.memory_space<hbm>>
      tpu.wait_indirect_dma semaphore(%arg11 : memref<!tpu.dma_semaphore, #tpu.memory_space<semaphore_mem>>) src(%dma_wait3A_78 : memref<10000x128xf32, #tpu.memory_space<hbm>>) dst(%arg8 : memref<128x128xf32, #tpu.memory_space<vmem>>)
      %run_scoped3A_79 = arith.constant 2 : i32
      "tpu.region"() ({
        %run_scoped3A_268 = tpu.sem_alloc : memref<!tpu.dma_semaphore, #tpu.memory_space<semaphore_mem>>
        %dma_start3A_269 = arith.constant 0 : i32
        %dma_start3A_270 = tpu.memref_slice %arg7[%run_scoped3A_79, %dma_start3A_269] : memref<16x128xi32, #tpu.memory_space<vmem>> -> memref<1x128xi32, #tpu.memory_space<vmem>>
        %dma_start3A_271 = tpu.memref_squeeze %dma_start3A_270 : memref<1x128xi32, #tpu.memory_space<vmem>> -> memref<128xi32, #tpu.memory_space<vmem>>
        %dma_start3A_272 = arith.constant 0 : i32
        %dma_start3A_273 = arith.constant 0 : i32
        %dma_start3A_274 = tpu.memref_slice %arg10[%dma_start3A_272, %dma_start3A_273] : memref<10112x128xf32, #tpu.memory_space<vmem_shared>> -> memref<10112x128xf32, #tpu.memory_space<vmem_shared>>
        tpu.enqueue_indirect_dma source(%arg8 : memref<128x128xf32, #tpu.memory_space<vmem>>) target(%dma_start3A_274 : memref<10112x128xf32, #tpu.memory_space<vmem_shared>>) offsets(%dma_start3A_271 : memref<128xi32, #tpu.memory_space<vmem>>) semaphore(%run_scoped3A_268 : memref<!tpu.dma_semaphore, #tpu.memory_space<semaphore_mem>>) {add = true}
        %dma_wait3A_275 = arith.constant 0 : i32
        %dma_wait3A_276 = tpu.memref_slice %arg7[%run_scoped3A_79, %dma_wait3A_275] : memref<16x128xi32, #tpu.memory_space<vmem>> -> memref<1x128xi32, #tpu.memory_space<vmem>>
        %dma_wait3A_277 = tpu.memref_squeeze %dma_wait3A_276 : memref<1x128xi32, #tpu.memory_space<vmem>> -> memref<128xi32, #tpu.memory_space<vmem>>
        %dma_wait3A_278 = arith.constant 0 : i32
        %dma_wait3A_279 = arith.constant 0 : i32
        %dma_wait3A_280 = tpu.memref_slice %arg10[%dma_wait3A_278, %dma_wait3A_279] : memref<10112x128xf32, #tpu.memory_space<vmem_shared>> -> memref<10112x128xf32, #tpu.memory_space<vmem_shared>>
        tpu.wait_indirect_dma semaphore(%run_scoped3A_268 : memref<!tpu.dma_semaphore, #tpu.memory_space<semaphore_mem>>) src(%arg8 : memref<128x128xf32, #tpu.memory_space<vmem>>) dst(%dma_wait3A_280 : memref<10112x128xf32, #tpu.memory_space<vmem_shared>>)
        tpu.yield
      }) : () -> ()
      %dma_start3A_80 = arith.constant 4 : i32
      %dma_start3A_81 = arith.constant 0 : i32
      %dma_start3A_82 = tpu.memref_slice %arg6[%dma_start3A_80, %dma_start3A_81] : memref<16x128xi32, #tpu.memory_space<vmem>> -> memref<1x128xi32, #tpu.memory_space<vmem>>
      %dma_start3A_83 = tpu.memref_squeeze %dma_start3A_82 : memref<1x128xi32, #tpu.memory_space<vmem>> -> memref<128xi32, #tpu.memory_space<vmem>>
      %dma_start3A_84 = arith.constant 0 : i32
      %dma_start3A_85 = arith.constant 0 : i32
      %dma_start3A_86 = tpu.memref_slice %arg2[%dma_start3A_84, %dma_start3A_85] : memref<10000x128xf32, #tpu.memory_space<hbm>> -> memref<10000x128xf32, #tpu.memory_space<hbm>>
      tpu.enqueue_indirect_dma source(%dma_start3A_86 : memref<10000x128xf32, #tpu.memory_space<hbm>>) target(%arg8 : memref<128x128xf32, #tpu.memory_space<vmem>>) offsets(%dma_start3A_83 : memref<128xi32, #tpu.memory_space<vmem>>) semaphore(%arg11 : memref<!tpu.dma_semaphore, #tpu.memory_space<semaphore_mem>>)
      %dma_wait3A_87 = arith.constant 3 : i32
      %dma_wait3A_88 = arith.constant 0 : i32
      %dma_wait3A_89 = tpu.memref_slice %arg6[%dma_wait3A_87, %dma_wait3A_88] : memref<16x128xi32, #tpu.memory_space<vmem>> -> memref<1x128xi32, #tpu.memory_space<vmem>>
      %dma_wait3A_90 = tpu.memref_squeeze %dma_wait3A_89 : memref<1x128xi32, #tpu.memory_space<vmem>> -> memref<128xi32, #tpu.memory_space<vmem>>
      %dma_wait3A_91 = arith.constant 0 : i32
      %dma_wait3A_92 = arith.constant 0 : i32
      %dma_wait3A_93 = tpu.memref_slice %arg2[%dma_wait3A_91, %dma_wait3A_92] : memref<10000x128xf32, #tpu.memory_space<hbm>> -> memref<10000x128xf32, #tpu.memory_space<hbm>>
      tpu.wait_indirect_dma semaphore(%arg12 : memref<!tpu.dma_semaphore, #tpu.memory_space<semaphore_mem>>) src(%dma_wait3A_93 : memref<10000x128xf32, #tpu.memory_space<hbm>>) dst(%arg9 : memref<128x128xf32, #tpu.memory_space<vmem>>)
      %run_scoped3A_94 = arith.constant 3 : i32
      "tpu.region"() ({
        %run_scoped3A_268 = tpu.sem_alloc : memref<!tpu.dma_semaphore, #tpu.memory_space<semaphore_mem>>
        %dma_start3A_269 = arith.constant 0 : i32
        %dma_start3A_270 = tpu.memref_slice %arg7[%run_scoped3A_94, %dma_start3A_269] : memref<16x128xi32, #tpu.memory_space<vmem>> -> memref<1x128xi32, #tpu.memory_space<vmem>>
        %dma_start3A_271 = tpu.memref_squeeze %dma_start3A_270 : memref<1x128xi32, #tpu.memory_space<vmem>> -> memref<128xi32, #tpu.memory_space<vmem>>
        %dma_start3A_272 = arith.constant 0 : i32
        %dma_start3A_273 = arith.constant 0 : i32
        %dma_start3A_274 = tpu.memref_slice %arg10[%dma_start3A_272, %dma_start3A_273] : memref<10112x128xf32, #tpu.memory_space<vmem_shared>> -> memref<10112x128xf32, #tpu.memory_space<vmem_shared>>
        tpu.enqueue_indirect_dma source(%arg9 : memref<128x128xf32, #tpu.memory_space<vmem>>) target(%dma_start3A_274 : memref<10112x128xf32, #tpu.memory_space<vmem_shared>>) offsets(%dma_start3A_271 : memref<128xi32, #tpu.memory_space<vmem>>) semaphore(%run_scoped3A_268 : memref<!tpu.dma_semaphore, #tpu.memory_space<semaphore_mem>>) {add = true}
        %dma_wait3A_275 = arith.constant 0 : i32
        %dma_wait3A_276 = tpu.memref_slice %arg7[%run_scoped3A_94, %dma_wait3A_275] : memref<16x128xi32, #tpu.memory_space<vmem>> -> memref<1x128xi32, #tpu.memory_space<vmem>>
        %dma_wait3A_277 = tpu.memref_squeeze %dma_wait3A_276 : memref<1x128xi32, #tpu.memory_space<vmem>> -> memref<128xi32, #tpu.memory_space<vmem>>
        %dma_wait3A_278 = arith.constant 0 : i32
        %dma_wait3A_279 = arith.constant 0 : i32
        %dma_wait3A_280 = tpu.memref_slice %arg10[%dma_wait3A_278, %dma_wait3A_279] : memref<10112x128xf32, #tpu.memory_space<vmem_shared>> -> memref<10112x128xf32, #tpu.memory_space<vmem_shared>>
        tpu.wait_indirect_dma semaphore(%run_scoped3A_268 : memref<!tpu.dma_semaphore, #tpu.memory_space<semaphore_mem>>) src(%arg9 : memref<128x128xf32, #tpu.memory_space<vmem>>) dst(%dma_wait3A_280 : memref<10112x128xf32, #tpu.memory_space<vmem_shared>>)
        tpu.yield
      }) : () -> ()
      %dma_start3A_95 = arith.constant 5 : i32
      %dma_start3A_96 = arith.constant 0 : i32
      %dma_start3A_97 = tpu.memref_slice %arg6[%dma_start3A_95, %dma_start3A_96] : memref<16x128xi32, #tpu.memory_space<vmem>> -> memref<1x128xi32, #tpu.memory_space<vmem>>
      %dma_start3A_98 = tpu.memref_squeeze %dma_start3A_97 : memref<1x128xi32, #tpu.memory_space<vmem>> -> memref<128xi32, #tpu.memory_space<vmem>>
      %dma_start3A_99 = arith.constant 0 : i32
      %dma_start3A_100 = arith.constant 0 : i32
      %dma_start3A_101 = tpu.memref_slice %arg2[%dma_start3A_99, %dma_start3A_100] : memref<10000x128xf32, #tpu.memory_space<hbm>> -> memref<10000x128xf32, #tpu.memory_space<hbm>>
      tpu.enqueue_indirect_dma source(%dma_start3A_101 : memref<10000x128xf32, #tpu.memory_space<hbm>>) target(%arg9 : memref<128x128xf32, #tpu.memory_space<vmem>>) offsets(%dma_start3A_98 : memref<128xi32, #tpu.memory_space<vmem>>) semaphore(%arg12 : memref<!tpu.dma_semaphore, #tpu.memory_space<semaphore_mem>>)
      %dma_wait3A_102 = arith.constant 4 : i32
      %dma_wait3A_103 = arith.constant 0 : i32
      %dma_wait3A_104 = tpu.memref_slice %arg6[%dma_wait3A_102, %dma_wait3A_103] : memref<16x128xi32, #tpu.memory_space<vmem>> -> memref<1x128xi32, #tpu.memory_space<vmem>>
      %dma_wait3A_105 = tpu.memref_squeeze %dma_wait3A_104 : memref<1x128xi32, #tpu.memory_space<vmem>> -> memref<128xi32, #tpu.memory_space<vmem>>
      %dma_wait3A_106 = arith.constant 0 : i32
      %dma_wait3A_107 = arith.constant 0 : i32
      %dma_wait3A_108 = tpu.memref_slice %arg2[%dma_wait3A_106, %dma_wait3A_107] : memref<10000x128xf32, #tpu.memory_space<hbm>> -> memref<10000x128xf32, #tpu.memory_space<hbm>>
      tpu.wait_indirect_dma semaphore(%arg11 : memref<!tpu.dma_semaphore, #tpu.memory_space<semaphore_mem>>) src(%dma_wait3A_108 : memref<10000x128xf32, #tpu.memory_space<hbm>>) dst(%arg8 : memref<128x128xf32, #tpu.memory_space<vmem>>)
      %run_scoped3A_109 = arith.constant 4 : i32
      "tpu.region"() ({
        %run_scoped3A_268 = tpu.sem_alloc : memref<!tpu.dma_semaphore, #tpu.memory_space<semaphore_mem>>
        %dma_start3A_269 = arith.constant 0 : i32
        %dma_start3A_270 = tpu.memref_slice %arg7[%run_scoped3A_109, %dma_start3A_269] : memref<16x128xi32, #tpu.memory_space<vmem>> -> memref<1x128xi32, #tpu.memory_space<vmem>>
        %dma_start3A_271 = tpu.memref_squeeze %dma_start3A_270 : memref<1x128xi32, #tpu.memory_space<vmem>> -> memref<128xi32, #tpu.memory_space<vmem>>
        %dma_start3A_272 = arith.constant 0 : i32
        %dma_start3A_273 = arith.constant 0 : i32
        %dma_start3A_274 = tpu.memref_slice %arg10[%dma_start3A_272, %dma_start3A_273] : memref<10112x128xf32, #tpu.memory_space<vmem_shared>> -> memref<10112x128xf32, #tpu.memory_space<vmem_shared>>
        tpu.enqueue_indirect_dma source(%arg8 : memref<128x128xf32, #tpu.memory_space<vmem>>) target(%dma_start3A_274 : memref<10112x128xf32, #tpu.memory_space<vmem_shared>>) offsets(%dma_start3A_271 : memref<128xi32, #tpu.memory_space<vmem>>) semaphore(%run_scoped3A_268 : memref<!tpu.dma_semaphore, #tpu.memory_space<semaphore_mem>>) {add = true}
        %dma_wait3A_275 = arith.constant 0 : i32
        %dma_wait3A_276 = tpu.memref_slice %arg7[%run_scoped3A_109, %dma_wait3A_275] : memref<16x128xi32, #tpu.memory_space<vmem>> -> memref<1x128xi32, #tpu.memory_space<vmem>>
        %dma_wait3A_277 = tpu.memref_squeeze %dma_wait3A_276 : memref<1x128xi32, #tpu.memory_space<vmem>> -> memref<128xi32, #tpu.memory_space<vmem>>
        %dma_wait3A_278 = arith.constant 0 : i32
        %dma_wait3A_279 = arith.constant 0 : i32
        %dma_wait3A_280 = tpu.memref_slice %arg10[%dma_wait3A_278, %dma_wait3A_279] : memref<10112x128xf32, #tpu.memory_space<vmem_shared>> -> memref<10112x128xf32, #tpu.memory_space<vmem_shared>>
        tpu.wait_indirect_dma semaphore(%run_scoped3A_268 : memref<!tpu.dma_semaphore, #tpu.memory_space<semaphore_mem>>) src(%arg8 : memref<128x128xf32, #tpu.memory_space<vmem>>) dst(%dma_wait3A_280 : memref<10112x128xf32, #tpu.memory_space<vmem_shared>>)
        tpu.yield
      }) : () -> ()
      %dma_start3A_110 = arith.constant 6 : i32
      %dma_start3A_111 = arith.constant 0 : i32
      %dma_start3A_112 = tpu.memref_slice %arg6[%dma_start3A_110, %dma_start3A_111] : memref<16x128xi32, #tpu.memory_space<vmem>> -> memref<1x128xi32, #tpu.memory_space<vmem>>
      %dma_start3A_113 = tpu.memref_squeeze %dma_start3A_112 : memref<1x128xi32, #tpu.memory_space<vmem>> -> memref<128xi32, #tpu.memory_space<vmem>>
      %dma_start3A_114 = arith.constant 0 : i32
      %dma_start3A_115 = arith.constant 0 : i32
      %dma_start3A_116 = tpu.memref_slice %arg2[%dma_start3A_114, %dma_start3A_115] : memref<10000x128xf32, #tpu.memory_space<hbm>> -> memref<10000x128xf32, #tpu.memory_space<hbm>>
      tpu.enqueue_indirect_dma source(%dma_start3A_116 : memref<10000x128xf32, #tpu.memory_space<hbm>>) target(%arg8 : memref<128x128xf32, #tpu.memory_space<vmem>>) offsets(%dma_start3A_113 : memref<128xi32, #tpu.memory_space<vmem>>) semaphore(%arg11 : memref<!tpu.dma_semaphore, #tpu.memory_space<semaphore_mem>>)
      %dma_wait3A_117 = arith.constant 5 : i32
      %dma_wait3A_118 = arith.constant 0 : i32
      %dma_wait3A_119 = tpu.memref_slice %arg6[%dma_wait3A_117, %dma_wait3A_118] : memref<16x128xi32, #tpu.memory_space<vmem>> -> memref<1x128xi32, #tpu.memory_space<vmem>>
      %dma_wait3A_120 = tpu.memref_squeeze %dma_wait3A_119 : memref<1x128xi32, #tpu.memory_space<vmem>> -> memref<128xi32, #tpu.memory_space<vmem>>
      %dma_wait3A_121 = arith.constant 0 : i32
      %dma_wait3A_122 = arith.constant 0 : i32
      %dma_wait3A_123 = tpu.memref_slice %arg2[%dma_wait3A_121, %dma_wait3A_122] : memref<10000x128xf32, #tpu.memory_space<hbm>> -> memref<10000x128xf32, #tpu.memory_space<hbm>>
      tpu.wait_indirect_dma semaphore(%arg12 : memref<!tpu.dma_semaphore, #tpu.memory_space<semaphore_mem>>) src(%dma_wait3A_123 : memref<10000x128xf32, #tpu.memory_space<hbm>>) dst(%arg9 : memref<128x128xf32, #tpu.memory_space<vmem>>)
      %run_scoped3A_124 = arith.constant 5 : i32
      "tpu.region"() ({
        %run_scoped3A_268 = tpu.sem_alloc : memref<!tpu.dma_semaphore, #tpu.memory_space<semaphore_mem>>
        %dma_start3A_269 = arith.constant 0 : i32
        %dma_start3A_270 = tpu.memref_slice %arg7[%run_scoped3A_124, %dma_start3A_269] : memref<16x128xi32, #tpu.memory_space<vmem>> -> memref<1x128xi32, #tpu.memory_space<vmem>>
        %dma_start3A_271 = tpu.memref_squeeze %dma_start3A_270 : memref<1x128xi32, #tpu.memory_space<vmem>> -> memref<128xi32, #tpu.memory_space<vmem>>
        %dma_start3A_272 = arith.constant 0 : i32
        %dma_start3A_273 = arith.constant 0 : i32
        %dma_start3A_274 = tpu.memref_slice %arg10[%dma_start3A_272, %dma_start3A_273] : memref<10112x128xf32, #tpu.memory_space<vmem_shared>> -> memref<10112x128xf32, #tpu.memory_space<vmem_shared>>
        tpu.enqueue_indirect_dma source(%arg9 : memref<128x128xf32, #tpu.memory_space<vmem>>) target(%dma_start3A_274 : memref<10112x128xf32, #tpu.memory_space<vmem_shared>>) offsets(%dma_start3A_271 : memref<128xi32, #tpu.memory_space<vmem>>) semaphore(%run_scoped3A_268 : memref<!tpu.dma_semaphore, #tpu.memory_space<semaphore_mem>>) {add = true}
        %dma_wait3A_275 = arith.constant 0 : i32
        %dma_wait3A_276 = tpu.memref_slice %arg7[%run_scoped3A_124, %dma_wait3A_275] : memref<16x128xi32, #tpu.memory_space<vmem>> -> memref<1x128xi32, #tpu.memory_space<vmem>>
        %dma_wait3A_277 = tpu.memref_squeeze %dma_wait3A_276 : memref<1x128xi32, #tpu.memory_space<vmem>> -> memref<128xi32, #tpu.memory_space<vmem>>
        %dma_wait3A_278 = arith.constant 0 : i32
        %dma_wait3A_279 = arith.constant 0 : i32
        %dma_wait3A_280 = tpu.memref_slice %arg10[%dma_wait3A_278, %dma_wait3A_279] : memref<10112x128xf32, #tpu.memory_space<vmem_shared>> -> memref<10112x128xf32, #tpu.memory_space<vmem_shared>>
        tpu.wait_indirect_dma semaphore(%run_scoped3A_268 : memref<!tpu.dma_semaphore, #tpu.memory_space<semaphore_mem>>) src(%arg9 : memref<128x128xf32, #tpu.memory_space<vmem>>) dst(%dma_wait3A_280 : memref<10112x128xf32, #tpu.memory_space<vmem_shared>>)
        tpu.yield
      }) : () -> ()
      %dma_start3A_125 = arith.constant 7 : i32
      %dma_start3A_126 = arith.constant 0 : i32
      %dma_start3A_127 = tpu.memref_slice %arg6[%dma_start3A_125, %dma_start3A_126] : memref<16x128xi32, #tpu.memory_space<vmem>> -> memref<1x128xi32, #tpu.memory_space<vmem>>
      %dma_start3A_128 = tpu.memref_squeeze %dma_start3A_127 : memref<1x128xi32, #tpu.memory_space<vmem>> -> memref<128xi32, #tpu.memory_space<vmem>>
      %dma_start3A_129 = arith.constant 0 : i32
      %dma_start3A_130 = arith.constant 0 : i32
      %dma_start3A_131 = tpu.memref_slice %arg2[%dma_start3A_129, %dma_start3A_130] : memref<10000x128xf32, #tpu.memory_space<hbm>> -> memref<10000x128xf32, #tpu.memory_space<hbm>>
      tpu.enqueue_indirect_dma source(%dma_start3A_131 : memref<10000x128xf32, #tpu.memory_space<hbm>>) target(%arg9 : memref<128x128xf32, #tpu.memory_space<vmem>>) offsets(%dma_start3A_128 : memref<128xi32, #tpu.memory_space<vmem>>) semaphore(%arg12 : memref<!tpu.dma_semaphore, #tpu.memory_space<semaphore_mem>>)
      %dma_wait3A_132 = arith.constant 6 : i32
      %dma_wait3A_133 = arith.constant 0 : i32
      %dma_wait3A_134 = tpu.memref_slice %arg6[%dma_wait3A_132, %dma_wait3A_133] : memref<16x128xi32, #tpu.memory_space<vmem>> -> memref<1x128xi32, #tpu.memory_space<vmem>>
      %dma_wait3A_135 = tpu.memref_squeeze %dma_wait3A_134 : memref<1x128xi32, #tpu.memory_space<vmem>> -> memref<128xi32, #tpu.memory_space<vmem>>
      %dma_wait3A_136 = arith.constant 0 : i32
      %dma_wait3A_137 = arith.constant 0 : i32
      %dma_wait3A_138 = tpu.memref_slice %arg2[%dma_wait3A_136, %dma_wait3A_137] : memref<10000x128xf32, #tpu.memory_space<hbm>> -> memref<10000x128xf32, #tpu.memory_space<hbm>>
      tpu.wait_indirect_dma semaphore(%arg11 : memref<!tpu.dma_semaphore, #tpu.memory_space<semaphore_mem>>) src(%dma_wait3A_138 : memref<10000x128xf32, #tpu.memory_space<hbm>>) dst(%arg8 : memref<128x128xf32, #tpu.memory_space<vmem>>)
      %run_scoped3A_139 = arith.constant 6 : i32
      "tpu.region"() ({
        %run_scoped3A_268 = tpu.sem_alloc : memref<!tpu.dma_semaphore, #tpu.memory_space<semaphore_mem>>
        %dma_start3A_269 = arith.constant 0 : i32
        %dma_start3A_270 = tpu.memref_slice %arg7[%run_scoped3A_139, %dma_start3A_269] : memref<16x128xi32, #tpu.memory_space<vmem>> -> memref<1x128xi32, #tpu.memory_space<vmem>>
        %dma_start3A_271 = tpu.memref_squeeze %dma_start3A_270 : memref<1x128xi32, #tpu.memory_space<vmem>> -> memref<128xi32, #tpu.memory_space<vmem>>
        %dma_start3A_272 = arith.constant 0 : i32
        %dma_start3A_273 = arith.constant 0 : i32
        %dma_start3A_274 = tpu.memref_slice %arg10[%dma_start3A_272, %dma_start3A_273] : memref<10112x128xf32, #tpu.memory_space<vmem_shared>> -> memref<10112x128xf32, #tpu.memory_space<vmem_shared>>
        tpu.enqueue_indirect_dma source(%arg8 : memref<128x128xf32, #tpu.memory_space<vmem>>) target(%dma_start3A_274 : memref<10112x128xf32, #tpu.memory_space<vmem_shared>>) offsets(%dma_start3A_271 : memref<128xi32, #tpu.memory_space<vmem>>) semaphore(%run_scoped3A_268 : memref<!tpu.dma_semaphore, #tpu.memory_space<semaphore_mem>>) {add = true}
        %dma_wait3A_275 = arith.constant 0 : i32
        %dma_wait3A_276 = tpu.memref_slice %arg7[%run_scoped3A_139, %dma_wait3A_275] : memref<16x128xi32, #tpu.memory_space<vmem>> -> memref<1x128xi32, #tpu.memory_space<vmem>>
        %dma_wait3A_277 = tpu.memref_squeeze %dma_wait3A_276 : memref<1x128xi32, #tpu.memory_space<vmem>> -> memref<128xi32, #tpu.memory_space<vmem>>
        %dma_wait3A_278 = arith.constant 0 : i32
        %dma_wait3A_279 = arith.constant 0 : i32
        %dma_wait3A_280 = tpu.memref_slice %arg10[%dma_wait3A_278, %dma_wait3A_279] : memref<10112x128xf32, #tpu.memory_space<vmem_shared>> -> memref<10112x128xf32, #tpu.memory_space<vmem_shared>>
        tpu.wait_indirect_dma semaphore(%run_scoped3A_268 : memref<!tpu.dma_semaphore, #tpu.memory_space<semaphore_mem>>) src(%arg8 : memref<128x128xf32, #tpu.memory_space<vmem>>) dst(%dma_wait3A_280 : memref<10112x128xf32, #tpu.memory_space<vmem_shared>>)
        tpu.yield
      }) : () -> ()
      %dma_start3A_140 = arith.constant 8 : i32
      %dma_start3A_141 = arith.constant 0 : i32
      %dma_start3A_142 = tpu.memref_slice %arg6[%dma_start3A_140, %dma_start3A_141] : memref<16x128xi32, #tpu.memory_space<vmem>> -> memref<1x128xi32, #tpu.memory_space<vmem>>
      %dma_start3A_143 = tpu.memref_squeeze %dma_start3A_142 : memref<1x128xi32, #tpu.memory_space<vmem>> -> memref<128xi32, #tpu.memory_space<vmem>>
      %dma_start3A_144 = arith.constant 0 : i32
      %dma_start3A_145 = arith.constant 0 : i32
      %dma_start3A_146 = tpu.memref_slice %arg2[%dma_start3A_144, %dma_start3A_145] : memref<10000x128xf32, #tpu.memory_space<hbm>> -> memref<10000x128xf32, #tpu.memory_space<hbm>>
      tpu.enqueue_indirect_dma source(%dma_start3A_146 : memref<10000x128xf32, #tpu.memory_space<hbm>>) target(%arg8 : memref<128x128xf32, #tpu.memory_space<vmem>>) offsets(%dma_start3A_143 : memref<128xi32, #tpu.memory_space<vmem>>) semaphore(%arg11 : memref<!tpu.dma_semaphore, #tpu.memory_space<semaphore_mem>>)
      %dma_wait3A_147 = arith.constant 7 : i32
      %dma_wait3A_148 = arith.constant 0 : i32
      %dma_wait3A_149 = tpu.memref_slice %arg6[%dma_wait3A_147, %dma_wait3A_148] : memref<16x128xi32, #tpu.memory_space<vmem>> -> memref<1x128xi32, #tpu.memory_space<vmem>>
      %dma_wait3A_150 = tpu.memref_squeeze %dma_wait3A_149 : memref<1x128xi32, #tpu.memory_space<vmem>> -> memref<128xi32, #tpu.memory_space<vmem>>
      %dma_wait3A_151 = arith.constant 0 : i32
      %dma_wait3A_152 = arith.constant 0 : i32
      %dma_wait3A_153 = tpu.memref_slice %arg2[%dma_wait3A_151, %dma_wait3A_152] : memref<10000x128xf32, #tpu.memory_space<hbm>> -> memref<10000x128xf32, #tpu.memory_space<hbm>>
      tpu.wait_indirect_dma semaphore(%arg12 : memref<!tpu.dma_semaphore, #tpu.memory_space<semaphore_mem>>) src(%dma_wait3A_153 : memref<10000x128xf32, #tpu.memory_space<hbm>>) dst(%arg9 : memref<128x128xf32, #tpu.memory_space<vmem>>)
      %run_scoped3A_154 = arith.constant 7 : i32
      "tpu.region"() ({
        %run_scoped3A_268 = tpu.sem_alloc : memref<!tpu.dma_semaphore, #tpu.memory_space<semaphore_mem>>
        %dma_start3A_269 = arith.constant 0 : i32
        %dma_start3A_270 = tpu.memref_slice %arg7[%run_scoped3A_154, %dma_start3A_269] : memref<16x128xi32, #tpu.memory_space<vmem>> -> memref<1x128xi32, #tpu.memory_space<vmem>>
        %dma_start3A_271 = tpu.memref_squeeze %dma_start3A_270 : memref<1x128xi32, #tpu.memory_space<vmem>> -> memref<128xi32, #tpu.memory_space<vmem>>
        %dma_start3A_272 = arith.constant 0 : i32
        %dma_start3A_273 = arith.constant 0 : i32
        %dma_start3A_274 = tpu.memref_slice %arg10[%dma_start3A_272, %dma_start3A_273] : memref<10112x128xf32, #tpu.memory_space<vmem_shared>> -> memref<10112x128xf32, #tpu.memory_space<vmem_shared>>
        tpu.enqueue_indirect_dma source(%arg9 : memref<128x128xf32, #tpu.memory_space<vmem>>) target(%dma_start3A_274 : memref<10112x128xf32, #tpu.memory_space<vmem_shared>>) offsets(%dma_start3A_271 : memref<128xi32, #tpu.memory_space<vmem>>) semaphore(%run_scoped3A_268 : memref<!tpu.dma_semaphore, #tpu.memory_space<semaphore_mem>>) {add = true}
        %dma_wait3A_275 = arith.constant 0 : i32
        %dma_wait3A_276 = tpu.memref_slice %arg7[%run_scoped3A_154, %dma_wait3A_275] : memref<16x128xi32, #tpu.memory_space<vmem>> -> memref<1x128xi32, #tpu.memory_space<vmem>>
        %dma_wait3A_277 = tpu.memref_squeeze %dma_wait3A_276 : memref<1x128xi32, #tpu.memory_space<vmem>> -> memref<128xi32, #tpu.memory_space<vmem>>
        %dma_wait3A_278 = arith.constant 0 : i32
        %dma_wait3A_279 = arith.constant 0 : i32
        %dma_wait3A_280 = tpu.memref_slice %arg10[%dma_wait3A_278, %dma_wait3A_279] : memref<10112x128xf32, #tpu.memory_space<vmem_shared>> -> memref<10112x128xf32, #tpu.memory_space<vmem_shared>>
        tpu.wait_indirect_dma semaphore(%run_scoped3A_268 : memref<!tpu.dma_semaphore, #tpu.memory_space<semaphore_mem>>) src(%arg9 : memref<128x128xf32, #tpu.memory_space<vmem>>) dst(%dma_wait3A_280 : memref<10112x128xf32, #tpu.memory_space<vmem_shared>>)
        tpu.yield
      }) : () -> ()
      %dma_start3A_155 = arith.constant 9 : i32
      %dma_start3A_156 = arith.constant 0 : i32
      %dma_start3A_157 = tpu.memref_slice %arg6[%dma_start3A_155, %dma_start3A_156] : memref<16x128xi32, #tpu.memory_space<vmem>> -> memref<1x128xi32, #tpu.memory_space<vmem>>
      %dma_start3A_158 = tpu.memref_squeeze %dma_start3A_157 : memref<1x128xi32, #tpu.memory_space<vmem>> -> memref<128xi32, #tpu.memory_space<vmem>>
      %dma_start3A_159 = arith.constant 0 : i32
      %dma_start3A_160 = arith.constant 0 : i32
      %dma_start3A_161 = tpu.memref_slice %arg2[%dma_start3A_159, %dma_start3A_160] : memref<10000x128xf32, #tpu.memory_space<hbm>> -> memref<10000x128xf32, #tpu.memory_space<hbm>>
      tpu.enqueue_indirect_dma source(%dma_start3A_161 : memref<10000x128xf32, #tpu.memory_space<hbm>>) target(%arg9 : memref<128x128xf32, #tpu.memory_space<vmem>>) offsets(%dma_start3A_158 : memref<128xi32, #tpu.memory_space<vmem>>) semaphore(%arg12 : memref<!tpu.dma_semaphore, #tpu.memory_space<semaphore_mem>>)
      %dma_wait3A_162 = arith.constant 8 : i32
      %dma_wait3A_163 = arith.constant 0 : i32
      %dma_wait3A_164 = tpu.memref_slice %arg6[%dma_wait3A_162, %dma_wait3A_163] : memref<16x128xi32, #tpu.memory_space<vmem>> -> memref<1x128xi32, #tpu.memory_space<vmem>>
      %dma_wait3A_165 = tpu.memref_squeeze %dma_wait3A_164 : memref<1x128xi32, #tpu.memory_space<vmem>> -> memref<128xi32, #tpu.memory_space<vmem>>
      %dma_wait3A_166 = arith.constant 0 : i32
      %dma_wait3A_167 = arith.constant 0 : i32
      %dma_wait3A_168 = tpu.memref_slice %arg2[%dma_wait3A_166, %dma_wait3A_167] : memref<10000x128xf32, #tpu.memory_space<hbm>> -> memref<10000x128xf32, #tpu.memory_space<hbm>>
      tpu.wait_indirect_dma semaphore(%arg11 : memref<!tpu.dma_semaphore, #tpu.memory_space<semaphore_mem>>) src(%dma_wait3A_168 : memref<10000x128xf32, #tpu.memory_space<hbm>>) dst(%arg8 : memref<128x128xf32, #tpu.memory_space<vmem>>)
      %run_scoped3A_169 = arith.constant 8 : i32
      "tpu.region"() ({
        %run_scoped3A_268 = tpu.sem_alloc : memref<!tpu.dma_semaphore, #tpu.memory_space<semaphore_mem>>
        %dma_start3A_269 = arith.constant 0 : i32
        %dma_start3A_270 = tpu.memref_slice %arg7[%run_scoped3A_169, %dma_start3A_269] : memref<16x128xi32, #tpu.memory_space<vmem>> -> memref<1x128xi32, #tpu.memory_space<vmem>>
        %dma_start3A_271 = tpu.memref_squeeze %dma_start3A_270 : memref<1x128xi32, #tpu.memory_space<vmem>> -> memref<128xi32, #tpu.memory_space<vmem>>
        %dma_start3A_272 = arith.constant 0 : i32
        %dma_start3A_273 = arith.constant 0 : i32
        %dma_start3A_274 = tpu.memref_slice %arg10[%dma_start3A_272, %dma_start3A_273] : memref<10112x128xf32, #tpu.memory_space<vmem_shared>> -> memref<10112x128xf32, #tpu.memory_space<vmem_shared>>
        tpu.enqueue_indirect_dma source(%arg8 : memref<128x128xf32, #tpu.memory_space<vmem>>) target(%dma_start3A_274 : memref<10112x128xf32, #tpu.memory_space<vmem_shared>>) offsets(%dma_start3A_271 : memref<128xi32, #tpu.memory_space<vmem>>) semaphore(%run_scoped3A_268 : memref<!tpu.dma_semaphore, #tpu.memory_space<semaphore_mem>>) {add = true}
        %dma_wait3A_275 = arith.constant 0 : i32
        %dma_wait3A_276 = tpu.memref_slice %arg7[%run_scoped3A_169, %dma_wait3A_275] : memref<16x128xi32, #tpu.memory_space<vmem>> -> memref<1x128xi32, #tpu.memory_space<vmem>>
        %dma_wait3A_277 = tpu.memref_squeeze %dma_wait3A_276 : memref<1x128xi32, #tpu.memory_space<vmem>> -> memref<128xi32, #tpu.memory_space<vmem>>
        %dma_wait3A_278 = arith.constant 0 : i32
        %dma_wait3A_279 = arith.constant 0 : i32
        %dma_wait3A_280 = tpu.memref_slice %arg10[%dma_wait3A_278, %dma_wait3A_279] : memref<10112x128xf32, #tpu.memory_space<vmem_shared>> -> memref<10112x128xf32, #tpu.memory_space<vmem_shared>>
        tpu.wait_indirect_dma semaphore(%run_scoped3A_268 : memref<!tpu.dma_semaphore, #tpu.memory_space<semaphore_mem>>) src(%arg8 : memref<128x128xf32, #tpu.memory_space<vmem>>) dst(%dma_wait3A_280 : memref<10112x128xf32, #tpu.memory_space<vmem_shared>>)
        tpu.yield
      }) : () -> ()
      %dma_start3A_170 = arith.constant 10 : i32
      %dma_start3A_171 = arith.constant 0 : i32
      %dma_start3A_172 = tpu.memref_slice %arg6[%dma_start3A_170, %dma_start3A_171] : memref<16x128xi32, #tpu.memory_space<vmem>> -> memref<1x128xi32, #tpu.memory_space<vmem>>
      %dma_start3A_173 = tpu.memref_squeeze %dma_start3A_172 : memref<1x128xi32, #tpu.memory_space<vmem>> -> memref<128xi32, #tpu.memory_space<vmem>>
      %dma_start3A_174 = arith.constant 0 : i32
      %dma_start3A_175 = arith.constant 0 : i32
      %dma_start3A_176 = tpu.memref_slice %arg2[%dma_start3A_174, %dma_start3A_175] : memref<10000x128xf32, #tpu.memory_space<hbm>> -> memref<10000x128xf32, #tpu.memory_space<hbm>>
      tpu.enqueue_indirect_dma source(%dma_start3A_176 : memref<10000x128xf32, #tpu.memory_space<hbm>>) target(%arg8 : memref<128x128xf32, #tpu.memory_space<vmem>>) offsets(%dma_start3A_173 : memref<128xi32, #tpu.memory_space<vmem>>) semaphore(%arg11 : memref<!tpu.dma_semaphore, #tpu.memory_space<semaphore_mem>>)
      %dma_wait3A_177 = arith.constant 9 : i32
      %dma_wait3A_178 = arith.constant 0 : i32
      %dma_wait3A_179 = tpu.memref_slice %arg6[%dma_wait3A_177, %dma_wait3A_178] : memref<16x128xi32, #tpu.memory_space<vmem>> -> memref<1x128xi32, #tpu.memory_space<vmem>>
      %dma_wait3A_180 = tpu.memref_squeeze %dma_wait3A_179 : memref<1x128xi32, #tpu.memory_space<vmem>> -> memref<128xi32, #tpu.memory_space<vmem>>
      %dma_wait3A_181 = arith.constant 0 : i32
      %dma_wait3A_182 = arith.constant 0 : i32
      %dma_wait3A_183 = tpu.memref_slice %arg2[%dma_wait3A_181, %dma_wait3A_182] : memref<10000x128xf32, #tpu.memory_space<hbm>> -> memref<10000x128xf32, #tpu.memory_space<hbm>>
      tpu.wait_indirect_dma semaphore(%arg12 : memref<!tpu.dma_semaphore, #tpu.memory_space<semaphore_mem>>) src(%dma_wait3A_183 : memref<10000x128xf32, #tpu.memory_space<hbm>>) dst(%arg9 : memref<128x128xf32, #tpu.memory_space<vmem>>)
      %run_scoped3A_184 = arith.constant 9 : i32
      "tpu.region"() ({
        %run_scoped3A_268 = tpu.sem_alloc : memref<!tpu.dma_semaphore, #tpu.memory_space<semaphore_mem>>
        %dma_start3A_269 = arith.constant 0 : i32
        %dma_start3A_270 = tpu.memref_slice %arg7[%run_scoped3A_184, %dma_start3A_269] : memref<16x128xi32, #tpu.memory_space<vmem>> -> memref<1x128xi32, #tpu.memory_space<vmem>>
        %dma_start3A_271 = tpu.memref_squeeze %dma_start3A_270 : memref<1x128xi32, #tpu.memory_space<vmem>> -> memref<128xi32, #tpu.memory_space<vmem>>
        %dma_start3A_272 = arith.constant 0 : i32
        %dma_start3A_273 = arith.constant 0 : i32
        %dma_start3A_274 = tpu.memref_slice %arg10[%dma_start3A_272, %dma_start3A_273] : memref<10112x128xf32, #tpu.memory_space<vmem_shared>> -> memref<10112x128xf32, #tpu.memory_space<vmem_shared>>
        tpu.enqueue_indirect_dma source(%arg9 : memref<128x128xf32, #tpu.memory_space<vmem>>) target(%dma_start3A_274 : memref<10112x128xf32, #tpu.memory_space<vmem_shared>>) offsets(%dma_start3A_271 : memref<128xi32, #tpu.memory_space<vmem>>) semaphore(%run_scoped3A_268 : memref<!tpu.dma_semaphore, #tpu.memory_space<semaphore_mem>>) {add = true}
        %dma_wait3A_275 = arith.constant 0 : i32
        %dma_wait3A_276 = tpu.memref_slice %arg7[%run_scoped3A_184, %dma_wait3A_275] : memref<16x128xi32, #tpu.memory_space<vmem>> -> memref<1x128xi32, #tpu.memory_space<vmem>>
        %dma_wait3A_277 = tpu.memref_squeeze %dma_wait3A_276 : memref<1x128xi32, #tpu.memory_space<vmem>> -> memref<128xi32, #tpu.memory_space<vmem>>
        %dma_wait3A_278 = arith.constant 0 : i32
        %dma_wait3A_279 = arith.constant 0 : i32
        %dma_wait3A_280 = tpu.memref_slice %arg10[%dma_wait3A_278, %dma_wait3A_279] : memref<10112x128xf32, #tpu.memory_space<vmem_shared>> -> memref<10112x128xf32, #tpu.memory_space<vmem_shared>>
        tpu.wait_indirect_dma semaphore(%run_scoped3A_268 : memref<!tpu.dma_semaphore, #tpu.memory_space<semaphore_mem>>) src(%arg9 : memref<128x128xf32, #tpu.memory_space<vmem>>) dst(%dma_wait3A_280 : memref<10112x128xf32, #tpu.memory_space<vmem_shared>>)
        tpu.yield
      }) : () -> ()
      %dma_start3A_185 = arith.constant 11 : i32
      %dma_start3A_186 = arith.constant 0 : i32
      %dma_start3A_187 = tpu.memref_slice %arg6[%dma_start3A_185, %dma_start3A_186] : memref<16x128xi32, #tpu.memory_space<vmem>> -> memref<1x128xi32, #tpu.memory_space<vmem>>
      %dma_start3A_188 = tpu.memref_squeeze %dma_start3A_187 : memref<1x128xi32, #tpu.memory_space<vmem>> -> memref<128xi32, #tpu.memory_space<vmem>>
      %dma_start3A_189 = arith.constant 0 : i32
      %dma_start3A_190 = arith.constant 0 : i32
      %dma_start3A_191 = tpu.memref_slice %arg2[%dma_start3A_189, %dma_start3A_190] : memref<10000x128xf32, #tpu.memory_space<hbm>> -> memref<10000x128xf32, #tpu.memory_space<hbm>>
      tpu.enqueue_indirect_dma source(%dma_start3A_191 : memref<10000x128xf32, #tpu.memory_space<hbm>>) target(%arg9 : memref<128x128xf32, #tpu.memory_space<vmem>>) offsets(%dma_start3A_188 : memref<128xi32, #tpu.memory_space<vmem>>) semaphore(%arg12 : memref<!tpu.dma_semaphore, #tpu.memory_space<semaphore_mem>>)
      %dma_wait3A_192 = arith.constant 10 : i32
      %dma_wait3A_193 = arith.constant 0 : i32
      %dma_wait3A_194 = tpu.memref_slice %arg6[%dma_wait3A_192, %dma_wait3A_193] : memref<16x128xi32, #tpu.memory_space<vmem>> -> memref<1x128xi32, #tpu.memory_space<vmem>>
      %dma_wait3A_195 = tpu.memref_squeeze %dma_wait3A_194 : memref<1x128xi32, #tpu.memory_space<vmem>> -> memref<128xi32, #tpu.memory_space<vmem>>
      %dma_wait3A_196 = arith.constant 0 : i32
      %dma_wait3A_197 = arith.constant 0 : i32
      %dma_wait3A_198 = tpu.memref_slice %arg2[%dma_wait3A_196, %dma_wait3A_197] : memref<10000x128xf32, #tpu.memory_space<hbm>> -> memref<10000x128xf32, #tpu.memory_space<hbm>>
      tpu.wait_indirect_dma semaphore(%arg11 : memref<!tpu.dma_semaphore, #tpu.memory_space<semaphore_mem>>) src(%dma_wait3A_198 : memref<10000x128xf32, #tpu.memory_space<hbm>>) dst(%arg8 : memref<128x128xf32, #tpu.memory_space<vmem>>)
      %run_scoped3A_199 = arith.constant 10 : i32
      "tpu.region"() ({
        %run_scoped3A_268 = tpu.sem_alloc : memref<!tpu.dma_semaphore, #tpu.memory_space<semaphore_mem>>
        %dma_start3A_269 = arith.constant 0 : i32
        %dma_start3A_270 = tpu.memref_slice %arg7[%run_scoped3A_199, %dma_start3A_269] : memref<16x128xi32, #tpu.memory_space<vmem>> -> memref<1x128xi32, #tpu.memory_space<vmem>>
        %dma_start3A_271 = tpu.memref_squeeze %dma_start3A_270 : memref<1x128xi32, #tpu.memory_space<vmem>> -> memref<128xi32, #tpu.memory_space<vmem>>
        %dma_start3A_272 = arith.constant 0 : i32
        %dma_start3A_273 = arith.constant 0 : i32
        %dma_start3A_274 = tpu.memref_slice %arg10[%dma_start3A_272, %dma_start3A_273] : memref<10112x128xf32, #tpu.memory_space<vmem_shared>> -> memref<10112x128xf32, #tpu.memory_space<vmem_shared>>
        tpu.enqueue_indirect_dma source(%arg8 : memref<128x128xf32, #tpu.memory_space<vmem>>) target(%dma_start3A_274 : memref<10112x128xf32, #tpu.memory_space<vmem_shared>>) offsets(%dma_start3A_271 : memref<128xi32, #tpu.memory_space<vmem>>) semaphore(%run_scoped3A_268 : memref<!tpu.dma_semaphore, #tpu.memory_space<semaphore_mem>>) {add = true}
        %dma_wait3A_275 = arith.constant 0 : i32
        %dma_wait3A_276 = tpu.memref_slice %arg7[%run_scoped3A_199, %dma_wait3A_275] : memref<16x128xi32, #tpu.memory_space<vmem>> -> memref<1x128xi32, #tpu.memory_space<vmem>>
        %dma_wait3A_277 = tpu.memref_squeeze %dma_wait3A_276 : memref<1x128xi32, #tpu.memory_space<vmem>> -> memref<128xi32, #tpu.memory_space<vmem>>
        %dma_wait3A_278 = arith.constant 0 : i32
        %dma_wait3A_279 = arith.constant 0 : i32
        %dma_wait3A_280 = tpu.memref_slice %arg10[%dma_wait3A_278, %dma_wait3A_279] : memref<10112x128xf32, #tpu.memory_space<vmem_shared>> -> memref<10112x128xf32, #tpu.memory_space<vmem_shared>>
        tpu.wait_indirect_dma semaphore(%run_scoped3A_268 : memref<!tpu.dma_semaphore, #tpu.memory_space<semaphore_mem>>) src(%arg8 : memref<128x128xf32, #tpu.memory_space<vmem>>) dst(%dma_wait3A_280 : memref<10112x128xf32, #tpu.memory_space<vmem_shared>>)
        tpu.yield
      }) : () -> ()
      %dma_start3A_200 = arith.constant 12 : i32
      %dma_start3A_201 = arith.constant 0 : i32
      %dma_start3A_202 = tpu.memref_slice %arg6[%dma_start3A_200, %dma_start3A_201] : memref<16x128xi32, #tpu.memory_space<vmem>> -> memref<1x128xi32, #tpu.memory_space<vmem>>
      %dma_start3A_203 = tpu.memref_squeeze %dma_start3A_202 : memref<1x128xi32, #tpu.memory_space<vmem>> -> memref<128xi32, #tpu.memory_space<vmem>>
      %dma_start3A_204 = arith.constant 0 : i32
      %dma_start3A_205 = arith.constant 0 : i32
      %dma_start3A_206 = tpu.memref_slice %arg2[%dma_start3A_204, %dma_start3A_205] : memref<10000x128xf32, #tpu.memory_space<hbm>> -> memref<10000x128xf32, #tpu.memory_space<hbm>>
      tpu.enqueue_indirect_dma source(%dma_start3A_206 : memref<10000x128xf32, #tpu.memory_space<hbm>>) target(%arg8 : memref<128x128xf32, #tpu.memory_space<vmem>>) offsets(%dma_start3A_203 : memref<128xi32, #tpu.memory_space<vmem>>) semaphore(%arg11 : memref<!tpu.dma_semaphore, #tpu.memory_space<semaphore_mem>>)
      %dma_wait3A_207 = arith.constant 11 : i32
      %dma_wait3A_208 = arith.constant 0 : i32
      %dma_wait3A_209 = tpu.memref_slice %arg6[%dma_wait3A_207, %dma_wait3A_208] : memref<16x128xi32, #tpu.memory_space<vmem>> -> memref<1x128xi32, #tpu.memory_space<vmem>>
      %dma_wait3A_210 = tpu.memref_squeeze %dma_wait3A_209 : memref<1x128xi32, #tpu.memory_space<vmem>> -> memref<128xi32, #tpu.memory_space<vmem>>
      %dma_wait3A_211 = arith.constant 0 : i32
      %dma_wait3A_212 = arith.constant 0 : i32
      %dma_wait3A_213 = tpu.memref_slice %arg2[%dma_wait3A_211, %dma_wait3A_212] : memref<10000x128xf32, #tpu.memory_space<hbm>> -> memref<10000x128xf32, #tpu.memory_space<hbm>>
      tpu.wait_indirect_dma semaphore(%arg12 : memref<!tpu.dma_semaphore, #tpu.memory_space<semaphore_mem>>) src(%dma_wait3A_213 : memref<10000x128xf32, #tpu.memory_space<hbm>>) dst(%arg9 : memref<128x128xf32, #tpu.memory_space<vmem>>)
      %run_scoped3A_214 = arith.constant 11 : i32
      "tpu.region"() ({
        %run_scoped3A_268 = tpu.sem_alloc : memref<!tpu.dma_semaphore, #tpu.memory_space<semaphore_mem>>
        %dma_start3A_269 = arith.constant 0 : i32
        %dma_start3A_270 = tpu.memref_slice %arg7[%run_scoped3A_214, %dma_start3A_269] : memref<16x128xi32, #tpu.memory_space<vmem>> -> memref<1x128xi32, #tpu.memory_space<vmem>>
        %dma_start3A_271 = tpu.memref_squeeze %dma_start3A_270 : memref<1x128xi32, #tpu.memory_space<vmem>> -> memref<128xi32, #tpu.memory_space<vmem>>
        %dma_start3A_272 = arith.constant 0 : i32
        %dma_start3A_273 = arith.constant 0 : i32
        %dma_start3A_274 = tpu.memref_slice %arg10[%dma_start3A_272, %dma_start3A_273] : memref<10112x128xf32, #tpu.memory_space<vmem_shared>> -> memref<10112x128xf32, #tpu.memory_space<vmem_shared>>
        tpu.enqueue_indirect_dma source(%arg9 : memref<128x128xf32, #tpu.memory_space<vmem>>) target(%dma_start3A_274 : memref<10112x128xf32, #tpu.memory_space<vmem_shared>>) offsets(%dma_start3A_271 : memref<128xi32, #tpu.memory_space<vmem>>) semaphore(%run_scoped3A_268 : memref<!tpu.dma_semaphore, #tpu.memory_space<semaphore_mem>>) {add = true}
        %dma_wait3A_275 = arith.constant 0 : i32
        %dma_wait3A_276 = tpu.memref_slice %arg7[%run_scoped3A_214, %dma_wait3A_275] : memref<16x128xi32, #tpu.memory_space<vmem>> -> memref<1x128xi32, #tpu.memory_space<vmem>>
        %dma_wait3A_277 = tpu.memref_squeeze %dma_wait3A_276 : memref<1x128xi32, #tpu.memory_space<vmem>> -> memref<128xi32, #tpu.memory_space<vmem>>
        %dma_wait3A_278 = arith.constant 0 : i32
        %dma_wait3A_279 = arith.constant 0 : i32
        %dma_wait3A_280 = tpu.memref_slice %arg10[%dma_wait3A_278, %dma_wait3A_279] : memref<10112x128xf32, #tpu.memory_space<vmem_shared>> -> memref<10112x128xf32, #tpu.memory_space<vmem_shared>>
        tpu.wait_indirect_dma semaphore(%run_scoped3A_268 : memref<!tpu.dma_semaphore, #tpu.memory_space<semaphore_mem>>) src(%arg9 : memref<128x128xf32, #tpu.memory_space<vmem>>) dst(%dma_wait3A_280 : memref<10112x128xf32, #tpu.memory_space<vmem_shared>>)
        tpu.yield
      }) : () -> ()
      %dma_start3A_215 = arith.constant 13 : i32
      %dma_start3A_216 = arith.constant 0 : i32
      %dma_start3A_217 = tpu.memref_slice %arg6[%dma_start3A_215, %dma_start3A_216] : memref<16x128xi32, #tpu.memory_space<vmem>> -> memref<1x128xi32, #tpu.memory_space<vmem>>
      %dma_start3A_218 = tpu.memref_squeeze %dma_start3A_217 : memref<1x128xi32, #tpu.memory_space<vmem>> -> memref<128xi32, #tpu.memory_space<vmem>>
      %dma_start3A_219 = arith.constant 0 : i32
      %dma_start3A_220 = arith.constant 0 : i32
      %dma_start3A_221 = tpu.memref_slice %arg2[%dma_start3A_219, %dma_start3A_220] : memref<10000x128xf32, #tpu.memory_space<hbm>> -> memref<10000x128xf32, #tpu.memory_space<hbm>>
      tpu.enqueue_indirect_dma source(%dma_start3A_221 : memref<10000x128xf32, #tpu.memory_space<hbm>>) target(%arg9 : memref<128x128xf32, #tpu.memory_space<vmem>>) offsets(%dma_start3A_218 : memref<128xi32, #tpu.memory_space<vmem>>) semaphore(%arg12 : memref<!tpu.dma_semaphore, #tpu.memory_space<semaphore_mem>>)
      %dma_wait3A_222 = arith.constant 12 : i32
      %dma_wait3A_223 = arith.constant 0 : i32
      %dma_wait3A_224 = tpu.memref_slice %arg6[%dma_wait3A_222, %dma_wait3A_223] : memref<16x128xi32, #tpu.memory_space<vmem>> -> memref<1x128xi32, #tpu.memory_space<vmem>>
      %dma_wait3A_225 = tpu.memref_squeeze %dma_wait3A_224 : memref<1x128xi32, #tpu.memory_space<vmem>> -> memref<128xi32, #tpu.memory_space<vmem>>
      %dma_wait3A_226 = arith.constant 0 : i32
      %dma_wait3A_227 = arith.constant 0 : i32
      %dma_wait3A_228 = tpu.memref_slice %arg2[%dma_wait3A_226, %dma_wait3A_227] : memref<10000x128xf32, #tpu.memory_space<hbm>> -> memref<10000x128xf32, #tpu.memory_space<hbm>>
      tpu.wait_indirect_dma semaphore(%arg11 : memref<!tpu.dma_semaphore, #tpu.memory_space<semaphore_mem>>) src(%dma_wait3A_228 : memref<10000x128xf32, #tpu.memory_space<hbm>>) dst(%arg8 : memref<128x128xf32, #tpu.memory_space<vmem>>)
      %run_scoped3A_229 = arith.constant 12 : i32
      "tpu.region"() ({
        %run_scoped3A_268 = tpu.sem_alloc : memref<!tpu.dma_semaphore, #tpu.memory_space<semaphore_mem>>
        %dma_start3A_269 = arith.constant 0 : i32
        %dma_start3A_270 = tpu.memref_slice %arg7[%run_scoped3A_229, %dma_start3A_269] : memref<16x128xi32, #tpu.memory_space<vmem>> -> memref<1x128xi32, #tpu.memory_space<vmem>>
        %dma_start3A_271 = tpu.memref_squeeze %dma_start3A_270 : memref<1x128xi32, #tpu.memory_space<vmem>> -> memref<128xi32, #tpu.memory_space<vmem>>
        %dma_start3A_272 = arith.constant 0 : i32
        %dma_start3A_273 = arith.constant 0 : i32
        %dma_start3A_274 = tpu.memref_slice %arg10[%dma_start3A_272, %dma_start3A_273] : memref<10112x128xf32, #tpu.memory_space<vmem_shared>> -> memref<10112x128xf32, #tpu.memory_space<vmem_shared>>
        tpu.enqueue_indirect_dma source(%arg8 : memref<128x128xf32, #tpu.memory_space<vmem>>) target(%dma_start3A_274 : memref<10112x128xf32, #tpu.memory_space<vmem_shared>>) offsets(%dma_start3A_271 : memref<128xi32, #tpu.memory_space<vmem>>) semaphore(%run_scoped3A_268 : memref<!tpu.dma_semaphore, #tpu.memory_space<semaphore_mem>>) {add = true}
        %dma_wait3A_275 = arith.constant 0 : i32
        %dma_wait3A_276 = tpu.memref_slice %arg7[%run_scoped3A_229, %dma_wait3A_275] : memref<16x128xi32, #tpu.memory_space<vmem>> -> memref<1x128xi32, #tpu.memory_space<vmem>>
        %dma_wait3A_277 = tpu.memref_squeeze %dma_wait3A_276 : memref<1x128xi32, #tpu.memory_space<vmem>> -> memref<128xi32, #tpu.memory_space<vmem>>
        %dma_wait3A_278 = arith.constant 0 : i32
        %dma_wait3A_279 = arith.constant 0 : i32
        %dma_wait3A_280 = tpu.memref_slice %arg10[%dma_wait3A_278, %dma_wait3A_279] : memref<10112x128xf32, #tpu.memory_space<vmem_shared>> -> memref<10112x128xf32, #tpu.memory_space<vmem_shared>>
        tpu.wait_indirect_dma semaphore(%run_scoped3A_268 : memref<!tpu.dma_semaphore, #tpu.memory_space<semaphore_mem>>) src(%arg8 : memref<128x128xf32, #tpu.memory_space<vmem>>) dst(%dma_wait3A_280 : memref<10112x128xf32, #tpu.memory_space<vmem_shared>>)
        tpu.yield
      }) : () -> ()
      %dma_start3A_230 = arith.constant 14 : i32
      %dma_start3A_231 = arith.constant 0 : i32
      %dma_start3A_232 = tpu.memref_slice %arg6[%dma_start3A_230, %dma_start3A_231] : memref<16x128xi32, #tpu.memory_space<vmem>> -> memref<1x128xi32, #tpu.memory_space<vmem>>
      %dma_start3A_233 = tpu.memref_squeeze %dma_start3A_232 : memref<1x128xi32, #tpu.memory_space<vmem>> -> memref<128xi32, #tpu.memory_space<vmem>>
      %dma_start3A_234 = arith.constant 0 : i32
      %dma_start3A_235 = arith.constant 0 : i32
      %dma_start3A_236 = tpu.memref_slice %arg2[%dma_start3A_234, %dma_start3A_235] : memref<10000x128xf32, #tpu.memory_space<hbm>> -> memref<10000x128xf32, #tpu.memory_space<hbm>>
      tpu.enqueue_indirect_dma source(%dma_start3A_236 : memref<10000x128xf32, #tpu.memory_space<hbm>>) target(%arg8 : memref<128x128xf32, #tpu.memory_space<vmem>>) offsets(%dma_start3A_233 : memref<128xi32, #tpu.memory_space<vmem>>) semaphore(%arg11 : memref<!tpu.dma_semaphore, #tpu.memory_space<semaphore_mem>>)
      %dma_wait3A_237 = arith.constant 13 : i32
      %dma_wait3A_238 = arith.constant 0 : i32
      %dma_wait3A_239 = tpu.memref_slice %arg6[%dma_wait3A_237, %dma_wait3A_238] : memref<16x128xi32, #tpu.memory_space<vmem>> -> memref<1x128xi32, #tpu.memory_space<vmem>>
      %dma_wait3A_240 = tpu.memref_squeeze %dma_wait3A_239 : memref<1x128xi32, #tpu.memory_space<vmem>> -> memref<128xi32, #tpu.memory_space<vmem>>
      %dma_wait3A_241 = arith.constant 0 : i32
      %dma_wait3A_242 = arith.constant 0 : i32
      %dma_wait3A_243 = tpu.memref_slice %arg2[%dma_wait3A_241, %dma_wait3A_242] : memref<10000x128xf32, #tpu.memory_space<hbm>> -> memref<10000x128xf32, #tpu.memory_space<hbm>>
      tpu.wait_indirect_dma semaphore(%arg12 : memref<!tpu.dma_semaphore, #tpu.memory_space<semaphore_mem>>) src(%dma_wait3A_243 : memref<10000x128xf32, #tpu.memory_space<hbm>>) dst(%arg9 : memref<128x128xf32, #tpu.memory_space<vmem>>)
      %run_scoped3A_244 = arith.constant 13 : i32
      "tpu.region"() ({
        %run_scoped3A_268 = tpu.sem_alloc : memref<!tpu.dma_semaphore, #tpu.memory_space<semaphore_mem>>
        %dma_start3A_269 = arith.constant 0 : i32
        %dma_start3A_270 = tpu.memref_slice %arg7[%run_scoped3A_244, %dma_start3A_269] : memref<16x128xi32, #tpu.memory_space<vmem>> -> memref<1x128xi32, #tpu.memory_space<vmem>>
        %dma_start3A_271 = tpu.memref_squeeze %dma_start3A_270 : memref<1x128xi32, #tpu.memory_space<vmem>> -> memref<128xi32, #tpu.memory_space<vmem>>
        %dma_start3A_272 = arith.constant 0 : i32
        %dma_start3A_273 = arith.constant 0 : i32
        %dma_start3A_274 = tpu.memref_slice %arg10[%dma_start3A_272, %dma_start3A_273] : memref<10112x128xf32, #tpu.memory_space<vmem_shared>> -> memref<10112x128xf32, #tpu.memory_space<vmem_shared>>
        tpu.enqueue_indirect_dma source(%arg9 : memref<128x128xf32, #tpu.memory_space<vmem>>) target(%dma_start3A_274 : memref<10112x128xf32, #tpu.memory_space<vmem_shared>>) offsets(%dma_start3A_271 : memref<128xi32, #tpu.memory_space<vmem>>) semaphore(%run_scoped3A_268 : memref<!tpu.dma_semaphore, #tpu.memory_space<semaphore_mem>>) {add = true}
        %dma_wait3A_275 = arith.constant 0 : i32
        %dma_wait3A_276 = tpu.memref_slice %arg7[%run_scoped3A_244, %dma_wait3A_275] : memref<16x128xi32, #tpu.memory_space<vmem>> -> memref<1x128xi32, #tpu.memory_space<vmem>>
        %dma_wait3A_277 = tpu.memref_squeeze %dma_wait3A_276 : memref<1x128xi32, #tpu.memory_space<vmem>> -> memref<128xi32, #tpu.memory_space<vmem>>
        %dma_wait3A_278 = arith.constant 0 : i32
        %dma_wait3A_279 = arith.constant 0 : i32
        %dma_wait3A_280 = tpu.memref_slice %arg10[%dma_wait3A_278, %dma_wait3A_279] : memref<10112x128xf32, #tpu.memory_space<vmem_shared>> -> memref<10112x128xf32, #tpu.memory_space<vmem_shared>>
        tpu.wait_indirect_dma semaphore(%run_scoped3A_268 : memref<!tpu.dma_semaphore, #tpu.memory_space<semaphore_mem>>) src(%arg9 : memref<128x128xf32, #tpu.memory_space<vmem>>) dst(%dma_wait3A_280 : memref<10112x128xf32, #tpu.memory_space<vmem_shared>>)
        tpu.yield
      }) : () -> ()
      %dma_start3A_245 = arith.constant 15 : i32
      %dma_start3A_246 = arith.constant 0 : i32
      %dma_start3A_247 = tpu.memref_slice %arg6[%dma_start3A_245, %dma_start3A_246] : memref<16x128xi32, #tpu.memory_space<vmem>> -> memref<1x128xi32, #tpu.memory_space<vmem>>
      %dma_start3A_248 = tpu.memref_squeeze %dma_start3A_247 : memref<1x128xi32, #tpu.memory_space<vmem>> -> memref<128xi32, #tpu.memory_space<vmem>>
      %dma_start3A_249 = arith.constant 0 : i32
      %dma_start3A_250 = arith.constant 0 : i32
      %dma_start3A_251 = tpu.memref_slice %arg2[%dma_start3A_249, %dma_start3A_250] : memref<10000x128xf32, #tpu.memory_space<hbm>> -> memref<10000x128xf32, #tpu.memory_space<hbm>>
      tpu.enqueue_indirect_dma source(%dma_start3A_251 : memref<10000x128xf32, #tpu.memory_space<hbm>>) target(%arg9 : memref<128x128xf32, #tpu.memory_space<vmem>>) offsets(%dma_start3A_248 : memref<128xi32, #tpu.memory_space<vmem>>) semaphore(%arg12 : memref<!tpu.dma_semaphore, #tpu.memory_space<semaphore_mem>>)
      %dma_wait3A_252 = arith.constant 14 : i32
      %dma_wait3A_253 = arith.constant 0 : i32
      %dma_wait3A_254 = tpu.memref_slice %arg6[%dma_wait3A_252, %dma_wait3A_253] : memref<16x128xi32, #tpu.memory_space<vmem>> -> memref<1x128xi32, #tpu.memory_space<vmem>>
      %dma_wait3A_255 = tpu.memref_squeeze %dma_wait3A_254 : memref<1x128xi32, #tpu.memory_space<vmem>> -> memref<128xi32, #tpu.memory_space<vmem>>
      %dma_wait3A_256 = arith.constant 0 : i32
      %dma_wait3A_257 = arith.constant 0 : i32
      %dma_wait3A_258 = tpu.memref_slice %arg2[%dma_wait3A_256, %dma_wait3A_257] : memref<10000x128xf32, #tpu.memory_space<hbm>> -> memref<10000x128xf32, #tpu.memory_space<hbm>>
      tpu.wait_indirect_dma semaphore(%arg11 : memref<!tpu.dma_semaphore, #tpu.memory_space<semaphore_mem>>) src(%dma_wait3A_258 : memref<10000x128xf32, #tpu.memory_space<hbm>>) dst(%arg8 : memref<128x128xf32, #tpu.memory_space<vmem>>)
      %run_scoped3A_259 = arith.constant 14 : i32
      "tpu.region"() ({
        %run_scoped3A_268 = tpu.sem_alloc : memref<!tpu.dma_semaphore, #tpu.memory_space<semaphore_mem>>
        %dma_start3A_269 = arith.constant 0 : i32
        %dma_start3A_270 = tpu.memref_slice %arg7[%run_scoped3A_259, %dma_start3A_269] : memref<16x128xi32, #tpu.memory_space<vmem>> -> memref<1x128xi32, #tpu.memory_space<vmem>>
        %dma_start3A_271 = tpu.memref_squeeze %dma_start3A_270 : memref<1x128xi32, #tpu.memory_space<vmem>> -> memref<128xi32, #tpu.memory_space<vmem>>
        %dma_start3A_272 = arith.constant 0 : i32
        %dma_start3A_273 = arith.constant 0 : i32
        %dma_start3A_274 = tpu.memref_slice %arg10[%dma_start3A_272, %dma_start3A_273] : memref<10112x128xf32, #tpu.memory_space<vmem_shared>> -> memref<10112x128xf32, #tpu.memory_space<vmem_shared>>
        tpu.enqueue_indirect_dma source(%arg8 : memref<128x128xf32, #tpu.memory_space<vmem>>) target(%dma_start3A_274 : memref<10112x128xf32, #tpu.memory_space<vmem_shared>>) offsets(%dma_start3A_271 : memref<128xi32, #tpu.memory_space<vmem>>) semaphore(%run_scoped3A_268 : memref<!tpu.dma_semaphore, #tpu.memory_space<semaphore_mem>>) {add = true}
        %dma_wait3A_275 = arith.constant 0 : i32
        %dma_wait3A_276 = tpu.memref_slice %arg7[%run_scoped3A_259, %dma_wait3A_275] : memref<16x128xi32, #tpu.memory_space<vmem>> -> memref<1x128xi32, #tpu.memory_space<vmem>>
        %dma_wait3A_277 = tpu.memref_squeeze %dma_wait3A_276 : memref<1x128xi32, #tpu.memory_space<vmem>> -> memref<128xi32, #tpu.memory_space<vmem>>
        %dma_wait3A_278 = arith.constant 0 : i32
        %dma_wait3A_279 = arith.constant 0 : i32
        %dma_wait3A_280 = tpu.memref_slice %arg10[%dma_wait3A_278, %dma_wait3A_279] : memref<10112x128xf32, #tpu.memory_space<vmem_shared>> -> memref<10112x128xf32, #tpu.memory_space<vmem_shared>>
        tpu.wait_indirect_dma semaphore(%run_scoped3A_268 : memref<!tpu.dma_semaphore, #tpu.memory_space<semaphore_mem>>) src(%arg8 : memref<128x128xf32, #tpu.memory_space<vmem>>) dst(%dma_wait3A_280 : memref<10112x128xf32, #tpu.memory_space<vmem_shared>>)
        tpu.yield
      }) : () -> ()
      %dma_wait3A_260 = arith.constant 15 : i32
      %dma_wait3A_261 = arith.constant 0 : i32
      %dma_wait3A_262 = tpu.memref_slice %arg6[%dma_wait3A_260, %dma_wait3A_261] : memref<16x128xi32, #tpu.memory_space<vmem>> -> memref<1x128xi32, #tpu.memory_space<vmem>>
      %dma_wait3A_263 = tpu.memref_squeeze %dma_wait3A_262 : memref<1x128xi32, #tpu.memory_space<vmem>> -> memref<128xi32, #tpu.memory_space<vmem>>
      %dma_wait3A_264 = arith.constant 0 : i32
      %dma_wait3A_265 = arith.constant 0 : i32
      %dma_wait3A_266 = tpu.memref_slice %arg2[%dma_wait3A_264, %dma_wait3A_265] : memref<10000x128xf32, #tpu.memory_space<hbm>> -> memref<10000x128xf32, #tpu.memory_space<hbm>>
      tpu.wait_indirect_dma semaphore(%arg12 : memref<!tpu.dma_semaphore, #tpu.memory_space<semaphore_mem>>) src(%dma_wait3A_266 : memref<10000x128xf32, #tpu.memory_space<hbm>>) dst(%arg9 : memref<128x128xf32, #tpu.memory_space<vmem>>)
      %run_scoped3A_267 = arith.constant 15 : i32
      "tpu.region"() ({
        %run_scoped3A_268 = tpu.sem_alloc : memref<!tpu.dma_semaphore, #tpu.memory_space<semaphore_mem>>
        %dma_start3A_269 = arith.constant 0 : i32
        %dma_start3A_270 = tpu.memref_slice %arg7[%run_scoped3A_267, %dma_start3A_269] : memref<16x128xi32, #tpu.memory_space<vmem>> -> memref<1x128xi32, #tpu.memory_space<vmem>>
        %dma_start3A_271 = tpu.memref_squeeze %dma_start3A_270 : memref<1x128xi32, #tpu.memory_space<vmem>> -> memref<128xi32, #tpu.memory_space<vmem>>
        %dma_start3A_272 = arith.constant 0 : i32
        %dma_start3A_273 = arith.constant 0 : i32
        %dma_start3A_274 = tpu.memref_slice %arg10[%dma_start3A_272, %dma_start3A_273] : memref<10112x128xf32, #tpu.memory_space<vmem_shared>> -> memref<10112x128xf32, #tpu.memory_space<vmem_shared>>
        tpu.enqueue_indirect_dma source(%arg9 : memref<128x128xf32, #tpu.memory_space<vmem>>) target(%dma_start3A_274 : memref<10112x128xf32, #tpu.memory_space<vmem_shared>>) offsets(%dma_start3A_271 : memref<128xi32, #tpu.memory_space<vmem>>) semaphore(%run_scoped3A_268 : memref<!tpu.dma_semaphore, #tpu.memory_space<semaphore_mem>>) {add = true}
        %dma_wait3A_275 = arith.constant 0 : i32
        %dma_wait3A_276 = tpu.memref_slice %arg7[%run_scoped3A_267, %dma_wait3A_275] : memref<16x128xi32, #tpu.memory_space<vmem>> -> memref<1x128xi32, #tpu.memory_space<vmem>>
        %dma_wait3A_277 = tpu.memref_squeeze %dma_wait3A_276 : memref<1x128xi32, #tpu.memory_space<vmem>> -> memref<128xi32, #tpu.memory_space<vmem>>
        %dma_wait3A_278 = arith.constant 0 : i32
        %dma_wait3A_279 = arith.constant 0 : i32
        %dma_wait3A_280 = tpu.memref_slice %arg10[%dma_wait3A_278, %dma_wait3A_279] : memref<10112x128xf32, #tpu.memory_space<vmem_shared>> -> memref<10112x128xf32, #tpu.memory_space<vmem_shared>>
        tpu.wait_indirect_dma semaphore(%run_scoped3A_268 : memref<!tpu.dma_semaphore, #tpu.memory_space<semaphore_mem>>) src(%arg9 : memref<128x128xf32, #tpu.memory_space<vmem>>) dst(%dma_wait3A_280 : memref<10112x128xf32, #tpu.memory_space<vmem_shared>>)
        tpu.yield
      }) : () -> ()
    }
    %scan3A_24 = arith.constant 5 : i32
    %barrier3A_25 = arith.constant 0 : index
    tpu.barrier barrier_id(%barrier3A_25)
    "tpu.region"() ({
      %run_scoped3A = tpu.sem_alloc : memref<!tpu.dma_semaphore, #tpu.memory_space<semaphore_mem>>
      %dma_start3A = arith.constant 0 : i32
      %dma_start3A_26 = tpu.memref_slice %arg5[%arg0, %mul3A_2, %dma_start3A] : memref<2x10112x128xf32, #tpu.memory_space<hbm>> -> memref<1x632x128xf32, #tpu.memory_space<hbm>>
      %dma_start3A_27 = tpu.memref_squeeze %dma_start3A_26 : memref<1x632x128xf32, #tpu.memory_space<hbm>> -> memref<632x128xf32, #tpu.memory_space<hbm>>
      %dma_start3A_28 = arith.constant 0 : i32
      %dma_start3A_29 = tpu.memref_slice %arg10[%mul3A_2, %dma_start3A_28] : memref<10112x128xf32, #tpu.memory_space<vmem_shared>> -> memref<632x128xf32, #tpu.memory_space<vmem_shared>>
      tpu.enqueue_dma source(%dma_start3A_29 : memref<632x128xf32, #tpu.memory_space<vmem_shared>>) target(%dma_start3A_27 : memref<632x128xf32, #tpu.memory_space<hbm>>) target_semaphore(%run_scoped3A : memref<!tpu.dma_semaphore, #tpu.memory_space<semaphore_mem>>)
      %dma_wait3A = arith.constant 0 : i32
      %dma_wait3A_30 = tpu.memref_slice %arg5[%arg0, %mul3A_2, %dma_wait3A] : memref<2x10112x128xf32, #tpu.memory_space<hbm>> -> memref<1x632x128xf32, #tpu.memory_space<hbm>>
      %dma_wait3A_31 = tpu.memref_squeeze %dma_wait3A_30 : memref<1x632x128xf32, #tpu.memory_space<hbm>> -> memref<632x128xf32, #tpu.memory_space<hbm>>
      %dma_wait3A_32 = arith.constant 0 : i32
      %dma_wait3A_33 = tpu.memref_slice %arg10[%mul3A_2, %dma_wait3A_32] : memref<10112x128xf32, #tpu.memory_space<vmem_shared>> -> memref<632x128xf32, #tpu.memory_space<vmem_shared>>
      tpu.wait_dma2 semaphore(%run_scoped3A : memref<!tpu.dma_semaphore, #tpu.memory_space<semaphore_mem>>) src(%dma_wait3A_33 : memref<632x128xf32, #tpu.memory_space<vmem_shared>>) dst(%dma_wait3A_31 : memref<632x128xf32, #tpu.memory_space<hbm>>)
      tpu.yield
    }) : () -> ()
    return
  }
}

module attributes {stable_mosaic.version = 14 : i64} {
  func.func @tc_body(%arg0: i32, %arg1: memref<2x2000x128xf32, #tpu.memory_space<vmem>>, %arg2: memref<2x2000x16xf32, #tpu.memory_space<vmem>>, %arg3: memref<2000x128xf32, #tpu.memory_space<vmem>>, %arg4: memref<128x128xf32, #tpu.memory_space<vmem>>, %arg5: memref<128x128xf32, #tpu.memory_space<vmem>>, %arg6: memref<1x128xf32, #tpu.memory_space<vmem>>, %arg7: memref<2000x128xf32, #tpu.memory_space<vmem>>) attributes {dimension_semantics = [#tpu.dimension_semantics<arbitrary>], iteration_bounds = array<i64: 5>, scalar_prefetch = 0 : i64, scratch_operands = 0 : i64, tpu.core_type = #tpu.core_type<tc>, window_params = [{transform_indices = @transform_0, window_bounds = array<i64: 2, 2000, 128>}, {transform_indices = @transform_1, window_bounds = array<i64: 2, 2000, 16>}, {transform_indices = @transform_2, window_bounds = array<i64: 2000, 128>}, {pipeline_mode = #tpu.pipeline_mode<synchronous>, transform_indices = @transform_3, window_bounds = array<i64: 128, 128>}, {pipeline_mode = #tpu.pipeline_mode<synchronous>, transform_indices = @transform_4, window_bounds = array<i64: 128, 128>}, {pipeline_mode = #tpu.pipeline_mode<synchronous>, transform_indices = @transform_5, window_bounds = array<i64: 1, 128>}, {transform_indices = @transform_6, window_bounds = array<i64: 2000, 128>}]} {
    %get3A = arith.constant 0 : index
    %get3A_0 = arith.constant 0 : index
    %get3A_1 = arith.constant 0 : index
    %get3A_2 = vector.load %arg1[%get3A, %get3A_0, %get3A_1] : memref<2x2000x128xf32, #tpu.memory_space<vmem>>, vector<1x2000x128xf32>
    %get3A_3 = vector.shape_cast %get3A_2 : vector<1x2000x128xf32> to vector<2000x128xf32>
    %get3A_4 = arith.constant 1 : index
    %get3A_5 = arith.constant 0 : index
    %get3A_6 = arith.constant 0 : index
    %get3A_7 = vector.load %arg1[%get3A_4, %get3A_5, %get3A_6] : memref<2x2000x128xf32, #tpu.memory_space<vmem>>, vector<1x2000x128xf32>
    %get3A_8 = vector.shape_cast %get3A_7 : vector<1x2000x128xf32> to vector<2000x128xf32>
    %add3A = arith.addf %get3A_3, %get3A_8 : vector<2000x128xf32>
    %get3A_9 = arith.constant 0 : index
    %get3A_10 = arith.constant 0 : index
    %get3A_11 = arith.constant 0 : index
    %get3A_12 = vector.load %arg2[%get3A_9, %get3A_10, %get3A_11] : memref<2x2000x16xf32, #tpu.memory_space<vmem>>, vector<1x2000x16xf32>
    %get3A_13 = vector.shape_cast %get3A_12 : vector<1x2000x16xf32> to vector<2000x16xf32>
    %get3A_14 = arith.constant 1 : index
    %get3A_15 = arith.constant 0 : index
    %get3A_16 = arith.constant 0 : index
    %get3A_17 = vector.load %arg2[%get3A_14, %get3A_15, %get3A_16] : memref<2x2000x16xf32, #tpu.memory_space<vmem>>, vector<1x2000x16xf32>
    %get3A_18 = vector.shape_cast %get3A_17 : vector<1x2000x16xf32> to vector<2000x16xf32>
    %add3A_19 = arith.addf %get3A_13, %get3A_18 : vector<2000x16xf32>
    %slice3A = vector.extract_strided_slice %add3A_19 {offsets = [0, 0], sizes = [2000, 1], strides = [1, 1]} : vector<2000x16xf32> to vector<2000x1xf32>
    %max3A = arith.constant 1.000000e+00 : f32
    %max3A_20 = vector.broadcast %max3A : f32 to vector<2000x1xf32>
    %max3A_21 = arith.maximumf %slice3A, %max3A_20 : vector<2000x1xf32>
    %div3A = vector.broadcast %max3A_21 : vector<2000x1xf32> to vector<2000x128xf32>
    %div3A_22 = arith.divf %add3A, %div3A : vector<2000x128xf32>
    %get3A_23 = arith.constant 0 : index
    %get3A_24 = arith.constant 0 : index
    %get3A_25 = vector.load %arg3[%get3A_23, %get3A_24] : memref<2000x128xf32, #tpu.memory_space<vmem>>, vector<2000x128xf32>
    %get3A_26 = arith.constant 0 : index
    %get3A_27 = arith.constant 0 : index
    %get3A_28 = vector.load %arg4[%get3A_26, %get3A_27] : memref<128x128xf32, #tpu.memory_space<vmem>>, vector<128x128xf32>
    %dot_general3A = arith.constant dense<0.000000e+00> : vector<2000x128xf32>
    %dot_general3A_29 = tpu.matmul %div3A_22, %get3A_28, %dot_general3A {dimension_numbers = #tpu.dot_dimension_numbers<[1], [0], [0], [1], [0, 0, 1, 1], [], []>, transpose_lhs_hint = false} : vector<2000x128xf32>, vector<128x128xf32>, vector<2000x128xf32> -> vector<2000x128xf32>
    %get3A_30 = arith.constant 0 : index
    %get3A_31 = arith.constant 0 : index
    %get3A_32 = vector.load %arg5[%get3A_30, %get3A_31] : memref<128x128xf32, #tpu.memory_space<vmem>>, vector<128x128xf32>
    %dot_general3A_33 = arith.constant dense<0.000000e+00> : vector<2000x128xf32>
    %dot_general3A_34 = tpu.matmul %get3A_25, %get3A_32, %dot_general3A_33 {dimension_numbers = #tpu.dot_dimension_numbers<[1], [0], [0], [1], [0, 0, 1, 1], [], []>, transpose_lhs_hint = false} : vector<2000x128xf32>, vector<128x128xf32>, vector<2000x128xf32> -> vector<2000x128xf32>
    %add3A_35 = arith.addf %dot_general3A_29, %dot_general3A_34 : vector<2000x128xf32>
    %get3A_36 = arith.constant 0 : index
    %get3A_37 = arith.constant 0 : index
    %get3A_38 = vector.load %arg6[%get3A_36, %get3A_37] : memref<1x128xf32, #tpu.memory_space<vmem>>, vector<1x128xf32>
    %add3A_39 = vector.broadcast %get3A_38 : vector<1x128xf32> to vector<2000x128xf32>
    %add3A_40 = arith.addf %add3A_35, %add3A_39 : vector<2000x128xf32>
    %max3A_41 = arith.constant 0.000000e+00 : f32
    %max3A_42 = vector.broadcast %max3A_41 : f32 to vector<2000x128xf32>
    %max3A_43 = arith.maximumf %add3A_40, %max3A_42 : vector<2000x128xf32>
    %add3A_44 = arith.addf %max3A_43, %get3A_25 : vector<2000x128xf32>
    %swap3A = arith.constant 0 : index
    %swap3A_45 = arith.constant 0 : index
    %swap3A_46 = vector.load %arg7[%swap3A, %swap3A_45] : memref<2000x128xf32, #tpu.memory_space<vmem>>, vector<2000x128xf32>
    tpu.vector_store %arg7[%swap3A, %swap3A_45], %add3A_44 {strides = array<i32>} : memref<2000x128xf32, #tpu.memory_space<vmem>>, vector<2000x128xf32>,
    return
  }
  func.func @transform_0(%arg0: i32) -> (i32, i32, i32) {
    %c0_i32 = arith.constant 0 : i32
    %c0_i32_0 = arith.constant 0 : i32
    %c0_i32_1 = arith.constant 0 : i32
    return %c0_i32, %arg0, %c0_i32_0 : i32, i32, i32
  }
  func.func @transform_1(%arg0: i32) -> (i32, i32, i32) {
    %c0_i32 = arith.constant 0 : i32
    %c0_i32_0 = arith.constant 0 : i32
    %c0_i32_1 = arith.constant 0 : i32
    return %c0_i32, %arg0, %c0_i32_0 : i32, i32, i32
  }
  func.func @transform_2(%arg0: i32) -> (i32, i32) {
    %c0_i32 = arith.constant 0 : i32
    %c0_i32_0 = arith.constant 0 : i32
    return %arg0, %c0_i32 : i32, i32
  }
  func.func @transform_3(%arg0: i32) -> (i32, i32) {
    %c0_i32 = arith.constant 0 : i32
    %c0_i32_0 = arith.constant 0 : i32
    %c0_i32_1 = arith.constant 0 : i32
    return %c0_i32, %c0_i32_0 : i32, i32
  }
  func.func @transform_4(%arg0: i32) -> (i32, i32) {
    %c0_i32 = arith.constant 0 : i32
    %c0_i32_0 = arith.constant 0 : i32
    %c0_i32_1 = arith.constant 0 : i32
    return %c0_i32, %c0_i32_0 : i32, i32
  }
  func.func @transform_5(%arg0: i32) -> (i32, i32) {
    %c0_i32 = arith.constant 0 : i32
    %c0_i32_0 = arith.constant 0 : i32
    %c0_i32_1 = arith.constant 0 : i32
    return %c0_i32, %c0_i32_0 : i32, i32
  }
  func.func @transform_6(%arg0: i32) -> (i32, i32) {
    %c0_i32 = arith.constant 0 : i32
    %c0_i32_0 = arith.constant 0 : i32
    return %arg0, %c0_i32 : i32, i32
  }
}

module attributes {stable_mosaic.version = 14 : i64} {
  func.func @tc_body(%arg0: i32, %arg1: memref<2x2000x128xf32, #tpu.memory_space<vmem>>, %arg2: memref<2x2000x16xf32, #tpu.memory_space<vmem>>, %arg3: memref<2000x128xf32, #tpu.memory_space<vmem>>, %arg4: memref<128x128xf32, #tpu.memory_space<vmem>>, %arg5: memref<128x128xf32, #tpu.memory_space<vmem>>, %arg6: memref<1x128xf32, #tpu.memory_space<vmem>>, %arg7: memref<128x128xf32, #tpu.memory_space<vmem>>, %arg8: memref<1x128xf32, #tpu.memory_space<vmem>>, %arg9: memref<128x128xf32, #tpu.memory_space<vmem>>, %arg10: memref<1x128xf32, #tpu.memory_space<vmem>>, %arg11: memref<2000x128xf32, #tpu.memory_space<vmem>>) attributes {dimension_semantics = [#tpu.dimension_semantics<arbitrary>], iteration_bounds = array<i64: 5>, scalar_prefetch = 0 : i64, scratch_operands = 0 : i64, tpu.core_type = #tpu.core_type<tc>, window_params = [{transform_indices = @transform_0, window_bounds = array<i64: 2, 2000, 128>}, {transform_indices = @transform_1, window_bounds = array<i64: 2, 2000, 16>}, {transform_indices = @transform_2, window_bounds = array<i64: 2000, 128>}, {pipeline_mode = #tpu.pipeline_mode<synchronous>, transform_indices = @transform_3, window_bounds = array<i64: 128, 128>}, {pipeline_mode = #tpu.pipeline_mode<synchronous>, transform_indices = @transform_4, window_bounds = array<i64: 128, 128>}, {pipeline_mode = #tpu.pipeline_mode<synchronous>, transform_indices = @transform_5, window_bounds = array<i64: 1, 128>}, {pipeline_mode = #tpu.pipeline_mode<synchronous>, transform_indices = @transform_6, window_bounds = array<i64: 128, 128>}, {pipeline_mode = #tpu.pipeline_mode<synchronous>, transform_indices = @transform_7, window_bounds = array<i64: 1, 128>}, {pipeline_mode = #tpu.pipeline_mode<synchronous>, transform_indices = @transform_8, window_bounds = array<i64: 128, 128>}, {pipeline_mode = #tpu.pipeline_mode<synchronous>, transform_indices = @transform_9, window_bounds = array<i64: 1, 128>}, {transform_indices = @transform_10, window_bounds = array<i64: 2000, 128>}]} {
    %get3A = arith.constant 0 : index
    %get3A_0 = arith.constant 0 : index
    %get3A_1 = arith.constant 0 : index
    %get3A_2 = vector.load %arg1[%get3A, %get3A_0, %get3A_1] : memref<2x2000x128xf32, #tpu.memory_space<vmem>>, vector<1x2000x128xf32>
    %get3A_3 = vector.shape_cast %get3A_2 : vector<1x2000x128xf32> to vector<2000x128xf32>
    %get3A_4 = arith.constant 1 : index
    %get3A_5 = arith.constant 0 : index
    %get3A_6 = arith.constant 0 : index
    %get3A_7 = vector.load %arg1[%get3A_4, %get3A_5, %get3A_6] : memref<2x2000x128xf32, #tpu.memory_space<vmem>>, vector<1x2000x128xf32>
    %get3A_8 = vector.shape_cast %get3A_7 : vector<1x2000x128xf32> to vector<2000x128xf32>
    %add3A = arith.addf %get3A_3, %get3A_8 : vector<2000x128xf32>
    %get3A_9 = arith.constant 0 : index
    %get3A_10 = arith.constant 0 : index
    %get3A_11 = arith.constant 0 : index
    %get3A_12 = vector.load %arg2[%get3A_9, %get3A_10, %get3A_11] : memref<2x2000x16xf32, #tpu.memory_space<vmem>>, vector<1x2000x16xf32>
    %get3A_13 = vector.shape_cast %get3A_12 : vector<1x2000x16xf32> to vector<2000x16xf32>
    %get3A_14 = arith.constant 1 : index
    %get3A_15 = arith.constant 0 : index
    %get3A_16 = arith.constant 0 : index
    %get3A_17 = vector.load %arg2[%get3A_14, %get3A_15, %get3A_16] : memref<2x2000x16xf32, #tpu.memory_space<vmem>>, vector<1x2000x16xf32>
    %get3A_18 = vector.shape_cast %get3A_17 : vector<1x2000x16xf32> to vector<2000x16xf32>
    %add3A_19 = arith.addf %get3A_13, %get3A_18 : vector<2000x16xf32>
    %slice3A = vector.extract_strided_slice %add3A_19 {offsets = [0, 0], sizes = [2000, 1], strides = [1, 1]} : vector<2000x16xf32> to vector<2000x1xf32>
    %max3A = arith.constant 1.000000e+00 : f32
    %max3A_20 = vector.broadcast %max3A : f32 to vector<2000x1xf32>
    %max3A_21 = arith.maximumf %slice3A, %max3A_20 : vector<2000x1xf32>
    %div3A = vector.broadcast %max3A_21 : vector<2000x1xf32> to vector<2000x128xf32>
    %div3A_22 = arith.divf %add3A, %div3A : vector<2000x128xf32>
    %get3A_23 = arith.constant 0 : index
    %get3A_24 = arith.constant 0 : index
    %get3A_25 = vector.load %arg3[%get3A_23, %get3A_24] : memref<2000x128xf32, #tpu.memory_space<vmem>>, vector<2000x128xf32>
    %get3A_26 = arith.constant 0 : index
    %get3A_27 = arith.constant 0 : index
    %get3A_28 = vector.load %arg4[%get3A_26, %get3A_27] : memref<128x128xf32, #tpu.memory_space<vmem>>, vector<128x128xf32>
    %dot_general3A = arith.constant dense<0.000000e+00> : vector<2000x128xf32>
    %dot_general3A_29 = tpu.matmul %div3A_22, %get3A_28, %dot_general3A {dimension_numbers = #tpu.dot_dimension_numbers<[1], [0], [0], [1], [0, 0, 1, 1], [], []>, transpose_lhs_hint = false} : vector<2000x128xf32>, vector<128x128xf32>, vector<2000x128xf32> -> vector<2000x128xf32>
    %get3A_30 = arith.constant 0 : index
    %get3A_31 = arith.constant 0 : index
    %get3A_32 = vector.load %arg5[%get3A_30, %get3A_31] : memref<128x128xf32, #tpu.memory_space<vmem>>, vector<128x128xf32>
    %dot_general3A_33 = arith.constant dense<0.000000e+00> : vector<2000x128xf32>
    %dot_general3A_34 = tpu.matmul %get3A_25, %get3A_32, %dot_general3A_33 {dimension_numbers = #tpu.dot_dimension_numbers<[1], [0], [0], [1], [0, 0, 1, 1], [], []>, transpose_lhs_hint = false} : vector<2000x128xf32>, vector<128x128xf32>, vector<2000x128xf32> -> vector<2000x128xf32>
    %add3A_35 = arith.addf %dot_general3A_29, %dot_general3A_34 : vector<2000x128xf32>
    %get3A_36 = arith.constant 0 : index
    %get3A_37 = arith.constant 0 : index
    %get3A_38 = vector.load %arg6[%get3A_36, %get3A_37] : memref<1x128xf32, #tpu.memory_space<vmem>>, vector<1x128xf32>
    %add3A_39 = vector.broadcast %get3A_38 : vector<1x128xf32> to vector<2000x128xf32>
    %add3A_40 = arith.addf %add3A_35, %add3A_39 : vector<2000x128xf32>
    %max3A_41 = arith.constant 0.000000e+00 : f32
    %max3A_42 = vector.broadcast %max3A_41 : f32 to vector<2000x128xf32>
    %max3A_43 = arith.maximumf %add3A_40, %max3A_42 : vector<2000x128xf32>
    %add3A_44 = arith.addf %max3A_43, %get3A_25 : vector<2000x128xf32>
    %get3A_45 = arith.constant 0 : index
    %get3A_46 = arith.constant 0 : index
    %get3A_47 = vector.load %arg7[%get3A_45, %get3A_46] : memref<128x128xf32, #tpu.memory_space<vmem>>, vector<128x128xf32>
    %dot_general3A_48 = arith.constant dense<0.000000e+00> : vector<2000x128xf32>
    %dot_general3A_49 = tpu.matmul %add3A_44, %get3A_47, %dot_general3A_48 {dimension_numbers = #tpu.dot_dimension_numbers<[1], [0], [0], [1], [0, 0, 1, 1], [], []>, transpose_lhs_hint = false} : vector<2000x128xf32>, vector<128x128xf32>, vector<2000x128xf32> -> vector<2000x128xf32>
    %get3A_50 = arith.constant 0 : index
    %get3A_51 = arith.constant 0 : index
    %get3A_52 = vector.load %arg8[%get3A_50, %get3A_51] : memref<1x128xf32, #tpu.memory_space<vmem>>, vector<1x128xf32>
    %add3A_53 = vector.broadcast %get3A_52 : vector<1x128xf32> to vector<2000x128xf32>
    %add3A_54 = arith.addf %dot_general3A_49, %add3A_53 : vector<2000x128xf32>
    %max3A_55 = arith.constant 0.000000e+00 : f32
    %max3A_56 = vector.broadcast %max3A_55 : f32 to vector<2000x128xf32>
    %max3A_57 = arith.maximumf %add3A_54, %max3A_56 : vector<2000x128xf32>
    %get3A_58 = arith.constant 0 : index
    %get3A_59 = arith.constant 0 : index
    %get3A_60 = vector.load %arg9[%get3A_58, %get3A_59] : memref<128x128xf32, #tpu.memory_space<vmem>>, vector<128x128xf32>
    %dot_general3A_61 = arith.constant dense<0.000000e+00> : vector<2000x128xf32>
    %dot_general3A_62 = tpu.matmul %max3A_57, %get3A_60, %dot_general3A_61 {dimension_numbers = #tpu.dot_dimension_numbers<[1], [0], [0], [1], [0, 0, 1, 1], [], []>, transpose_lhs_hint = false} : vector<2000x128xf32>, vector<128x128xf32>, vector<2000x128xf32> -> vector<2000x128xf32>
    %get3A_63 = arith.constant 0 : index
    %get3A_64 = arith.constant 0 : index
    %get3A_65 = vector.load %arg10[%get3A_63, %get3A_64] : memref<1x128xf32, #tpu.memory_space<vmem>>, vector<1x128xf32>
    %add3A_66 = vector.broadcast %get3A_65 : vector<1x128xf32> to vector<2000x128xf32>
    %add3A_67 = arith.addf %dot_general3A_62, %add3A_66 : vector<2000x128xf32>
    %swap3A = arith.constant 0 : index
    %swap3A_68 = arith.constant 0 : index
    %swap3A_69 = vector.load %arg11[%swap3A, %swap3A_68] : memref<2000x128xf32, #tpu.memory_space<vmem>>, vector<2000x128xf32>
    tpu.vector_store %arg11[%swap3A, %swap3A_68], %add3A_67 {strides = array<i32>} : memref<2000x128xf32, #tpu.memory_space<vmem>>, vector<2000x128xf32>,
    return
  }
  func.func @transform_0(%arg0: i32) -> (i32, i32, i32) {
    %c0_i32 = arith.constant 0 : i32
    %c0_i32_0 = arith.constant 0 : i32
    %c0_i32_1 = arith.constant 0 : i32
    return %c0_i32, %arg0, %c0_i32_0 : i32, i32, i32
  }
  func.func @transform_1(%arg0: i32) -> (i32, i32, i32) {
    %c0_i32 = arith.constant 0 : i32
    %c0_i32_0 = arith.constant 0 : i32
    %c0_i32_1 = arith.constant 0 : i32
    return %c0_i32, %arg0, %c0_i32_0 : i32, i32, i32
  }
  func.func @transform_2(%arg0: i32) -> (i32, i32) {
    %c0_i32 = arith.constant 0 : i32
    %c0_i32_0 = arith.constant 0 : i32
    return %arg0, %c0_i32 : i32, i32
  }
  func.func @transform_3(%arg0: i32) -> (i32, i32) {
    %c0_i32 = arith.constant 0 : i32
    %c0_i32_0 = arith.constant 0 : i32
    %c0_i32_1 = arith.constant 0 : i32
    return %c0_i32, %c0_i32_0 : i32, i32
  }
  func.func @transform_4(%arg0: i32) -> (i32, i32) {
    %c0_i32 = arith.constant 0 : i32
    %c0_i32_0 = arith.constant 0 : i32
    %c0_i32_1 = arith.constant 0 : i32
    return %c0_i32, %c0_i32_0 : i32, i32
  }
  func.func @transform_5(%arg0: i32) -> (i32, i32) {
    %c0_i32 = arith.constant 0 : i32
    %c0_i32_0 = arith.constant 0 : i32
    %c0_i32_1 = arith.constant 0 : i32
    return %c0_i32, %c0_i32_0 : i32, i32
  }
  func.func @transform_6(%arg0: i32) -> (i32, i32) {
    %c0_i32 = arith.constant 0 : i32
    %c0_i32_0 = arith.constant 0 : i32
    %c0_i32_1 = arith.constant 0 : i32
    return %c0_i32, %c0_i32_0 : i32, i32
  }
  func.func @transform_7(%arg0: i32) -> (i32, i32) {
    %c0_i32 = arith.constant 0 : i32
    %c0_i32_0 = arith.constant 0 : i32
    %c0_i32_1 = arith.constant 0 : i32
    return %c0_i32, %c0_i32_0 : i32, i32
  }
  func.func @transform_8(%arg0: i32) -> (i32, i32) {
    %c0_i32 = arith.constant 0 : i32
    %c0_i32_0 = arith.constant 0 : i32
    %c0_i32_1 = arith.constant 0 : i32
    return %c0_i32, %c0_i32_0 : i32, i32
  }
  func.func @transform_9(%arg0: i32) -> (i32, i32) {
    %c0_i32 = arith.constant 0 : i32
    %c0_i32_0 = arith.constant 0 : i32
    %c0_i32_1 = arith.constant 0 : i32
    return %c0_i32, %c0_i32_0 : i32, i32
  }
  func.func @transform_10(%arg0: i32) -> (i32, i32) {
    %c0_i32 = arith.constant 0 : i32
    %c0_i32_0 = arith.constant 0 : i32
    return %arg0, %c0_i32 : i32, i32
  }
}

</mosaic_0001>

<sc_bundles>
// kernel: kernel.10.cloned.1.call-start
scs
__scs_entry_jumppad:
0x0: {  	(pc) =	sbr.rel $0x88, $3  }
0x1: {  	(tag) =	ssettag $0x0;
	lr =	simm.s32 $0x1  }
0x2: {  	[smem:$0x3F91] =	sst lr;
	_ =	strace $0xD0000000  }
0x3: {  	_ = 	snop  }
0x4: {  	_ = 	snop  }
0x5: {  	_ = 	snop  }
0x6: {  	_ = 	snop  }
0x7: {  	_ = 	snop  }
__scs_overlays_trampoline_lowered:
0x8: {  	[smem:$0x3FA0] =	sst s0  }
0x9: {  	[smem:$0x3FA1] =	sst s1  }
0xa: {  	[smem:$0x3FA2] =	sst s2  }
0xb: {  	[smem:$0x3FA3] =	sst s3  }
0xc: {  	[smem:$0x3FA4] =	sst s4  }
0xd: {  	[smem:$0x3FA5] =	sst s5  }
0xe: {  	[smem:$0x3FA6] =	sst s6  }
0xf: {  	[smem:$0x3FA7] =	sst s7  }
0x10: {  	[smem:$0x3FA8] =	sst s8  }
0x11: {  	[smem:$0x3FA9] =	sst s9;
	s0 =	simm.s32 @!p0 $0x0  }
0x12: {  	s1 =	sld [smem:$0x3F8F];
	s0 =	simm.s32 @p0 $0x1  }
0x13: {  	[smem:$0x3FAA] =	sst s0;
	s0 =	simm.s32 @!p1 $0x0  }
0x14: {  	s2 =	sld [smem:$0x3F8E];
	s0 =	simm.s32 @p1 $0x1  }
0x15: {  	[smem:$0x3FAB] =	sst s0;
	s0 =	simm.s32 @!p2 $0x0  }
0x16: {  	s3 =	sld [smem:$0x3FDB];
	s0 =	simm.s32 @p2 $0x1  }
0x17: {  	s4 =	simm.s32 $0x1BF5;
	[smem:$0x3FAD] =	sst s0  }
0x18: {  	s0 =	sld [smem:$0x3F90];
	_ =	swait.ge [sflag:s4], $0x0  }
0x19: {  	s7 =	sld [smem:$0x3F91]  }
0x1a: {  	s8 =	sadd.s32 $0xFFFFE003, lr  }
0x1b: {  	s9 =	sadd.s32 $0xFFFFFEF7, lr;
	s5 =	simm.s32 $0xFFFFFFFF;
	p2 =	slt.u32 s8, $0xFFFFF086  }
0x1c: {  	p1 =	slt.u32 s9, $0xF7A;
	s5 =	simm.s32 @!p2 $0x0  }
0x1d: {  	s5 =	simm.s32 @p1 $0x1;
	p0 =	seq.s32 s7, s2  }
0x1e: {  	s7 =	smul.u32 @!p0 $0xF7A, s2;
	p2 =	seq.s32 @!p0 s5, $0x0  }
0x1f: {  	s9 =	smul.u32 $0xF7A, s1;
	s8 =	simm.s32 @!p0 $0x1BF5;
	p2 =	por !p2, p0  }
0x20: {  	[sflag:s8] =	ssyncset.s32 @!p0 $0xFFFFF086;
	s6 =	sadd.s32 @!p0 s3, s7;
	s7 =	simm.s32 @!p0 $0x108  }
0x21: {  	s3 =	sadd.s32 s3, s9;
	s6 =	sadd.s32 @!p0 $0x88, s6;
	s7 =	simm.s32 @p2 $0x1082  }
0x22: {  	[simem:s7], [sflag:s8] =	dma.local @!p0 [hbm:s6], $0xF7A  }
0x23: {  	s9 =	sor.u32 $0xD0000000, s2;
	s6 =	simm.s32 $0x108;
	_ =	swait.ge @!p0 [sflag:s8], $0x0  }
0x24: {  	s3 =	sadd.s32 $0x88, s3;
	s6 =	simm.s32 @!p1 $0x1082;
	[sflag:s4] =	ssyncset.s32 $0xFFFFF086  }
0x25: {  	[simem:s6], [sflag:s4] =	dma.local [hbm:s3], $0xF7A  }
0x26: {  	[smem:$0x3F91] =	sst s1;
	(tag) =	ssettag s2;
	_ =	strace s9  }
0x27: {  	s1 =	sld [smem:$0x3FA1]  }
0x28: {  	s2 =	sld [smem:$0x3FA2]  }
0x29: {  	s4 =	sld [smem:$0x3FA4]  }
0x2a: {  	p0 =	seq.s32 s5, $0x0;
	s5 =	sld [smem:$0x3FA5]  }
0x2b: {  	s6 =	sld [smem:$0x3FA6]  }
0x2c: {  	s7 =	sld [smem:$0x3FA7]  }
0x2d: {  	s3 =	simm.s32 $0x108;
	s8 =	sld [smem:$0x3FA8]  }
0x2e: {  	s3 =	simm.s32 @!p0 $0x1082;
	s9 =	sld [smem:$0x3FA9]  }
0x2f: {  	lr =	sadd.s32 s0, s3;
	s0 =	sld [smem:$0x3FA0]  }
0x30: {  	s3 =	sld [smem:$0x3FA3]  }
0x31: {  	[smem:$0x3FAC] =	sst s10  }
0x32: {  	s10 =	sld [smem:$0x3FAA];
	_ =	sdelay $0x3  }
0x33: {  	p0 =	seq.s32 s10, $0x1;
	s10 =	sld [smem:$0x3FAC];
	_ =	sdelay $0x3  }
0x34: {  	[smem:$0x3FAC] =	sst s10  }
0x35: {  	s10 =	sld [smem:$0x3FAB];
	_ =	sdelay $0x3  }
0x36: {  	p1 =	seq.s32 s10, $0x1;
	s10 =	sld [smem:$0x3FAC];
	_ =	sdelay $0x3  }
0x37: {  	[smem:$0x3FAC] =	sst s10  }
0x38: {  	s10 =	sld [smem:$0x3FAD]  }
0x39: {  	_ = 	snop;
	(pc) =	sbr.ind lr, $3  }
0x3a: {  	_ = 	snop  }
0x3b: {  	_ = 	snop  }
0x3c: {  	p2 =	seq.s32 s10, $0x1;
	s10 =	sld [smem:$0x3FAC]  }
0x3d: {  	_ =	shalt  }
0x3e: {  	_ =	shalt  }
0x3f: {  	_ =	shalt  }
0x40: {  	_ =	shalt  }
0x41: {  	_ =	shalt  }
0x42: {  	_ =	shalt  }
0x43: {  	_ =	shalt  }
0x44: {  	_ =	shalt  }
0x45: {  	_ =	shalt  }
0x46: {  	_ =	shalt  }
0x47: {  	_ =	shalt  }
0x48: {  	_ =	shalt  }
0x49: {  	_ =	shalt  }
0x4a: {  	_ =	shalt  }
0x4b: {  	_ =	shalt  }
0x4c: {  	_ =	shalt  }
0x4d: {  	_ =	shalt  }
0x4e: {  	_ =	shalt  }
0x4f: {  	_ =	shalt  }
0x50: {  	_ =	shalt  }
0x51: {  	_ =	shalt  }
0x52: {  	_ =	shalt  }
0x53: {  	_ =	shalt  }
0x54: {  	_ =	shalt  }
0x55: {  	_ =	shalt  }
0x56: {  	_ =	shalt  }
0x57: {  	_ =	shalt  }
0x58: {  	_ =	shalt  }
0x59: {  	_ =	shalt  }
0x5a: {  	_ =	shalt  }
0x5b: {  	_ =	shalt  }
0x5c: {  	_ =	shalt  }
0x5d: {  	_ =	shalt  }
0x5e: {  	_ =	shalt  }
0x5f: {  	_ =	shalt  }
0x60: {  	_ =	shalt  }
0x61: {  	_ =	shalt  }
0x62: {  	_ =	shalt  }
0x63: {  	_ =	shalt  }
0x64: {  	_ =	shalt  }
0x65: {  	_ =	shalt  }
0x66: {  	_ =	shalt  }
0x67: {  	_ =	shalt  }
0x68: {  	_ =	shalt  }
0x69: {  	_ =	shalt  }
0x6a: {  	_ =	shalt  }
0x6b: {  	_ =	shalt  }
0x6c: {  	_ =	shalt  }
0x6d: {  	_ =	shalt  }
0x6e: {  	_ =	shalt  }
0x6f: {  	_ =	shalt  }
0x70: {  	_ =	shalt  }
0x71: {  	_ =	shalt  }
0x72: {  	_ =	shalt  }
0x73: {  	_ =	shalt  }
0x74: {  	_ =	shalt  }
0x75: {  	_ =	shalt  }
0x76: {  	_ =	shalt  }
0x77: {  	_ =	shalt  }
0x78: {  	_ =	shalt  }
0x79: {  	_ =	shalt  }
0x7a: {  	_ =	shalt  }
0x7b: {  	_ =	shalt  }
0x7c: {  	_ =	shalt  }
0x7d: {  	_ =	shalt  }
0x7e: {  	_ =	shalt  }
0x7f: {  	_ =	shalt  }
0x80: {  	_ =	shalt  }
0x81: {  	_ =	shalt  }
0x82: {  	_ =	shalt  }
0x83: {  	_ =	shalt  }
0x84: {  	_ =	shalt  }
0x85: {  	_ =	shalt  }
0x86: {  	_ =	shalt  }
0x87: {  	_ =	shalt  }
.Lfunc_end0:
.L_simem_size_0:
called_computation.1_lowered:
.L_overlay_start_0:
0x88: {  	s2 =	sld [smem:$0x3FD9]  }
0x89: {  	s3 =	sld [smem:$0x3FFE];
	_ =	sdelay $0x1  }
0x8a: {  	s1 =	srdreg.scid  }
0x8b: {  	s0 =	sand.u32 $0x1, s1  }
0x8c: {  	s17 =	sshll.u32 s0, $0xA;
	s2 =	sadd.s32 s3, s2  }
0x8d: {  	s2 =	sadd.s32 s2, s17  }
0x8e: {  	[smem:$0x3FB8] =	sst s2  }
0x8f: {  	_ = 	snop  }
0x90: {  	s18 =	sld [smem:$0x3FC9];
	(tm) =	ssettm $0x1  }
0x91: {  	s19 =	sld [smem:$0x3FFB];
	_ =	sdelay $0x3  }
0x92: {  	_ =	strace s19  }
0x93: {  	s2 =	sld [smem:$0x3FFC];
	_ =	sdelay $0x3  }
0x94: {  	_ =	strace s2  }
0x95: {  	s2 =	sld [smem:$0x3FFD];
	_ =	sdelay $0x3  }
0x96: {  	_ =	strace s2  }
0x97: {  	_ =	strace $0x8FFFFFFF  }
0x98: {  	s20 =	sld [smem:$0x3FDB];
	_ =	sdelay $0x1  }
0x99: {  	s4 =	simm.s32 $_scs_section_size  }
0x9a: {  	s5 =	simm.s32 $_size__tile_overlayer_lowered;
	s6 =	simm.s32 $_tile_overlayer_lowered  }
0x9b: {  	s7 =	simm.s32 $0x1BFF;
	s21 =	sshll.u32 s6, $0x1;
	s4 =	sadd.s32 s4, s20  }
0x9c: {  	s22 =	simm.s32 $0x0;
	s5 =	sshll.u32 s5, $0x1;
	s6 =	sadd.s32 s21, s4  }
0x9d: {  	[timem:s22], [sflag:s7] =	dma.local [hbm:s6], s5  }
0x9e: {  	_ =	swait.ge [sflag:s7], s5  }
0x9f: {  	s5 =	ssub.s32 $0x0, s5;
	[sflag:s7] =	ssyncset.done $0x0  }
0xa0: {  	[sflag:s7] =	ssyncadd.s32 s5;
	_ =	sdelay $0x1  }
0xa1: {  	s23 =	simm.s32 $0x1B8B  }
0xa2: {  	_ =	swait.ge [sflag:s23], $0x1  }
0xa3: {  	[sflag:s23] =	ssyncset.done $0x0  }
0xa4: {  	[sflag:s23] =	ssyncadd.s32 $0xFFFFFFFF  }
0xa5: {  	s5 =	sld [smem:$0x0]  }
0xa6: {  	s6 =	sand.u32 $0xFFFFFFFE, s1  }
0xa7: {  	p0 =	sne.s32 s1, s6  }
0xa8: {  	s6 =	sshll.u32 @p0 s6, $0xE  }
0xa9: {  	s6 =	sadd.s32 @p0 $0x11B8D, s6;
	s7 =	sshll.u32 @p0 s5, $0x11  }
0xaa: {  	s6 =	sor.u32 @p0 s7, s6  }
0xab: {  	[sflag:s6] =	ssyncadd.remote.s32 @p0 $0x1;
	_ =	sdelay $0x1  }
0xac: {  	s6 =	simm.s32 @p0 $0x1B8D  }
0xad: {  	_ =	swait.eq @p0 [sflag:s6], $0x1  }
0xae: {  	[sflag:s6] =	ssyncadd.s32 @p0 $0xFFFFFFFF  }
0xaf: {  	s7 =	sshll.u32 @!p0 s1, $0xE  }
0xb0: {  	s7 =	sor.u32 @!p0 $0x4000, s7;
	s6 =	simm.s32 @!p0 $0x1B8D  }
0xb1: {  	s5 =	sshll.u32 @!p0 s5, $0x11;
	s7 =	sadd.s32 @!p0 $0x11B8D, s7;
	_ =	swait.eq @!p0 [sflag:s6], $0x1  }
0xb2: {  	s5 =	sor.u32 @!p0 s5, s7;
	[sflag:s6] =	ssyncadd.s32 @!p0 $0xFFFFFFFF  }
0xb3: {  	s25 =	simm.s32 $0x1B8E;
	s24 =	sld [smem:$0x3FFE];
	[sflag:s5] =	ssyncadd.remote.s32 @!p0 $0x1  }
0xb4: {  	s26 =	simm.s32 $execute0_lowered;
	[smem:$0x3FD2] =	sst s25  }
0xb5: {  	s6 =	sshll.u32 s26, $0x1;
	_ =	strace $0x80000049;
	[dreg:$0x1] =	wrdreg $0xFFFFFFFF  }
0xb6: {  	s28 =	simm.s32 $_size_execute0_lowered;
	s4 =	sadd.s32 s4, s6;
	[dreg:$0x0] =	wrdreg $0x0  }
0xb7: {  	s6 =	sshll.u32 s28, $0x1;
	[dreg:$0x2] =	wrdreg s4  }
0xb8: {  	[dreg:$0x3] =	wrdreg s6  }
0xb9: {  	[dreg:$0x4] =	wrdreg $0xC0  }
0xba: {  	_ =	task [dreg:s22], $0x5FFFF  }
0xbb: {  	[dreg:$0x1] =	wrdreg $0xFFFFFFFF  }
0xbc: {  	[dreg:$0x0] =	wrdreg $0x60  }
0xbd: {  	[dreg:$0x2] =	wrdreg s18  }
0xbe: {  	[dreg:$0x3] =	wrdreg s24  }
0xbf: {  	[dreg:$0x4] =	wrdreg $0x90000  }
0xc0: {  	[dreg:$0x5] =	wrdreg $0xA  }
0xc1: {  	_ =	task.clear_ibuf [dreg:s22], $0x6FFFF;
	_ =	strace $0x90000049  }
0xc2: {  	s29 =	simm.s32 $0xA;
	_ =	strace $0x8000004B  }
0xc3: {  	_ =	swait.ge [sflag:s29], $0x1  }
0xc4: {  	[sflag:s29] =	ssyncadd.s32 $0xFFFFFFFF  }
0xc5: {  	_ =	strace $0x9000004B  }
0xc6: {  	_ =	sfence  }
0xc7: {  	s30 =	sld [smem:$0x0];
	_ =	sdelay $0x2  }
0xc8: {  	s31 =	sshll.u32 s1, $0xD;
	s1 =	sshrl.u32 s1, $0x2  }
0xc9: {  	s4 =	sand.u32 $0x4000, s31;
	s1 =	sadd.s32 s1, s30  }
0xca: {  	s0 =	sor.u32 s4, s0;
	s1 =	sshll.u32 s1, $0x11  }
0xcb: {  	s0 =	sor.u32 s1, s0  }
0xcc: {  	s0 =	sadd.s32 $0x8F2B, s0  }
0xcd: {  	[sflag:s0] =	ssyncadd.remote.s32 $0x1  }
0xce: {  	_ =	sfence.sel $0xFFFF  }
0xcf: {  	[dreg:$0x0] =	wrdreg $0xFFFFFFFF;
	(pc) =	sbr.abs _section_cstart, $3  }
0xd0: {  	[dreg:$0x1] =	wrdreg $0xFFFFFFFF  }
0xd1: {  	_ =	task.clear_ibuf [dreg:s22], $0x2FFFF;
	_ =	strace $0x9FFFFFFF  }
0xd2: {  	(tm) =	ssettm $0x7FFFFFFF  }
0xd3: {  	_ =	shalt  }
tec
execute0_lowered:
.L_overlay_start_1:
0x0: {  	(tag) =	ssettag $0x1  }
0x1: {  	s1 =	rddreg [dreg:$0x0];
	s0 =	srdreg.scid  }
0x2: {  	s8 =	stileid.u32;
	s2 =	rddreg [dreg:$0x1]  }
0x3: {  	s3 =	rddreg [dreg:$0x2];
	s4 =	simm.s32 $0x0;
	s13 =	simm.s32 $0x100  }
0x4: {  	s14 =	simm.s32 $0x880;
	s16 =	simm.s32 $0x180;
	s18 =	simm.s32 $0x900  }
0x5: {  	s19 =	simm.s32 $0x200;
	s20 =	simm.s32 $0x980;
	[smem:$0x7FF] =	sst s4  }
0x6: {  	s21 =	simm.s32 $0x280;
	_ =	strace $0x8000004A;
	[dreg:$0x6] =	wrdreg s13  }
0x7: {  	s22 =	simm.s32 $0xA00;
	s23 =	simm.s32 $0x300;
	[dreg:$0x7] =	wrdreg s14  }
0x8: {  	s24 =	simm.s32 $0xA80;
	s25 =	simm.s32 $0x380;
	[dreg:$0x8] =	wrdreg s16  }
0x9: {  	s28 =	simm.s32 $0x600;
	s5 =	smul.u32 $0x5000, s8;
	[dreg:$0x9] =	wrdreg s18  }
0xa: {  	s29 =	simm.s32 $0xD80;
	s26 =	smul.u32 $0x13C00, s8;
	[dreg:$0xa] =	wrdreg s19  }
0xb: {  	s0 =	sand.u32 $0x1, s0;
	s8 =	smul.u32 $0x4F000, s8;
	[dreg:$0xb] =	wrdreg s20  }
0xc: {  	s30 =	simm.s32 $0x680;
	s6 =	smul.u32 $0x2800, s0;
	[dreg:$0xc] =	wrdreg s21  }
0xd: {  	s31 =	simm.s32 $0xE00;
	s7 =	smul.u32 $0x13C000, s0;
	[dreg:$0xd] =	wrdreg s22  }
0xe: {  	s0 =	ssub.s32 $0x2, s0;
	s13 =	simm.s32 $0x3;
	[dreg:$0xe] =	wrdreg s23  }
0xf: {  	s14 =	simm.s32 $0x800;
	[dreg:$0xf] =	wrdreg s24;
	s16 =	simm.s32 $0x5000  }
0x10: {  	[dreg:$0x10] =	wrdreg s25;
	s18 =	simm.s32 $0x2;
	s19 =	simm.s32 $0x400  }
0x11: {  	s20 =	simm.s32 $0xB80;
	s21 =	simm.s32 $0x480;
	s22 =	simm.s32 $0xC00  }
0x12: {  	s23 =	simm.s32 $0x500;
	s24 =	simm.s32 $0xC80;
	s25 =	simm.s32 $0x580  }
0x13: {  	s9 =	sshrl.u32 s0, $0x1;
	s11 =	sshrl.u32 s8, $0x2;
	s8 =	simm.s32 $0xF80  }
0x14: {  	s5 =	sadd.s32 s6, s5;
	s6 =	sadd.s32 s26, s7;
	s0 =	ssub.s32 s0, s9  }
0x15: {  	s12 =	sadd.s32 s11, s3;
	s26 =	simm.s32 $0xB00;
	s9 =	simm.s32 $0x0  }
0x16: {  	s5 =	sshrl.u32 s5, $0x3;
	s6 =	sshrl.u32 s6, $0x3;
	[dreg:$0x12] =	wrdreg s12  }
0x17: {  	s7 =	sadd.s32 $0x4000, s12;
	s15 =	sadd.s32 $0x8000, s12;
	[dreg:$0x11] =	wrdreg s26  }
0x18: {  	s17 =	sadd.s32 $0xC000, s12;
	s0 =	smax.u32 s0, $0x1;
	[dreg:$0x13] =	wrdreg s7  }
0x19: {  	s26 =	simm.s32 $0xD00;
	s5 =	sadd.s32 s5, s2;
	[dreg:$0x14] =	wrdreg s15  }
0x1a: {  	s2 =	sadd.s32 s6, s2;
	[dreg:$0x15] =	wrdreg s17;
	s6 =	sadd.s32 $0x10000, s12  }
0x1b: {  	[dreg:$0x18] =	wrdreg s0;
	s12 =	simm.s32 $0x1000;
	s15 =	simm.s32 $0x80  }
0x1c: {  	s17 =	simm.s32 $0x1;
	s10 =	sadd.s32 $0xDC00, s5;
	[dreg:$0x16] =	wrdreg s6  }
0x1d: {  	s0 =	simm.s32 $0xE80;
	s5 =	sadd.s32 $0x3C00, s5;
	[dreg:$0x4] =	wrdreg s10  }
0x1e: {  	s7 =	simm.s32 $0xF00;
	s2 =	sadd.s32 $0x21A00, s2;
	[dreg:$0x5] =	wrdreg s5  }
0x1f: {  	v0 =	vimm.f32 $0.0e+00;
	s6 =	simm.s32 $0x780;
	[dreg:$0x17] =	wrdreg s2;
	s2 =	simm.s32 $0x700  }
.LBB2_1:
0x20: {  	s10 =	simm.s32 $0x0;
	s11 =	simm.s32 $0x200  }
.LBB2_2:
0x21: {  	p0 =	sne.s32 s11, $0xFE00;
	[tilespmem:s10+$0x1070] =	vst v0  }
0x22: {  	[tilespmem:s10+$0x1000] =	vst v0  }
0x23: {  	[tilespmem:s10+$0x1010] =	vst v0  }
.Ltmp0:
0x24: {  	[tilespmem:s10+$0x1020] =	vst v0;
	(pc) =	sbr.rel @p0 .LBB2_2-.Ltmp0, $4  }
0x25: {  	[tilespmem:s10+$0x1030] =	vst v0  }
0x26: {  	[tilespmem:s10+$0x1040] =	vst v0  }
0x27: {  	[tilespmem:s10+$0x1050] =	vst v0  }
0x28: {  	[tilespmem:s10+$0x1060] =	vst v0;
	s10 =	sshra.s32 s11, $0x2;
	s11 =	sadd.s32 $0x200, s11  }
0x29: {  	[tilespmem:s10+$0x1070] =	vst v0  }
0x2a: {  	[tilespmem:s10+$0x1000] =	vst v0  }
0x2b: {  	[tilespmem:s10+$0x1010] =	vst v0  }
0x2c: {  	[tilespmem:s10+$0x1020] =	vst v0  }
0x2d: {  	[tilespmem:s10+$0x1030] =	vst v0  }
0x2e: {  	[tilespmem:s10+$0x1040] =	vst v0  }
0x2f: {  	[dreg:$0x19] =	wrdreg s9;
	[tilespmem:s10+$0x1050] =	vst v0  }
0x30: {  	[tilespmem:s10+$0x1060] =	vst v0;
	s5 =	rddreg [dreg:$0x12]  }
0x31: {  	[spmem:s5] =	stream.linear.scatter [tilespmem:s12], [sflag:$0x3], $0x4000, $0x38;
	[tilespmem:$0x1CC00] =	vst v63  }
0x32: {  	_ =	swait.ge [sflag:s13], $0x4000  }
0x33: {  	[sflag:s13] =	ssyncset.done $0x0  }
0x34: {  	s9 =	rddreg [dreg:$0x13];
	[sflag:s13] =	ssyncadd.s32 $0xFFFFC000  }
0x35: {  	[spmem:s9] =	stream.linear.scatter [tilespmem:s12], [sflag:$0x3], $0x4000, $0x38;
	[tilespmem:$0x1CC00] =	vst v63  }
0x36: {  	_ =	swait.ge [sflag:s13], $0x4000  }
0x37: {  	[sflag:s13] =	ssyncset.done $0x0  }
0x38: {  	s10 =	rddreg [dreg:$0x14];
	[sflag:s13] =	ssyncadd.s32 $0xFFFFC000  }
0x39: {  	[spmem:s10] =	stream.linear.scatter [tilespmem:s12], [sflag:$0x3], $0x4000, $0x38;
	[tilespmem:$0x1CC00] =	vst v63  }
0x3a: {  	_ =	swait.ge [sflag:s13], $0x4000  }
0x3b: {  	[sflag:s13] =	ssyncset.done $0x0  }
0x3c: {  	s11 =	rddreg [dreg:$0x15];
	[sflag:s13] =	ssyncadd.s32 $0xFFFFC000  }
0x3d: {  	[spmem:s11] =	stream.linear.scatter [tilespmem:s12], [sflag:$0x3], $0x4000, $0x38;
	[tilespmem:$0x1CC00] =	vst v63  }
0x3e: {  	_ =	swait.ge [sflag:s13], $0x4000  }
0x3f: {  	[sflag:s13] =	ssyncset.done $0x0  }
0x40: {  	s9 =	rddreg [dreg:$0x16];
	[sflag:s13] =	ssyncadd.s32 $0xFFFFC000  }
0x41: {  	[spmem:s9] =	stream.linear.scatter [tilespmem:s12], [sflag:$0x3], $0x3C00, $0x38;
	[tilespmem:$0x1CC00] =	vst v63  }
0x42: {  	_ =	swait.ge [sflag:s13], $0x3C00  }
0x43: {  	[sflag:s13] =	ssyncset.done $0x0  }
0x44: {  	[sflag:s13] =	ssyncadd.s32 $0xFFFFC400  }
0x45: {  	[bflag:$0x0] =	sbarrier.arrive $0xFFFF  }
0x46: {  	s10 =	rddreg [dreg:$0x5]  }
0x47: {  	s5 =	sadd.s32 $0x0, s10  }
0x48: {  	[tilespmem:s4], [sflag:$0x3] =	stream.linear.gather [hbm4b:s5+s4], $0x800, $0x38;
	[tilespmem:$0x1CC00] =	vst v63  }
0x49: {  	_ =	swait.ge [sflag:s13], $0x800  }
0x4a: {  	s11 =	rddreg [dreg:$0x4];
	[sflag:s13] =	ssyncset.done $0x0  }
0x4b: {  	[sflag:s13] =	ssyncadd.s32 $0xFFFFF800;
	s5 =	sadd.s32 $0x0, s11  }
0x4c: {  	[tilespmem:s14], [sflag:$0x3] =	stream.linear.gather [hbm4b:s5+s4], $0x800, $0x38;
	[tilespmem:$0x1CC00] =	vst v63  }
0x4d: {  	_ =	swait.ge [sflag:s13], $0x800  }
0x4e: {  	[sflag:s13] =	ssyncset.done $0x0  }
0x4f: {  	[sflag:s13] =	ssyncadd.s32 $0xFFFFF800  }
0x50: {  	[tilespmem:s12], [sflag:$0x1] =	stream.indirect.gather [hbm4b:s1+s15], $0x80, s4, s15, $0xb8;
	[tilespmem:$0x1CC00] =	vst v63  }
0x51: {  	_ = 	snop  }
0x52: {  	[tilespmem:s16], [sflag:$0x2] =	stream.indirect.gather [hbm4b:s1+s15], $0x80, s15, s15, $0xb8;
	[tilespmem:$0x1CC00] =	vst v63  }
0x53: {  	_ =	swait.ge [sflag:s17], $0x4000  }
0x54: {  	[sflag:s17] =	ssyncset.done $0x0  }
0x55: {  	[sflag:s17] =	ssyncadd.s32 $0xFFFFC000  }
0x56: {  	[spmem:s3] =	stream.indirect.scatter.add.f32 [tilespmem:s12], [sflag:$0x3], $0x80, s14, s15, $0xb8;
	[tilespmem:$0x1CC00] =	vst v63  }
0x57: {  	_ =	swait.ge [sflag:s13], $0x4000  }
0x58: {  	[sflag:s13] =	ssyncset.done $0x0  }
0x59: {  	s9 =	rddreg [dreg:$0x6];
	[sflag:s13] =	ssyncadd.s32 $0xFFFFC000  }
0x5a: {  	[tilespmem:s12], [sflag:$0x1] =	stream.indirect.gather [hbm4b:s1+s15], $0x80, s9, s15, $0xb8;
	[tilespmem:$0x1CC00] =	vst v63  }
0x5b: {  	_ =	swait.ge [sflag:s18], $0x4000  }
0x5c: {  	[sflag:s18] =	ssyncset.done $0x0  }
0x5d: {  	s10 =	rddreg [dreg:$0x7];
	[sflag:s18] =	ssyncadd.s32 $0xFFFFC000  }
0x5e: {  	[spmem:s3] =	stream.indirect.scatter.add.f32 [tilespmem:s16], [sflag:$0x3], $0x80, s10, s15, $0xb8;
	[tilespmem:$0x1CC00] =	vst v63  }
0x5f: {  	_ =	swait.ge [sflag:s13], $0x4000  }
0x60: {  	[sflag:s13] =	ssyncset.done $0x0  }
0x61: {  	s11 =	rddreg [dreg:$0x8];
	[sflag:s13] =	ssyncadd.s32 $0xFFFFC000  }
0x62: {  	[tilespmem:s16], [sflag:$0x2] =	stream.indirect.gather [hbm4b:s1+s15], $0x80, s11, s15, $0xb8;
	[tilespmem:$0x1CC00] =	vst v63  }
0x63: {  	_ =	swait.ge [sflag:s17], $0x4000  }
0x64: {  	[sflag:s17] =	ssyncset.done $0x0  }
0x65: {  	s9 =	rddreg [dreg:$0x9];
	[sflag:s17] =	ssyncadd.s32 $0xFFFFC000  }
0x66: {  	[spmem:s3] =	stream.indirect.scatter.add.f32 [tilespmem:s12], [sflag:$0x3], $0x80, s9, s15, $0xb8;
	[tilespmem:$0x1CC00] =	vst v63  }
0x67: {  	_ =	swait.ge [sflag:s13], $0x4000  }
0x68: {  	[sflag:s13] =	ssyncset.done $0x0  }
0x69: {  	s10 =	rddreg [dreg:$0xa];
	[sflag:s13] =	ssyncadd.s32 $0xFFFFC000  }
0x6a: {  	[tilespmem:s12], [sflag:$0x1] =	stream.indirect.gather [hbm4b:s1+s15], $0x80, s10, s15, $0xb8;
	[tilespmem:$0x1CC00] =	vst v63  }
0x6b: {  	_ =	swait.ge [sflag:s18], $0x4000  }
0x6c: {  	[sflag:s18] =	ssyncset.done $0x0  }
0x6d: {  	s11 =	rddreg [dreg:$0xb];
	[sflag:s18] =	ssyncadd.s32 $0xFFFFC000  }
0x6e: {  	[spmem:s3] =	stream.indirect.scatter.add.f32 [tilespmem:s16], [sflag:$0x3], $0x80, s11, s15, $0xb8;
	[tilespmem:$0x1CC00] =	vst v63  }
0x6f: {  	_ =	swait.ge [sflag:s13], $0x4000  }
0x70: {  	[sflag:s13] =	ssyncset.done $0x0  }
0x71: {  	s9 =	rddreg [dreg:$0xc];
	[sflag:s13] =	ssyncadd.s32 $0xFFFFC000  }
0x72: {  	[tilespmem:s16], [sflag:$0x2] =	stream.indirect.gather [hbm4b:s1+s15], $0x80, s9, s15, $0xb8;
	[tilespmem:$0x1CC00] =	vst v63  }
0x73: {  	_ =	swait.ge [sflag:s17], $0x4000  }
0x74: {  	[sflag:s17] =	ssyncset.done $0x0  }
0x75: {  	s10 =	rddreg [dreg:$0xd];
	[sflag:s17] =	ssyncadd.s32 $0xFFFFC000  }
0x76: {  	[spmem:s3] =	stream.indirect.scatter.add.f32 [tilespmem:s12], [sflag:$0x3], $0x80, s10, s15, $0xb8;
	[tilespmem:$0x1CC00] =	vst v63  }
0x77: {  	_ =	swait.ge [sflag:s13], $0x4000  }
0x78: {  	[sflag:s13] =	ssyncset.done $0x0  }
0x79: {  	s11 =	rddreg [dreg:$0xe];
	[sflag:s13] =	ssyncadd.s32 $0xFFFFC000  }
0x7a: {  	[tilespmem:s12], [sflag:$0x1] =	stream.indirect.gather [hbm4b:s1+s15], $0x80, s11, s15, $0xb8;
	[tilespmem:$0x1CC00] =	vst v63  }
0x7b: {  	_ =	swait.ge [sflag:s18], $0x4000  }
0x7c: {  	[sflag:s18] =	ssyncset.done $0x0  }
0x7d: {  	s9 =	rddreg [dreg:$0xf];
	[sflag:s18] =	ssyncadd.s32 $0xFFFFC000  }
0x7e: {  	[spmem:s3] =	stream.indirect.scatter.add.f32 [tilespmem:s16], [sflag:$0x3], $0x80, s9, s15, $0xb8;
	[tilespmem:$0x1CC00] =	vst v63  }
0x7f: {  	_ =	swait.ge [sflag:s13], $0x4000  }
0x80: {  	[sflag:s13] =	ssyncset.done $0x0  }
0x81: {  	s10 =	rddreg [dreg:$0x10];
	[sflag:s13] =	ssyncadd.s32 $0xFFFFC000  }
0x82: {  	[tilespmem:s16], [sflag:$0x2] =	stream.indirect.gather [hbm4b:s1+s15], $0x80, s10, s15, $0xb8;
	[tilespmem:$0x1CC00] =	vst v63  }
0x83: {  	_ =	swait.ge [sflag:s17], $0x4000  }
0x84: {  	[sflag:s17] =	ssyncset.done $0x0  }
0x85: {  	s11 =	rddreg [dreg:$0x11];
	[sflag:s17] =	ssyncadd.s32 $0xFFFFC000  }
0x86: {  	[spmem:s3] =	stream.indirect.scatter.add.f32 [tilespmem:s12], [sflag:$0x3], $0x80, s11, s15, $0xb8;
	[tilespmem:$0x1CC00] =	vst v63  }
0x87: {  	_ =	swait.ge [sflag:s13], $0x4000  }
0x88: {  	[sflag:s13] =	ssyncset.done $0x0  }
0x89: {  	[sflag:s13] =	ssyncadd.s32 $0xFFFFC000  }
0x8a: {  	[tilespmem:s12], [sflag:$0x1] =	stream.indirect.gather [hbm4b:s1+s15], $0x80, s19, s15, $0xb8;
	[tilespmem:$0x1CC00] =	vst v63  }
0x8b: {  	_ =	swait.ge [sflag:s18], $0x4000  }
0x8c: {  	[sflag:s18] =	ssyncset.done $0x0  }
0x8d: {  	[sflag:s18] =	ssyncadd.s32 $0xFFFFC000  }
0x8e: {  	[spmem:s3] =	stream.indirect.scatter.add.f32 [tilespmem:s16], [sflag:$0x3], $0x80, s20, s15, $0xb8;
	[tilespmem:$0x1CC00] =	vst v63  }
0x8f: {  	_ =	swait.ge [sflag:s13], $0x4000  }
0x90: {  	[sflag:s13] =	ssyncset.done $0x0  }
0x91: {  	[sflag:s13] =	ssyncadd.s32 $0xFFFFC000  }
0x92: {  	[tilespmem:s16], [sflag:$0x2] =	stream.indirect.gather [hbm4b:s1+s15], $0x80, s21, s15, $0xb8;
	[tilespmem:$0x1CC00] =	vst v63  }
0x93: {  	_ =	swait.ge [sflag:s17], $0x4000  }
0x94: {  	[sflag:s17] =	ssyncset.done $0x0  }
0x95: {  	[sflag:s17] =	ssyncadd.s32 $0xFFFFC000  }
0x96: {  	[spmem:s3] =	stream.indirect.scatter.add.f32 [tilespmem:s12], [sflag:$0x3], $0x80, s22, s15, $0xb8;
	[tilespmem:$0x1CC00] =	vst v63  }
0x97: {  	_ =	swait.ge [sflag:s13], $0x4000  }
0x98: {  	[sflag:s13] =	ssyncset.done $0x0  }
0x99: {  	[sflag:s13] =	ssyncadd.s32 $0xFFFFC000  }
0x9a: {  	[tilespmem:s12], [sflag:$0x1] =	stream.indirect.gather [hbm4b:s1+s15], $0x80, s23, s15, $0xb8;
	[tilespmem:$0x1CC00] =	vst v63  }
0x9b: {  	_ =	swait.ge [sflag:s18], $0x4000  }
0x9c: {  	[sflag:s18] =	ssyncset.done $0x0  }
0x9d: {  	[sflag:s18] =	ssyncadd.s32 $0xFFFFC000  }
0x9e: {  	[spmem:s3] =	stream.indirect.scatter.add.f32 [tilespmem:s16], [sflag:$0x3], $0x80, s24, s15, $0xb8;
	[tilespmem:$0x1CC00] =	vst v63  }
0x9f: {  	_ =	swait.ge [sflag:s13], $0x4000  }
0xa0: {  	[sflag:s13] =	ssyncset.done $0x0  }
0xa1: {  	[sflag:s13] =	ssyncadd.s32 $0xFFFFC000  }
0xa2: {  	[tilespmem:s16], [sflag:$0x2] =	stream.indirect.gather [hbm4b:s1+s15], $0x80, s25, s15, $0xb8;
	[tilespmem:$0x1CC00] =	vst v63  }
0xa3: {  	_ =	swait.ge [sflag:s17], $0x4000  }
0xa4: {  	[sflag:s17] =	ssyncset.done $0x0  }
0xa5: {  	[sflag:s17] =	ssyncadd.s32 $0xFFFFC000  }
0xa6: {  	[spmem:s3] =	stream.indirect.scatter.add.f32 [tilespmem:s12], [sflag:$0x3], $0x80, s26, s15, $0xb8;
	[tilespmem:$0x1CC00] =	vst v63  }
0xa7: {  	_ =	swait.ge [sflag:s13], $0x4000  }
0xa8: {  	[sflag:s13] =	ssyncset.done $0x0  }
0xa9: {  	[sflag:s13] =	ssyncadd.s32 $0xFFFFC000  }
0xaa: {  	[tilespmem:s12], [sflag:$0x1] =	stream.indirect.gather [hbm4b:s1+s15], $0x80, s28, s15, $0xb8;
	[tilespmem:$0x1CC00] =	vst v63  }
0xab: {  	_ =	swait.ge [sflag:s18], $0x4000  }
0xac: {  	[sflag:s18] =	ssyncset.done $0x0  }
0xad: {  	[sflag:s18] =	ssyncadd.s32 $0xFFFFC000  }
0xae: {  	[spmem:s3] =	stream.indirect.scatter.add.f32 [tilespmem:s16], [sflag:$0x3], $0x80, s29, s15, $0xb8;
	[tilespmem:$0x1CC00] =	vst v63  }
0xaf: {  	_ =	swait.ge [sflag:s13], $0x4000  }
0xb0: {  	[sflag:s13] =	ssyncset.done $0x0  }
0xb1: {  	[sflag:s13] =	ssyncadd.s32 $0xFFFFC000  }
0xb2: {  	[tilespmem:s16], [sflag:$0x2] =	stream.indirect.gather [hbm4b:s1+s15], $0x80, s30, s15, $0xb8;
	[tilespmem:$0x1CC00] =	vst v63  }
0xb3: {  	_ =	swait.ge [sflag:s17], $0x4000  }
0xb4: {  	[sflag:s17] =	ssyncset.done $0x0  }
0xb5: {  	[sflag:s17] =	ssyncadd.s32 $0xFFFFC000  }
0xb6: {  	[spmem:s3] =	stream.indirect.scatter.add.f32 [tilespmem:s12], [sflag:$0x3], $0x80, s31, s15, $0xb8;
	[tilespmem:$0x1CC00] =	vst v63  }
0xb7: {  	_ =	swait.ge [sflag:s13], $0x4000  }
0xb8: {  	[sflag:s13] =	ssyncset.done $0x0  }
0xb9: {  	[sflag:s13] =	ssyncadd.s32 $0xFFFFC000  }
0xba: {  	[tilespmem:s12], [sflag:$0x1] =	stream.indirect.gather [hbm4b:s1+s15], $0x80, s2, s15, $0xb8;
	[tilespmem:$0x1CC00] =	vst v63  }
0xbb: {  	_ =	swait.ge [sflag:s18], $0x4000  }
0xbc: {  	[sflag:s18] =	ssyncset.done $0x0  }
0xbd: {  	[sflag:s18] =	ssyncadd.s32 $0xFFFFC000  }
0xbe: {  	[spmem:s3] =	stream.indirect.scatter.add.f32 [tilespmem:s16], [sflag:$0x3], $0x80, s0, s15, $0xb8;
	[tilespmem:$0x1CC00] =	vst v63  }
0xbf: {  	_ =	swait.ge [sflag:s13], $0x4000  }
0xc0: {  	[sflag:s13] =	ssyncset.done $0x0  }
0xc1: {  	[sflag:s13] =	ssyncadd.s32 $0xFFFFC000  }
0xc2: {  	[tilespmem:s16], [sflag:$0x2] =	stream.indirect.gather [hbm4b:s1+s15], $0x80, s6, s15, $0xb8;
	[tilespmem:$0x1CC00] =	vst v63  }
0xc3: {  	_ =	swait.ge [sflag:s17], $0x4000  }
0xc4: {  	[sflag:s17] =	ssyncset.done $0x0  }
0xc5: {  	[sflag:s17] =	ssyncadd.s32 $0xFFFFC000  }
0xc6: {  	[spmem:s3] =	stream.indirect.scatter.add.f32 [tilespmem:s12], [sflag:$0x3], $0x80, s7, s15, $0xb8;
	[tilespmem:$0x1CC00] =	vst v63  }
0xc7: {  	_ =	swait.ge [sflag:s13], $0x4000  }
0xc8: {  	[sflag:s13] =	ssyncset.done $0x0  }
0xc9: {  	[sflag:s13] =	ssyncadd.s32 $0xFFFFC000  }
0xca: {  	_ =	swait.ge [sflag:s18], $0x4000  }
0xcb: {  	[sflag:s18] =	ssyncset.done $0x0  }
0xcc: {  	[sflag:s18] =	ssyncadd.s32 $0xFFFFC000  }
0xcd: {  	[spmem:s3] =	stream.indirect.scatter.add.f32 [tilespmem:s16], [sflag:$0x3], $0x80, s8, s15, $0xb8;
	[tilespmem:$0x1CC00] =	vst v63  }
0xce: {  	s10 =	simm.s32 $0x100;
	_ =	swait.ge [sflag:s13], $0x4000  }
0xcf: {  	s11 =	simm.s32 $0x200;
	s5 =	rddreg [dreg:$0x5];
	[sflag:s13] =	ssyncset.done $0x0  }
.LBB2_4:
0xd0: {  	[sflag:s13] =	ssyncadd.s32 $0xFFFFC000;
	s5 =	sadd.s32 s10, s5  }
0xd1: {  	[tilespmem:s4], [sflag:$0x3] =	stream.linear.gather [hbm4b:s5+s4], $0x800, $0x38;
	[tilespmem:$0x1CC00] =	vst v63  }
0xd2: {  	_ =	swait.ge [sflag:s13], $0x800  }
0xd3: {  	s5 =	rddreg [dreg:$0x4];
	[sflag:s13] =	ssyncset.done $0x0  }
0xd4: {  	[sflag:s13] =	ssyncadd.s32 $0xFFFFF800;
	s5 =	sadd.s32 s10, s5  }
0xd5: {  	[tilespmem:s14], [sflag:$0x3] =	stream.linear.gather [hbm4b:s5+s4], $0x800, $0x38;
	[tilespmem:$0x1CC00] =	vst v63  }
0xd6: {  	_ =	swait.ge [sflag:s13], $0x800  }
0xd7: {  	[sflag:s13] =	ssyncset.done $0x0  }
0xd8: {  	[sflag:s13] =	ssyncadd.s32 $0xFFFFF800  }
0xd9: {  	[tilespmem:s12], [sflag:$0x1] =	stream.indirect.gather [hbm4b:s1+s15], $0x80, s4, s15, $0xb8;
	[tilespmem:$0x1CC00] =	vst v63  }
0xda: {  	_ = 	snop  }
0xdb: {  	[tilespmem:s16], [sflag:$0x2] =	stream.indirect.gather [hbm4b:s1+s15], $0x80, s15, s15, $0xb8;
	[tilespmem:$0x1CC00] =	vst v63  }
0xdc: {  	_ =	swait.ge [sflag:s17], $0x4000  }
0xdd: {  	[sflag:s17] =	ssyncset.done $0x0  }
0xde: {  	[sflag:s17] =	ssyncadd.s32 $0xFFFFC000  }
0xdf: {  	[spmem:s3] =	stream.indirect.scatter.add.f32 [tilespmem:s12], [sflag:$0x3], $0x80, s14, s15, $0xb8;
	[tilespmem:$0x1CC00] =	vst v63  }
0xe0: {  	_ =	swait.ge [sflag:s13], $0x4000  }
0xe1: {  	s9 =	smov.u32 s11;
	[sflag:s13] =	ssyncset.done $0x0  }
0xe2: {  	s10 =	smov.u32 s9;
	s9 =	rddreg [dreg:$0x6];
	[sflag:s13] =	ssyncadd.s32 $0xFFFFC000  }
0xe3: {  	[tilespmem:s12], [sflag:$0x1] =	stream.indirect.gather [hbm4b:s1+s15], $0x80, s9, s15, $0xb8;
	[tilespmem:$0x1CC00] =	vst v63  }
0xe4: {  	_ =	swait.ge [sflag:s18], $0x4000  }
0xe5: {  	[sflag:s18] =	ssyncset.done $0x0  }
0xe6: {  	s9 =	rddreg [dreg:$0x7];
	[sflag:s18] =	ssyncadd.s32 $0xFFFFC000  }
0xe7: {  	[spmem:s3] =	stream.indirect.scatter.add.f32 [tilespmem:s16], [sflag:$0x3], $0x80, s9, s15, $0xb8;
	[tilespmem:$0x1CC00] =	vst v63  }
0xe8: {  	_ =	swait.ge [sflag:s13], $0x4000  }
0xe9: {  	[sflag:s13] =	ssyncset.done $0x0  }
0xea: {  	s9 =	rddreg [dreg:$0x8];
	[sflag:s13] =	ssyncadd.s32 $0xFFFFC000  }
0xeb: {  	[tilespmem:s16], [sflag:$0x2] =	stream.indirect.gather [hbm4b:s1+s15], $0x80, s9, s15, $0xb8;
	[tilespmem:$0x1CC00] =	vst v63  }
0xec: {  	_ =	swait.ge [sflag:s17], $0x4000  }
0xed: {  	[sflag:s17] =	ssyncset.done $0x0  }
0xee: {  	s9 =	rddreg [dreg:$0x9];
	[sflag:s17] =	ssyncadd.s32 $0xFFFFC000  }
0xef: {  	[spmem:s3] =	stream.indirect.scatter.add.f32 [tilespmem:s12], [sflag:$0x3], $0x80, s9, s15, $0xb8;
	[tilespmem:$0x1CC00] =	vst v63  }
0xf0: {  	_ =	swait.ge [sflag:s13], $0x4000  }
0xf1: {  	[sflag:s13] =	ssyncset.done $0x0  }
0xf2: {  	s9 =	rddreg [dreg:$0xa];
	[sflag:s13] =	ssyncadd.s32 $0xFFFFC000  }
0xf3: {  	[tilespmem:s12], [sflag:$0x1] =	stream.indirect.gather [hbm4b:s1+s15], $0x80, s9, s15, $0xb8;
	[tilespmem:$0x1CC00] =	vst v63  }
0xf4: {  	_ =	swait.ge [sflag:s18], $0x4000  }
0xf5: {  	[sflag:s18] =	ssyncset.done $0x0  }
0xf6: {  	s9 =	rddreg [dreg:$0xb];
	[sflag:s18] =	ssyncadd.s32 $0xFFFFC000  }
0xf7: {  	[spmem:s3] =	stream.indirect.scatter.add.f32 [tilespmem:s16], [sflag:$0x3], $0x80, s9, s15, $0xb8;
	[tilespmem:$0x1CC00] =	vst v63  }
0xf8: {  	_ =	swait.ge [sflag:s13], $0x4000  }
0xf9: {  	[sflag:s13] =	ssyncset.done $0x0  }
0xfa: {  	s9 =	rddreg [dreg:$0xc];
	[sflag:s13] =	ssyncadd.s32 $0xFFFFC000  }
0xfb: {  	[tilespmem:s16], [sflag:$0x2] =	stream.indirect.gather [hbm4b:s1+s15], $0x80, s9, s15, $0xb8;
	[tilespmem:$0x1CC00] =	vst v63  }
0xfc: {  	_ =	swait.ge [sflag:s17], $0x4000  }
0xfd: {  	[sflag:s17] =	ssyncset.done $0x0  }
0xfe: {  	s9 =	rddreg [dreg:$0xd];
	[sflag:s17] =	ssyncadd.s32 $0xFFFFC000  }
0xff: {  	[spmem:s3] =	stream.indirect.scatter.add.f32 [tilespmem:s12], [sflag:$0x3], $0x80, s9, s15, $0xb8;
	[tilespmem:$0x1CC00] =	vst v63  }
0x100: {  	_ =	swait.ge [sflag:s13], $0x4000  }
0x101: {  	[sflag:s13] =	ssyncset.done $0x0  }
0x102: {  	s9 =	rddreg [dreg:$0xe];
	[sflag:s13] =	ssyncadd.s32 $0xFFFFC000  }
0x103: {  	[tilespmem:s12], [sflag:$0x1] =	stream.indirect.gather [hbm4b:s1+s15], $0x80, s9, s15, $0xb8;
	[tilespmem:$0x1CC00] =	vst v63  }
0x104: {  	_ =	swait.ge [sflag:s18], $0x4000  }
0x105: {  	[sflag:s18] =	ssyncset.done $0x0  }
0x106: {  	s9 =	rddreg [dreg:$0xf];
	[sflag:s18] =	ssyncadd.s32 $0xFFFFC000  }
0x107: {  	[spmem:s3] =	stream.indirect.scatter.add.f32 [tilespmem:s16], [sflag:$0x3], $0x80, s9, s15, $0xb8;
	[tilespmem:$0x1CC00] =	vst v63  }
0x108: {  	_ =	swait.ge [sflag:s13], $0x4000  }
0x109: {  	[sflag:s13] =	ssyncset.done $0x0  }
0x10a: {  	s9 =	rddreg [dreg:$0x10];
	[sflag:s13] =	ssyncadd.s32 $0xFFFFC000  }
0x10b: {  	[tilespmem:s16], [sflag:$0x2] =	stream.indirect.gather [hbm4b:s1+s15], $0x80, s9, s15, $0xb8;
	[tilespmem:$0x1CC00] =	vst v63  }
0x10c: {  	_ =	swait.ge [sflag:s17], $0x4000  }
0x10d: {  	[sflag:s17] =	ssyncset.done $0x0  }
0x10e: {  	s9 =	rddreg [dreg:$0x11];
	[sflag:s17] =	ssyncadd.s32 $0xFFFFC000  }
0x10f: {  	[spmem:s3] =	stream.indirect.scatter.add.f32 [tilespmem:s12], [sflag:$0x3], $0x80, s9, s15, $0xb8;
	[tilespmem:$0x1CC00] =	vst v63  }
0x110: {  	_ =	swait.ge [sflag:s13], $0x4000  }
0x111: {  	[sflag:s13] =	ssyncset.done $0x0  }
0x112: {  	[sflag:s13] =	ssyncadd.s32 $0xFFFFC000  }
0x113: {  	[tilespmem:s12], [sflag:$0x1] =	stream.indirect.gather [hbm4b:s1+s15], $0x80, s19, s15, $0xb8;
	[tilespmem:$0x1CC00] =	vst v63  }
0x114: {  	_ =	swait.ge [sflag:s18], $0x4000  }
0x115: {  	[sflag:s18] =	ssyncset.done $0x0  }
0x116: {  	[sflag:s18] =	ssyncadd.s32 $0xFFFFC000  }
0x117: {  	[spmem:s3] =	stream.indirect.scatter.add.f32 [tilespmem:s16], [sflag:$0x3], $0x80, s20, s15, $0xb8;
	[tilespmem:$0x1CC00] =	vst v63  }
0x118: {  	_ =	swait.ge [sflag:s13], $0x4000  }
0x119: {  	[sflag:s13] =	ssyncset.done $0x0  }
0x11a: {  	[sflag:s13] =	ssyncadd.s32 $0xFFFFC000  }
0x11b: {  	[tilespmem:s16], [sflag:$0x2] =	stream.indirect.gather [hbm4b:s1+s15], $0x80, s21, s15, $0xb8;
	[tilespmem:$0x1CC00] =	vst v63  }
0x11c: {  	_ =	swait.ge [sflag:s17], $0x4000  }
0x11d: {  	[sflag:s17] =	ssyncset.done $0x0  }
0x11e: {  	[sflag:s17] =	ssyncadd.s32 $0xFFFFC000  }
0x11f: {  	[spmem:s3] =	stream.indirect.scatter.add.f32 [tilespmem:s12], [sflag:$0x3], $0x80, s22, s15, $0xb8;
	[tilespmem:$0x1CC00] =	vst v63  }
0x120: {  	_ =	swait.ge [sflag:s13], $0x4000  }
0x121: {  	[sflag:s13] =	ssyncset.done $0x0  }
0x122: {  	[sflag:s13] =	ssyncadd.s32 $0xFFFFC000  }
0x123: {  	[tilespmem:s12], [sflag:$0x1] =	stream.indirect.gather [hbm4b:s1+s15], $0x80, s23, s15, $0xb8;
	[tilespmem:$0x1CC00] =	vst v63  }
0x124: {  	_ =	swait.ge [sflag:s18], $0x4000  }
0x125: {  	[sflag:s18] =	ssyncset.done $0x0  }
0x126: {  	[sflag:s18] =	ssyncadd.s32 $0xFFFFC000  }
0x127: {  	[spmem:s3] =	stream.indirect.scatter.add.f32 [tilespmem:s16], [sflag:$0x3], $0x80, s24, s15, $0xb8;
	[tilespmem:$0x1CC00] =	vst v63  }
0x128: {  	_ =	swait.ge [sflag:s13], $0x4000  }
0x129: {  	[sflag:s13] =	ssyncset.done $0x0  }
0x12a: {  	[sflag:s13] =	ssyncadd.s32 $0xFFFFC000  }
0x12b: {  	[tilespmem:s16], [sflag:$0x2] =	stream.indirect.gather [hbm4b:s1+s15], $0x80, s25, s15, $0xb8;
	[tilespmem:$0x1CC00] =	vst v63  }
0x12c: {  	_ =	swait.ge [sflag:s17], $0x4000  }
0x12d: {  	[sflag:s17] =	ssyncset.done $0x0  }
0x12e: {  	[sflag:s17] =	ssyncadd.s32 $0xFFFFC000  }
0x12f: {  	[spmem:s3] =	stream.indirect.scatter.add.f32 [tilespmem:s12], [sflag:$0x3], $0x80, s26, s15, $0xb8;
	[tilespmem:$0x1CC00] =	vst v63  }
0x130: {  	_ =	swait.ge [sflag:s13], $0x4000  }
0x131: {  	[sflag:s13] =	ssyncset.done $0x0  }
0x132: {  	[sflag:s13] =	ssyncadd.s32 $0xFFFFC000  }
0x133: {  	[tilespmem:s12], [sflag:$0x1] =	stream.indirect.gather [hbm4b:s1+s15], $0x80, s28, s15, $0xb8;
	[tilespmem:$0x1CC00] =	vst v63  }
0x134: {  	_ =	swait.ge [sflag:s18], $0x4000  }
0x135: {  	[sflag:s18] =	ssyncset.done $0x0  }
0x136: {  	[sflag:s18] =	ssyncadd.s32 $0xFFFFC000  }
0x137: {  	[spmem:s3] =	stream.indirect.scatter.add.f32 [tilespmem:s16], [sflag:$0x3], $0x80, s29, s15, $0xb8;
	[tilespmem:$0x1CC00] =	vst v63  }
0x138: {  	_ =	swait.ge [sflag:s13], $0x4000  }
0x139: {  	[sflag:s13] =	ssyncset.done $0x0  }
0x13a: {  	[sflag:s13] =	ssyncadd.s32 $0xFFFFC000  }
0x13b: {  	[tilespmem:s16], [sflag:$0x2] =	stream.indirect.gather [hbm4b:s1+s15], $0x80, s30, s15, $0xb8;
	[tilespmem:$0x1CC00] =	vst v63  }
0x13c: {  	_ =	swait.ge [sflag:s17], $0x4000  }
0x13d: {  	[sflag:s17] =	ssyncset.done $0x0  }
0x13e: {  	[sflag:s17] =	ssyncadd.s32 $0xFFFFC000  }
0x13f: {  	[spmem:s3] =	stream.indirect.scatter.add.f32 [tilespmem:s12], [sflag:$0x3], $0x80, s31, s15, $0xb8;
	[tilespmem:$0x1CC00] =	vst v63  }
0x140: {  	_ =	swait.ge [sflag:s13], $0x4000  }
0x141: {  	[sflag:s13] =	ssyncset.done $0x0  }
0x142: {  	[sflag:s13] =	ssyncadd.s32 $0xFFFFC000  }
0x143: {  	[tilespmem:s12], [sflag:$0x1] =	stream.indirect.gather [hbm4b:s1+s15], $0x80, s2, s15, $0xb8;
	[tilespmem:$0x1CC00] =	vst v63  }
0x144: {  	_ =	swait.ge [sflag:s18], $0x4000  }
0x145: {  	[sflag:s18] =	ssyncset.done $0x0  }
0x146: {  	[sflag:s18] =	ssyncadd.s32 $0xFFFFC000  }
0x147: {  	[spmem:s3] =	stream.indirect.scatter.add.f32 [tilespmem:s16], [sflag:$0x3], $0x80, s0, s15, $0xb8;
	[tilespmem:$0x1CC00] =	vst v63  }
0x148: {  	_ =	swait.ge [sflag:s13], $0x4000  }
0x149: {  	[sflag:s13] =	ssyncset.done $0x0  }
0x14a: {  	[sflag:s13] =	ssyncadd.s32 $0xFFFFC000  }
0x14b: {  	[tilespmem:s16], [sflag:$0x2] =	stream.indirect.gather [hbm4b:s1+s15], $0x80, s6, s15, $0xb8;
	[tilespmem:$0x1CC00] =	vst v63  }
0x14c: {  	_ =	swait.ge [sflag:s17], $0x4000  }
0x14d: {  	[sflag:s17] =	ssyncset.done $0x0  }
0x14e: {  	[sflag:s17] =	ssyncadd.s32 $0xFFFFC000  }
0x14f: {  	[spmem:s3] =	stream.indirect.scatter.add.f32 [tilespmem:s12], [sflag:$0x3], $0x80, s7, s15, $0xb8;
	[tilespmem:$0x1CC00] =	vst v63  }
0x150: {  	_ =	swait.ge [sflag:s13], $0x4000  }
0x151: {  	[sflag:s13] =	ssyncset.done $0x0  }
0x152: {  	[sflag:s13] =	ssyncadd.s32 $0xFFFFC000  }
0x153: {  	p0 =	sne.s32 s11, $0x400;
	_ =	swait.ge [sflag:s18], $0x4000  }
.Ltmp1:
0x154: {  	[sflag:s18] =	ssyncset.done $0x0;
	(pc) =	sbr.rel @p0 .LBB2_4-.Ltmp1, $4  }
0x155: {  	[sflag:s18] =	ssyncadd.s32 $0xFFFFC000  }
0x156: {  	[spmem:s3] =	stream.indirect.scatter.add.f32 [tilespmem:s16], [sflag:$0x3], $0x80, s8, s15, $0xb8;
	[tilespmem:$0x1CC00] =	vst v63  }
0x157: {  	_ =	swait.ge [sflag:s13], $0x4000  }
0x158: {  	s11 =	sadd.s32 $0x100, s11;
	s5 =	rddreg [dreg:$0x5];
	[sflag:s13] =	ssyncset.done $0x0  }
0x159: {  	[sflag:s13] =	ssyncadd.s32 $0xFFFFC000;
	s5 =	sadd.s32 s10, s5  }
0x15a: {  	[tilespmem:s4], [sflag:$0x3] =	stream.linear.gather [hbm4b:s5+s4], $0x800, $0x38;
	[tilespmem:$0x1CC00] =	vst v63  }
0x15b: {  	_ =	swait.ge [sflag:s13], $0x800  }
0x15c: {  	s9 =	rddreg [dreg:$0x4];
	[sflag:s13] =	ssyncset.done $0x0  }
0x15d: {  	[sflag:s13] =	ssyncadd.s32 $0xFFFFF800;
	s5 =	sadd.s32 s10, s9  }
0x15e: {  	[tilespmem:s14], [sflag:$0x3] =	stream.linear.gather [hbm4b:s5+s4], $0x800, $0x38;
	[tilespmem:$0x1CC00] =	vst v63  }
0x15f: {  	_ =	swait.ge [sflag:s13], $0x800  }
0x160: {  	[sflag:s13] =	ssyncset.done $0x0  }
0x161: {  	[sflag:s13] =	ssyncadd.s32 $0xFFFFF800  }
0x162: {  	[tilespmem:s12], [sflag:$0x1] =	stream.indirect.gather [hbm4b:s1+s15], $0x80, s4, s15, $0xb8;
	[tilespmem:$0x1CC00] =	vst v63  }
0x163: {  	_ = 	snop  }
0x164: {  	[tilespmem:s16], [sflag:$0x2] =	stream.indirect.gather [hbm4b:s1+s15], $0x80, s15, s15, $0xb8;
	[tilespmem:$0x1CC00] =	vst v63  }
0x165: {  	_ =	swait.ge [sflag:s17], $0x4000  }
0x166: {  	[sflag:s17] =	ssyncset.done $0x0  }
0x167: {  	[sflag:s17] =	ssyncadd.s32 $0xFFFFC000  }
0x168: {  	[spmem:s3] =	stream.indirect.scatter.add.f32 [tilespmem:s12], [sflag:$0x3], $0x80, s14, s15, $0xb8;
	[tilespmem:$0x1CC00] =	vst v63  }
0x169: {  	_ =	swait.ge [sflag:s13], $0x4000  }
0x16a: {  	[sflag:s13] =	ssyncset.done $0x0  }
0x16b: {  	s10 =	rddreg [dreg:$0x6];
	[sflag:s13] =	ssyncadd.s32 $0xFFFFC000  }
0x16c: {  	[tilespmem:s12], [sflag:$0x1] =	stream.indirect.gather [hbm4b:s1+s15], $0x80, s10, s15, $0xb8;
	[tilespmem:$0x1CC00] =	vst v63  }
0x16d: {  	_ =	swait.ge [sflag:s18], $0x4000  }
0x16e: {  	[sflag:s18] =	ssyncset.done $0x0  }
0x16f: {  	s11 =	rddreg [dreg:$0x7];
	[sflag:s18] =	ssyncadd.s32 $0xFFFFC000  }
0x170: {  	[spmem:s3] =	stream.indirect.scatter.add.f32 [tilespmem:s16], [sflag:$0x3], $0x80, s11, s15, $0xb8;
	[tilespmem:$0x1CC00] =	vst v63  }
0x171: {  	_ =	swait.ge [sflag:s13], $0x4000  }
0x172: {  	[sflag:s13] =	ssyncset.done $0x0  }
0x173: {  	s9 =	rddreg [dreg:$0x8];
	[sflag:s13] =	ssyncadd.s32 $0xFFFFC000  }
0x174: {  	[tilespmem:s16], [sflag:$0x2] =	stream.indirect.gather [hbm4b:s1+s15], $0x80, s9, s15, $0xb8;
	[tilespmem:$0x1CC00] =	vst v63  }
0x175: {  	_ =	swait.ge [sflag:s17], $0x4000  }
0x176: {  	[sflag:s17] =	ssyncset.done $0x0  }
0x177: {  	s10 =	rddreg [dreg:$0x9];
	[sflag:s17] =	ssyncadd.s32 $0xFFFFC000  }
0x178: {  	[spmem:s3] =	stream.indirect.scatter.add.f32 [tilespmem:s12], [sflag:$0x3], $0x80, s10, s15, $0xb8;
	[tilespmem:$0x1CC00] =	vst v63  }
0x179: {  	_ =	swait.ge [sflag:s13], $0x4000  }
0x17a: {  	[sflag:s13] =	ssyncset.done $0x0  }
0x17b: {  	s11 =	rddreg [dreg:$0xa];
	[sflag:s13] =	ssyncadd.s32 $0xFFFFC000  }
0x17c: {  	[tilespmem:s12], [sflag:$0x1] =	stream.indirect.gather [hbm4b:s1+s15], $0x80, s11, s15, $0xb8;
	[tilespmem:$0x1CC00] =	vst v63  }
0x17d: {  	_ =	swait.ge [sflag:s18], $0x4000  }
0x17e: {  	[sflag:s18] =	ssyncset.done $0x0  }
0x17f: {  	s9 =	rddreg [dreg:$0xb];
	[sflag:s18] =	ssyncadd.s32 $0xFFFFC000  }
0x180: {  	[spmem:s3] =	stream.indirect.scatter.add.f32 [tilespmem:s16], [sflag:$0x3], $0x80, s9, s15, $0xb8;
	[tilespmem:$0x1CC00] =	vst v63  }
0x181: {  	_ =	swait.ge [sflag:s13], $0x4000  }
0x182: {  	[sflag:s13] =	ssyncset.done $0x0  }
0x183: {  	s10 =	rddreg [dreg:$0xc];
	[sflag:s13] =	ssyncadd.s32 $0xFFFFC000  }
0x184: {  	[tilespmem:s16], [sflag:$0x2] =	stream.indirect.gather [hbm4b:s1+s15], $0x80, s10, s15, $0xb8;
	[tilespmem:$0x1CC00] =	vst v63  }
0x185: {  	_ =	swait.ge [sflag:s17], $0x4000  }
0x186: {  	[sflag:s17] =	ssyncset.done $0x0  }
0x187: {  	s11 =	rddreg [dreg:$0xd];
	[sflag:s17] =	ssyncadd.s32 $0xFFFFC000  }
0x188: {  	[spmem:s3] =	stream.indirect.scatter.add.f32 [tilespmem:s12], [sflag:$0x3], $0x80, s11, s15, $0xb8;
	[tilespmem:$0x1CC00] =	vst v63  }
0x189: {  	_ =	swait.ge [sflag:s13], $0x4000  }
0x18a: {  	[sflag:s13] =	ssyncset.done $0x0  }
0x18b: {  	s9 =	rddreg [dreg:$0xe];
	[sflag:s13] =	ssyncadd.s32 $0xFFFFC000  }
0x18c: {  	[tilespmem:s12], [sflag:$0x1] =	stream.indirect.gather [hbm4b:s1+s15], $0x80, s9, s15, $0xb8;
	[tilespmem:$0x1CC00] =	vst v63  }
0x18d: {  	_ =	swait.ge [sflag:s18], $0x4000  }
0x18e: {  	[sflag:s18] =	ssyncset.done $0x0  }
0x18f: {  	s10 =	rddreg [dreg:$0xf];
	[sflag:s18] =	ssyncadd.s32 $0xFFFFC000  }
0x190: {  	[spmem:s3] =	stream.indirect.scatter.add.f32 [tilespmem:s16], [sflag:$0x3], $0x80, s10, s15, $0xb8;
	[tilespmem:$0x1CC00] =	vst v63  }
0x191: {  	_ =	swait.ge [sflag:s13], $0x4000  }
0x192: {  	[sflag:s13] =	ssyncset.done $0x0  }
0x193: {  	s11 =	rddreg [dreg:$0x10];
	[sflag:s13] =	ssyncadd.s32 $0xFFFFC000  }
0x194: {  	[tilespmem:s16], [sflag:$0x2] =	stream.indirect.gather [hbm4b:s1+s15], $0x80, s11, s15, $0xb8;
	[tilespmem:$0x1CC00] =	vst v63  }
0x195: {  	_ =	swait.ge [sflag:s17], $0x4000  }
0x196: {  	[sflag:s17] =	ssyncset.done $0x0  }
0x197: {  	s9 =	rddreg [dreg:$0x11];
	[sflag:s17] =	ssyncadd.s32 $0xFFFFC000  }
0x198: {  	[spmem:s3] =	stream.indirect.scatter.add.f32 [tilespmem:s12], [sflag:$0x3], $0x80, s9, s15, $0xb8;
	[tilespmem:$0x1CC00] =	vst v63  }
0x199: {  	_ =	swait.ge [sflag:s13], $0x4000  }
0x19a: {  	[sflag:s13] =	ssyncset.done $0x0  }
0x19b: {  	[sflag:s13] =	ssyncadd.s32 $0xFFFFC000  }
0x19c: {  	[tilespmem:s12], [sflag:$0x1] =	stream.indirect.gather [hbm4b:s1+s15], $0x80, s19, s15, $0xb8;
	[tilespmem:$0x1CC00] =	vst v63  }
0x19d: {  	_ =	swait.ge [sflag:s18], $0x4000  }
0x19e: {  	[sflag:s18] =	ssyncset.done $0x0  }
0x19f: {  	[sflag:s18] =	ssyncadd.s32 $0xFFFFC000  }
0x1a0: {  	[spmem:s3] =	stream.indirect.scatter.add.f32 [tilespmem:s16], [sflag:$0x3], $0x80, s20, s15, $0xb8;
	[tilespmem:$0x1CC00] =	vst v63  }
0x1a1: {  	_ =	swait.ge [sflag:s13], $0x4000  }
0x1a2: {  	[sflag:s13] =	ssyncset.done $0x0  }
0x1a3: {  	[sflag:s13] =	ssyncadd.s32 $0xFFFFC000  }
0x1a4: {  	[tilespmem:s16], [sflag:$0x2] =	stream.indirect.gather [hbm4b:s1+s15], $0x80, s21, s15, $0xb8;
	[tilespmem:$0x1CC00] =	vst v63  }
0x1a5: {  	_ =	swait.ge [sflag:s17], $0x4000  }
0x1a6: {  	[sflag:s17] =	ssyncset.done $0x0  }
0x1a7: {  	[sflag:s17] =	ssyncadd.s32 $0xFFFFC000  }
0x1a8: {  	[spmem:s3] =	stream.indirect.scatter.add.f32 [tilespmem:s12], [sflag:$0x3], $0x80, s22, s15, $0xb8;
	[tilespmem:$0x1CC00] =	vst v63  }
0x1a9: {  	_ =	swait.ge [sflag:s13], $0x4000  }
0x1aa: {  	[sflag:s13] =	ssyncset.done $0x0  }
0x1ab: {  	[sflag:s13] =	ssyncadd.s32 $0xFFFFC000  }
0x1ac: {  	[tilespmem:s12], [sflag:$0x1] =	stream.indirect.gather [hbm4b:s1+s15], $0x80, s23, s15, $0xb8;
	[tilespmem:$0x1CC00] =	vst v63  }
0x1ad: {  	_ =	swait.ge [sflag:s18], $0x4000  }
0x1ae: {  	[sflag:s18] =	ssyncset.done $0x0  }
0x1af: {  	[sflag:s18] =	ssyncadd.s32 $0xFFFFC000  }
0x1b0: {  	[spmem:s3] =	stream.indirect.scatter.add.f32 [tilespmem:s16], [sflag:$0x3], $0x80, s24, s15, $0xb8;
	[tilespmem:$0x1CC00] =	vst v63  }
0x1b1: {  	_ =	swait.ge [sflag:s13], $0x4000  }
0x1b2: {  	[sflag:s13] =	ssyncset.done $0x0  }
0x1b3: {  	[sflag:s13] =	ssyncadd.s32 $0xFFFFC000  }
0x1b4: {  	[tilespmem:s16], [sflag:$0x2] =	stream.indirect.gather [hbm4b:s1+s15], $0x80, s25, s15, $0xb8;
	[tilespmem:$0x1CC00] =	vst v63  }
0x1b5: {  	_ =	swait.ge [sflag:s17], $0x4000  }
0x1b6: {  	[sflag:s17] =	ssyncset.done $0x0  }
0x1b7: {  	[sflag:s17] =	ssyncadd.s32 $0xFFFFC000  }
0x1b8: {  	[spmem:s3] =	stream.indirect.scatter.add.f32 [tilespmem:s12], [sflag:$0x3], $0x80, s26, s15, $0xb8;
	[tilespmem:$0x1CC00] =	vst v63  }
0x1b9: {  	_ =	swait.ge [sflag:s13], $0x4000  }
0x1ba: {  	[sflag:s13] =	ssyncset.done $0x0  }
0x1bb: {  	[sflag:s13] =	ssyncadd.s32 $0xFFFFC000  }
0x1bc: {  	[tilespmem:s12], [sflag:$0x1] =	stream.indirect.gather [hbm4b:s1+s15], $0x80, s28, s15, $0xb8;
	[tilespmem:$0x1CC00] =	vst v63  }
0x1bd: {  	_ =	swait.ge [sflag:s18], $0x4000  }
0x1be: {  	[sflag:s18] =	ssyncset.done $0x0  }
0x1bf: {  	[sflag:s18] =	ssyncadd.s32 $0xFFFFC000  }
0x1c0: {  	[spmem:s3] =	stream.indirect.scatter.add.f32 [tilespmem:s16], [sflag:$0x3], $0x80, s29, s15, $0xb8;
	[tilespmem:$0x1CC00] =	vst v63  }
0x1c1: {  	_ =	swait.ge [sflag:s13], $0x4000  }
0x1c2: {  	[sflag:s13] =	ssyncset.done $0x0  }
0x1c3: {  	[sflag:s13] =	ssyncadd.s32 $0xFFFFC000  }
0x1c4: {  	[tilespmem:s16], [sflag:$0x2] =	stream.indirect.gather [hbm4b:s1+s15], $0x80, s30, s15, $0xb8;
	[tilespmem:$0x1CC00] =	vst v63  }
0x1c5: {  	_ =	swait.ge [sflag:s17], $0x4000  }
0x1c6: {  	[sflag:s17] =	ssyncset.done $0x0  }
0x1c7: {  	[sflag:s17] =	ssyncadd.s32 $0xFFFFC000  }
0x1c8: {  	[spmem:s3] =	stream.indirect.scatter.add.f32 [tilespmem:s12], [sflag:$0x3], $0x80, s31, s15, $0xb8;
	[tilespmem:$0x1CC00] =	vst v63  }
0x1c9: {  	_ =	swait.ge [sflag:s13], $0x4000  }
0x1ca: {  	[sflag:s13] =	ssyncset.done $0x0  }
0x1cb: {  	[sflag:s13] =	ssyncadd.s32 $0xFFFFC000  }
0x1cc: {  	[tilespmem:s12], [sflag:$0x1] =	stream.indirect.gather [hbm4b:s1+s15], $0x80, s2, s15, $0xb8;
	[tilespmem:$0x1CC00] =	vst v63  }
0x1cd: {  	_ =	swait.ge [sflag:s18], $0x4000  }
0x1ce: {  	[sflag:s18] =	ssyncset.done $0x0  }
0x1cf: {  	[sflag:s18] =	ssyncadd.s32 $0xFFFFC000  }
0x1d0: {  	[spmem:s3] =	stream.indirect.scatter.add.f32 [tilespmem:s16], [sflag:$0x3], $0x80, s0, s15, $0xb8;
	[tilespmem:$0x1CC00] =	vst v63  }
0x1d1: {  	_ =	swait.ge [sflag:s13], $0x4000  }
0x1d2: {  	[sflag:s13] =	ssyncset.done $0x0  }
0x1d3: {  	[sflag:s13] =	ssyncadd.s32 $0xFFFFC000  }
0x1d4: {  	[tilespmem:s16], [sflag:$0x2] =	stream.indirect.gather [hbm4b:s1+s15], $0x80, s6, s15, $0xb8;
	[tilespmem:$0x1CC00] =	vst v63  }
0x1d5: {  	_ =	swait.ge [sflag:s17], $0x4000  }
0x1d6: {  	[sflag:s17] =	ssyncset.done $0x0  }
0x1d7: {  	[sflag:s17] =	ssyncadd.s32 $0xFFFFC000  }
0x1d8: {  	[spmem:s3] =	stream.indirect.scatter.add.f32 [tilespmem:s12], [sflag:$0x3], $0x80, s7, s15, $0xb8;
	[tilespmem:$0x1CC00] =	vst v63  }
0x1d9: {  	_ =	swait.ge [sflag:s13], $0x4000  }
0x1da: {  	[sflag:s13] =	ssyncset.done $0x0  }
0x1db: {  	[sflag:s13] =	ssyncadd.s32 $0xFFFFC000  }
0x1dc: {  	_ =	swait.ge [sflag:s18], $0x4000  }
0x1dd: {  	[sflag:s18] =	ssyncset.done $0x0  }
0x1de: {  	[sflag:s18] =	ssyncadd.s32 $0xFFFFC000  }
0x1df: {  	[spmem:s3] =	stream.indirect.scatter.add.f32 [tilespmem:s16], [sflag:$0x3], $0x80, s8, s15, $0xb8;
	[tilespmem:$0x1CC00] =	vst v63  }
0x1e0: {  	_ =	swait.ge [sflag:s13], $0x4000  }
0x1e1: {  	[sflag:s13] =	ssyncset.done $0x0  }
0x1e2: {  	[sflag:s13] =	ssyncadd.s32 $0xFFFFC000  }
0x1e3: {  	s10 =	stileid.u32;
	[bflag:$0x0] =	sbarrier.arrive $0xFFFF  }
0x1e4: {  	s5 =	sshll.u32 s10, $0x6;
	s9 =	rddreg [dreg:$0x12]  }
0x1e5: {  	s5 =	sor.u32 $0x1C03, s5;
	s11 =	rddreg [dreg:$0x17];
	s9 =	sshrl.u32 s9, $0x3  }
0x1e6: {  	[hbm:s11], [sflag:s5] =	dma.local [spmem:s9], $0x2780  }
0x1e7: {  	_ =	swait.ge [sflag:s13], $0x2780  }
0x1e8: {  	s10 =	rddreg [dreg:$0x19]  }
0x1e9: {  	s11 =	rddreg [dreg:$0x18];
	s9 =	sadd.s32 $0x1, s10  }
0x1ea: {  	p0 =	sne.s32 s9, s11  }
.Ltmp2:
0x1eb: {  	_ = 	snop;
	(pc) =	sbr.rel @p0 .LBB2_1-.Ltmp2, $3  }
0x1ec: {  	_ =	sdelay $0x1  }
0x1ed: {  	[sflag:s13] =	ssyncset.done $0x0  }
0x1ee: {  	[sflag:s13] =	ssyncadd.s32 $0xFFFFD880  }
0x1ef: {  	_ =	sfence.sel $0x180000  }
0x1f0: {  	[bflag:$0x0] =	sbarrier.arrive $0xFFFF  }
0x1f1: {  	_ =	strace $0x9000004A  }
0x1f2: {  	s0 =	stileid.u32;
	[bflag:$0x2] =	sbarrier.arrive $0xFFFF  }
0x1f3: {  	p0 =	sne.s32 s0, $0x0;
	s0 =	rddreg [dreg:$0x3]  }
0x1f4: {  	s0 =	sadd.s32 @!p0 $0x100000, s0  }
0x1f5: {  	[sflag:s0] =	ssyncadd.tile.s32 @!p0 $0x1;
	_ =	shalt  }
.Lfunc_end2:
_tile_overlayer_lowered:
.L_overlay_start_2:
0x1f6: {  	(tag) =	ssettag $0x2  }
0x1f7: {  	s0 =	rddreg [dreg:$0x0];
	s2 =	stileid.u32  }
0x1f8: {  	s1 =	rddreg [dreg:$0x1];
	p0 =	sne.s32 s2, $0x0  }
0x1f9: {  	s3 =	rddreg [dreg:$0x2];
	[bflag:$0x3] =	sbarrier.arrive $0xFFFF;
	s2 =	simm.s32 @!p0 $0x1C03  }
0x1fa: {  	[timem:s3], [sflag:s2] =	dma.local @!p0 [hbm:s0], s1  }
0x1fb: {  	s0 =	simm.s32 @!p0 $0x3  }
0x1fc: {  	_ =	swait.ge @!p0 [sflag:s0], s1  }
0x1fd: {  	s1 =	ssub.s32 @!p0 $0x0, s1;
	[sflag:s0] =	ssyncset.done @!p0 $0x0  }
0x1fe: {  	[sflag:s0] =	ssyncadd.s32 @!p0 s1  }
0x1ff: {  	[bflag:$0x3] =	sbarrier.arrive $0xFFFF  }
0x200: {  	_ =	shalt  }

// kernel: kernel.13.cloned.1.call-start
scs
__scs_entry_jumppad:
0x0: {  	(pc) =	sbr.rel $0x88, $3  }
0x1: {  	(tag) =	ssettag $0x0;
	lr =	simm.s32 $0x1  }
0x2: {  	[smem:$0x3F91] =	sst lr;
	_ =	strace $0xD0000000  }
0x3: {  	_ = 	snop  }
0x4: {  	_ = 	snop  }
0x5: {  	_ = 	snop  }
0x6: {  	_ = 	snop  }
0x7: {  	_ = 	snop  }
__scs_overlays_trampoline_lowered:
0x8: {  	[smem:$0x3FA0] =	sst s0  }
0x9: {  	[smem:$0x3FA1] =	sst s1  }
0xa: {  	[smem:$0x3FA2] =	sst s2  }
0xb: {  	[smem:$0x3FA3] =	sst s3  }
0xc: {  	[smem:$0x3FA4] =	sst s4  }
0xd: {  	[smem:$0x3FA5] =	sst s5  }
0xe: {  	[smem:$0x3FA6] =	sst s6  }
0xf: {  	[smem:$0x3FA7] =	sst s7  }
0x10: {  	[smem:$0x3FA8] =	sst s8  }
0x11: {  	[smem:$0x3FA9] =	sst s9;
	s0 =	simm.s32 @!p0 $0x0  }
0x12: {  	s1 =	sld [smem:$0x3F8F];
	s0 =	simm.s32 @p0 $0x1  }
0x13: {  	[smem:$0x3FAA] =	sst s0;
	s0 =	simm.s32 @!p1 $0x0  }
0x14: {  	s2 =	sld [smem:$0x3F8E];
	s0 =	simm.s32 @p1 $0x1  }
0x15: {  	[smem:$0x3FAB] =	sst s0;
	s0 =	simm.s32 @!p2 $0x0  }
0x16: {  	s3 =	sld [smem:$0x3FDB];
	s0 =	simm.s32 @p2 $0x1  }
0x17: {  	s4 =	simm.s32 $0x1BF5;
	[smem:$0x3FAD] =	sst s0  }
0x18: {  	s0 =	sld [smem:$0x3F90];
	_ =	swait.ge [sflag:s4], $0x0  }
0x19: {  	s7 =	sld [smem:$0x3F91]  }
0x1a: {  	s8 =	sadd.s32 $0xFFFFE003, lr  }
0x1b: {  	s9 =	sadd.s32 $0xFFFFFEF7, lr;
	s5 =	simm.s32 $0xFFFFFFFF;
	p2 =	slt.u32 s8, $0xFFFFF086  }
0x1c: {  	p1 =	slt.u32 s9, $0xF7A;
	s5 =	simm.s32 @!p2 $0x0  }
0x1d: {  	s5 =	simm.s32 @p1 $0x1;
	p0 =	seq.s32 s7, s2  }
0x1e: {  	s7 =	smul.u32 @!p0 $0xF7A, s2;
	p2 =	seq.s32 @!p0 s5, $0x0  }
0x1f: {  	s9 =	smul.u32 $0xF7A, s1;
	s8 =	simm.s32 @!p0 $0x1BF5;
	p2 =	por !p2, p0  }
0x20: {  	[sflag:s8] =	ssyncset.s32 @!p0 $0xFFFFF086;
	s6 =	sadd.s32 @!p0 s3, s7;
	s7 =	simm.s32 @!p0 $0x108  }
0x21: {  	s3 =	sadd.s32 s3, s9;
	s6 =	sadd.s32 @!p0 $0x88, s6;
	s7 =	simm.s32 @p2 $0x1082  }
0x22: {  	[simem:s7], [sflag:s8] =	dma.local @!p0 [hbm:s6], $0xF7A  }
0x23: {  	s9 =	sor.u32 $0xD0000000, s2;
	s6 =	simm.s32 $0x108;
	_ =	swait.ge @!p0 [sflag:s8], $0x0  }
0x24: {  	s3 =	sadd.s32 $0x88, s3;
	s6 =	simm.s32 @!p1 $0x1082;
	[sflag:s4] =	ssyncset.s32 $0xFFFFF086  }
0x25: {  	[simem:s6], [sflag:s4] =	dma.local [hbm:s3], $0xF7A  }
0x26: {  	[smem:$0x3F91] =	sst s1;
	(tag) =	ssettag s2;
	_ =	strace s9  }
0x27: {  	s1 =	sld [smem:$0x3FA1]  }
0x28: {  	s2 =	sld [smem:$0x3FA2]  }
0x29: {  	s4 =	sld [smem:$0x3FA4]  }
0x2a: {  	p0 =	seq.s32 s5, $0x0;
	s5 =	sld [smem:$0x3FA5]  }
0x2b: {  	s6 =	sld [smem:$0x3FA6]  }
0x2c: {  	s7 =	sld [smem:$0x3FA7]  }
0x2d: {  	s3 =	simm.s32 $0x108;
	s8 =	sld [smem:$0x3FA8]  }
0x2e: {  	s3 =	simm.s32 @!p0 $0x1082;
	s9 =	sld [smem:$0x3FA9]  }
0x2f: {  	lr =	sadd.s32 s0, s3;
	s0 =	sld [smem:$0x3FA0]  }
0x30: {  	s3 =	sld [smem:$0x3FA3]  }
0x31: {  	[smem:$0x3FAC] =	sst s10  }
0x32: {  	s10 =	sld [smem:$0x3FAA];
	_ =	sdelay $0x3  }
0x33: {  	p0 =	seq.s32 s10, $0x1;
	s10 =	sld [smem:$0x3FAC];
	_ =	sdelay $0x3  }
0x34: {  	[smem:$0x3FAC] =	sst s10  }
0x35: {  	s10 =	sld [smem:$0x3FAB];
	_ =	sdelay $0x3  }
0x36: {  	p1 =	seq.s32 s10, $0x1;
	s10 =	sld [smem:$0x3FAC];
	_ =	sdelay $0x3  }
0x37: {  	[smem:$0x3FAC] =	sst s10  }
0x38: {  	s10 =	sld [smem:$0x3FAD]  }
0x39: {  	_ = 	snop;
	(pc) =	sbr.ind lr, $3  }
0x3a: {  	_ = 	snop  }
0x3b: {  	_ = 	snop  }
0x3c: {  	p2 =	seq.s32 s10, $0x1;
	s10 =	sld [smem:$0x3FAC]  }
0x3d: {  	_ =	shalt  }
0x3e: {  	_ =	shalt  }
0x3f: {  	_ =	shalt  }
0x40: {  	_ =	shalt  }
0x41: {  	_ =	shalt  }
0x42: {  	_ =	shalt  }
0x43: {  	_ =	shalt  }
0x44: {  	_ =	shalt  }
0x45: {  	_ =	shalt  }
0x46: {  	_ =	shalt  }
0x47: {  	_ =	shalt  }
0x48: {  	_ =	shalt  }
0x49: {  	_ =	shalt  }
0x4a: {  	_ =	shalt  }
0x4b: {  	_ =	shalt  }
0x4c: {  	_ =	shalt  }
0x4d: {  	_ =	shalt  }
0x4e: {  	_ =	shalt  }
0x4f: {  	_ =	shalt  }
0x50: {  	_ =	shalt  }
0x51: {  	_ =	shalt  }
0x52: {  	_ =	shalt  }
0x53: {  	_ =	shalt  }
0x54: {  	_ =	shalt  }
0x55: {  	_ =	shalt  }
0x56: {  	_ =	shalt  }
0x57: {  	_ =	shalt  }
0x58: {  	_ =	shalt  }
0x59: {  	_ =	shalt  }
0x5a: {  	_ =	shalt  }
0x5b: {  	_ =	shalt  }
0x5c: {  	_ =	shalt  }
0x5d: {  	_ =	shalt  }
0x5e: {  	_ =	shalt  }
0x5f: {  	_ =	shalt  }
0x60: {  	_ =	shalt  }
0x61: {  	_ =	shalt  }
0x62: {  	_ =	shalt  }
0x63: {  	_ =	shalt  }
0x64: {  	_ =	shalt  }
0x65: {  	_ =	shalt  }
0x66: {  	_ =	shalt  }
0x67: {  	_ =	shalt  }
0x68: {  	_ =	shalt  }
0x69: {  	_ =	shalt  }
0x6a: {  	_ =	shalt  }
0x6b: {  	_ =	shalt  }
0x6c: {  	_ =	shalt  }
0x6d: {  	_ =	shalt  }
0x6e: {  	_ =	shalt  }
0x6f: {  	_ =	shalt  }
0x70: {  	_ =	shalt  }
0x71: {  	_ =	shalt  }
0x72: {  	_ =	shalt  }
0x73: {  	_ =	shalt  }
0x74: {  	_ =	shalt  }
0x75: {  	_ =	shalt  }
0x76: {  	_ =	shalt  }
0x77: {  	_ =	shalt  }
0x78: {  	_ =	shalt  }
0x79: {  	_ =	shalt  }
0x7a: {  	_ =	shalt  }
0x7b: {  	_ =	shalt  }
0x7c: {  	_ =	shalt  }
0x7d: {  	_ =	shalt  }
0x7e: {  	_ =	shalt  }
0x7f: {  	_ =	shalt  }
0x80: {  	_ =	shalt  }
0x81: {  	_ =	shalt  }
0x82: {  	_ =	shalt  }
0x83: {  	_ =	shalt  }
0x84: {  	_ =	shalt  }
0x85: {  	_ =	shalt  }
0x86: {  	_ =	shalt  }
0x87: {  	_ =	shalt  }
.Lfunc_end0:
.L_simem_size_0:
called_computation.2_lowered:
.L_overlay_start_0:
0x88: {  	s2 =	sld [smem:$0x3FD9]  }
0x89: {  	s3 =	sld [smem:$0x3FFE];
	_ =	sdelay $0x1  }
0x8a: {  	s1 =	srdreg.scid  }
0x8b: {  	s0 =	sand.u32 $0x1, s1  }
0x8c: {  	s16 =	sshll.u32 s0, $0xA;
	s2 =	sadd.s32 s3, s2  }
0x8d: {  	s2 =	sadd.s32 s2, s16  }
0x8e: {  	[smem:$0x3FB8] =	sst s2  }
0x8f: {  	_ = 	snop  }
0x90: {  	(tm) =	ssettm $0x1  }
0x91: {  	s17 =	sld [smem:$0x3FFB];
	_ =	sdelay $0x3  }
0x92: {  	_ =	strace s17  }
0x93: {  	s2 =	sld [smem:$0x3FFC];
	_ =	sdelay $0x3  }
0x94: {  	_ =	strace s2  }
0x95: {  	s2 =	sld [smem:$0x3FFD];
	_ =	sdelay $0x3  }
0x96: {  	_ =	strace s2  }
0x97: {  	_ =	strace $0x8FFFFFFF  }
0x98: {  	s18 =	sld [smem:$0x3FDB];
	_ =	sdelay $0x1  }
0x99: {  	s19 =	simm.s32 $_scs_section_size  }
0x9a: {  	s4 =	simm.s32 $_size__tile_overlayer_lowered;
	s5 =	simm.s32 $_tile_overlayer_lowered  }
0x9b: {  	s22 =	simm.s32 $0x1BFF;
	s21 =	sshll.u32 s5, $0x1;
	s2 =	sadd.s32 s19, s18  }
0x9c: {  	s6 =	simm.s32 $0x0;
	s20 =	sshll.u32 s4, $0x1;
	s4 =	sadd.s32 s21, s2  }
0x9d: {  	[timem:s6], [sflag:s22] =	dma.local [hbm:s4], s20  }
0x9e: {  	_ =	swait.ge [sflag:s22], s20  }
0x9f: {  	s3 =	ssub.s32 $0x0, s20;
	[sflag:s22] =	ssyncset.done $0x0  }
0xa0: {  	[sflag:s22] =	ssyncadd.s32 s3;
	_ =	sdelay $0x1  }
0xa1: {  	s23 =	simm.s32 $0x1B8B  }
0xa2: {  	_ =	swait.ge [sflag:s23], $0x1  }
0xa3: {  	[sflag:s23] =	ssyncset.done $0x0  }
0xa4: {  	s25 =	simm.s32 $0x1B8E;
	s24 =	sld [smem:$0x3FFE];
	[sflag:s23] =	ssyncadd.s32 $0xFFFFFFFF  }
0xa5: {  	s26 =	simm.s32 $execute0_lowered;
	[smem:$0x3FD2] =	sst s25  }
0xa6: {  	s4 =	sshll.u32 s26, $0x1;
	_ =	strace $0x8000004C;
	[dreg:$0x1] =	wrdreg $0xFFFFFFFF  }
0xa7: {  	s28 =	simm.s32 $_size_execute0_lowered;
	s2 =	sadd.s32 s2, s4;
	[dreg:$0x0] =	wrdreg $0x0  }
0xa8: {  	s4 =	sshll.u32 s28, $0x1;
	[dreg:$0x2] =	wrdreg s2  }
0xa9: {  	[dreg:$0x3] =	wrdreg s4  }
0xaa: {  	[dreg:$0x4] =	wrdreg $0xC0  }
0xab: {  	_ =	task [dreg:s6], $0x5FFFF  }
0xac: {  	[dreg:$0x1] =	wrdreg $0xFFFFFFFF  }
0xad: {  	[dreg:$0x0] =	wrdreg $0x60  }
0xae: {  	[dreg:$0x2] =	wrdreg s24  }
0xaf: {  	[dreg:$0x3] =	wrdreg $0x90000  }
0xb0: {  	[dreg:$0x4] =	wrdreg $0x9  }
0xb1: {  	_ =	task.clear_ibuf [dreg:s6], $0x5FFFF;
	_ =	strace $0x9000004C  }
0xb2: {  	s29 =	simm.s32 $0x9;
	_ =	strace $0x8000004E  }
0xb3: {  	_ =	swait.ge [sflag:s29], $0x1  }
0xb4: {  	[sflag:s29] =	ssyncadd.s32 $0xFFFFFFFF  }
0xb5: {  	_ =	strace $0x9000004E  }
0xb6: {  	_ =	sfence  }
0xb7: {  	s30 =	sld [smem:$0x0];
	_ =	sdelay $0x2  }
0xb8: {  	s31 =	sshll.u32 s1, $0xD;
	s1 =	sshrl.u32 s1, $0x2  }
0xb9: {  	s3 =	sand.u32 $0x4000, s31;
	s1 =	sadd.s32 s1, s30  }
0xba: {  	s0 =	sor.u32 s3, s0;
	s1 =	sshll.u32 s1, $0x11  }
0xbb: {  	s0 =	sor.u32 s1, s0  }
0xbc: {  	s0 =	sadd.s32 $0x8F2B, s0  }
0xbd: {  	[sflag:s0] =	ssyncadd.remote.s32 $0x1  }
0xbe: {  	_ =	sfence.sel $0xFFFF  }
0xbf: {  	[dreg:$0x0] =	wrdreg $0xFFFFFFFF;
	(pc) =	sbr.abs _section_cstart, $3  }
0xc0: {  	[dreg:$0x1] =	wrdreg $0xFFFFFFFF  }
0xc1: {  	_ =	task.clear_ibuf [dreg:s6], $0x2FFFF;
	_ =	strace $0x9FFFFFFF  }
0xc2: {  	(tm) =	ssettm $0x7FFFFFFF  }
0xc3: {  	_ =	shalt  }
tec
execute0_lowered:
.L_overlay_start_1:
0x0: {  	(tag) =	ssettag $0x1  }
0x1: {  	s0 =	srdreg.scid;
	s1 =	rddreg [dreg:$0x0]  }
0x2: {  	s8 =	stileid.u32;
	s2 =	rddreg [dreg:$0x1]  }
0x3: {  	s3 =	simm.s32 $0x0;
	s13 =	simm.s32 $0x100;
	s14 =	simm.s32 $0x880  }
0x4: {  	s16 =	simm.s32 $0x180;
	s18 =	simm.s32 $0x900;
	[smem:$0x7FF] =	sst s3  }
0x5: {  	s19 =	simm.s32 $0x200;
	_ =	strace $0x8000004D;
	[dreg:$0x5] =	wrdreg s13  }
0x6: {  	s20 =	simm.s32 $0x980;
	s21 =	simm.s32 $0x280;
	[dreg:$0x6] =	wrdreg s14  }
0x7: {  	s22 =	simm.s32 $0xA00;
	s23 =	simm.s32 $0x300;
	[dreg:$0x7] =	wrdreg s16  }
0x8: {  	s24 =	simm.s32 $0xA80;
	s25 =	simm.s32 $0x380;
	[dreg:$0x8] =	wrdreg s18  }
0x9: {  	s26 =	simm.s32 $0xB00;
	s28 =	simm.s32 $0x600;
	[dreg:$0x9] =	wrdreg s19  }
0xa: {  	s29 =	simm.s32 $0xD80;
	s4 =	smul.u32 $0x5000, s8;
	[dreg:$0xa] =	wrdreg s20  }
0xb: {  	s30 =	simm.s32 $0x680;
	s7 =	smul.u32 $0x13C00, s8;
	[dreg:$0xb] =	wrdreg s21  }
0xc: {  	s0 =	sand.u32 $0x1, s0;
	s8 =	smul.u32 $0x4F000, s8;
	[dreg:$0xc] =	wrdreg s22  }
0xd: {  	s31 =	simm.s32 $0xE00;
	s5 =	smul.u32 $0x2800, s0;
	[dreg:$0xd] =	wrdreg s23  }
0xe: {  	s6 =	smul.u32 $0x13C000, s0;
	s0 =	ssub.s32 $0x2, s0;
	[dreg:$0xe] =	wrdreg s24  }
0xf: {  	s13 =	simm.s32 $0x3;
	s14 =	simm.s32 $0x800;
	[dreg:$0xf] =	wrdreg s25  }
0x10: {  	s16 =	simm.s32 $0x5000;
	s18 =	simm.s32 $0x2;
	[dreg:$0x10] =	wrdreg s26  }
0x11: {  	s19 =	simm.s32 $0x400;
	s20 =	simm.s32 $0xB80;
	s21 =	simm.s32 $0x480  }
0x12: {  	s22 =	simm.s32 $0xC00;
	s23 =	simm.s32 $0x500;
	s24 =	simm.s32 $0xC80  }
0x13: {  	s25 =	simm.s32 $0x580;
	s26 =	simm.s32 $0xD00;
	s9 =	sshrl.u32 s0, $0x1  }
0x14: {  	s11 =	sshrl.u32 s8, $0x2;
	s8 =	simm.s32 $0xF80;
	s5 =	sadd.s32 s5, s4  }
0x15: {  	s4 =	sadd.s32 $0x17C00, s1;
	s6 =	sadd.s32 s7, s6;
	s0 =	ssub.s32 s0, s9  }
0x16: {  	s12 =	sadd.s32 s11, s2;
	s9 =	simm.s32 $0x0;
	s5 =	sshrl.u32 s5, $0x3  }
0x17: {  	s6 =	sshrl.u32 s6, $0x3;
	s7 =	sadd.s32 $0x4000, s12;
	[dreg:$0x11] =	wrdreg s12  }
0x18: {  	s15 =	sadd.s32 $0x8000, s12;
	s17 =	sadd.s32 $0xC000, s12;
	[dreg:$0x12] =	wrdreg s7  }
0x19: {  	s0 =	smax.u32 s0, $0x1;
	s5 =	sadd.s32 s5, s1;
	[dreg:$0x13] =	wrdreg s15  }
0x1a: {  	s1 =	sadd.s32 s6, s1;
	[dreg:$0x14] =	wrdreg s17;
	s6 =	sadd.s32 $0x10000, s12  }
0x1b: {  	[dreg:$0x17] =	wrdreg s0;
	s12 =	simm.s32 $0x1000;
	s15 =	simm.s32 $0x80  }
0x1c: {  	s17 =	simm.s32 $0x1;
	s10 =	sadd.s32 $0xDC00, s5;
	[dreg:$0x15] =	wrdreg s6  }
0x1d: {  	s0 =	simm.s32 $0xE80;
	s5 =	sadd.s32 $0x3C00, s5;
	[dreg:$0x3] =	wrdreg s10  }
0x1e: {  	s7 =	simm.s32 $0xF00;
	s1 =	sadd.s32 $0xBFA00, s1;
	[dreg:$0x4] =	wrdreg s5  }
0x1f: {  	v0 =	vimm.f32 $0.0e+00;
	s6 =	simm.s32 $0x780;
	[dreg:$0x16] =	wrdreg s1;
	s1 =	simm.s32 $0x700  }
.LBB2_1:
0x20: {  	s10 =	simm.s32 $0x0;
	s11 =	simm.s32 $0x200  }
.LBB2_2:
0x21: {  	p0 =	sne.s32 s11, $0xFE00;
	[tilespmem:s10+$0x1070] =	vst v0  }
0x22: {  	[tilespmem:s10+$0x1000] =	vst v0  }
0x23: {  	[tilespmem:s10+$0x1010] =	vst v0  }
.Ltmp0:
0x24: {  	[tilespmem:s10+$0x1020] =	vst v0;
	(pc) =	sbr.rel @p0 .LBB2_2-.Ltmp0, $4  }
0x25: {  	[tilespmem:s10+$0x1030] =	vst v0  }
0x26: {  	[tilespmem:s10+$0x1040] =	vst v0  }
0x27: {  	[tilespmem:s10+$0x1050] =	vst v0  }
0x28: {  	[tilespmem:s10+$0x1060] =	vst v0;
	s10 =	sshra.s32 s11, $0x2;
	s11 =	sadd.s32 $0x200, s11  }
0x29: {  	[tilespmem:s10+$0x1070] =	vst v0  }
0x2a: {  	[tilespmem:s10+$0x1000] =	vst v0  }
0x2b: {  	[tilespmem:s10+$0x1010] =	vst v0  }
0x2c: {  	[tilespmem:s10+$0x1020] =	vst v0  }
0x2d: {  	[tilespmem:s10+$0x1030] =	vst v0  }
0x2e: {  	[tilespmem:s10+$0x1040] =	vst v0  }
0x2f: {  	[dreg:$0x18] =	wrdreg s9;
	[tilespmem:s10+$0x1050] =	vst v0  }
0x30: {  	[tilespmem:s10+$0x1060] =	vst v0;
	s5 =	rddreg [dreg:$0x11]  }
0x31: {  	[spmem:s5] =	stream.linear.scatter [tilespmem:s12], [sflag:$0x3], $0x4000, $0x38;
	[tilespmem:$0x1CC00] =	vst v63  }
0x32: {  	_ =	swait.ge [sflag:s13], $0x4000  }
0x33: {  	[sflag:s13] =	ssyncset.done $0x0  }
0x34: {  	s9 =	rddreg [dreg:$0x12];
	[sflag:s13] =	ssyncadd.s32 $0xFFFFC000  }
0x35: {  	[spmem:s9] =	stream.linear.scatter [tilespmem:s12], [sflag:$0x3], $0x4000, $0x38;
	[tilespmem:$0x1CC00] =	vst v63  }
0x36: {  	_ =	swait.ge [sflag:s13], $0x4000  }
0x37: {  	[sflag:s13] =	ssyncset.done $0x0  }
0x38: {  	s10 =	rddreg [dreg:$0x13];
	[sflag:s13] =	ssyncadd.s32 $0xFFFFC000  }
0x39: {  	[spmem:s10] =	stream.linear.scatter [tilespmem:s12], [sflag:$0x3], $0x4000, $0x38;
	[tilespmem:$0x1CC00] =	vst v63  }
0x3a: {  	_ =	swait.ge [sflag:s13], $0x4000  }
0x3b: {  	[sflag:s13] =	ssyncset.done $0x0  }
0x3c: {  	s11 =	rddreg [dreg:$0x14];
	[sflag:s13] =	ssyncadd.s32 $0xFFFFC000  }
0x3d: {  	[spmem:s11] =	stream.linear.scatter [tilespmem:s12], [sflag:$0x3], $0x4000, $0x38;
	[tilespmem:$0x1CC00] =	vst v63  }
0x3e: {  	_ =	swait.ge [sflag:s13], $0x4000  }
0x3f: {  	[sflag:s13] =	ssyncset.done $0x0  }
0x40: {  	s9 =	rddreg [dreg:$0x15];
	[sflag:s13] =	ssyncadd.s32 $0xFFFFC000  }
0x41: {  	[spmem:s9] =	stream.linear.scatter [tilespmem:s12], [sflag:$0x3], $0x3C00, $0x38;
	[tilespmem:$0x1CC00] =	vst v63  }
0x42: {  	_ =	swait.ge [sflag:s13], $0x3C00  }
0x43: {  	[sflag:s13] =	ssyncset.done $0x0  }
0x44: {  	[sflag:s13] =	ssyncadd.s32 $0xFFFFC400  }
0x45: {  	[bflag:$0x0] =	sbarrier.arrive $0xFFFF  }
0x46: {  	s10 =	rddreg [dreg:$0x4]  }
0x47: {  	s5 =	sadd.s32 $0x0, s10  }
0x48: {  	[tilespmem:s3], [sflag:$0x3] =	stream.linear.gather [hbm4b:s5+s3], $0x800, $0x38;
	[tilespmem:$0x1CC00] =	vst v63  }
0x49: {  	_ =	swait.ge [sflag:s13], $0x800  }
0x4a: {  	s11 =	rddreg [dreg:$0x3];
	[sflag:s13] =	ssyncset.done $0x0  }
0x4b: {  	[sflag:s13] =	ssyncadd.s32 $0xFFFFF800;
	s5 =	sadd.s32 $0x0, s11  }
0x4c: {  	[tilespmem:s14], [sflag:$0x3] =	stream.linear.gather [hbm4b:s5+s3], $0x800, $0x38;
	[tilespmem:$0x1CC00] =	vst v63  }
0x4d: {  	_ =	swait.ge [sflag:s13], $0x800  }
0x4e: {  	[sflag:s13] =	ssyncset.done $0x0  }
0x4f: {  	[sflag:s13] =	ssyncadd.s32 $0xFFFFF800  }
0x50: {  	[tilespmem:s12], [sflag:$0x1] =	stream.indirect.gather [hbm4b:s4+s15], $0x80, s3, s15, $0xb8;
	[tilespmem:$0x1CC00] =	vst v63  }
0x51: {  	_ = 	snop  }
0x52: {  	[tilespmem:s16], [sflag:$0x2] =	stream.indirect.gather [hbm4b:s4+s15], $0x80, s15, s15, $0xb8;
	[tilespmem:$0x1CC00] =	vst v63  }
0x53: {  	_ =	swait.ge [sflag:s17], $0x4000  }
0x54: {  	[sflag:s17] =	ssyncset.done $0x0  }
0x55: {  	[sflag:s17] =	ssyncadd.s32 $0xFFFFC000  }
0x56: {  	[spmem:s2] =	stream.indirect.scatter.add.f32 [tilespmem:s12], [sflag:$0x3], $0x80, s14, s15, $0xb8;
	[tilespmem:$0x1CC00] =	vst v63  }
0x57: {  	_ =	swait.ge [sflag:s13], $0x4000  }
0x58: {  	[sflag:s13] =	ssyncset.done $0x0  }
0x59: {  	s9 =	rddreg [dreg:$0x5];
	[sflag:s13] =	ssyncadd.s32 $0xFFFFC000  }
0x5a: {  	[tilespmem:s12], [sflag:$0x1] =	stream.indirect.gather [hbm4b:s4+s15], $0x80, s9, s15, $0xb8;
	[tilespmem:$0x1CC00] =	vst v63  }
0x5b: {  	_ =	swait.ge [sflag:s18], $0x4000  }
0x5c: {  	[sflag:s18] =	ssyncset.done $0x0  }
0x5d: {  	s10 =	rddreg [dreg:$0x6];
	[sflag:s18] =	ssyncadd.s32 $0xFFFFC000  }
0x5e: {  	[spmem:s2] =	stream.indirect.scatter.add.f32 [tilespmem:s16], [sflag:$0x3], $0x80, s10, s15, $0xb8;
	[tilespmem:$0x1CC00] =	vst v63  }
0x5f: {  	_ =	swait.ge [sflag:s13], $0x4000  }
0x60: {  	[sflag:s13] =	ssyncset.done $0x0  }
0x61: {  	s11 =	rddreg [dreg:$0x7];
	[sflag:s13] =	ssyncadd.s32 $0xFFFFC000  }
0x62: {  	[tilespmem:s16], [sflag:$0x2] =	stream.indirect.gather [hbm4b:s4+s15], $0x80, s11, s15, $0xb8;
	[tilespmem:$0x1CC00] =	vst v63  }
0x63: {  	_ =	swait.ge [sflag:s17], $0x4000  }
0x64: {  	[sflag:s17] =	ssyncset.done $0x0  }
0x65: {  	s9 =	rddreg [dreg:$0x8];
	[sflag:s17] =	ssyncadd.s32 $0xFFFFC000  }
0x66: {  	[spmem:s2] =	stream.indirect.scatter.add.f32 [tilespmem:s12], [sflag:$0x3], $0x80, s9, s15, $0xb8;
	[tilespmem:$0x1CC00] =	vst v63  }
0x67: {  	_ =	swait.ge [sflag:s13], $0x4000  }
0x68: {  	[sflag:s13] =	ssyncset.done $0x0  }
0x69: {  	s10 =	rddreg [dreg:$0x9];
	[sflag:s13] =	ssyncadd.s32 $0xFFFFC000  }
0x6a: {  	[tilespmem:s12], [sflag:$0x1] =	stream.indirect.gather [hbm4b:s4+s15], $0x80, s10, s15, $0xb8;
	[tilespmem:$0x1CC00] =	vst v63  }
0x6b: {  	_ =	swait.ge [sflag:s18], $0x4000  }
0x6c: {  	[sflag:s18] =	ssyncset.done $0x0  }
0x6d: {  	s11 =	rddreg [dreg:$0xa];
	[sflag:s18] =	ssyncadd.s32 $0xFFFFC000  }
0x6e: {  	[spmem:s2] =	stream.indirect.scatter.add.f32 [tilespmem:s16], [sflag:$0x3], $0x80, s11, s15, $0xb8;
	[tilespmem:$0x1CC00] =	vst v63  }
0x6f: {  	_ =	swait.ge [sflag:s13], $0x4000  }
0x70: {  	[sflag:s13] =	ssyncset.done $0x0  }
0x71: {  	s9 =	rddreg [dreg:$0xb];
	[sflag:s13] =	ssyncadd.s32 $0xFFFFC000  }
0x72: {  	[tilespmem:s16], [sflag:$0x2] =	stream.indirect.gather [hbm4b:s4+s15], $0x80, s9, s15, $0xb8;
	[tilespmem:$0x1CC00] =	vst v63  }
0x73: {  	_ =	swait.ge [sflag:s17], $0x4000  }
0x74: {  	[sflag:s17] =	ssyncset.done $0x0  }
0x75: {  	s10 =	rddreg [dreg:$0xc];
	[sflag:s17] =	ssyncadd.s32 $0xFFFFC000  }
0x76: {  	[spmem:s2] =	stream.indirect.scatter.add.f32 [tilespmem:s12], [sflag:$0x3], $0x80, s10, s15, $0xb8;
	[tilespmem:$0x1CC00] =	vst v63  }
0x77: {  	_ =	swait.ge [sflag:s13], $0x4000  }
0x78: {  	[sflag:s13] =	ssyncset.done $0x0  }
0x79: {  	s11 =	rddreg [dreg:$0xd];
	[sflag:s13] =	ssyncadd.s32 $0xFFFFC000  }
0x7a: {  	[tilespmem:s12], [sflag:$0x1] =	stream.indirect.gather [hbm4b:s4+s15], $0x80, s11, s15, $0xb8;
	[tilespmem:$0x1CC00] =	vst v63  }
0x7b: {  	_ =	swait.ge [sflag:s18], $0x4000  }
0x7c: {  	[sflag:s18] =	ssyncset.done $0x0  }
0x7d: {  	s9 =	rddreg [dreg:$0xe];
	[sflag:s18] =	ssyncadd.s32 $0xFFFFC000  }
0x7e: {  	[spmem:s2] =	stream.indirect.scatter.add.f32 [tilespmem:s16], [sflag:$0x3], $0x80, s9, s15, $0xb8;
	[tilespmem:$0x1CC00] =	vst v63  }
0x7f: {  	_ =	swait.ge [sflag:s13], $0x4000  }
0x80: {  	[sflag:s13] =	ssyncset.done $0x0  }
0x81: {  	s10 =	rddreg [dreg:$0xf];
	[sflag:s13] =	ssyncadd.s32 $0xFFFFC000  }
0x82: {  	[tilespmem:s16], [sflag:$0x2] =	stream.indirect.gather [hbm4b:s4+s15], $0x80, s10, s15, $0xb8;
	[tilespmem:$0x1CC00] =	vst v63  }
0x83: {  	_ =	swait.ge [sflag:s17], $0x4000  }
0x84: {  	[sflag:s17] =	ssyncset.done $0x0  }
0x85: {  	s11 =	rddreg [dreg:$0x10];
	[sflag:s17] =	ssyncadd.s32 $0xFFFFC000  }
0x86: {  	[spmem:s2] =	stream.indirect.scatter.add.f32 [tilespmem:s12], [sflag:$0x3], $0x80, s11, s15, $0xb8;
	[tilespmem:$0x1CC00] =	vst v63  }
0x87: {  	_ =	swait.ge [sflag:s13], $0x4000  }
0x88: {  	[sflag:s13] =	ssyncset.done $0x0  }
0x89: {  	[sflag:s13] =	ssyncadd.s32 $0xFFFFC000  }
0x8a: {  	[tilespmem:s12], [sflag:$0x1] =	stream.indirect.gather [hbm4b:s4+s15], $0x80, s19, s15, $0xb8;
	[tilespmem:$0x1CC00] =	vst v63  }
0x8b: {  	_ =	swait.ge [sflag:s18], $0x4000  }
0x8c: {  	[sflag:s18] =	ssyncset.done $0x0  }
0x8d: {  	[sflag:s18] =	ssyncadd.s32 $0xFFFFC000  }
0x8e: {  	[spmem:s2] =	stream.indirect.scatter.add.f32 [tilespmem:s16], [sflag:$0x3], $0x80, s20, s15, $0xb8;
	[tilespmem:$0x1CC00] =	vst v63  }
0x8f: {  	_ =	swait.ge [sflag:s13], $0x4000  }
0x90: {  	[sflag:s13] =	ssyncset.done $0x0  }
0x91: {  	[sflag:s13] =	ssyncadd.s32 $0xFFFFC000  }
0x92: {  	[tilespmem:s16], [sflag:$0x2] =	stream.indirect.gather [hbm4b:s4+s15], $0x80, s21, s15, $0xb8;
	[tilespmem:$0x1CC00] =	vst v63  }
0x93: {  	_ =	swait.ge [sflag:s17], $0x4000  }
0x94: {  	[sflag:s17] =	ssyncset.done $0x0  }
0x95: {  	[sflag:s17] =	ssyncadd.s32 $0xFFFFC000  }
0x96: {  	[spmem:s2] =	stream.indirect.scatter.add.f32 [tilespmem:s12], [sflag:$0x3], $0x80, s22, s15, $0xb8;
	[tilespmem:$0x1CC00] =	vst v63  }
0x97: {  	_ =	swait.ge [sflag:s13], $0x4000  }
0x98: {  	[sflag:s13] =	ssyncset.done $0x0  }
0x99: {  	[sflag:s13] =	ssyncadd.s32 $0xFFFFC000  }
0x9a: {  	[tilespmem:s12], [sflag:$0x1] =	stream.indirect.gather [hbm4b:s4+s15], $0x80, s23, s15, $0xb8;
	[tilespmem:$0x1CC00] =	vst v63  }
0x9b: {  	_ =	swait.ge [sflag:s18], $0x4000  }
0x9c: {  	[sflag:s18] =	ssyncset.done $0x0  }
0x9d: {  	[sflag:s18] =	ssyncadd.s32 $0xFFFFC000  }
0x9e: {  	[spmem:s2] =	stream.indirect.scatter.add.f32 [tilespmem:s16], [sflag:$0x3], $0x80, s24, s15, $0xb8;
	[tilespmem:$0x1CC00] =	vst v63  }
0x9f: {  	_ =	swait.ge [sflag:s13], $0x4000  }
0xa0: {  	[sflag:s13] =	ssyncset.done $0x0  }
0xa1: {  	[sflag:s13] =	ssyncadd.s32 $0xFFFFC000  }
0xa2: {  	[tilespmem:s16], [sflag:$0x2] =	stream.indirect.gather [hbm4b:s4+s15], $0x80, s25, s15, $0xb8;
	[tilespmem:$0x1CC00] =	vst v63  }
0xa3: {  	_ =	swait.ge [sflag:s17], $0x4000  }
0xa4: {  	[sflag:s17] =	ssyncset.done $0x0  }
0xa5: {  	[sflag:s17] =	ssyncadd.s32 $0xFFFFC000  }
0xa6: {  	[spmem:s2] =	stream.indirect.scatter.add.f32 [tilespmem:s12], [sflag:$0x3], $0x80, s26, s15, $0xb8;
	[tilespmem:$0x1CC00] =	vst v63  }
0xa7: {  	_ =	swait.ge [sflag:s13], $0x4000  }
0xa8: {  	[sflag:s13] =	ssyncset.done $0x0  }
0xa9: {  	[sflag:s13] =	ssyncadd.s32 $0xFFFFC000  }
0xaa: {  	[tilespmem:s12], [sflag:$0x1] =	stream.indirect.gather [hbm4b:s4+s15], $0x80, s28, s15, $0xb8;
	[tilespmem:$0x1CC00] =	vst v63  }
0xab: {  	_ =	swait.ge [sflag:s18], $0x4000  }
0xac: {  	[sflag:s18] =	ssyncset.done $0x0  }
0xad: {  	[sflag:s18] =	ssyncadd.s32 $0xFFFFC000  }
0xae: {  	[spmem:s2] =	stream.indirect.scatter.add.f32 [tilespmem:s16], [sflag:$0x3], $0x80, s29, s15, $0xb8;
	[tilespmem:$0x1CC00] =	vst v63  }
0xaf: {  	_ =	swait.ge [sflag:s13], $0x4000  }
0xb0: {  	[sflag:s13] =	ssyncset.done $0x0  }
0xb1: {  	[sflag:s13] =	ssyncadd.s32 $0xFFFFC000  }
0xb2: {  	[tilespmem:s16], [sflag:$0x2] =	stream.indirect.gather [hbm4b:s4+s15], $0x80, s30, s15, $0xb8;
	[tilespmem:$0x1CC00] =	vst v63  }
0xb3: {  	_ =	swait.ge [sflag:s17], $0x4000  }
0xb4: {  	[sflag:s17] =	ssyncset.done $0x0  }
0xb5: {  	[sflag:s17] =	ssyncadd.s32 $0xFFFFC000  }
0xb6: {  	[spmem:s2] =	stream.indirect.scatter.add.f32 [tilespmem:s12], [sflag:$0x3], $0x80, s31, s15, $0xb8;
	[tilespmem:$0x1CC00] =	vst v63  }
0xb7: {  	_ =	swait.ge [sflag:s13], $0x4000  }
0xb8: {  	[sflag:s13] =	ssyncset.done $0x0  }
0xb9: {  	[sflag:s13] =	ssyncadd.s32 $0xFFFFC000  }
0xba: {  	[tilespmem:s12], [sflag:$0x1] =	stream.indirect.gather [hbm4b:s4+s15], $0x80, s1, s15, $0xb8;
	[tilespmem:$0x1CC00] =	vst v63  }
0xbb: {  	_ =	swait.ge [sflag:s18], $0x4000  }
0xbc: {  	[sflag:s18] =	ssyncset.done $0x0  }
0xbd: {  	[sflag:s18] =	ssyncadd.s32 $0xFFFFC000  }
0xbe: {  	[spmem:s2] =	stream.indirect.scatter.add.f32 [tilespmem:s16], [sflag:$0x3], $0x80, s0, s15, $0xb8;
	[tilespmem:$0x1CC00] =	vst v63  }
0xbf: {  	_ =	swait.ge [sflag:s13], $0x4000  }
0xc0: {  	[sflag:s13] =	ssyncset.done $0x0  }
0xc1: {  	[sflag:s13] =	ssyncadd.s32 $0xFFFFC000  }
0xc2: {  	[tilespmem:s16], [sflag:$0x2] =	stream.indirect.gather [hbm4b:s4+s15], $0x80, s6, s15, $0xb8;
	[tilespmem:$0x1CC00] =	vst v63  }
0xc3: {  	_ =	swait.ge [sflag:s17], $0x4000  }
0xc4: {  	[sflag:s17] =	ssyncset.done $0x0  }
0xc5: {  	[sflag:s17] =	ssyncadd.s32 $0xFFFFC000  }
0xc6: {  	[spmem:s2] =	stream.indirect.scatter.add.f32 [tilespmem:s12], [sflag:$0x3], $0x80, s7, s15, $0xb8;
	[tilespmem:$0x1CC00] =	vst v63  }
0xc7: {  	_ =	swait.ge [sflag:s13], $0x4000  }
0xc8: {  	[sflag:s13] =	ssyncset.done $0x0  }
0xc9: {  	[sflag:s13] =	ssyncadd.s32 $0xFFFFC000  }
0xca: {  	_ =	swait.ge [sflag:s18], $0x4000  }
0xcb: {  	[sflag:s18] =	ssyncset.done $0x0  }
0xcc: {  	[sflag:s18] =	ssyncadd.s32 $0xFFFFC000  }
0xcd: {  	[spmem:s2] =	stream.indirect.scatter.add.f32 [tilespmem:s16], [sflag:$0x3], $0x80, s8, s15, $0xb8;
	[tilespmem:$0x1CC00] =	vst v63  }
0xce: {  	s10 =	simm.s32 $0x100;
	_ =	swait.ge [sflag:s13], $0x4000  }
0xcf: {  	s11 =	simm.s32 $0x200;
	s5 =	rddreg [dreg:$0x4];
	[sflag:s13] =	ssyncset.done $0x0  }
.LBB2_4:
0xd0: {  	[sflag:s13] =	ssyncadd.s32 $0xFFFFC000;
	s5 =	sadd.s32 s10, s5  }
0xd1: {  	[tilespmem:s3], [sflag:$0x3] =	stream.linear.gather [hbm4b:s5+s3], $0x800, $0x38;
	[tilespmem:$0x1CC00] =	vst v63  }
0xd2: {  	_ =	swait.ge [sflag:s13], $0x800  }
0xd3: {  	s5 =	rddreg [dreg:$0x3];
	[sflag:s13] =	ssyncset.done $0x0  }
0xd4: {  	[sflag:s13] =	ssyncadd.s32 $0xFFFFF800;
	s5 =	sadd.s32 s10, s5  }
0xd5: {  	[tilespmem:s14], [sflag:$0x3] =	stream.linear.gather [hbm4b:s5+s3], $0x800, $0x38;
	[tilespmem:$0x1CC00] =	vst v63  }
0xd6: {  	_ =	swait.ge [sflag:s13], $0x800  }
0xd7: {  	[sflag:s13] =	ssyncset.done $0x0  }
0xd8: {  	[sflag:s13] =	ssyncadd.s32 $0xFFFFF800  }
0xd9: {  	[tilespmem:s12], [sflag:$0x1] =	stream.indirect.gather [hbm4b:s4+s15], $0x80, s3, s15, $0xb8;
	[tilespmem:$0x1CC00] =	vst v63  }
0xda: {  	_ = 	snop  }
0xdb: {  	[tilespmem:s16], [sflag:$0x2] =	stream.indirect.gather [hbm4b:s4+s15], $0x80, s15, s15, $0xb8;
	[tilespmem:$0x1CC00] =	vst v63  }
0xdc: {  	_ =	swait.ge [sflag:s17], $0x4000  }
0xdd: {  	[sflag:s17] =	ssyncset.done $0x0  }
0xde: {  	[sflag:s17] =	ssyncadd.s32 $0xFFFFC000  }
0xdf: {  	[spmem:s2] =	stream.indirect.scatter.add.f32 [tilespmem:s12], [sflag:$0x3], $0x80, s14, s15, $0xb8;
	[tilespmem:$0x1CC00] =	vst v63  }
0xe0: {  	_ =	swait.ge [sflag:s13], $0x4000  }
0xe1: {  	s9 =	smov.u32 s11;
	[sflag:s13] =	ssyncset.done $0x0  }
0xe2: {  	s10 =	smov.u32 s9;
	s9 =	rddreg [dreg:$0x5];
	[sflag:s13] =	ssyncadd.s32 $0xFFFFC000  }
0xe3: {  	[tilespmem:s12], [sflag:$0x1] =	stream.indirect.gather [hbm4b:s4+s15], $0x80, s9, s15, $0xb8;
	[tilespmem:$0x1CC00] =	vst v63  }
0xe4: {  	_ =	swait.ge [sflag:s18], $0x4000  }
0xe5: {  	[sflag:s18] =	ssyncset.done $0x0  }
0xe6: {  	s9 =	rddreg [dreg:$0x6];
	[sflag:s18] =	ssyncadd.s32 $0xFFFFC000  }
0xe7: {  	[spmem:s2] =	stream.indirect.scatter.add.f32 [tilespmem:s16], [sflag:$0x3], $0x80, s9, s15, $0xb8;
	[tilespmem:$0x1CC00] =	vst v63  }
0xe8: {  	_ =	swait.ge [sflag:s13], $0x4000  }
0xe9: {  	[sflag:s13] =	ssyncset.done $0x0  }
0xea: {  	s9 =	rddreg [dreg:$0x7];
	[sflag:s13] =	ssyncadd.s32 $0xFFFFC000  }
0xeb: {  	[tilespmem:s16], [sflag:$0x2] =	stream.indirect.gather [hbm4b:s4+s15], $0x80, s9, s15, $0xb8;
	[tilespmem:$0x1CC00] =	vst v63  }
0xec: {  	_ =	swait.ge [sflag:s17], $0x4000  }
0xed: {  	[sflag:s17] =	ssyncset.done $0x0  }
0xee: {  	s9 =	rddreg [dreg:$0x8];
	[sflag:s17] =	ssyncadd.s32 $0xFFFFC000  }
0xef: {  	[spmem:s2] =	stream.indirect.scatter.add.f32 [tilespmem:s12], [sflag:$0x3], $0x80, s9, s15, $0xb8;
	[tilespmem:$0x1CC00] =	vst v63  }
0xf0: {  	_ =	swait.ge [sflag:s13], $0x4000  }
0xf1: {  	[sflag:s13] =	ssyncset.done $0x0  }
0xf2: {  	s9 =	rddreg [dreg:$0x9];
	[sflag:s13] =	ssyncadd.s32 $0xFFFFC000  }
0xf3: {  	[tilespmem:s12], [sflag:$0x1] =	stream.indirect.gather [hbm4b:s4+s15], $0x80, s9, s15, $0xb8;
	[tilespmem:$0x1CC00] =	vst v63  }
0xf4: {  	_ =	swait.ge [sflag:s18], $0x4000  }
0xf5: {  	[sflag:s18] =	ssyncset.done $0x0  }
0xf6: {  	s9 =	rddreg [dreg:$0xa];
	[sflag:s18] =	ssyncadd.s32 $0xFFFFC000  }
0xf7: {  	[spmem:s2] =	stream.indirect.scatter.add.f32 [tilespmem:s16], [sflag:$0x3], $0x80, s9, s15, $0xb8;
	[tilespmem:$0x1CC00] =	vst v63  }
0xf8: {  	_ =	swait.ge [sflag:s13], $0x4000  }
0xf9: {  	[sflag:s13] =	ssyncset.done $0x0  }
0xfa: {  	s9 =	rddreg [dreg:$0xb];
	[sflag:s13] =	ssyncadd.s32 $0xFFFFC000  }
0xfb: {  	[tilespmem:s16], [sflag:$0x2] =	stream.indirect.gather [hbm4b:s4+s15], $0x80, s9, s15, $0xb8;
	[tilespmem:$0x1CC00] =	vst v63  }
0xfc: {  	_ =	swait.ge [sflag:s17], $0x4000  }
0xfd: {  	[sflag:s17] =	ssyncset.done $0x0  }
0xfe: {  	s9 =	rddreg [dreg:$0xc];
	[sflag:s17] =	ssyncadd.s32 $0xFFFFC000  }
0xff: {  	[spmem:s2] =	stream.indirect.scatter.add.f32 [tilespmem:s12], [sflag:$0x3], $0x80, s9, s15, $0xb8;
	[tilespmem:$0x1CC00] =	vst v63  }
0x100: {  	_ =	swait.ge [sflag:s13], $0x4000  }
0x101: {  	[sflag:s13] =	ssyncset.done $0x0  }
0x102: {  	s9 =	rddreg [dreg:$0xd];
	[sflag:s13] =	ssyncadd.s32 $0xFFFFC000  }
0x103: {  	[tilespmem:s12], [sflag:$0x1] =	stream.indirect.gather [hbm4b:s4+s15], $0x80, s9, s15, $0xb8;
	[tilespmem:$0x1CC00] =	vst v63  }
0x104: {  	_ =	swait.ge [sflag:s18], $0x4000  }
0x105: {  	[sflag:s18] =	ssyncset.done $0x0  }
0x106: {  	s9 =	rddreg [dreg:$0xe];
	[sflag:s18] =	ssyncadd.s32 $0xFFFFC000  }
0x107: {  	[spmem:s2] =	stream.indirect.scatter.add.f32 [tilespmem:s16], [sflag:$0x3], $0x80, s9, s15, $0xb8;
	[tilespmem:$0x1CC00] =	vst v63  }
0x108: {  	_ =	swait.ge [sflag:s13], $0x4000  }
0x109: {  	[sflag:s13] =	ssyncset.done $0x0  }
0x10a: {  	s9 =	rddreg [dreg:$0xf];
	[sflag:s13] =	ssyncadd.s32 $0xFFFFC000  }
0x10b: {  	[tilespmem:s16], [sflag:$0x2] =	stream.indirect.gather [hbm4b:s4+s15], $0x80, s9, s15, $0xb8;
	[tilespmem:$0x1CC00] =	vst v63  }
0x10c: {  	_ =	swait.ge [sflag:s17], $0x4000  }
0x10d: {  	[sflag:s17] =	ssyncset.done $0x0  }
0x10e: {  	s9 =	rddreg [dreg:$0x10];
	[sflag:s17] =	ssyncadd.s32 $0xFFFFC000  }
0x10f: {  	[spmem:s2] =	stream.indirect.scatter.add.f32 [tilespmem:s12], [sflag:$0x3], $0x80, s9, s15, $0xb8;
	[tilespmem:$0x1CC00] =	vst v63  }
0x110: {  	_ =	swait.ge [sflag:s13], $0x4000  }
0x111: {  	[sflag:s13] =	ssyncset.done $0x0  }
0x112: {  	[sflag:s13] =	ssyncadd.s32 $0xFFFFC000  }
0x113: {  	[tilespmem:s12], [sflag:$0x1] =	stream.indirect.gather [hbm4b:s4+s15], $0x80, s19, s15, $0xb8;
	[tilespmem:$0x1CC00] =	vst v63  }
0x114: {  	_ =	swait.ge [sflag:s18], $0x4000  }
0x115: {  	[sflag:s18] =	ssyncset.done $0x0  }
0x116: {  	[sflag:s18] =	ssyncadd.s32 $0xFFFFC000  }
0x117: {  	[spmem:s2] =	stream.indirect.scatter.add.f32 [tilespmem:s16], [sflag:$0x3], $0x80, s20, s15, $0xb8;
	[tilespmem:$0x1CC00] =	vst v63  }
0x118: {  	_ =	swait.ge [sflag:s13], $0x4000  }
0x119: {  	[sflag:s13] =	ssyncset.done $0x0  }
0x11a: {  	[sflag:s13] =	ssyncadd.s32 $0xFFFFC000  }
0x11b: {  	[tilespmem:s16], [sflag:$0x2] =	stream.indirect.gather [hbm4b:s4+s15], $0x80, s21, s15, $0xb8;
	[tilespmem:$0x1CC00] =	vst v63  }
0x11c: {  	_ =	swait.ge [sflag:s17], $0x4000  }
0x11d: {  	[sflag:s17] =	ssyncset.done $0x0  }
0x11e: {  	[sflag:s17] =	ssyncadd.s32 $0xFFFFC000  }
0x11f: {  	[spmem:s2] =	stream.indirect.scatter.add.f32 [tilespmem:s12], [sflag:$0x3], $0x80, s22, s15, $0xb8;
	[tilespmem:$0x1CC00] =	vst v63  }
0x120: {  	_ =	swait.ge [sflag:s13], $0x4000  }
0x121: {  	[sflag:s13] =	ssyncset.done $0x0  }
0x122: {  	[sflag:s13] =	ssyncadd.s32 $0xFFFFC000  }
0x123: {  	[tilespmem:s12], [sflag:$0x1] =	stream.indirect.gather [hbm4b:s4+s15], $0x80, s23, s15, $0xb8;
	[tilespmem:$0x1CC00] =	vst v63  }
0x124: {  	_ =	swait.ge [sflag:s18], $0x4000  }
0x125: {  	[sflag:s18] =	ssyncset.done $0x0  }
0x126: {  	[sflag:s18] =	ssyncadd.s32 $0xFFFFC000  }
0x127: {  	[spmem:s2] =	stream.indirect.scatter.add.f32 [tilespmem:s16], [sflag:$0x3], $0x80, s24, s15, $0xb8;
	[tilespmem:$0x1CC00] =	vst v63  }
0x128: {  	_ =	swait.ge [sflag:s13], $0x4000  }
0x129: {  	[sflag:s13] =	ssyncset.done $0x0  }
0x12a: {  	[sflag:s13] =	ssyncadd.s32 $0xFFFFC000  }
0x12b: {  	[tilespmem:s16], [sflag:$0x2] =	stream.indirect.gather [hbm4b:s4+s15], $0x80, s25, s15, $0xb8;
	[tilespmem:$0x1CC00] =	vst v63  }
0x12c: {  	_ =	swait.ge [sflag:s17], $0x4000  }
0x12d: {  	[sflag:s17] =	ssyncset.done $0x0  }
0x12e: {  	[sflag:s17] =	ssyncadd.s32 $0xFFFFC000  }
0x12f: {  	[spmem:s2] =	stream.indirect.scatter.add.f32 [tilespmem:s12], [sflag:$0x3], $0x80, s26, s15, $0xb8;
	[tilespmem:$0x1CC00] =	vst v63  }
0x130: {  	_ =	swait.ge [sflag:s13], $0x4000  }
0x131: {  	[sflag:s13] =	ssyncset.done $0x0  }
0x132: {  	[sflag:s13] =	ssyncadd.s32 $0xFFFFC000  }
0x133: {  	[tilespmem:s12], [sflag:$0x1] =	stream.indirect.gather [hbm4b:s4+s15], $0x80, s28, s15, $0xb8;
	[tilespmem:$0x1CC00] =	vst v63  }
0x134: {  	_ =	swait.ge [sflag:s18], $0x4000  }
0x135: {  	[sflag:s18] =	ssyncset.done $0x0  }
0x136: {  	[sflag:s18] =	ssyncadd.s32 $0xFFFFC000  }
0x137: {  	[spmem:s2] =	stream.indirect.scatter.add.f32 [tilespmem:s16], [sflag:$0x3], $0x80, s29, s15, $0xb8;
	[tilespmem:$0x1CC00] =	vst v63  }
0x138: {  	_ =	swait.ge [sflag:s13], $0x4000  }
0x139: {  	[sflag:s13] =	ssyncset.done $0x0  }
0x13a: {  	[sflag:s13] =	ssyncadd.s32 $0xFFFFC000  }
0x13b: {  	[tilespmem:s16], [sflag:$0x2] =	stream.indirect.gather [hbm4b:s4+s15], $0x80, s30, s15, $0xb8;
	[tilespmem:$0x1CC00] =	vst v63  }
0x13c: {  	_ =	swait.ge [sflag:s17], $0x4000  }
0x13d: {  	[sflag:s17] =	ssyncset.done $0x0  }
0x13e: {  	[sflag:s17] =	ssyncadd.s32 $0xFFFFC000  }
0x13f: {  	[spmem:s2] =	stream.indirect.scatter.add.f32 [tilespmem:s12], [sflag:$0x3], $0x80, s31, s15, $0xb8;
	[tilespmem:$0x1CC00] =	vst v63  }
0x140: {  	_ =	swait.ge [sflag:s13], $0x4000  }
0x141: {  	[sflag:s13] =	ssyncset.done $0x0  }
0x142: {  	[sflag:s13] =	ssyncadd.s32 $0xFFFFC000  }
0x143: {  	[tilespmem:s12], [sflag:$0x1] =	stream.indirect.gather [hbm4b:s4+s15], $0x80, s1, s15, $0xb8;
	[tilespmem:$0x1CC00] =	vst v63  }
0x144: {  	_ =	swait.ge [sflag:s18], $0x4000  }
0x145: {  	[sflag:s18] =	ssyncset.done $0x0  }
0x146: {  	[sflag:s18] =	ssyncadd.s32 $0xFFFFC000  }
0x147: {  	[spmem:s2] =	stream.indirect.scatter.add.f32 [tilespmem:s16], [sflag:$0x3], $0x80, s0, s15, $0xb8;
	[tilespmem:$0x1CC00] =	vst v63  }
0x148: {  	_ =	swait.ge [sflag:s13], $0x4000  }
0x149: {  	[sflag:s13] =	ssyncset.done $0x0  }
0x14a: {  	[sflag:s13] =	ssyncadd.s32 $0xFFFFC000  }
0x14b: {  	[tilespmem:s16], [sflag:$0x2] =	stream.indirect.gather [hbm4b:s4+s15], $0x80, s6, s15, $0xb8;
	[tilespmem:$0x1CC00] =	vst v63  }
0x14c: {  	_ =	swait.ge [sflag:s17], $0x4000  }
0x14d: {  	[sflag:s17] =	ssyncset.done $0x0  }
0x14e: {  	[sflag:s17] =	ssyncadd.s32 $0xFFFFC000  }
0x14f: {  	[spmem:s2] =	stream.indirect.scatter.add.f32 [tilespmem:s12], [sflag:$0x3], $0x80, s7, s15, $0xb8;
	[tilespmem:$0x1CC00] =	vst v63  }
0x150: {  	_ =	swait.ge [sflag:s13], $0x4000  }
0x151: {  	[sflag:s13] =	ssyncset.done $0x0  }
0x152: {  	[sflag:s13] =	ssyncadd.s32 $0xFFFFC000  }
0x153: {  	p0 =	sne.s32 s11, $0x400;
	_ =	swait.ge [sflag:s18], $0x4000  }
.Ltmp1:
0x154: {  	[sflag:s18] =	ssyncset.done $0x0;
	(pc) =	sbr.rel @p0 .LBB2_4-.Ltmp1, $4  }
0x155: {  	[sflag:s18] =	ssyncadd.s32 $0xFFFFC000  }
0x156: {  	[spmem:s2] =	stream.indirect.scatter.add.f32 [tilespmem:s16], [sflag:$0x3], $0x80, s8, s15, $0xb8;
	[tilespmem:$0x1CC00] =	vst v63  }
0x157: {  	_ =	swait.ge [sflag:s13], $0x4000  }
0x158: {  	s11 =	sadd.s32 $0x100, s11;
	s5 =	rddreg [dreg:$0x4];
	[sflag:s13] =	ssyncset.done $0x0  }
0x159: {  	[sflag:s13] =	ssyncadd.s32 $0xFFFFC000;
	s5 =	sadd.s32 s10, s5  }
0x15a: {  	[tilespmem:s3], [sflag:$0x3] =	stream.linear.gather [hbm4b:s5+s3], $0x800, $0x38;
	[tilespmem:$0x1CC00] =	vst v63  }
0x15b: {  	_ =	swait.ge [sflag:s13], $0x800  }
0x15c: {  	s9 =	rddreg [dreg:$0x3];
	[sflag:s13] =	ssyncset.done $0x0  }
0x15d: {  	[sflag:s13] =	ssyncadd.s32 $0xFFFFF800;
	s5 =	sadd.s32 s10, s9  }
0x15e: {  	[tilespmem:s14], [sflag:$0x3] =	stream.linear.gather [hbm4b:s5+s3], $0x800, $0x38;
	[tilespmem:$0x1CC00] =	vst v63  }
0x15f: {  	_ =	swait.ge [sflag:s13], $0x800  }
0x160: {  	[sflag:s13] =	ssyncset.done $0x0  }
0x161: {  	[sflag:s13] =	ssyncadd.s32 $0xFFFFF800  }
0x162: {  	[tilespmem:s12], [sflag:$0x1] =	stream.indirect.gather [hbm4b:s4+s15], $0x80, s3, s15, $0xb8;
	[tilespmem:$0x1CC00] =	vst v63  }
0x163: {  	_ = 	snop  }
0x164: {  	[tilespmem:s16], [sflag:$0x2] =	stream.indirect.gather [hbm4b:s4+s15], $0x80, s15, s15, $0xb8;
	[tilespmem:$0x1CC00] =	vst v63  }
0x165: {  	_ =	swait.ge [sflag:s17], $0x4000  }
0x166: {  	[sflag:s17] =	ssyncset.done $0x0  }
0x167: {  	[sflag:s17] =	ssyncadd.s32 $0xFFFFC000  }
0x168: {  	[spmem:s2] =	stream.indirect.scatter.add.f32 [tilespmem:s12], [sflag:$0x3], $0x80, s14, s15, $0xb8;
	[tilespmem:$0x1CC00] =	vst v63  }
0x169: {  	_ =	swait.ge [sflag:s13], $0x4000  }
0x16a: {  	[sflag:s13] =	ssyncset.done $0x0  }
0x16b: {  	s10 =	rddreg [dreg:$0x5];
	[sflag:s13] =	ssyncadd.s32 $0xFFFFC000  }
0x16c: {  	[tilespmem:s12], [sflag:$0x1] =	stream.indirect.gather [hbm4b:s4+s15], $0x80, s10, s15, $0xb8;
	[tilespmem:$0x1CC00] =	vst v63  }
0x16d: {  	_ =	swait.ge [sflag:s18], $0x4000  }
0x16e: {  	[sflag:s18] =	ssyncset.done $0x0  }
0x16f: {  	s11 =	rddreg [dreg:$0x6];
	[sflag:s18] =	ssyncadd.s32 $0xFFFFC000  }
0x170: {  	[spmem:s2] =	stream.indirect.scatter.add.f32 [tilespmem:s16], [sflag:$0x3], $0x80, s11, s15, $0xb8;
	[tilespmem:$0x1CC00] =	vst v63  }
0x171: {  	_ =	swait.ge [sflag:s13], $0x4000  }
0x172: {  	[sflag:s13] =	ssyncset.done $0x0  }
0x173: {  	s9 =	rddreg [dreg:$0x7];
	[sflag:s13] =	ssyncadd.s32 $0xFFFFC000  }
0x174: {  	[tilespmem:s16], [sflag:$0x2] =	stream.indirect.gather [hbm4b:s4+s15], $0x80, s9, s15, $0xb8;
	[tilespmem:$0x1CC00] =	vst v63  }
0x175: {  	_ =	swait.ge [sflag:s17], $0x4000  }
0x176: {  	[sflag:s17] =	ssyncset.done $0x0  }
0x177: {  	s10 =	rddreg [dreg:$0x8];
	[sflag:s17] =	ssyncadd.s32 $0xFFFFC000  }
0x178: {  	[spmem:s2] =	stream.indirect.scatter.add.f32 [tilespmem:s12], [sflag:$0x3], $0x80, s10, s15, $0xb8;
	[tilespmem:$0x1CC00] =	vst v63  }
0x179: {  	_ =	swait.ge [sflag:s13], $0x4000  }
0x17a: {  	[sflag:s13] =	ssyncset.done $0x0  }
0x17b: {  	s11 =	rddreg [dreg:$0x9];
	[sflag:s13] =	ssyncadd.s32 $0xFFFFC000  }
0x17c: {  	[tilespmem:s12], [sflag:$0x1] =	stream.indirect.gather [hbm4b:s4+s15], $0x80, s11, s15, $0xb8;
	[tilespmem:$0x1CC00] =	vst v63  }
0x17d: {  	_ =	swait.ge [sflag:s18], $0x4000  }
0x17e: {  	[sflag:s18] =	ssyncset.done $0x0  }
0x17f: {  	s9 =	rddreg [dreg:$0xa];
	[sflag:s18] =	ssyncadd.s32 $0xFFFFC000  }
0x180: {  	[spmem:s2] =	stream.indirect.scatter.add.f32 [tilespmem:s16], [sflag:$0x3], $0x80, s9, s15, $0xb8;
	[tilespmem:$0x1CC00] =	vst v63  }
0x181: {  	_ =	swait.ge [sflag:s13], $0x4000  }
0x182: {  	[sflag:s13] =	ssyncset.done $0x0  }
0x183: {  	s10 =	rddreg [dreg:$0xb];
	[sflag:s13] =	ssyncadd.s32 $0xFFFFC000  }
0x184: {  	[tilespmem:s16], [sflag:$0x2] =	stream.indirect.gather [hbm4b:s4+s15], $0x80, s10, s15, $0xb8;
	[tilespmem:$0x1CC00] =	vst v63  }
0x185: {  	_ =	swait.ge [sflag:s17], $0x4000  }
0x186: {  	[sflag:s17] =	ssyncset.done $0x0  }
0x187: {  	s11 =	rddreg [dreg:$0xc];
	[sflag:s17] =	ssyncadd.s32 $0xFFFFC000  }
0x188: {  	[spmem:s2] =	stream.indirect.scatter.add.f32 [tilespmem:s12], [sflag:$0x3], $0x80, s11, s15, $0xb8;
	[tilespmem:$0x1CC00] =	vst v63  }
0x189: {  	_ =	swait.ge [sflag:s13], $0x4000  }
0x18a: {  	[sflag:s13] =	ssyncset.done $0x0  }
0x18b: {  	s9 =	rddreg [dreg:$0xd];
	[sflag:s13] =	ssyncadd.s32 $0xFFFFC000  }
0x18c: {  	[tilespmem:s12], [sflag:$0x1] =	stream.indirect.gather [hbm4b:s4+s15], $0x80, s9, s15, $0xb8;
	[tilespmem:$0x1CC00] =	vst v63  }
0x18d: {  	_ =	swait.ge [sflag:s18], $0x4000  }
0x18e: {  	[sflag:s18] =	ssyncset.done $0x0  }
0x18f: {  	s10 =	rddreg [dreg:$0xe];
	[sflag:s18] =	ssyncadd.s32 $0xFFFFC000  }
0x190: {  	[spmem:s2] =	stream.indirect.scatter.add.f32 [tilespmem:s16], [sflag:$0x3], $0x80, s10, s15, $0xb8;
	[tilespmem:$0x1CC00] =	vst v63  }
0x191: {  	_ =	swait.ge [sflag:s13], $0x4000  }
0x192: {  	[sflag:s13] =	ssyncset.done $0x0  }
0x193: {  	s11 =	rddreg [dreg:$0xf];
	[sflag:s13] =	ssyncadd.s32 $0xFFFFC000  }
0x194: {  	[tilespmem:s16], [sflag:$0x2] =	stream.indirect.gather [hbm4b:s4+s15], $0x80, s11, s15, $0xb8;
	[tilespmem:$0x1CC00] =	vst v63  }
0x195: {  	_ =	swait.ge [sflag:s17], $0x4000  }
0x196: {  	[sflag:s17] =	ssyncset.done $0x0  }
0x197: {  	s9 =	rddreg [dreg:$0x10];
	[sflag:s17] =	ssyncadd.s32 $0xFFFFC000  }
0x198: {  	[spmem:s2] =	stream.indirect.scatter.add.f32 [tilespmem:s12], [sflag:$0x3], $0x80, s9, s15, $0xb8;
	[tilespmem:$0x1CC00] =	vst v63  }
0x199: {  	_ =	swait.ge [sflag:s13], $0x4000  }
0x19a: {  	[sflag:s13] =	ssyncset.done $0x0  }
0x19b: {  	[sflag:s13] =	ssyncadd.s32 $0xFFFFC000  }
0x19c: {  	[tilespmem:s12], [sflag:$0x1] =	stream.indirect.gather [hbm4b:s4+s15], $0x80, s19, s15, $0xb8;
	[tilespmem:$0x1CC00] =	vst v63  }
0x19d: {  	_ =	swait.ge [sflag:s18], $0x4000  }
0x19e: {  	[sflag:s18] =	ssyncset.done $0x0  }
0x19f: {  	[sflag:s18] =	ssyncadd.s32 $0xFFFFC000  }
0x1a0: {  	[spmem:s2] =	stream.indirect.scatter.add.f32 [tilespmem:s16], [sflag:$0x3], $0x80, s20, s15, $0xb8;
	[tilespmem:$0x1CC00] =	vst v63  }
0x1a1: {  	_ =	swait.ge [sflag:s13], $0x4000  }
0x1a2: {  	[sflag:s13] =	ssyncset.done $0x0  }
0x1a3: {  	[sflag:s13] =	ssyncadd.s32 $0xFFFFC000  }
0x1a4: {  	[tilespmem:s16], [sflag:$0x2] =	stream.indirect.gather [hbm4b:s4+s15], $0x80, s21, s15, $0xb8;
	[tilespmem:$0x1CC00] =	vst v63  }
0x1a5: {  	_ =	swait.ge [sflag:s17], $0x4000  }
0x1a6: {  	[sflag:s17] =	ssyncset.done $0x0  }
0x1a7: {  	[sflag:s17] =	ssyncadd.s32 $0xFFFFC000  }
0x1a8: {  	[spmem:s2] =	stream.indirect.scatter.add.f32 [tilespmem:s12], [sflag:$0x3], $0x80, s22, s15, $0xb8;
	[tilespmem:$0x1CC00] =	vst v63  }
0x1a9: {  	_ =	swait.ge [sflag:s13], $0x4000  }
0x1aa: {  	[sflag:s13] =	ssyncset.done $0x0  }
0x1ab: {  	[sflag:s13] =	ssyncadd.s32 $0xFFFFC000  }
0x1ac: {  	[tilespmem:s12], [sflag:$0x1] =	stream.indirect.gather [hbm4b:s4+s15], $0x80, s23, s15, $0xb8;
	[tilespmem:$0x1CC00] =	vst v63  }
0x1ad: {  	_ =	swait.ge [sflag:s18], $0x4000  }
0x1ae: {  	[sflag:s18] =	ssyncset.done $0x0  }
0x1af: {  	[sflag:s18] =	ssyncadd.s32 $0xFFFFC000  }
0x1b0: {  	[spmem:s2] =	stream.indirect.scatter.add.f32 [tilespmem:s16], [sflag:$0x3], $0x80, s24, s15, $0xb8;
	[tilespmem:$0x1CC00] =	vst v63  }
0x1b1: {  	_ =	swait.ge [sflag:s13], $0x4000  }
0x1b2: {  	[sflag:s13] =	ssyncset.done $0x0  }
0x1b3: {  	[sflag:s13] =	ssyncadd.s32 $0xFFFFC000  }
0x1b4: {  	[tilespmem:s16], [sflag:$0x2] =	stream.indirect.gather [hbm4b:s4+s15], $0x80, s25, s15, $0xb8;
	[tilespmem:$0x1CC00] =	vst v63  }
0x1b5: {  	_ =	swait.ge [sflag:s17], $0x4000  }
0x1b6: {  	[sflag:s17] =	ssyncset.done $0x0  }
0x1b7: {  	[sflag:s17] =	ssyncadd.s32 $0xFFFFC000  }
0x1b8: {  	[spmem:s2] =	stream.indirect.scatter.add.f32 [tilespmem:s12], [sflag:$0x3], $0x80, s26, s15, $0xb8;
	[tilespmem:$0x1CC00] =	vst v63  }
0x1b9: {  	_ =	swait.ge [sflag:s13], $0x4000  }
0x1ba: {  	[sflag:s13] =	ssyncset.done $0x0  }
0x1bb: {  	[sflag:s13] =	ssyncadd.s32 $0xFFFFC000  }
0x1bc: {  	[tilespmem:s12], [sflag:$0x1] =	stream.indirect.gather [hbm4b:s4+s15], $0x80, s28, s15, $0xb8;
	[tilespmem:$0x1CC00] =	vst v63  }
0x1bd: {  	_ =	swait.ge [sflag:s18], $0x4000  }
0x1be: {  	[sflag:s18] =	ssyncset.done $0x0  }
0x1bf: {  	[sflag:s18] =	ssyncadd.s32 $0xFFFFC000  }
0x1c0: {  	[spmem:s2] =	stream.indirect.scatter.add.f32 [tilespmem:s16], [sflag:$0x3], $0x80, s29, s15, $0xb8;
	[tilespmem:$0x1CC00] =	vst v63  }
0x1c1: {  	_ =	swait.ge [sflag:s13], $0x4000  }
0x1c2: {  	[sflag:s13] =	ssyncset.done $0x0  }
0x1c3: {  	[sflag:s13] =	ssyncadd.s32 $0xFFFFC000  }
0x1c4: {  	[tilespmem:s16], [sflag:$0x2] =	stream.indirect.gather [hbm4b:s4+s15], $0x80, s30, s15, $0xb8;
	[tilespmem:$0x1CC00] =	vst v63  }
0x1c5: {  	_ =	swait.ge [sflag:s17], $0x4000  }
0x1c6: {  	[sflag:s17] =	ssyncset.done $0x0  }
0x1c7: {  	[sflag:s17] =	ssyncadd.s32 $0xFFFFC000  }
0x1c8: {  	[spmem:s2] =	stream.indirect.scatter.add.f32 [tilespmem:s12], [sflag:$0x3], $0x80, s31, s15, $0xb8;
	[tilespmem:$0x1CC00] =	vst v63  }
0x1c9: {  	_ =	swait.ge [sflag:s13], $0x4000  }
0x1ca: {  	[sflag:s13] =	ssyncset.done $0x0  }
0x1cb: {  	[sflag:s13] =	ssyncadd.s32 $0xFFFFC000  }
0x1cc: {  	[tilespmem:s12], [sflag:$0x1] =	stream.indirect.gather [hbm4b:s4+s15], $0x80, s1, s15, $0xb8;
	[tilespmem:$0x1CC00] =	vst v63  }
0x1cd: {  	_ =	swait.ge [sflag:s18], $0x4000  }
0x1ce: {  	[sflag:s18] =	ssyncset.done $0x0  }
0x1cf: {  	[sflag:s18] =	ssyncadd.s32 $0xFFFFC000  }
0x1d0: {  	[spmem:s2] =	stream.indirect.scatter.add.f32 [tilespmem:s16], [sflag:$0x3], $0x80, s0, s15, $0xb8;
	[tilespmem:$0x1CC00] =	vst v63  }
0x1d1: {  	_ =	swait.ge [sflag:s13], $0x4000  }
0x1d2: {  	[sflag:s13] =	ssyncset.done $0x0  }
0x1d3: {  	[sflag:s13] =	ssyncadd.s32 $0xFFFFC000  }
0x1d4: {  	[tilespmem:s16], [sflag:$0x2] =	stream.indirect.gather [hbm4b:s4+s15], $0x80, s6, s15, $0xb8;
	[tilespmem:$0x1CC00] =	vst v63  }
0x1d5: {  	_ =	swait.ge [sflag:s17], $0x4000  }
0x1d6: {  	[sflag:s17] =	ssyncset.done $0x0  }
0x1d7: {  	[sflag:s17] =	ssyncadd.s32 $0xFFFFC000  }
0x1d8: {  	[spmem:s2] =	stream.indirect.scatter.add.f32 [tilespmem:s12], [sflag:$0x3], $0x80, s7, s15, $0xb8;
	[tilespmem:$0x1CC00] =	vst v63  }
0x1d9: {  	_ =	swait.ge [sflag:s13], $0x4000  }
0x1da: {  	[sflag:s13] =	ssyncset.done $0x0  }
0x1db: {  	[sflag:s13] =	ssyncadd.s32 $0xFFFFC000  }
0x1dc: {  	_ =	swait.ge [sflag:s18], $0x4000  }
0x1dd: {  	[sflag:s18] =	ssyncset.done $0x0  }
0x1de: {  	[sflag:s18] =	ssyncadd.s32 $0xFFFFC000  }
0x1df: {  	[spmem:s2] =	stream.indirect.scatter.add.f32 [tilespmem:s16], [sflag:$0x3], $0x80, s8, s15, $0xb8;
	[tilespmem:$0x1CC00] =	vst v63  }
0x1e0: {  	_ =	swait.ge [sflag:s13], $0x4000  }
0x1e1: {  	[sflag:s13] =	ssyncset.done $0x0  }
0x1e2: {  	[sflag:s13] =	ssyncadd.s32 $0xFFFFC000  }
0x1e3: {  	s10 =	stileid.u32;
	[bflag:$0x0] =	sbarrier.arrive $0xFFFF  }
0x1e4: {  	s5 =	sshll.u32 s10, $0x6;
	s9 =	rddreg [dreg:$0x11]  }
0x1e5: {  	s5 =	sor.u32 $0x1C03, s5;
	s11 =	rddreg [dreg:$0x16];
	s9 =	sshrl.u32 s9, $0x3  }
0x1e6: {  	[hbm:s11], [sflag:s5] =	dma.local [spmem:s9], $0x2780  }
0x1e7: {  	_ =	swait.ge [sflag:s13], $0x2780  }
0x1e8: {  	s10 =	rddreg [dreg:$0x18]  }
0x1e9: {  	s11 =	rddreg [dreg:$0x17];
	s9 =	sadd.s32 $0x1, s10  }
0x1ea: {  	p0 =	sne.s32 s9, s11  }
.Ltmp2:
0x1eb: {  	_ = 	snop;
	(pc) =	sbr.rel @p0 .LBB2_1-.Ltmp2, $3  }
0x1ec: {  	_ =	sdelay $0x1  }
0x1ed: {  	[sflag:s13] =	ssyncset.done $0x0  }
0x1ee: {  	[sflag:s13] =	ssyncadd.s32 $0xFFFFD880  }
0x1ef: {  	_ =	sfence.sel $0x180000  }
0x1f0: {  	[bflag:$0x0] =	sbarrier.arrive $0xFFFF  }
0x1f1: {  	_ =	strace $0x9000004D  }
0x1f2: {  	s0 =	stileid.u32;
	[bflag:$0x2] =	sbarrier.arrive $0xFFFF  }
0x1f3: {  	p0 =	sne.s32 s0, $0x0;
	s0 =	rddreg [dreg:$0x2]  }
0x1f4: {  	s0 =	sadd.s32 @!p0 $0x100000, s0  }
0x1f5: {  	[sflag:s0] =	ssyncadd.tile.s32 @!p0 $0x1;
	_ =	shalt  }
.Lfunc_end2:
_tile_overlayer_lowered:
.L_overlay_start_2:
0x1f6: {  	(tag) =	ssettag $0x2  }
0x1f7: {  	s0 =	rddreg [dreg:$0x0];
	s2 =	stileid.u32  }
0x1f8: {  	s1 =	rddreg [dreg:$0x1];
	p0 =	sne.s32 s2, $0x0  }
0x1f9: {  	s3 =	rddreg [dreg:$0x2];
	[bflag:$0x3] =	sbarrier.arrive $0xFFFF;
	s2 =	simm.s32 @!p0 $0x1C03  }
0x1fa: {  	[timem:s3], [sflag:s2] =	dma.local @!p0 [hbm:s0], s1  }
0x1fb: {  	s0 =	simm.s32 @!p0 $0x3  }
0x1fc: {  	_ =	swait.ge @!p0 [sflag:s0], s1  }
0x1fd: {  	s1 =	ssub.s32 @!p0 $0x0, s1;
	[sflag:s0] =	ssyncset.done @!p0 $0x0  }
0x1fe: {  	[sflag:s0] =	ssyncadd.s32 @!p0 s1  }
0x1ff: {  	[bflag:$0x3] =	sbarrier.arrive $0xFFFF  }
0x200: {  	_ =	shalt  }

// kernel: kernel.7.cloned.1.call-start
scs
__scs_entry_jumppad:
0x0: {  	(pc) =	sbr.rel $0x88, $3  }
0x1: {  	(tag) =	ssettag $0x0;
	lr =	simm.s32 $0x1  }
0x2: {  	[smem:$0x3F91] =	sst lr;
	_ =	strace $0xD0000000  }
0x3: {  	_ = 	snop  }
0x4: {  	_ = 	snop  }
0x5: {  	_ = 	snop  }
0x6: {  	_ = 	snop  }
0x7: {  	_ = 	snop  }
__scs_overlays_trampoline_lowered:
0x8: {  	[smem:$0x3FA0] =	sst s0  }
0x9: {  	[smem:$0x3FA1] =	sst s1  }
0xa: {  	[smem:$0x3FA2] =	sst s2  }
0xb: {  	[smem:$0x3FA3] =	sst s3  }
0xc: {  	[smem:$0x3FA4] =	sst s4  }
0xd: {  	[smem:$0x3FA5] =	sst s5  }
0xe: {  	[smem:$0x3FA6] =	sst s6  }
0xf: {  	[smem:$0x3FA7] =	sst s7  }
0x10: {  	[smem:$0x3FA8] =	sst s8  }
0x11: {  	[smem:$0x3FA9] =	sst s9;
	s0 =	simm.s32 @!p0 $0x0  }
0x12: {  	s1 =	sld [smem:$0x3F8F];
	s0 =	simm.s32 @p0 $0x1  }
0x13: {  	[smem:$0x3FAA] =	sst s0;
	s0 =	simm.s32 @!p1 $0x0  }
0x14: {  	s2 =	sld [smem:$0x3F8E];
	s0 =	simm.s32 @p1 $0x1  }
0x15: {  	[smem:$0x3FAB] =	sst s0;
	s0 =	simm.s32 @!p2 $0x0  }
0x16: {  	s3 =	sld [smem:$0x3FDB];
	s0 =	simm.s32 @p2 $0x1  }
0x17: {  	s4 =	simm.s32 $0x1BF5;
	[smem:$0x3FAD] =	sst s0  }
0x18: {  	s0 =	sld [smem:$0x3F90];
	_ =	swait.ge [sflag:s4], $0x0  }
0x19: {  	s7 =	sld [smem:$0x3F91]  }
0x1a: {  	s8 =	sadd.s32 $0xFFFFE003, lr  }
0x1b: {  	s9 =	sadd.s32 $0xFFFFFEF7, lr;
	s5 =	simm.s32 $0xFFFFFFFF;
	p2 =	slt.u32 s8, $0xFFFFF086  }
0x1c: {  	p1 =	slt.u32 s9, $0xF7A;
	s5 =	simm.s32 @!p2 $0x0  }
0x1d: {  	s5 =	simm.s32 @p1 $0x1;
	p0 =	seq.s32 s7, s2  }
0x1e: {  	s7 =	smul.u32 @!p0 $0xF7A, s2;
	p2 =	seq.s32 @!p0 s5, $0x0  }
0x1f: {  	s9 =	smul.u32 $0xF7A, s1;
	s8 =	simm.s32 @!p0 $0x1BF5;
	p2 =	por !p2, p0  }
0x20: {  	[sflag:s8] =	ssyncset.s32 @!p0 $0xFFFFF086;
	s6 =	sadd.s32 @!p0 s3, s7;
	s7 =	simm.s32 @!p0 $0x108  }
0x21: {  	s3 =	sadd.s32 s3, s9;
	s6 =	sadd.s32 @!p0 $0x88, s6;
	s7 =	simm.s32 @p2 $0x1082  }
0x22: {  	[simem:s7], [sflag:s8] =	dma.local @!p0 [hbm:s6], $0xF7A  }
0x23: {  	s9 =	sor.u32 $0xD0000000, s2;
	s6 =	simm.s32 $0x108;
	_ =	swait.ge @!p0 [sflag:s8], $0x0  }
0x24: {  	s3 =	sadd.s32 $0x88, s3;
	s6 =	simm.s32 @!p1 $0x1082;
	[sflag:s4] =	ssyncset.s32 $0xFFFFF086  }
0x25: {  	[simem:s6], [sflag:s4] =	dma.local [hbm:s3], $0xF7A  }
0x26: {  	[smem:$0x3F91] =	sst s1;
	(tag) =	ssettag s2;
	_ =	strace s9  }
0x27: {  	s1 =	sld [smem:$0x3FA1]  }
0x28: {  	s2 =	sld [smem:$0x3FA2]  }
0x29: {  	s4 =	sld [smem:$0x3FA4]  }
0x2a: {  	p0 =	seq.s32 s5, $0x0;
	s5 =	sld [smem:$0x3FA5]  }
0x2b: {  	s6 =	sld [smem:$0x3FA6]  }
0x2c: {  	s7 =	sld [smem:$0x3FA7]  }
0x2d: {  	s3 =	simm.s32 $0x108;
	s8 =	sld [smem:$0x3FA8]  }
0x2e: {  	s3 =	simm.s32 @!p0 $0x1082;
	s9 =	sld [smem:$0x3FA9]  }
0x2f: {  	lr =	sadd.s32 s0, s3;
	s0 =	sld [smem:$0x3FA0]  }
0x30: {  	s3 =	sld [smem:$0x3FA3]  }
0x31: {  	[smem:$0x3FAC] =	sst s10  }
0x32: {  	s10 =	sld [smem:$0x3FAA];
	_ =	sdelay $0x3  }
0x33: {  	p0 =	seq.s32 s10, $0x1;
	s10 =	sld [smem:$0x3FAC];
	_ =	sdelay $0x3  }
0x34: {  	[smem:$0x3FAC] =	sst s10  }
0x35: {  	s10 =	sld [smem:$0x3FAB];
	_ =	sdelay $0x3  }
0x36: {  	p1 =	seq.s32 s10, $0x1;
	s10 =	sld [smem:$0x3FAC];
	_ =	sdelay $0x3  }
0x37: {  	[smem:$0x3FAC] =	sst s10  }
0x38: {  	s10 =	sld [smem:$0x3FAD]  }
0x39: {  	_ = 	snop;
	(pc) =	sbr.ind lr, $3  }
0x3a: {  	_ = 	snop  }
0x3b: {  	_ = 	snop  }
0x3c: {  	p2 =	seq.s32 s10, $0x1;
	s10 =	sld [smem:$0x3FAC]  }
0x3d: {  	_ =	shalt  }
0x3e: {  	_ =	shalt  }
0x3f: {  	_ =	shalt  }
0x40: {  	_ =	shalt  }
0x41: {  	_ =	shalt  }
0x42: {  	_ =	shalt  }
0x43: {  	_ =	shalt  }
0x44: {  	_ =	shalt  }
0x45: {  	_ =	shalt  }
0x46: {  	_ =	shalt  }
0x47: {  	_ =	shalt  }
0x48: {  	_ =	shalt  }
0x49: {  	_ =	shalt  }
0x4a: {  	_ =	shalt  }
0x4b: {  	_ =	shalt  }
0x4c: {  	_ =	shalt  }
0x4d: {  	_ =	shalt  }
0x4e: {  	_ =	shalt  }
0x4f: {  	_ =	shalt  }
0x50: {  	_ =	shalt  }
0x51: {  	_ =	shalt  }
0x52: {  	_ =	shalt  }
0x53: {  	_ =	shalt  }
0x54: {  	_ =	shalt  }
0x55: {  	_ =	shalt  }
0x56: {  	_ =	shalt  }
0x57: {  	_ =	shalt  }
0x58: {  	_ =	shalt  }
0x59: {  	_ =	shalt  }
0x5a: {  	_ =	shalt  }
0x5b: {  	_ =	shalt  }
0x5c: {  	_ =	shalt  }
0x5d: {  	_ =	shalt  }
0x5e: {  	_ =	shalt  }
0x5f: {  	_ =	shalt  }
0x60: {  	_ =	shalt  }
0x61: {  	_ =	shalt  }
0x62: {  	_ =	shalt  }
0x63: {  	_ =	shalt  }
0x64: {  	_ =	shalt  }
0x65: {  	_ =	shalt  }
0x66: {  	_ =	shalt  }
0x67: {  	_ =	shalt  }
0x68: {  	_ =	shalt  }
0x69: {  	_ =	shalt  }
0x6a: {  	_ =	shalt  }
0x6b: {  	_ =	shalt  }
0x6c: {  	_ =	shalt  }
0x6d: {  	_ =	shalt  }
0x6e: {  	_ =	shalt  }
0x6f: {  	_ =	shalt  }
0x70: {  	_ =	shalt  }
0x71: {  	_ =	shalt  }
0x72: {  	_ =	shalt  }
0x73: {  	_ =	shalt  }
0x74: {  	_ =	shalt  }
0x75: {  	_ =	shalt  }
0x76: {  	_ =	shalt  }
0x77: {  	_ =	shalt  }
0x78: {  	_ =	shalt  }
0x79: {  	_ =	shalt  }
0x7a: {  	_ =	shalt  }
0x7b: {  	_ =	shalt  }
0x7c: {  	_ =	shalt  }
0x7d: {  	_ =	shalt  }
0x7e: {  	_ =	shalt  }
0x7f: {  	_ =	shalt  }
0x80: {  	_ =	shalt  }
0x81: {  	_ =	shalt  }
0x82: {  	_ =	shalt  }
0x83: {  	_ =	shalt  }
0x84: {  	_ =	shalt  }
0x85: {  	_ =	shalt  }
0x86: {  	_ =	shalt  }
0x87: {  	_ =	shalt  }
.Lfunc_end0:
.L_simem_size_0:
called_computation_lowered:
.L_overlay_start_0:
0x88: {  	s2 =	sld [smem:$0x3FD9]  }
0x89: {  	s3 =	sld [smem:$0x3FFE];
	_ =	sdelay $0x1  }
0x8a: {  	s1 =	srdreg.scid  }
0x8b: {  	s0 =	sand.u32 $0x1, s1  }
0x8c: {  	s16 =	sshll.u32 s0, $0xA;
	s2 =	sadd.s32 s3, s2  }
0x8d: {  	s2 =	sadd.s32 s2, s16  }
0x8e: {  	[smem:$0x3FB8] =	sst s2  }
0x8f: {  	_ = 	snop  }
0x90: {  	(tm) =	ssettm $0x1  }
0x91: {  	s17 =	sld [smem:$0x3FFB];
	_ =	sdelay $0x3  }
0x92: {  	_ =	strace s17  }
0x93: {  	s2 =	sld [smem:$0x3FFC];
	_ =	sdelay $0x3  }
0x94: {  	_ =	strace s2  }
0x95: {  	s2 =	sld [smem:$0x3FFD];
	_ =	sdelay $0x3  }
0x96: {  	_ =	strace s2  }
0x97: {  	_ =	strace $0x8FFFFFFF  }
0x98: {  	s18 =	sld [smem:$0x3FDB];
	_ =	sdelay $0x1  }
0x99: {  	s19 =	simm.s32 $_scs_section_size  }
0x9a: {  	s4 =	simm.s32 $_size__tile_overlayer_lowered;
	s5 =	simm.s32 $_tile_overlayer_lowered  }
0x9b: {  	s22 =	simm.s32 $0x1BFF;
	s21 =	sshll.u32 s5, $0x1;
	s2 =	sadd.s32 s19, s18  }
0x9c: {  	s6 =	simm.s32 $0x0;
	s20 =	sshll.u32 s4, $0x1;
	s4 =	sadd.s32 s21, s2  }
0x9d: {  	[timem:s6], [sflag:s22] =	dma.local [hbm:s4], s20  }
0x9e: {  	_ =	swait.ge [sflag:s22], s20  }
0x9f: {  	s3 =	ssub.s32 $0x0, s20;
	[sflag:s22] =	ssyncset.done $0x0  }
0xa0: {  	[sflag:s22] =	ssyncadd.s32 s3;
	_ =	sdelay $0x1  }
0xa1: {  	s23 =	simm.s32 $0x1B8B  }
0xa2: {  	_ =	swait.ge [sflag:s23], $0x1  }
0xa3: {  	[sflag:s23] =	ssyncset.done $0x0  }
0xa4: {  	s25 =	simm.s32 $0x1B8E;
	s24 =	sld [smem:$0x3FFE];
	[sflag:s23] =	ssyncadd.s32 $0xFFFFFFFF  }
0xa5: {  	s26 =	simm.s32 $execute0_lowered;
	[smem:$0x3FD2] =	sst s25  }
0xa6: {  	s4 =	sshll.u32 s26, $0x1;
	_ =	strace $0x80000046;
	[dreg:$0x1] =	wrdreg $0xFFFFFFFF  }
0xa7: {  	s28 =	simm.s32 $_size_execute0_lowered;
	s2 =	sadd.s32 s2, s4;
	[dreg:$0x0] =	wrdreg $0x0  }
0xa8: {  	s4 =	sshll.u32 s28, $0x1;
	[dreg:$0x2] =	wrdreg s2  }
0xa9: {  	[dreg:$0x3] =	wrdreg s4  }
0xaa: {  	[dreg:$0x4] =	wrdreg $0xC0  }
0xab: {  	_ =	task [dreg:s6], $0x5FFFF  }
0xac: {  	[dreg:$0x1] =	wrdreg $0xFFFFFFFF  }
0xad: {  	[dreg:$0x0] =	wrdreg $0x60  }
0xae: {  	[dreg:$0x2] =	wrdreg s24  }
0xaf: {  	[dreg:$0x3] =	wrdreg $0x10000  }
0xb0: {  	[dreg:$0x4] =	wrdreg $0x9  }
0xb1: {  	_ =	task.clear_ibuf [dreg:s6], $0x5FFFF;
	_ =	strace $0x90000046  }
0xb2: {  	s29 =	simm.s32 $0x9;
	_ =	strace $0x80000048  }
0xb3: {  	_ =	swait.ge [sflag:s29], $0x1  }
0xb4: {  	[sflag:s29] =	ssyncadd.s32 $0xFFFFFFFF  }
0xb5: {  	_ =	strace $0x90000048  }
0xb6: {  	_ =	sfence  }
0xb7: {  	s30 =	sld [smem:$0x0];
	_ =	sdelay $0x2  }
0xb8: {  	s31 =	sshll.u32 s1, $0xD;
	s1 =	sshrl.u32 s1, $0x2  }
0xb9: {  	s3 =	sand.u32 $0x4000, s31;
	s1 =	sadd.s32 s1, s30  }
0xba: {  	s0 =	sor.u32 s3, s0;
	s1 =	sshll.u32 s1, $0x11  }
0xbb: {  	s0 =	sor.u32 s1, s0  }
0xbc: {  	s0 =	sadd.s32 $0x8F2B, s0  }
0xbd: {  	[sflag:s0] =	ssyncadd.remote.s32 $0x1  }
0xbe: {  	_ =	sfence.sel $0xFFFF  }
0xbf: {  	[dreg:$0x0] =	wrdreg $0xFFFFFFFF;
	(pc) =	sbr.abs _section_cstart, $3  }
0xc0: {  	[dreg:$0x1] =	wrdreg $0xFFFFFFFF  }
0xc1: {  	_ =	task.clear_ibuf [dreg:s6], $0x2FFFF;
	_ =	strace $0x9FFFFFFF  }
0xc2: {  	(tm) =	ssettm $0x7FFFFFFF  }
0xc3: {  	_ =	shalt  }
tec
execute0_lowered:
.L_overlay_start_1:
0x0: {  	(tag) =	ssettag $0x1  }
0x1: {  	s0 =	srdreg.scid  }
0x2: {  	s7 =	stileid.u32;
	s1 =	rddreg [dreg:$0x0]  }
0x3: {  	s2 =	rddreg [dreg:$0x1];
	s3 =	simm.s32 $0x0;
	s12 =	simm.s32 $0x800  }
0x4: {  	s13 =	simm.s32 $0x1;
	s14 =	simm.s32 $0x80;
	s15 =	simm.s32 $0x100  }
0x5: {  	s16 =	simm.s32 $0x180;
	s17 =	simm.s32 $0x200;
	s18 =	simm.s32 $0x280  }
0x6: {  	s19 =	simm.s32 $0x300;
	s20 =	simm.s32 $0x380;
	s4 =	smul.u32 $0x5000, s7  }
0x7: {  	s21 =	simm.s32 $0x400;
	s22 =	simm.s32 $0x480;
	s6 =	smul.u32 $0x2780, s7  }
0x8: {  	s23 =	simm.s32 $0x500;
	s0 =	sand.u32 $0x1, s0;
	s7 =	smul.u32 $0x9E00, s7  }
0x9: {  	s28 =	simm.s32 $0x700;
	s29 =	simm.s32 $0x780;
	s5 =	smul.u32 $0x2800, s0  }
0xa: {  	s30 =	simm.s32 $0x0;
	[smem:$0x7FF] =	sst s3;
	s24 =	smul.u32 $0x27800, s0  }
0xb: {  	_ =	strace $0x80000047;
	s0 =	ssub.s32 $0x2, s0;
	s26 =	sshrl.u32 s7, $0x2  }
0xc: {  	s31 =	sshrl.u32 s0, $0x1;
	s4 =	sadd.s32 s5, s4;
	s25 =	sadd.s32 s6, s24  }
0xd: {  	s8 =	sadd.s32 s26, s2;
	s0 =	ssub.s32 s0, s31;
	s24 =	simm.s32 $0x580  }
0xe: {  	s26 =	simm.s32 $0x680;
	s4 =	sshrl.u32 s4, $0x3;
	s5 =	sadd.s32 $0x800, s8  }
0xf: {  	s7 =	sadd.s32 $0x1800, s8;
	s10 =	smax.u32 s0, $0x1;
	s11 =	sadd.s32 s4, s1  }
0x10: {  	s4 =	sshrl.u32 s25, $0x3;
	[dreg:$0x3] =	wrdreg s5;
	s25 =	simm.s32 $0x600  }
0x11: {  	s1 =	sadd.s32 s4, s1;
	s4 =	sadd.s32 s6, s2;
	s6 =	sadd.s32 $0x1000, s8  }
0x12: {  	v0 =	vimm.f32 $0.0e+00;
	v1 =	vimm.f32 $1.000000000e+00;
	s8 =	sadd.s32 $0x2000, s8;
	s11 =	sadd.s32 $0xDC00, s11;
	s9 =	sadd.s32 $0x17C00, s1  }
.LBB2_1:
0x13: {  	s1 =	simm.s32 $0x40;
	s0 =	simm.s32 $0x0  }
.LBB2_2:
0x14: {  	p0 =	sne.s32 s1, $0x1FC0;
	[tilespmem:s0+$0x800] =	vst v0;
	s0 =	smov.u32 s1;
	s1 =	sadd.s32 $0x40, s1  }
.Ltmp0:
0x15: {  	(pc) =	sbr.rel @p0 .LBB2_2-.Ltmp0, $2  }
0x16: {  	_ =	sdelay $0x2  }
0x17: {  	s0 =	sshra.s32 s0, $0x2  }
0x18: {  	[tilespmem:s0+$0x800] =	vst v0  }
0x19: {  	[spmem:s4] =	stream.linear.scatter [tilespmem:s12], [sflag:$0x1], $0x800, $0x38;
	[tilespmem:$0x3780] =	vst v63  }
0x1a: {  	_ =	swait.ge [sflag:s13], $0x800  }
0x1b: {  	[sflag:s13] =	ssyncset.done $0x0  }
0x1c: {  	s31 =	rddreg [dreg:$0x3];
	[sflag:s13] =	ssyncadd.s32 $0xFFFFF800  }
0x1d: {  	[spmem:s31] =	stream.linear.scatter [tilespmem:s12], [sflag:$0x1], $0x800, $0x38;
	[tilespmem:$0x3780] =	vst v63  }
0x1e: {  	_ =	swait.ge [sflag:s13], $0x800  }
0x1f: {  	[sflag:s13] =	ssyncset.done $0x0  }
0x20: {  	[sflag:s13] =	ssyncadd.s32 $0xFFFFF800  }
0x21: {  	[spmem:s6] =	stream.linear.scatter [tilespmem:s12], [sflag:$0x1], $0x800, $0x38;
	[tilespmem:$0x3780] =	vst v63  }
0x22: {  	_ =	swait.ge [sflag:s13], $0x800  }
0x23: {  	[sflag:s13] =	ssyncset.done $0x0  }
0x24: {  	[sflag:s13] =	ssyncadd.s32 $0xFFFFF800  }
0x25: {  	[spmem:s7] =	stream.linear.scatter [tilespmem:s12], [sflag:$0x1], $0x800, $0x38;
	[tilespmem:$0x3780] =	vst v63  }
0x26: {  	_ =	swait.ge [sflag:s13], $0x800  }
0x27: {  	[sflag:s13] =	ssyncset.done $0x0  }
0x28: {  	[sflag:s13] =	ssyncadd.s32 $0xFFFFF800  }
0x29: {  	[spmem:s8] =	stream.linear.scatter [tilespmem:s12], [sflag:$0x1], $0x780, $0x38;
	[tilespmem:$0x3780] =	vst v63  }
0x2a: {  	_ =	swait.ge [sflag:s13], $0x780  }
0x2b: {  	[sflag:s13] =	ssyncset.done $0x0  }
0x2c: {  	s1 =	simm.s32 $0x40;
	s0 =	simm.s32 $0x0;
	[sflag:s13] =	ssyncadd.s32 $0xFFFFF880  }
.LBB2_4:
0x2d: {  	p0 =	sne.s32 s1, $0x1FC0;
	[tilespmem:s0+$0x800] =	vst v1;
	s0 =	smov.u32 s1;
	s1 =	sadd.s32 $0x40, s1  }
.Ltmp1:
0x2e: {  	(pc) =	sbr.rel @p0 .LBB2_4-.Ltmp1, $2  }
0x2f: {  	_ =	sdelay $0x2  }
0x30: {  	s0 =	sshra.s32 s0, $0x2  }
0x31: {  	[tilespmem:s0+$0x800] =	vst v1  }
0x32: {  	s5 =	sadd.s32 $0x0, s11;
	[bflag:$0x0] =	sbarrier.arrive $0xFFFF  }
0x33: {  	[tilespmem:s3], [sflag:$0x1] =	stream.linear.gather [hbm4b:s5+s3], $0x800, $0x38;
	[tilespmem:$0x3780] =	vst v63  }
0x34: {  	_ =	swait.ge [sflag:s13], $0x800  }
0x35: {  	[sflag:s13] =	ssyncset.done $0x0  }
0x36: {  	[sflag:s13] =	ssyncadd.s32 $0xFFFFF800  }
0x37: {  	[spmem:s2] =	stream.indirect.scatter.add.f32 [tilespmem:s12], [sflag:$0x1], $0x10, s3, s14, $0xb8;
	[tilespmem:$0x3780] =	vst v63  }
0x38: {  	_ =	swait.ge [sflag:s13], $0x800  }
0x39: {  	[sflag:s13] =	ssyncset.done $0x0  }
0x3a: {  	[sflag:s13] =	ssyncadd.s32 $0xFFFFF800  }
0x3b: {  	[spmem:s2] =	stream.indirect.scatter.add.f32 [tilespmem:s12], [sflag:$0x1], $0x10, s14, s14, $0xb8;
	[tilespmem:$0x3780] =	vst v63  }
0x3c: {  	_ =	swait.ge [sflag:s13], $0x800  }
0x3d: {  	[sflag:s13] =	ssyncset.done $0x0  }
0x3e: {  	[sflag:s13] =	ssyncadd.s32 $0xFFFFF800  }
0x3f: {  	[spmem:s2] =	stream.indirect.scatter.add.f32 [tilespmem:s12], [sflag:$0x1], $0x10, s15, s14, $0xb8;
	[tilespmem:$0x3780] =	vst v63  }
0x40: {  	_ =	swait.ge [sflag:s13], $0x800  }
0x41: {  	[sflag:s13] =	ssyncset.done $0x0  }
0x42: {  	[sflag:s13] =	ssyncadd.s32 $0xFFFFF800  }
0x43: {  	[spmem:s2] =	stream.indirect.scatter.add.f32 [tilespmem:s12], [sflag:$0x1], $0x10, s16, s14, $0xb8;
	[tilespmem:$0x3780] =	vst v63  }
0x44: {  	_ =	swait.ge [sflag:s13], $0x800  }
0x45: {  	[sflag:s13] =	ssyncset.done $0x0  }
0x46: {  	[sflag:s13] =	ssyncadd.s32 $0xFFFFF800  }
0x47: {  	[spmem:s2] =	stream.indirect.scatter.add.f32 [tilespmem:s12], [sflag:$0x1], $0x10, s17, s14, $0xb8;
	[tilespmem:$0x3780] =	vst v63  }
0x48: {  	_ =	swait.ge [sflag:s13], $0x800  }
0x49: {  	[sflag:s13] =	ssyncset.done $0x0  }
0x4a: {  	[sflag:s13] =	ssyncadd.s32 $0xFFFFF800  }
0x4b: {  	[spmem:s2] =	stream.indirect.scatter.add.f32 [tilespmem:s12], [sflag:$0x1], $0x10, s18, s14, $0xb8;
	[tilespmem:$0x3780] =	vst v63  }
0x4c: {  	_ =	swait.ge [sflag:s13], $0x800  }
0x4d: {  	[sflag:s13] =	ssyncset.done $0x0  }
0x4e: {  	[sflag:s13] =	ssyncadd.s32 $0xFFFFF800  }
0x4f: {  	[spmem:s2] =	stream.indirect.scatter.add.f32 [tilespmem:s12], [sflag:$0x1], $0x10, s19, s14, $0xb8;
	[tilespmem:$0x3780] =	vst v63  }
0x50: {  	_ =	swait.ge [sflag:s13], $0x800  }
0x51: {  	[sflag:s13] =	ssyncset.done $0x0  }
0x52: {  	[sflag:s13] =	ssyncadd.s32 $0xFFFFF800  }
0x53: {  	[spmem:s2] =	stream.indirect.scatter.add.f32 [tilespmem:s12], [sflag:$0x1], $0x10, s20, s14, $0xb8;
	[tilespmem:$0x3780] =	vst v63  }
0x54: {  	_ =	swait.ge [sflag:s13], $0x800  }
0x55: {  	[sflag:s13] =	ssyncset.done $0x0  }
0x56: {  	[sflag:s13] =	ssyncadd.s32 $0xFFFFF800  }
0x57: {  	[spmem:s2] =	stream.indirect.scatter.add.f32 [tilespmem:s12], [sflag:$0x1], $0x10, s21, s14, $0xb8;
	[tilespmem:$0x3780] =	vst v63  }
0x58: {  	_ =	swait.ge [sflag:s13], $0x800  }
0x59: {  	[sflag:s13] =	ssyncset.done $0x0  }
0x5a: {  	[sflag:s13] =	ssyncadd.s32 $0xFFFFF800  }
0x5b: {  	[spmem:s2] =	stream.indirect.scatter.add.f32 [tilespmem:s12], [sflag:$0x1], $0x10, s22, s14, $0xb8;
	[tilespmem:$0x3780] =	vst v63  }
0x5c: {  	_ =	swait.ge [sflag:s13], $0x800  }
0x5d: {  	[sflag:s13] =	ssyncset.done $0x0  }
0x5e: {  	[sflag:s13] =	ssyncadd.s32 $0xFFFFF800  }
0x5f: {  	[spmem:s2] =	stream.indirect.scatter.add.f32 [tilespmem:s12], [sflag:$0x1], $0x10, s23, s14, $0xb8;
	[tilespmem:$0x3780] =	vst v63  }
0x60: {  	_ =	swait.ge [sflag:s13], $0x800  }
0x61: {  	[sflag:s13] =	ssyncset.done $0x0  }
0x62: {  	[sflag:s13] =	ssyncadd.s32 $0xFFFFF800  }
0x63: {  	[spmem:s2] =	stream.indirect.scatter.add.f32 [tilespmem:s12], [sflag:$0x1], $0x10, s24, s14, $0xb8;
	[tilespmem:$0x3780] =	vst v63  }
0x64: {  	_ =	swait.ge [sflag:s13], $0x800  }
0x65: {  	[sflag:s13] =	ssyncset.done $0x0  }
0x66: {  	[sflag:s13] =	ssyncadd.s32 $0xFFFFF800  }
0x67: {  	[spmem:s2] =	stream.indirect.scatter.add.f32 [tilespmem:s12], [sflag:$0x1], $0x10, s25, s14, $0xb8;
	[tilespmem:$0x3780] =	vst v63  }
0x68: {  	_ =	swait.ge [sflag:s13], $0x800  }
0x69: {  	[sflag:s13] =	ssyncset.done $0x0  }
0x6a: {  	[sflag:s13] =	ssyncadd.s32 $0xFFFFF800  }
0x6b: {  	[spmem:s2] =	stream.indirect.scatter.add.f32 [tilespmem:s12], [sflag:$0x1], $0x10, s26, s14, $0xb8;
	[tilespmem:$0x3780] =	vst v63  }
0x6c: {  	_ =	swait.ge [sflag:s13], $0x800  }
0x6d: {  	[sflag:s13] =	ssyncset.done $0x0  }
0x6e: {  	[sflag:s13] =	ssyncadd.s32 $0xFFFFF800  }
0x6f: {  	[spmem:s2] =	stream.indirect.scatter.add.f32 [tilespmem:s12], [sflag:$0x1], $0x10, s28, s14, $0xb8;
	[tilespmem:$0x3780] =	vst v63  }
0x70: {  	_ =	swait.ge [sflag:s13], $0x800  }
0x71: {  	[sflag:s13] =	ssyncset.done $0x0  }
0x72: {  	[sflag:s13] =	ssyncadd.s32 $0xFFFFF800  }
0x73: {  	[spmem:s2] =	stream.indirect.scatter.add.f32 [tilespmem:s12], [sflag:$0x1], $0x10, s29, s14, $0xb8;
	[tilespmem:$0x3780] =	vst v63  }
0x74: {  	_ =	swait.ge [sflag:s13], $0x800  }
0x75: {  	s31 =	simm.s32 $0x100;
	s1 =	simm.s32 $0x200;
	[sflag:s13] =	ssyncset.done $0x0  }
.LBB2_6:
0x76: {  	s5 =	sadd.s32 s31, s11  }
0x77: {  	[sflag:s13] =	ssyncadd.s32 $0xFFFFF800;
	s31 =	smov.u32 s1;
	s0 =	sadd.s32 $0x100, s1  }
0x78: {  	[tilespmem:s3], [sflag:$0x1] =	stream.linear.gather [hbm4b:s5+s3], $0x800, $0x38;
	[tilespmem:$0x3780] =	vst v63  }
0x79: {  	p0 =	sne.s32 s1, $0x400;
	_ =	swait.ge [sflag:s13], $0x800  }
0x7a: {  	[sflag:s13] =	ssyncset.done $0x0  }
0x7b: {  	[sflag:s13] =	ssyncadd.s32 $0xFFFFF800  }
0x7c: {  	[spmem:s2] =	stream.indirect.scatter.add.f32 [tilespmem:s12], [sflag:$0x1], $0x10, s3, s14, $0xb8;
	[tilespmem:$0x3780] =	vst v63  }
0x7d: {  	_ =	swait.ge [sflag:s13], $0x800  }
0x7e: {  	[sflag:s13] =	ssyncset.done $0x0  }
0x7f: {  	[sflag:s13] =	ssyncadd.s32 $0xFFFFF800  }
0x80: {  	[spmem:s2] =	stream.indirect.scatter.add.f32 [tilespmem:s12], [sflag:$0x1], $0x10, s14, s14, $0xb8;
	[tilespmem:$0x3780] =	vst v63  }
0x81: {  	_ =	swait.ge [sflag:s13], $0x800  }
0x82: {  	[sflag:s13] =	ssyncset.done $0x0  }
0x83: {  	[sflag:s13] =	ssyncadd.s32 $0xFFFFF800  }
0x84: {  	[spmem:s2] =	stream.indirect.scatter.add.f32 [tilespmem:s12], [sflag:$0x1], $0x10, s15, s14, $0xb8;
	[tilespmem:$0x3780] =	vst v63  }
0x85: {  	_ =	swait.ge [sflag:s13], $0x800  }
0x86: {  	[sflag:s13] =	ssyncset.done $0x0  }
0x87: {  	[sflag:s13] =	ssyncadd.s32 $0xFFFFF800  }
0x88: {  	[spmem:s2] =	stream.indirect.scatter.add.f32 [tilespmem:s12], [sflag:$0x1], $0x10, s16, s14, $0xb8;
	[tilespmem:$0x3780] =	vst v63  }
0x89: {  	_ =	swait.ge [sflag:s13], $0x800  }
0x8a: {  	[sflag:s13] =	ssyncset.done $0x0  }
0x8b: {  	[sflag:s13] =	ssyncadd.s32 $0xFFFFF800  }
0x8c: {  	[spmem:s2] =	stream.indirect.scatter.add.f32 [tilespmem:s12], [sflag:$0x1], $0x10, s17, s14, $0xb8;
	[tilespmem:$0x3780] =	vst v63  }
0x8d: {  	_ =	swait.ge [sflag:s13], $0x800  }
0x8e: {  	[sflag:s13] =	ssyncset.done $0x0  }
0x8f: {  	[sflag:s13] =	ssyncadd.s32 $0xFFFFF800  }
0x90: {  	[spmem:s2] =	stream.indirect.scatter.add.f32 [tilespmem:s12], [sflag:$0x1], $0x10, s18, s14, $0xb8;
	[tilespmem:$0x3780] =	vst v63  }
0x91: {  	_ =	swait.ge [sflag:s13], $0x800  }
0x92: {  	[sflag:s13] =	ssyncset.done $0x0  }
0x93: {  	[sflag:s13] =	ssyncadd.s32 $0xFFFFF800  }
0x94: {  	[spmem:s2] =	stream.indirect.scatter.add.f32 [tilespmem:s12], [sflag:$0x1], $0x10, s19, s14, $0xb8;
	[tilespmem:$0x3780] =	vst v63  }
0x95: {  	_ =	swait.ge [sflag:s13], $0x800  }
0x96: {  	[sflag:s13] =	ssyncset.done $0x0  }
0x97: {  	[sflag:s13] =	ssyncadd.s32 $0xFFFFF800  }
0x98: {  	[spmem:s2] =	stream.indirect.scatter.add.f32 [tilespmem:s12], [sflag:$0x1], $0x10, s20, s14, $0xb8;
	[tilespmem:$0x3780] =	vst v63  }
0x99: {  	_ =	swait.ge [sflag:s13], $0x800  }
0x9a: {  	[sflag:s13] =	ssyncset.done $0x0  }
0x9b: {  	[sflag:s13] =	ssyncadd.s32 $0xFFFFF800  }
0x9c: {  	[spmem:s2] =	stream.indirect.scatter.add.f32 [tilespmem:s12], [sflag:$0x1], $0x10, s21, s14, $0xb8;
	[tilespmem:$0x3780] =	vst v63  }
0x9d: {  	_ =	swait.ge [sflag:s13], $0x800  }
0x9e: {  	[sflag:s13] =	ssyncset.done $0x0  }
0x9f: {  	[sflag:s13] =	ssyncadd.s32 $0xFFFFF800  }
0xa0: {  	[spmem:s2] =	stream.indirect.scatter.add.f32 [tilespmem:s12], [sflag:$0x1], $0x10, s22, s14, $0xb8;
	[tilespmem:$0x3780] =	vst v63  }
0xa1: {  	_ =	swait.ge [sflag:s13], $0x800  }
0xa2: {  	[sflag:s13] =	ssyncset.done $0x0  }
0xa3: {  	[sflag:s13] =	ssyncadd.s32 $0xFFFFF800  }
0xa4: {  	[spmem:s2] =	stream.indirect.scatter.add.f32 [tilespmem:s12], [sflag:$0x1], $0x10, s23, s14, $0xb8;
	[tilespmem:$0x3780] =	vst v63  }
0xa5: {  	_ =	swait.ge [sflag:s13], $0x800  }
0xa6: {  	[sflag:s13] =	ssyncset.done $0x0  }
0xa7: {  	[sflag:s13] =	ssyncadd.s32 $0xFFFFF800  }
0xa8: {  	[spmem:s2] =	stream.indirect.scatter.add.f32 [tilespmem:s12], [sflag:$0x1], $0x10, s24, s14, $0xb8;
	[tilespmem:$0x3780] =	vst v63  }
0xa9: {  	_ =	swait.ge [sflag:s13], $0x800  }
0xaa: {  	[sflag:s13] =	ssyncset.done $0x0  }
0xab: {  	[sflag:s13] =	ssyncadd.s32 $0xFFFFF800  }
0xac: {  	[spmem:s2] =	stream.indirect.scatter.add.f32 [tilespmem:s12], [sflag:$0x1], $0x10, s25, s14, $0xb8;
	[tilespmem:$0x3780] =	vst v63  }
0xad: {  	_ =	swait.ge [sflag:s13], $0x800  }
0xae: {  	[sflag:s13] =	ssyncset.done $0x0  }
0xaf: {  	[sflag:s13] =	ssyncadd.s32 $0xFFFFF800  }
0xb0: {  	[spmem:s2] =	stream.indirect.scatter.add.f32 [tilespmem:s12], [sflag:$0x1], $0x10, s26, s14, $0xb8;
	[tilespmem:$0x3780] =	vst v63  }
0xb1: {  	_ =	swait.ge [sflag:s13], $0x800  }
0xb2: {  	[sflag:s13] =	ssyncset.done $0x0  }
0xb3: {  	[sflag:s13] =	ssyncadd.s32 $0xFFFFF800  }
0xb4: {  	[spmem:s2] =	stream.indirect.scatter.add.f32 [tilespmem:s12], [sflag:$0x1], $0x10, s28, s14, $0xb8;
	[tilespmem:$0x3780] =	vst v63  }
0xb5: {  	_ =	swait.ge [sflag:s13], $0x800  }
.Ltmp2:
0xb6: {  	[sflag:s13] =	ssyncset.done $0x0;
	(pc) =	sbr.rel @p0 .LBB2_6-.Ltmp2, $4  }
0xb7: {  	[sflag:s13] =	ssyncadd.s32 $0xFFFFF800  }
0xb8: {  	[spmem:s2] =	stream.indirect.scatter.add.f32 [tilespmem:s12], [sflag:$0x1], $0x10, s29, s14, $0xb8;
	[tilespmem:$0x3780] =	vst v63  }
0xb9: {  	_ =	swait.ge [sflag:s13], $0x800  }
0xba: {  	s1 =	smov.u32 s0;
	[sflag:s13] =	ssyncset.done $0x0  }
0xbb: {  	s0 =	sadd.s32 s31, s11;
	[sflag:s13] =	ssyncadd.s32 $0xFFFFF800  }
0xbc: {  	[tilespmem:s3], [sflag:$0x1] =	stream.linear.gather [hbm4b:s0+s3], $0x800, $0x38;
	[tilespmem:$0x3780] =	vst v63  }
0xbd: {  	_ =	swait.ge [sflag:s13], $0x800  }
0xbe: {  	[sflag:s13] =	ssyncset.done $0x0  }
0xbf: {  	[sflag:s13] =	ssyncadd.s32 $0xFFFFF800  }
0xc0: {  	[spmem:s2] =	stream.indirect.scatter.add.f32 [tilespmem:s12], [sflag:$0x1], $0x10, s3, s14, $0xb8;
	[tilespmem:$0x3780] =	vst v63  }
0xc1: {  	_ =	swait.ge [sflag:s13], $0x800  }
0xc2: {  	[sflag:s13] =	ssyncset.done $0x0  }
0xc3: {  	[sflag:s13] =	ssyncadd.s32 $0xFFFFF800  }
0xc4: {  	[spmem:s2] =	stream.indirect.scatter.add.f32 [tilespmem:s12], [sflag:$0x1], $0x10, s14, s14, $0xb8;
	[tilespmem:$0x3780] =	vst v63  }
0xc5: {  	_ =	swait.ge [sflag:s13], $0x800  }
0xc6: {  	[sflag:s13] =	ssyncset.done $0x0  }
0xc7: {  	[sflag:s13] =	ssyncadd.s32 $0xFFFFF800  }
0xc8: {  	[spmem:s2] =	stream.indirect.scatter.add.f32 [tilespmem:s12], [sflag:$0x1], $0x10, s15, s14, $0xb8;
	[tilespmem:$0x3780] =	vst v63  }
0xc9: {  	_ =	swait.ge [sflag:s13], $0x800  }
0xca: {  	[sflag:s13] =	ssyncset.done $0x0  }
0xcb: {  	[sflag:s13] =	ssyncadd.s32 $0xFFFFF800  }
0xcc: {  	[spmem:s2] =	stream.indirect.scatter.add.f32 [tilespmem:s12], [sflag:$0x1], $0x10, s16, s14, $0xb8;
	[tilespmem:$0x3780] =	vst v63  }
0xcd: {  	_ =	swait.ge [sflag:s13], $0x800  }
0xce: {  	[sflag:s13] =	ssyncset.done $0x0  }
0xcf: {  	[sflag:s13] =	ssyncadd.s32 $0xFFFFF800  }
0xd0: {  	[spmem:s2] =	stream.indirect.scatter.add.f32 [tilespmem:s12], [sflag:$0x1], $0x10, s17, s14, $0xb8;
	[tilespmem:$0x3780] =	vst v63  }
0xd1: {  	_ =	swait.ge [sflag:s13], $0x800  }
0xd2: {  	[sflag:s13] =	ssyncset.done $0x0  }
0xd3: {  	[sflag:s13] =	ssyncadd.s32 $0xFFFFF800  }
0xd4: {  	[spmem:s2] =	stream.indirect.scatter.add.f32 [tilespmem:s12], [sflag:$0x1], $0x10, s18, s14, $0xb8;
	[tilespmem:$0x3780] =	vst v63  }
0xd5: {  	_ =	swait.ge [sflag:s13], $0x800  }
0xd6: {  	[sflag:s13] =	ssyncset.done $0x0  }
0xd7: {  	[sflag:s13] =	ssyncadd.s32 $0xFFFFF800  }
0xd8: {  	[spmem:s2] =	stream.indirect.scatter.add.f32 [tilespmem:s12], [sflag:$0x1], $0x10, s19, s14, $0xb8;
	[tilespmem:$0x3780] =	vst v63  }
0xd9: {  	_ =	swait.ge [sflag:s13], $0x800  }
0xda: {  	[sflag:s13] =	ssyncset.done $0x0  }
0xdb: {  	[sflag:s13] =	ssyncadd.s32 $0xFFFFF800  }
0xdc: {  	[spmem:s2] =	stream.indirect.scatter.add.f32 [tilespmem:s12], [sflag:$0x1], $0x10, s20, s14, $0xb8;
	[tilespmem:$0x3780] =	vst v63  }
0xdd: {  	_ =	swait.ge [sflag:s13], $0x800  }
0xde: {  	[sflag:s13] =	ssyncset.done $0x0  }
0xdf: {  	[sflag:s13] =	ssyncadd.s32 $0xFFFFF800  }
0xe0: {  	[spmem:s2] =	stream.indirect.scatter.add.f32 [tilespmem:s12], [sflag:$0x1], $0x10, s21, s14, $0xb8;
	[tilespmem:$0x3780] =	vst v63  }
0xe1: {  	_ =	swait.ge [sflag:s13], $0x800  }
0xe2: {  	[sflag:s13] =	ssyncset.done $0x0  }
0xe3: {  	[sflag:s13] =	ssyncadd.s32 $0xFFFFF800  }
0xe4: {  	[spmem:s2] =	stream.indirect.scatter.add.f32 [tilespmem:s12], [sflag:$0x1], $0x10, s22, s14, $0xb8;
	[tilespmem:$0x3780] =	vst v63  }
0xe5: {  	_ =	swait.ge [sflag:s13], $0x800  }
0xe6: {  	[sflag:s13] =	ssyncset.done $0x0  }
0xe7: {  	[sflag:s13] =	ssyncadd.s32 $0xFFFFF800  }
0xe8: {  	[spmem:s2] =	stream.indirect.scatter.add.f32 [tilespmem:s12], [sflag:$0x1], $0x10, s23, s14, $0xb8;
	[tilespmem:$0x3780] =	vst v63  }
0xe9: {  	_ =	swait.ge [sflag:s13], $0x800  }
0xea: {  	[sflag:s13] =	ssyncset.done $0x0  }
0xeb: {  	[sflag:s13] =	ssyncadd.s32 $0xFFFFF800  }
0xec: {  	[spmem:s2] =	stream.indirect.scatter.add.f32 [tilespmem:s12], [sflag:$0x1], $0x10, s24, s14, $0xb8;
	[tilespmem:$0x3780] =	vst v63  }
0xed: {  	_ =	swait.ge [sflag:s13], $0x800  }
0xee: {  	[sflag:s13] =	ssyncset.done $0x0  }
0xef: {  	[sflag:s13] =	ssyncadd.s32 $0xFFFFF800  }
0xf0: {  	[spmem:s2] =	stream.indirect.scatter.add.f32 [tilespmem:s12], [sflag:$0x1], $0x10, s25, s14, $0xb8;
	[tilespmem:$0x3780] =	vst v63  }
0xf1: {  	_ =	swait.ge [sflag:s13], $0x800  }
0xf2: {  	[sflag:s13] =	ssyncset.done $0x0  }
0xf3: {  	[sflag:s13] =	ssyncadd.s32 $0xFFFFF800  }
0xf4: {  	[spmem:s2] =	stream.indirect.scatter.add.f32 [tilespmem:s12], [sflag:$0x1], $0x10, s26, s14, $0xb8;
	[tilespmem:$0x3780] =	vst v63  }
0xf5: {  	_ =	swait.ge [sflag:s13], $0x800  }
0xf6: {  	[sflag:s13] =	ssyncset.done $0x0  }
0xf7: {  	[sflag:s13] =	ssyncadd.s32 $0xFFFFF800  }
0xf8: {  	[spmem:s2] =	stream.indirect.scatter.add.f32 [tilespmem:s12], [sflag:$0x1], $0x10, s28, s14, $0xb8;
	[tilespmem:$0x3780] =	vst v63  }
0xf9: {  	_ =	swait.ge [sflag:s13], $0x800  }
0xfa: {  	[sflag:s13] =	ssyncset.done $0x0  }
0xfb: {  	[sflag:s13] =	ssyncadd.s32 $0xFFFFF800  }
0xfc: {  	[spmem:s2] =	stream.indirect.scatter.add.f32 [tilespmem:s12], [sflag:$0x1], $0x10, s29, s14, $0xb8;
	[tilespmem:$0x3780] =	vst v63  }
0xfd: {  	s31 =	stileid.u32;
	_ =	swait.ge [sflag:s13], $0x800  }
0xfe: {  	s1 =	sshrl.u32 s4, $0x3;
	s30 =	sadd.s32 $0x1, s30;
	[sflag:s13] =	ssyncset.done $0x0  }
0xff: {  	s0 =	sshll.u32 s31, $0x6;
	p0 =	sne.s32 s30, s10;
	[sflag:s13] =	ssyncadd.s32 $0xFFFFF800  }
.Ltmp3:
0x100: {  	s0 =	sor.u32 $0x1C01, s0;
	[bflag:$0x0] =	sbarrier.arrive $0xFFFF;
	(pc) =	sbr.rel @p0 .LBB2_1-.Ltmp3, $4  }
0x101: {  	[hbm:s9], [sflag:s0] =	dma.local [spmem:s1], $0x4F0  }
0x102: {  	_ =	swait.ge [sflag:s13], $0x4F0  }
0x103: {  	[sflag:s13] =	ssyncset.done $0x0  }
0x104: {  	[sflag:s13] =	ssyncadd.s32 $0xFFFFFB10  }
0x105: {  	_ =	sfence.sel $0x180000  }
0x106: {  	[bflag:$0x0] =	sbarrier.arrive $0xFFFF  }
0x107: {  	_ =	strace $0x90000047  }
0x108: {  	s0 =	stileid.u32;
	[bflag:$0x2] =	sbarrier.arrive $0xFFFF  }
0x109: {  	p0 =	sne.s32 s0, $0x0;
	s0 =	rddreg [dreg:$0x2]  }
0x10a: {  	s0 =	sadd.s32 @!p0 $0x100000, s0  }
0x10b: {  	[sflag:s0] =	ssyncadd.tile.s32 @!p0 $0x1;
	_ =	shalt  }
.Lfunc_end2:
_tile_overlayer_lowered:
.L_overlay_start_2:
0x10c: {  	(tag) =	ssettag $0x2  }
0x10d: {  	s0 =	rddreg [dreg:$0x0];
	s2 =	stileid.u32  }
0x10e: {  	s1 =	rddreg [dreg:$0x1];
	p0 =	sne.s32 s2, $0x0  }
0x10f: {  	s3 =	rddreg [dreg:$0x2];
	[bflag:$0x3] =	sbarrier.arrive $0xFFFF;
	s2 =	simm.s32 @!p0 $0x1C01  }
0x110: {  	[timem:s3], [sflag:s2] =	dma.local @!p0 [hbm:s0], s1  }
0x111: {  	s0 =	simm.s32 @!p0 $0x1  }
0x112: {  	_ =	swait.ge @!p0 [sflag:s0], s1  }
0x113: {  	s1 =	ssub.s32 @!p0 $0x0, s1;
	[sflag:s0] =	ssyncset.done @!p0 $0x0  }
0x114: {  	[sflag:s0] =	ssyncadd.s32 @!p0 s1  }
0x115: {  	[bflag:$0x3] =	sbarrier.arrive $0xFFFF  }
0x116: {  	_ =	shalt  }

</sc_bundles>
